<compile_context>
chip_gen: v7x
topology: tpu7x:2x2x1
jax: 0.10.2.dev20260603
libtpu: 0.0.44.dev20260713+nightly
codegen_flags: <defaults>
</compile_context>

<pallas_src>
import functools

import jax
import jax.numpy as jnp
from jax import lax
from jax.experimental import pallas as pl
from jax.experimental.pallas import tpu as pltpu
from jax.experimental.pallas import tpu_sc as plsc

N = 10000
E = 320000
D_IN = 128
H = 64

NC = 2
NS = 16
NW = NC * NS

EPW = E // NW
DCH = 80
DNCH = EPW // DCH
N_PAD = 10240
DPW = N_PAD // NS

NSL = H // 4
NT = N_PAD
EHALF = E // 2
CE = 4000
NCE = EHALF // CE
NG = CE // 16
_UNROLL = 10

_MESH = plsc.VectorSubcoreMesh(core_axis_name="c", subcore_axis_name="s")


def _zero_vec():
    return jnp.zeros((16,), jnp.float32)


@functools.partial(
    pl.kernel,
    out_type=jax.ShapeDtypeStruct((NC, N_PAD), jnp.float32),
    mesh=_MESH,
    scratch_types=[
        pltpu.VMEM((DNCH, DCH), jnp.int32),
        pltpu.VMEM((DNCH, DCH), jnp.float32),
        pltpu.VMEM((DPW,), jnp.float32),
        pltpu.VMEM_SHARED((N_PAD,), jnp.float32),
        pltpu.SemaphoreType.DMA,
        pltpu.SemaphoreType.DMA,
    ],
)
def _deg_kernel(dst_hbm, w_hbm, out_hbm, dst2d, w2d, zbuf, deg_sh, sm0, sm1):
    c = lax.axis_index("c")
    s = lax.axis_index("s")
    wid = c * NS + s

    cp0 = pltpu.async_copy(dst_hbm.at[wid], dst2d, sm0)
    cp1 = pltpu.async_copy(w_hbm.at[wid], w2d, sm1)

    def zfill(j, _):
        zbuf[pl.ds(j * 16, 16)] = _zero_vec()
        return 0

    lax.fori_loop(0, DPW // 16, zfill, 0)
    pltpu.sync_copy(zbuf, deg_sh.at[pl.ds(s * DPW, DPW)])
    cp0.wait()
    cp1.wait()
    plsc.subcore_barrier()

    sems = (sm0, sm1)

    def s_issue(i, b):
        pltpu.async_copy(w2d.at[i], deg_sh.at[dst2d.at[i]], sems[b], add=True)

    def s_wait(i, b):
        pltpu.make_async_copy(w2d.at[i], deg_sh.at[dst2d.at[i]],
                              sems[b]).wait()

    s_issue(0, 0)
    s_issue(1, 1)

    def pair(k, _):
        i0 = 2 * k
        s_wait(i0 - 2, 0)
        s_issue(i0, 0)
        s_wait(i0 - 1, 1)
        s_issue(i0 + 1, 1)
        return 0

    lax.fori_loop(1, (DNCH - 1) // 2, pair, 0)
    s_wait(DNCH - 3, 0)
    s_issue(DNCH - 1, 0)
    s_wait(DNCH - 2, 1)
    s_wait(DNCH - 1, 0)
    plsc.subcore_barrier()
    pltpu.sync_copy(deg_sh.at[pl.ds(s * DPW, DPW)],
                    out_hbm.at[c, pl.ds(s * DPW, DPW)])


@functools.partial(
    pl.kernel,
    out_type=jax.ShapeDtypeStruct((NW, 4, NT), jnp.float32),
    mesh=_MESH,
    scratch_types=[
        pltpu.VMEM((4, NT), jnp.float32),
        pltpu.VMEM((4, NT), jnp.float32),
        pltpu.VMEM((CE,), jnp.int32),
        pltpu.VMEM((CE,), jnp.int32),
        pltpu.VMEM((CE,), jnp.int32),
        pltpu.VMEM((CE,), jnp.int32),
        pltpu.VMEM((CE,), jnp.float32),
        pltpu.VMEM((CE,), jnp.float32),
        pltpu.SemaphoreType.DMA,
        pltpu.SemaphoreType.DMA,
        pltpu.SemaphoreType.DMA,
    ],
    compiler_params=pltpu.CompilerParams(needs_layout_passes=False,
                                         use_tc_tiling_on_sc=False),
)
def _edge_kernel(src_hbm, dst_hbm, w_hbm, yt_hbm, out_hbm,
                 y_sl, acc, s0, s1, d0, d1, w0, w1, lm0, lm1, ly):
    c = lax.axis_index("c")
    s = lax.axis_index("s")
    wid = c * NS + s
    sid = wid // 2
    half = wid % 2
    ebase = half * EHALF

    cp_y = pltpu.async_copy(yt_hbm.at[pl.ds(sid * 4, 4), :], y_sl, ly)

    srcb = (s0, s1)
    dstb = (d0, d1)
    wb = (w0, w1)
    sems = (lm0, lm1)

    def l_issue(i, b):
        base = ebase + i * CE
        pltpu.async_copy(src_hbm.at[pl.ds(base, CE)], srcb[b], sems[b])
        pltpu.async_copy(dst_hbm.at[pl.ds(base, CE)], dstb[b], sems[b])
        pltpu.async_copy(w_hbm.at[pl.ds(base, CE)], wb[b], sems[b])

    def l_wait(i, b):
        base = ebase + i * CE
        pltpu.make_async_copy(src_hbm.at[pl.ds(base, CE)], srcb[b],
                              sems[b]).wait()
        pltpu.make_async_copy(dst_hbm.at[pl.ds(base, CE)], dstb[b],
                              sems[b]).wait()
        pltpu.make_async_copy(w_hbm.at[pl.ds(base, CE)], wb[b],
                              sems[b]).wait()

    l_issue(0, 0)
    l_issue(1, 1)

    def zfill(k, _):
        j = k // (NT // 16)
        q = k % (NT // 16)
        acc[j, pl.ds(q * 16, 16)] = _zero_vec()
        return 0

    lax.fori_loop(0, 4 * (NT // 16), zfill, 0)
    cp_y.wait()

    def process(b):
        sb, db, wvb = srcb[b], dstb[b], wb[b]

        @plsc.parallel_loop(0, NG, 1, unroll=_UNROLL)
        def grp(g):
            o = g * 16
            sv = sb[pl.ds(o, 16)]
            dv = db[pl.ds(o, 16)]
            wv = wvb[pl.ds(o, 16)]
            gjs = [plsc.load_gather(y_sl.at[j], [sv]) for j in range(4)]
            for j in range(4):
                plsc.addupdate_scatter(acc.at[j], [dv], gjs[j] * wv)

    def pair(k, _):
        i0 = 2 * k
        l_wait(i0, 0)
        process(0)
        l_issue(i0 + 2, 0)
        l_wait(i0 + 1, 1)
        process(1)
        l_issue(i0 + 3, 1)
        return 0

    lax.fori_loop(0, NCE // 2 - 1, pair, 0)
    l_wait(NCE - 2, 0)
    process(0)
    l_wait(NCE - 1, 1)
    process(1)
    pltpu.sync_copy(acc, out_hbm.at[wid])


_BR = 1024


def _dense1_body(x_ref, w1_ref, degp_ref, yt_ref, dis_ref):
    xw = jnp.dot(x_ref[...], w1_ref[...], preferred_element_type=jnp.float32)
    deg = 1.0 + degp_ref[0:1, :] + degp_ref[1:2, :]
    dis = lax.rsqrt(deg)
    yt_ref[...] = dis * xw.T
    dis_ref[...] = dis


def _dense2_body(p_ref, yt_ref, dis_ref, w2t_ref, b1_ref, y2t_ref):
    dis = dis_ref[...]
    acc = (p_ref[:, 0] + p_ref[:, 1]).reshape(H, _BR)
    ht = jnp.maximum(dis * (acc + yt_ref[...]) + b1_ref[...], 0.0)
    y2t_ref[...] = dis * jnp.dot(w2t_ref[...], ht,
                                 preferred_element_type=jnp.float32)


def _dense3_body(p_ref, yt_ref, dis_ref, wlt_ref, b2_ref, bl_ref, z_ref):
    dis = dis_ref[...]
    acc = (p_ref[:, 0] + p_ref[:, 1]).reshape(H, _BR)
    ht = jnp.maximum(dis * (acc + yt_ref[...]) + b2_ref[...], 0.0)
    logit = jnp.dot(wlt_ref[...], ht, preferred_element_type=jnp.float32)
    z_ref[...] = jax.nn.sigmoid(logit + bl_ref[...])


def _dense1(X, W1, degp):
    return pl.pallas_call(
        _dense1_body,
        grid=(NT // _BR,),
        in_specs=[
            pl.BlockSpec((_BR, D_IN), lambda i: (i, 0)),
            pl.BlockSpec((D_IN, H), lambda i: (0, 0)),
            pl.BlockSpec((NC, _BR), lambda i: (0, i)),
        ],
        out_specs=[
            pl.BlockSpec((H, _BR), lambda i: (0, i)),
            pl.BlockSpec((1, _BR), lambda i: (0, i)),
        ],
        out_shape=[
            jax.ShapeDtypeStruct((H, NT), jnp.float32),
            jax.ShapeDtypeStruct((1, NT), jnp.float32),
        ],
    )(X, W1, degp)


def _dense2(p, yt, dis, W2T, b1c):
    return pl.pallas_call(
        _dense2_body,
        grid=(NT // _BR,),
        in_specs=[
            pl.BlockSpec((NSL, 2, 4, _BR), lambda i: (0, 0, 0, i)),
            pl.BlockSpec((H, _BR), lambda i: (0, i)),
            pl.BlockSpec((1, _BR), lambda i: (0, i)),
            pl.BlockSpec((H, H), lambda i: (0, 0)),
            pl.BlockSpec((H, 1), lambda i: (0, 0)),
        ],
        out_specs=pl.BlockSpec((H, _BR), lambda i: (0, i)),
        out_shape=jax.ShapeDtypeStruct((H, NT), jnp.float32),
    )(p, yt, dis, W2T, b1c)


def _dense3(p, yt, dis, WlT, b2c, blc):
    return pl.pallas_call(
        _dense3_body,
        grid=(NT // _BR,),
        in_specs=[
            pl.BlockSpec((NSL, 2, 4, _BR), lambda i: (0, 0, 0, i)),
            pl.BlockSpec((H, _BR), lambda i: (0, i)),
            pl.BlockSpec((1, _BR), lambda i: (0, i)),
            pl.BlockSpec((1, H), lambda i: (0, 0)),
            pl.BlockSpec((H, 1), lambda i: (0, 0)),
            pl.BlockSpec((1, 1), lambda i: (0, 0)),
        ],
        out_specs=pl.BlockSpec((1, _BR), lambda i: (0, i)),
        out_shape=jax.ShapeDtypeStruct((1, NT), jnp.float32),
    )(p, yt, dis, WlT, b2c, blc)


def kernel(X, edge_index, edge_weight, W1, b1, W2, b2, Wl, bl):
    src = edge_index[0]
    dst = edge_index[1]
    dstr = dst.reshape(NW, DNCH, DCH)
    ewr = edge_weight.reshape(NW, DNCH, DCH)

    degp = _deg_kernel(dstr, ewr)
    Xp = jnp.pad(X, ((0, NT - N), (0, 0)))
    y1t, dis = _dense1(Xp, W1, degp)

    p1 = _edge_kernel(src, dst, edge_weight, y1t).reshape(NSL, 2, 4, NT)
    y2t = _dense2(p1, y1t, dis, W2.T, b1.reshape(H, 1))

    p2 = _edge_kernel(src, dst, edge_weight, y2t).reshape(NSL, 2, 4, NT)
    zt = _dense3(p2, y2t, dis, Wl.T, b2.reshape(H, 1), bl.reshape(1, 1))
    return zt[0, :N]

# --- scband reference (transcript-rebuilt; emitter-appended) ---
"""Pipeline reference for scband-gcn-36593121362326 (READ-ONLY COPY).

The authoritative reference and input builder live on the scoring server;
editing this copy changes nothing except your own understanding.
"""

import jax, jax.numpy as jnp
import numpy as np

N = 10000
E = 320000
D_IN = 128
H = 64

def setup_inputs(seed: int = 0) -> dict:
    key = jax.random.key(seed)
    ks = jax.random.split(key, 10)
    X = jax.random.normal(ks[0], (N, D_IN), dtype=jnp.float32)
    edge_index = jax.random.randint(ks[1], (2, E), 0, N, dtype=jnp.int32)
    edge_weight = jax.random.uniform(ks[2], (E,), dtype=jnp.float32)
    # GCNConv params: lin has bias=False, separate bias added after propagate
    W1 = jax.random.normal(ks[3], (D_IN, H), dtype=jnp.float32) / np.sqrt(D_IN)
    b1 = jnp.zeros((H,), dtype=jnp.float32)
    W2 = jax.random.normal(ks[4], (H, H), dtype=jnp.float32) / np.sqrt(H)
    b2 = jnp.zeros((H,), dtype=jnp.float32)
    Wl = jax.random.normal(ks[5], (H, 1), dtype=jnp.float32) / np.sqrt(H)
    bl = jnp.zeros((1,), dtype=jnp.float32)
    return {"X": X, "edge_index": edge_index, "edge_weight": edge_weight,
            "W1": W1, "b1": b1, "W2": W2, "b2": b2, "Wl": Wl, "bl": bl}

def _gcn_conv(x, edge_index, edge_weight, W, b):
    # Faithful GCNConv(normalize=True, add_self_loops=True) with edge_weight
    src = edge_index[0]
    dst = edge_index[1]
    loop = jnp.arange(N, dtype=edge_index.dtype)
    row = jnp.concatenate([src, loop])
    col = jnp.concatenate([dst, loop])
    w = jnp.concatenate([edge_weight, jnp.ones((N,), dtype=edge_weight.dtype)])
    deg = jnp.zeros((N,), dtype=x.dtype).at[col].add(w)
    deg_inv_sqrt = jnp.where(deg > 0, deg ** -0.5, 0.0)
    norm = deg_inv_sqrt[row] * w * deg_inv_sqrt[col]
    xw = x @ W
    msgs = norm[:, None] * xw[row]
    out = jnp.zeros((N, xw.shape[1]), dtype=x.dtype).at[col].add(msgs)
    return out + b

def reference(X, edge_index, edge_weight, W1, b1, W2, b2, Wl, bl):
    # eval mode: dropout is identity
    h = _gcn_conv(X, edge_index, edge_weight, W1, b1)
    h = jax.nn.relu(h)
    h = _gcn_conv(h, edge_index, edge_weight, W2, b2)
    h = jax.nn.relu(h)
    out = h @ Wl + bl
    out = jax.nn.sigmoid(out)
    return out[:, 0]

if __name__ == "__main__":
    import jax
    _d = setup_inputs()
    print(jax.jit(kernel)(*tuple(_d.values())))

</pallas_src>

<mosaic_0001>
#map = affine_map<(d0, d1) -> (0, 0, 0)>
#map1 = affine_map<(d0, d1) -> (0, 0)>
module attributes {stable_mosaic.version = 14 : i64} {
  func.func @_deg_kernel(%arg0: i32, %arg1: i32, %arg2: memref<32x125x80xi32, #tpu.memory_space<hbm>>, %arg3: memref<32x125x80xf32, #tpu.memory_space<hbm>>, %arg4: memref<2x10240xf32, #tpu.memory_space<hbm>>, %arg5: memref<125x80xi32, #tpu.memory_space<vmem>>, %arg6: memref<125x80xf32, #tpu.memory_space<vmem>>, %arg7: memref<640xf32, #tpu.memory_space<vmem>>, %arg8: memref<10240xf32, #tpu.memory_space<vmem_shared>>, %arg9: memref<!tpu.dma_semaphore, #tpu.memory_space<semaphore_mem>>, %arg10: memref<!tpu.dma_semaphore, #tpu.memory_space<semaphore_mem>>) attributes {dimension_semantics = [#tpu.dimension_semantics<core_parallel>, #tpu.dimension_semantics<subcore_parallel>], iteration_bounds = array<i64: 2, 16>, scalar_prefetch = 0 : i64, scratch_operands = 6 : i64, tpu.core_type = #tpu.core_type<sc_vector_subcore>, window_params = [{transform_indices = #map}, {transform_indices = #map}, {transform_indices = #map1}]} {
    %mul3A = arith.constant 16 : i32
    %mul3A_0 = arith.muli %arg0, %mul3A : i32
    %add3A = arith.addi %mul3A_0, %arg1 : i32
    %dma_start3A = arith.constant 0 : i32
    %dma_start3A_1 = arith.constant 0 : i32
    %dma_start3A_2 = tpu.memref_slice %arg2[%add3A, %dma_start3A, %dma_start3A_1] : memref<32x125x80xi32, #tpu.memory_space<hbm>> -> memref<1x125x80xi32, #tpu.memory_space<hbm>>
    %dma_start3A_3 = tpu.memref_squeeze %dma_start3A_2 : memref<1x125x80xi32, #tpu.memory_space<hbm>> -> memref<125x80xi32, #tpu.memory_space<hbm>>
    %dma_start3A_4 = arith.constant 0 : i32
    %dma_start3A_5 = arith.constant 0 : i32
    %dma_start3A_6 = tpu.memref_slice %arg2[%add3A, %dma_start3A_4, %dma_start3A_5] : memref<32x125x80xi32, #tpu.memory_space<hbm>> -> memref<1x125x80xi32, #tpu.memory_space<hbm>>
    %dma_start3A_7 = tpu.memref_squeeze %dma_start3A_6 : memref<1x125x80xi32, #tpu.memory_space<hbm>> -> memref<125x80xi32, #tpu.memory_space<hbm>>
    tpu.enqueue_dma source(%dma_start3A_7 : memref<125x80xi32, #tpu.memory_space<hbm>>) target(%arg5 : memref<125x80xi32, #tpu.memory_space<vmem>>) target_semaphore(%arg9 : memref<!tpu.dma_semaphore, #tpu.memory_space<semaphore_mem>>)
    %dma_start3A_8 = arith.constant 0 : i32
    %dma_start3A_9 = arith.constant 0 : i32
    %dma_start3A_10 = tpu.memref_slice %arg3[%add3A, %dma_start3A_8, %dma_start3A_9] : memref<32x125x80xf32, #tpu.memory_space<hbm>> -> memref<1x125x80xf32, #tpu.memory_space<hbm>>
    %dma_start3A_11 = tpu.memref_squeeze %dma_start3A_10 : memref<1x125x80xf32, #tpu.memory_space<hbm>> -> memref<125x80xf32, #tpu.memory_space<hbm>>
    %dma_start3A_12 = arith.constant 0 : i32
    %dma_start3A_13 = arith.constant 0 : i32
    %dma_start3A_14 = tpu.memref_slice %arg3[%add3A, %dma_start3A_12, %dma_start3A_13] : memref<32x125x80xf32, #tpu.memory_space<hbm>> -> memref<1x125x80xf32, #tpu.memory_space<hbm>>
    %dma_start3A_15 = tpu.memref_squeeze %dma_start3A_14 : memref<1x125x80xf32, #tpu.memory_space<hbm>> -> memref<125x80xf32, #tpu.memory_space<hbm>>
    tpu.enqueue_dma source(%dma_start3A_15 : memref<125x80xf32, #tpu.memory_space<hbm>>) target(%arg6 : memref<125x80xf32, #tpu.memory_space<vmem>>) target_semaphore(%arg10 : memref<!tpu.dma_semaphore, #tpu.memory_space<semaphore_mem>>)
    %scan3A = arith.constant 0 : i32
    %scan3A_16 = arith.constant 0 : i32
    %scan3A_17 = arith.constant 40 : i32
    %scan3A_18 = arith.addi %scan3A_16, %scan3A_17 : i32
    %scan3A_19 = arith.constant 1 : i32
    %scan3A_20 = scf.for %scan3A_111 = %scan3A_16 to %scan3A_18 step %scan3A_19 iter_args(%scan3A_112 = %scan3A) -> (i32)  : i32 {
      %broadcast_in_dim3A = arith.constant 0.000000e+00 : f32
      %broadcast_in_dim3A_113 = vector.broadcast %broadcast_in_dim3A : f32 to vector<16xf32>
      %mul3A_114 = arith.constant 16 : i32
      %mul3A_115 = arith.muli %scan3A_111, %mul3A_114 : i32
      %swap3A = arith.index_cast %mul3A_115 : i32 to index
      %swap3A_116 = tpu.vector_load %arg7[%swap3A] {strides = array<i32>} : memref<640xf32, #tpu.memory_space<vmem>>, vector<16xf32>,
      %swap3A_117 = vector.shape_cast %swap3A_116 : vector<16xf32> to vector<16xf32>
      %swap3A_118 = vector.shape_cast %broadcast_in_dim3A_113 : vector<16xf32> to vector<16xf32>
      tpu.vector_store %arg7[%swap3A], %swap3A_118 {strides = array<i32>} : memref<640xf32, #tpu.memory_space<vmem>>, vector<16xf32>,
      %scan3A_119 = arith.constant 0 : i32
      scf.yield %scan3A_119 : i32
    }
    %scan3A_21 = arith.constant 40 : i32
    %mul3A_22 = arith.constant 640 : i32
    %mul3A_23 = arith.muli %arg1, %mul3A_22 : i32
    "tpu.region"() ({
      %run_scoped3A = tpu.sem_alloc : memref<!tpu.dma_semaphore, #tpu.memory_space<semaphore_mem>>
      %dma_start3A_111 = tpu.memref_slice %arg8[%mul3A_23] : memref<10240xf32, #tpu.memory_space<vmem_shared>> -> memref<640xf32, #tpu.memory_space<vmem_shared>>
      %dma_start3A_112 = tpu.memref_slice %arg8[%mul3A_23] : memref<10240xf32, #tpu.memory_space<vmem_shared>> -> memref<640xf32, #tpu.memory_space<vmem_shared>>
      tpu.enqueue_dma source(%arg7 : memref<640xf32, #tpu.memory_space<vmem>>) target(%dma_start3A_112 : memref<640xf32, #tpu.memory_space<vmem_shared>>) target_semaphore(%run_scoped3A : memref<!tpu.dma_semaphore, #tpu.memory_space<semaphore_mem>>)
      %dma_wait3A_113 = tpu.memref_slice %arg8[%mul3A_23] : memref<10240xf32, #tpu.memory_space<vmem_shared>> -> memref<640xf32, #tpu.memory_space<vmem_shared>>
      %dma_wait3A_114 = tpu.memref_slice %arg8[%mul3A_23] : memref<10240xf32, #tpu.memory_space<vmem_shared>> -> memref<640xf32, #tpu.memory_space<vmem_shared>>
      tpu.wait_dma2 semaphore(%run_scoped3A : memref<!tpu.dma_semaphore, #tpu.memory_space<semaphore_mem>>) src(%arg7 : memref<640xf32, #tpu.memory_space<vmem>>) dst(%dma_wait3A_114 : memref<640xf32, #tpu.memory_space<vmem_shared>>)
      tpu.yield
    }) : () -> ()
    %dma_wait3A = arith.constant 0 : i32
    %dma_wait3A_24 = arith.constant 0 : i32
    %dma_wait3A_25 = tpu.memref_slice %arg2[%add3A, %dma_wait3A, %dma_wait3A_24] : memref<32x125x80xi32, #tpu.memory_space<hbm>> -> memref<1x125x80xi32, #tpu.memory_space<hbm>>
    %dma_wait3A_26 = tpu.memref_squeeze %dma_wait3A_25 : memref<1x125x80xi32, #tpu.memory_space<hbm>> -> memref<125x80xi32, #tpu.memory_space<hbm>>
    %dma_wait3A_27 = arith.constant 0 : i32
    %dma_wait3A_28 = arith.constant 0 : i32
    %dma_wait3A_29 = tpu.memref_slice %arg2[%add3A, %dma_wait3A_27, %dma_wait3A_28] : memref<32x125x80xi32, #tpu.memory_space<hbm>> -> memref<1x125x80xi32, #tpu.memory_space<hbm>>
    %dma_wait3A_30 = tpu.memref_squeeze %dma_wait3A_29 : memref<1x125x80xi32, #tpu.memory_space<hbm>> -> memref<125x80xi32, #tpu.memory_space<hbm>>
    tpu.wait_dma2 semaphore(%arg9 : memref<!tpu.dma_semaphore, #tpu.memory_space<semaphore_mem>>) src(%dma_wait3A_30 : memref<125x80xi32, #tpu.memory_space<hbm>>) dst(%arg5 : memref<125x80xi32, #tpu.memory_space<vmem>>)
    %dma_wait3A_31 = arith.constant 0 : i32
    %dma_wait3A_32 = arith.constant 0 : i32
    %dma_wait3A_33 = tpu.memref_slice %arg3[%add3A, %dma_wait3A_31, %dma_wait3A_32] : memref<32x125x80xf32, #tpu.memory_space<hbm>> -> memref<1x125x80xf32, #tpu.memory_space<hbm>>
    %dma_wait3A_34 = tpu.memref_squeeze %dma_wait3A_33 : memref<1x125x80xf32, #tpu.memory_space<hbm>> -> memref<125x80xf32, #tpu.memory_space<hbm>>
    %dma_wait3A_35 = arith.constant 0 : i32
    %dma_wait3A_36 = arith.constant 0 : i32
    %dma_wait3A_37 = tpu.memref_slice %arg3[%add3A, %dma_wait3A_35, %dma_wait3A_36] : memref<32x125x80xf32, #tpu.memory_space<hbm>> -> memref<1x125x80xf32, #tpu.memory_space<hbm>>
    %dma_wait3A_38 = tpu.memref_squeeze %dma_wait3A_37 : memref<1x125x80xf32, #tpu.memory_space<hbm>> -> memref<125x80xf32, #tpu.memory_space<hbm>>
    tpu.wait_dma2 semaphore(%arg10 : memref<!tpu.dma_semaphore, #tpu.memory_space<semaphore_mem>>) src(%dma_wait3A_38 : memref<125x80xf32, #tpu.memory_space<hbm>>) dst(%arg6 : memref<125x80xf32, #tpu.memory_space<vmem>>)
    %barrier3A = arith.constant 0 : index
    tpu.barrier barrier_id(%barrier3A)
    %dma_start3A_39 = arith.constant 0 : i32
    %dma_start3A_40 = arith.constant 0 : i32
    %dma_start3A_41 = arith.constant 0 : i32
    %dma_start3A_42 = tpu.memref_slice %arg6[%dma_start3A_39, %dma_start3A_41] : memref<125x80xf32, #tpu.memory_space<vmem>> -> memref<1x80xf32, #tpu.memory_space<vmem>>
    %dma_start3A_43 = tpu.memref_squeeze %dma_start3A_42 : memref<1x80xf32, #tpu.memory_space<vmem>> -> memref<80xf32, #tpu.memory_space<vmem>>
    %dma_start3A_44 = arith.constant 0 : i32
    %dma_start3A_45 = tpu.memref_slice %arg5[%dma_start3A_40, %dma_start3A_44] : memref<125x80xi32, #tpu.memory_space<vmem>> -> memref<1x80xi32, #tpu.memory_space<vmem>>
    %dma_start3A_46 = tpu.memref_squeeze %dma_start3A_45 : memref<1x80xi32, #tpu.memory_space<vmem>> -> memref<80xi32, #tpu.memory_space<vmem>>
    %dma_start3A_47 = arith.constant 0 : i32
    %dma_start3A_48 = tpu.memref_slice %arg8[%dma_start3A_47] : memref<10240xf32, #tpu.memory_space<vmem_shared>> -> memref<10240xf32, #tpu.memory_space<vmem_shared>>
    tpu.enqueue_indirect_dma source(%dma_start3A_43 : memref<80xf32, #tpu.memory_space<vmem>>) target(%dma_start3A_48 : memref<10240xf32, #tpu.memory_space<vmem_shared>>) offsets(%dma_start3A_46 : memref<80xi32, #tpu.memory_space<vmem>>) semaphore(%arg9 : memref<!tpu.dma_semaphore, #tpu.memory_space<semaphore_mem>>) {add = true}
    %dma_start3A_49 = arith.constant 1 : i32
    %dma_start3A_50 = arith.constant 1 : i32
    %dma_start3A_51 = arith.constant 0 : i32
    %dma_start3A_52 = tpu.memref_slice %arg6[%dma_start3A_49, %dma_start3A_51] : memref<125x80xf32, #tpu.memory_space<vmem>> -> memref<1x80xf32, #tpu.memory_space<vmem>>
    %dma_start3A_53 = tpu.memref_squeeze %dma_start3A_52 : memref<1x80xf32, #tpu.memory_space<vmem>> -> memref<80xf32, #tpu.memory_space<vmem>>
    %dma_start3A_54 = arith.constant 0 : i32
    %dma_start3A_55 = tpu.memref_slice %arg5[%dma_start3A_50, %dma_start3A_54] : memref<125x80xi32, #tpu.memory_space<vmem>> -> memref<1x80xi32, #tpu.memory_space<vmem>>
    %dma_start3A_56 = tpu.memref_squeeze %dma_start3A_55 : memref<1x80xi32, #tpu.memory_space<vmem>> -> memref<80xi32, #tpu.memory_space<vmem>>
    %dma_start3A_57 = arith.constant 0 : i32
    %dma_start3A_58 = tpu.memref_slice %arg8[%dma_start3A_57] : memref<10240xf32, #tpu.memory_space<vmem_shared>> -> memref<10240xf32, #tpu.memory_space<vmem_shared>>
    tpu.enqueue_indirect_dma source(%dma_start3A_53 : memref<80xf32, #tpu.memory_space<vmem>>) target(%dma_start3A_58 : memref<10240xf32, #tpu.memory_space<vmem_shared>>) offsets(%dma_start3A_56 : memref<80xi32, #tpu.memory_space<vmem>>) semaphore(%arg10 : memref<!tpu.dma_semaphore, #tpu.memory_space<semaphore_mem>>) {add = true}
    %scan3A_59 = arith.constant 0 : i32
    %scan3A_60 = arith.constant 1 : i32
    %scan3A_61 = arith.constant 61 : i32
    %scan3A_62 = arith.addi %scan3A_60, %scan3A_61 : i32
    %scan3A_63 = arith.constant 1 : i32
    %scan3A_64 = scf.for %scan3A_111 = %scan3A_60 to %scan3A_62 step %scan3A_63 iter_args(%scan3A_112 = %scan3A_59) -> (i32)  : i32 {
      %mul3A_113 = arith.constant 2 : i32
      %mul3A_114 = arith.muli %mul3A_113, %scan3A_111 : i32
      %sub3A = arith.constant 2 : i32
      %sub3A_115 = arith.subi %mul3A_114, %sub3A : i32
      %dma_wait3A_116 = arith.constant 0 : i32
      %dma_wait3A_117 = tpu.memref_slice %arg6[%sub3A_115, %dma_wait3A_116] : memref<125x80xf32, #tpu.memory_space<vmem>> -> memref<1x80xf32, #tpu.memory_space<vmem>>
      %dma_wait3A_118 = tpu.memref_squeeze %dma_wait3A_117 : memref<1x80xf32, #tpu.memory_space<vmem>> -> memref<80xf32, #tpu.memory_space<vmem>>
      %dma_wait3A_119 = arith.constant 0 : i32
      %dma_wait3A_120 = tpu.memref_slice %arg5[%sub3A_115, %dma_wait3A_119] : memref<125x80xi32, #tpu.memory_space<vmem>> -> memref<1x80xi32, #tpu.memory_space<vmem>>
      %dma_wait3A_121 = tpu.memref_squeeze %dma_wait3A_120 : memref<1x80xi32, #tpu.memory_space<vmem>> -> memref<80xi32, #tpu.memory_space<vmem>>
      %dma_wait3A_122 = arith.constant 0 : i32
      %dma_wait3A_123 = tpu.memref_slice %arg8[%dma_wait3A_122] : memref<10240xf32, #tpu.memory_space<vmem_shared>> -> memref<10240xf32, #tpu.memory_space<vmem_shared>>
      tpu.wait_indirect_dma semaphore(%arg9 : memref<!tpu.dma_semaphore, #tpu.memory_space<semaphore_mem>>) src(%dma_wait3A_118 : memref<80xf32, #tpu.memory_space<vmem>>) dst(%dma_wait3A_123 : memref<10240xf32, #tpu.memory_space<vmem_shared>>)
      %dma_start3A_124 = arith.constant 0 : i32
      %dma_start3A_125 = tpu.memref_slice %arg6[%mul3A_114, %dma_start3A_124] : memref<125x80xf32, #tpu.memory_space<vmem>> -> memref<1x80xf32, #tpu.memory_space<vmem>>
      %dma_start3A_126 = tpu.memref_squeeze %dma_start3A_125 : memref<1x80xf32, #tpu.memory_space<vmem>> -> memref<80xf32, #tpu.memory_space<vmem>>
      %dma_start3A_127 = arith.constant 0 : i32
      %dma_start3A_128 = tpu.memref_slice %arg5[%mul3A_114, %dma_start3A_127] : memref<125x80xi32, #tpu.memory_space<vmem>> -> memref<1x80xi32, #tpu.memory_space<vmem>>
      %dma_start3A_129 = tpu.memref_squeeze %dma_start3A_128 : memref<1x80xi32, #tpu.memory_space<vmem>> -> memref<80xi32, #tpu.memory_space<vmem>>
      %dma_start3A_130 = arith.constant 0 : i32
      %dma_start3A_131 = tpu.memref_slice %arg8[%dma_start3A_130] : memref<10240xf32, #tpu.memory_space<vmem_shared>> -> memref<10240xf32, #tpu.memory_space<vmem_shared>>
      tpu.enqueue_indirect_dma source(%dma_start3A_126 : memref<80xf32, #tpu.memory_space<vmem>>) target(%dma_start3A_131 : memref<10240xf32, #tpu.memory_space<vmem_shared>>) offsets(%dma_start3A_129 : memref<80xi32, #tpu.memory_space<vmem>>) semaphore(%arg9 : memref<!tpu.dma_semaphore, #tpu.memory_space<semaphore_mem>>) {add = true}
      %sub3A_132 = arith.constant 1 : i32
      %sub3A_133 = arith.subi %mul3A_114, %sub3A_132 : i32
      %dma_wait3A_134 = arith.constant 0 : i32
      %dma_wait3A_135 = tpu.memref_slice %arg6[%sub3A_133, %dma_wait3A_134] : memref<125x80xf32, #tpu.memory_space<vmem>> -> memref<1x80xf32, #tpu.memory_space<vmem>>
      %dma_wait3A_136 = tpu.memref_squeeze %dma_wait3A_135 : memref<1x80xf32, #tpu.memory_space<vmem>> -> memref<80xf32, #tpu.memory_space<vmem>>
      %dma_wait3A_137 = arith.constant 0 : i32
      %dma_wait3A_138 = tpu.memref_slice %arg5[%sub3A_133, %dma_wait3A_137] : memref<125x80xi32, #tpu.memory_space<vmem>> -> memref<1x80xi32, #tpu.memory_space<vmem>>
      %dma_wait3A_139 = tpu.memref_squeeze %dma_wait3A_138 : memref<1x80xi32, #tpu.memory_space<vmem>> -> memref<80xi32, #tpu.memory_space<vmem>>
      %dma_wait3A_140 = arith.constant 0 : i32
      %dma_wait3A_141 = tpu.memref_slice %arg8[%dma_wait3A_140] : memref<10240xf32, #tpu.memory_space<vmem_shared>> -> memref<10240xf32, #tpu.memory_space<vmem_shared>>
      tpu.wait_indirect_dma semaphore(%arg10 : memref<!tpu.dma_semaphore, #tpu.memory_space<semaphore_mem>>) src(%dma_wait3A_136 : memref<80xf32, #tpu.memory_space<vmem>>) dst(%dma_wait3A_141 : memref<10240xf32, #tpu.memory_space<vmem_shared>>)
      %add3A_142 = arith.constant 1 : i32
      %add3A_143 = arith.addi %mul3A_114, %add3A_142 : i32
      %dma_start3A_144 = arith.constant 0 : i32
      %dma_start3A_145 = tpu.memref_slice %arg6[%add3A_143, %dma_start3A_144] : memref<125x80xf32, #tpu.memory_space<vmem>> -> memref<1x80xf32, #tpu.memory_space<vmem>>
      %dma_start3A_146 = tpu.memref_squeeze %dma_start3A_145 : memref<1x80xf32, #tpu.memory_space<vmem>> -> memref<80xf32, #tpu.memory_space<vmem>>
      %dma_start3A_147 = arith.constant 0 : i32
      %dma_start3A_148 = tpu.memref_slice %arg5[%add3A_143, %dma_start3A_147] : memref<125x80xi32, #tpu.memory_space<vmem>> -> memref<1x80xi32, #tpu.memory_space<vmem>>
      %dma_start3A_149 = tpu.memref_squeeze %dma_start3A_148 : memref<1x80xi32, #tpu.memory_space<vmem>> -> memref<80xi32, #tpu.memory_space<vmem>>
      %dma_start3A_150 = arith.constant 0 : i32
      %dma_start3A_151 = tpu.memref_slice %arg8[%dma_start3A_150] : memref<10240xf32, #tpu.memory_space<vmem_shared>> -> memref<10240xf32, #tpu.memory_space<vmem_shared>>
      tpu.enqueue_indirect_dma source(%dma_start3A_146 : memref<80xf32, #tpu.memory_space<vmem>>) target(%dma_start3A_151 : memref<10240xf32, #tpu.memory_space<vmem_shared>>) offsets(%dma_start3A_149 : memref<80xi32, #tpu.memory_space<vmem>>) semaphore(%arg10 : memref<!tpu.dma_semaphore, #tpu.memory_space<semaphore_mem>>) {add = true}
      %scan3A_152 = arith.constant 0 : i32
      scf.yield %scan3A_152 : i32
    }
    %scan3A_65 = arith.constant 61 : i32
    %dma_wait3A_66 = arith.constant 122 : i32
    %dma_wait3A_67 = arith.constant 122 : i32
    %dma_wait3A_68 = arith.constant 0 : i32
    %dma_wait3A_69 = tpu.memref_slice %arg6[%dma_wait3A_66, %dma_wait3A_68] : memref<125x80xf32, #tpu.memory_space<vmem>> -> memref<1x80xf32, #tpu.memory_space<vmem>>
    %dma_wait3A_70 = tpu.memref_squeeze %dma_wait3A_69 : memref<1x80xf32, #tpu.memory_space<vmem>> -> memref<80xf32, #tpu.memory_space<vmem>>
    %dma_wait3A_71 = arith.constant 0 : i32
    %dma_wait3A_72 = tpu.memref_slice %arg5[%dma_wait3A_67, %dma_wait3A_71] : memref<125x80xi32, #tpu.memory_space<vmem>> -> memref<1x80xi32, #tpu.memory_space<vmem>>
    %dma_wait3A_73 = tpu.memref_squeeze %dma_wait3A_72 : memref<1x80xi32, #tpu.memory_space<vmem>> -> memref<80xi32, #tpu.memory_space<vmem>>
    %dma_wait3A_74 = arith.constant 0 : i32
    %dma_wait3A_75 = tpu.memref_slice %arg8[%dma_wait3A_74] : memref<10240xf32, #tpu.memory_space<vmem_shared>> -> memref<10240xf32, #tpu.memory_space<vmem_shared>>
    tpu.wait_indirect_dma semaphore(%arg9 : memref<!tpu.dma_semaphore, #tpu.memory_space<semaphore_mem>>) src(%dma_wait3A_70 : memref<80xf32, #tpu.memory_space<vmem>>) dst(%dma_wait3A_75 : memref<10240xf32, #tpu.memory_space<vmem_shared>>)
    %dma_start3A_76 = arith.constant 124 : i32
    %dma_start3A_77 = arith.constant 124 : i32
    %dma_start3A_78 = arith.constant 0 : i32
    %dma_start3A_79 = tpu.memref_slice %arg6[%dma_start3A_76, %dma_start3A_78] : memref<125x80xf32, #tpu.memory_space<vmem>> -> memref<1x80xf32, #tpu.memory_space<vmem>>
    %dma_start3A_80 = tpu.memref_squeeze %dma_start3A_79 : memref<1x80xf32, #tpu.memory_space<vmem>> -> memref<80xf32, #tpu.memory_space<vmem>>
    %dma_start3A_81 = arith.constant 0 : i32
    %dma_start3A_82 = tpu.memref_slice %arg5[%dma_start3A_77, %dma_start3A_81] : memref<125x80xi32, #tpu.memory_space<vmem>> -> memref<1x80xi32, #tpu.memory_space<vmem>>
    %dma_start3A_83 = tpu.memref_squeeze %dma_start3A_82 : memref<1x80xi32, #tpu.memory_space<vmem>> -> memref<80xi32, #tpu.memory_space<vmem>>
    %dma_start3A_84 = arith.constant 0 : i32
    %dma_start3A_85 = tpu.memref_slice %arg8[%dma_start3A_84] : memref<10240xf32, #tpu.memory_space<vmem_shared>> -> memref<10240xf32, #tpu.memory_space<vmem_shared>>
    tpu.enqueue_indirect_dma source(%dma_start3A_80 : memref<80xf32, #tpu.memory_space<vmem>>) target(%dma_start3A_85 : memref<10240xf32, #tpu.memory_space<vmem_shared>>) offsets(%dma_start3A_83 : memref<80xi32, #tpu.memory_space<vmem>>) semaphore(%arg9 : memref<!tpu.dma_semaphore, #tpu.memory_space<semaphore_mem>>) {add = true}
    %dma_wait3A_86 = arith.constant 123 : i32
    %dma_wait3A_87 = arith.constant 123 : i32
    %dma_wait3A_88 = arith.constant 0 : i32
    %dma_wait3A_89 = tpu.memref_slice %arg6[%dma_wait3A_86, %dma_wait3A_88] : memref<125x80xf32, #tpu.memory_space<vmem>> -> memref<1x80xf32, #tpu.memory_space<vmem>>
    %dma_wait3A_90 = tpu.memref_squeeze %dma_wait3A_89 : memref<1x80xf32, #tpu.memory_space<vmem>> -> memref<80xf32, #tpu.memory_space<vmem>>
    %dma_wait3A_91 = arith.constant 0 : i32
    %dma_wait3A_92 = tpu.memref_slice %arg5[%dma_wait3A_87, %dma_wait3A_91] : memref<125x80xi32, #tpu.memory_space<vmem>> -> memref<1x80xi32, #tpu.memory_space<vmem>>
    %dma_wait3A_93 = tpu.memref_squeeze %dma_wait3A_92 : memref<1x80xi32, #tpu.memory_space<vmem>> -> memref<80xi32, #tpu.memory_space<vmem>>
    %dma_wait3A_94 = arith.constant 0 : i32
    %dma_wait3A_95 = tpu.memref_slice %arg8[%dma_wait3A_94] : memref<10240xf32, #tpu.memory_space<vmem_shared>> -> memref<10240xf32, #tpu.memory_space<vmem_shared>>
    tpu.wait_indirect_dma semaphore(%arg10 : memref<!tpu.dma_semaphore, #tpu.memory_space<semaphore_mem>>) src(%dma_wait3A_90 : memref<80xf32, #tpu.memory_space<vmem>>) dst(%dma_wait3A_95 : memref<10240xf32, #tpu.memory_space<vmem_shared>>)
    %dma_wait3A_96 = arith.constant 124 : i32
    %dma_wait3A_97 = arith.constant 124 : i32
    %dma_wait3A_98 = arith.constant 0 : i32
    %dma_wait3A_99 = tpu.memref_slice %arg6[%dma_wait3A_96, %dma_wait3A_98] : memref<125x80xf32, #tpu.memory_space<vmem>> -> memref<1x80xf32, #tpu.memory_space<vmem>>
    %dma_wait3A_100 = tpu.memref_squeeze %dma_wait3A_99 : memref<1x80xf32, #tpu.memory_space<vmem>> -> memref<80xf32, #tpu.memory_space<vmem>>
    %dma_wait3A_101 = arith.constant 0 : i32
    %dma_wait3A_102 = tpu.memref_slice %arg5[%dma_wait3A_97, %dma_wait3A_101] : memref<125x80xi32, #tpu.memory_space<vmem>> -> memref<1x80xi32, #tpu.memory_space<vmem>>
    %dma_wait3A_103 = tpu.memref_squeeze %dma_wait3A_102 : memref<1x80xi32, #tpu.memory_space<vmem>> -> memref<80xi32, #tpu.memory_space<vmem>>
    %dma_wait3A_104 = arith.constant 0 : i32
    %dma_wait3A_105 = tpu.memref_slice %arg8[%dma_wait3A_104] : memref<10240xf32, #tpu.memory_space<vmem_shared>> -> memref<10240xf32, #tpu.memory_space<vmem_shared>>
    tpu.wait_indirect_dma semaphore(%arg9 : memref<!tpu.dma_semaphore, #tpu.memory_space<semaphore_mem>>) src(%dma_wait3A_100 : memref<80xf32, #tpu.memory_space<vmem>>) dst(%dma_wait3A_105 : memref<10240xf32, #tpu.memory_space<vmem_shared>>)
    %barrier3A_106 = arith.constant 0 : index
    tpu.barrier barrier_id(%barrier3A_106)
    %mul3A_107 = arith.constant 640 : i32
    %mul3A_108 = arith.muli %arg1, %mul3A_107 : i32
    %mul3A_109 = arith.constant 640 : i32
    %mul3A_110 = arith.muli %arg1, %mul3A_109 : i32
    "tpu.region"() ({
      %run_scoped3A = tpu.sem_alloc : memref<!tpu.dma_semaphore, #tpu.memory_space<semaphore_mem>>
      %dma_start3A_111 = tpu.memref_slice %arg4[%arg0, %mul3A_110] : memref<2x10240xf32, #tpu.memory_space<hbm>> -> memref<1x640xf32, #tpu.memory_space<hbm>>
      %dma_start3A_112 = tpu.memref_squeeze %dma_start3A_111 : memref<1x640xf32, #tpu.memory_space<hbm>> -> memref<640xf32, #tpu.memory_space<hbm>>
      %dma_start3A_113 = tpu.memref_slice %arg8[%mul3A_108] : memref<10240xf32, #tpu.memory_space<vmem_shared>> -> memref<640xf32, #tpu.memory_space<vmem_shared>>
      tpu.enqueue_dma source(%dma_start3A_113 : memref<640xf32, #tpu.memory_space<vmem_shared>>) target(%dma_start3A_112 : memref<640xf32, #tpu.memory_space<hbm>>) target_semaphore(%run_scoped3A : memref<!tpu.dma_semaphore, #tpu.memory_space<semaphore_mem>>)
      %dma_wait3A_114 = tpu.memref_slice %arg4[%arg0, %mul3A_110] : memref<2x10240xf32, #tpu.memory_space<hbm>> -> memref<1x640xf32, #tpu.memory_space<hbm>>
      %dma_wait3A_115 = tpu.memref_squeeze %dma_wait3A_114 : memref<1x640xf32, #tpu.memory_space<hbm>> -> memref<640xf32, #tpu.memory_space<hbm>>
      %dma_wait3A_116 = tpu.memref_slice %arg8[%mul3A_108] : memref<10240xf32, #tpu.memory_space<vmem_shared>> -> memref<640xf32, #tpu.memory_space<vmem_shared>>
      tpu.wait_dma2 semaphore(%run_scoped3A : memref<!tpu.dma_semaphore, #tpu.memory_space<semaphore_mem>>) src(%dma_wait3A_116 : memref<640xf32, #tpu.memory_space<vmem_shared>>) dst(%dma_wait3A_115 : memref<640xf32, #tpu.memory_space<hbm>>)
      tpu.yield
    }) : () -> ()
    return
  }
}

#map = affine_map<(d0, d1) -> (0)>
#map1 = affine_map<(d0, d1) -> (0, 0)>
#map2 = affine_map<(d0, d1) -> (0, 0, 0)>
module attributes {stable_mosaic.version = 14 : i64} {
  func.func @_edge_kernel(%arg0: i32, %arg1: i32, %arg2: memref<320000xi32, #tpu.memory_space<hbm>>, %arg3: memref<320000xi32, #tpu.memory_space<hbm>>, %arg4: memref<320000xf32, #tpu.memory_space<hbm>>, %arg5: memref<64x10240xf32, #tpu.memory_space<hbm>>, %arg6: memref<32x4x10240xf32, #tpu.memory_space<hbm>>, %arg7: memref<4x10240xf32, #tpu.memory_space<vmem>>, %arg8: memref<4x10240xf32, #tpu.memory_space<vmem>>, %arg9: memref<4000xi32, #tpu.memory_space<vmem>>, %arg10: memref<4000xi32, #tpu.memory_space<vmem>>, %arg11: memref<4000xi32, #tpu.memory_space<vmem>>, %arg12: memref<4000xi32, #tpu.memory_space<vmem>>, %arg13: memref<4000xf32, #tpu.memory_space<vmem>>, %arg14: memref<4000xf32, #tpu.memory_space<vmem>>, %arg15: memref<!tpu.dma_semaphore, #tpu.memory_space<semaphore_mem>>, %arg16: memref<!tpu.dma_semaphore, #tpu.memory_space<semaphore_mem>>, %arg17: memref<!tpu.dma_semaphore, #tpu.memory_space<semaphore_mem>>) attributes {dimension_semantics = [#tpu.dimension_semantics<core_parallel>, #tpu.dimension_semantics<subcore_parallel>], iteration_bounds = array<i64: 2, 16>, scalar_prefetch = 0 : i64, scratch_operands = 11 : i64, tpu.core_type = #tpu.core_type<sc_vector_subcore>, window_params = [{transform_indices = #map}, {transform_indices = #map}, {transform_indices = #map}, {transform_indices = #map1}, {transform_indices = #map2}]} {
    %mul3A = arith.constant 16 : i32
    %mul3A_0 = arith.muli %arg0, %mul3A : i32
    %add3A = arith.addi %mul3A_0, %arg1 : i32
    %jit3A = arith.constant 2 : i32
    %div3A = arith.divsi %add3A, %jit3A : i32
    %sign3A = arith.constant 0 : i32
    %sign3A_1 = arith.cmpi sgt, %add3A, %sign3A : i32
    %sign3A_2 = arith.extui %sign3A_1 : i1 to i32
    %sign3A_3 = arith.constant 0 : i32
    %sign3A_4 = arith.cmpi slt, %add3A, %sign3A_3 : i32
    %sign3A_5 = arith.extui %sign3A_4 : i1 to i32
    %sign3A_6 = arith.subi %sign3A_2, %sign3A_5 : i32
    %sign3A_7 = arith.constant 0 : i32
    %sign3A_8 = arith.cmpi sgt, %jit3A, %sign3A_7 : i32
    %sign3A_9 = arith.extui %sign3A_8 : i1 to i32
    %sign3A_10 = arith.constant 0 : i32
    %sign3A_11 = arith.cmpi slt, %jit3A, %sign3A_10 : i32
    %sign3A_12 = arith.extui %sign3A_11 : i1 to i32
    %sign3A_13 = arith.subi %sign3A_9, %sign3A_12 : i32
    %ne3A = arith.cmpi ne, %sign3A_6, %sign3A_13 : i32
    %rem3A = arith.remsi %add3A, %jit3A : i32
    %ne3A_14 = arith.constant 0 : i32
    %ne3A_15 = arith.cmpi ne, %rem3A, %ne3A_14 : i32
    %and3A = arith.andi %ne3A, %ne3A_15 : i1
    %sub3A = arith.constant 1 : i32
    %sub3A_16 = arith.subi %div3A, %sub3A : i32
    %select_n3A = arith.select %and3A, %sub3A_16, %div3A : i32
    %jit3A_17 = arith.constant 2 : i32
    %eq3A = arith.constant 0 : i32
    %eq3A_18 = arith.cmpi eq, %jit3A_17, %eq3A : i32
    %jit3A_19 = arith.constant 1 : i32
    %select_n3A_20 = arith.select %eq3A_18, %jit3A_19, %jit3A_17 : i32
    %rem3A_21 = arith.remsi %add3A, %select_n3A_20 : i32
    %ne3A_22 = arith.constant 0 : i32
    %ne3A_23 = arith.cmpi ne, %rem3A_21, %ne3A_22 : i32
    %lt3A = arith.constant 0 : i32
    %lt3A_24 = arith.cmpi slt, %rem3A_21, %lt3A : i32
    %lt3A_25 = arith.constant 0 : i32
    %lt3A_26 = arith.cmpi slt, %select_n3A_20, %lt3A_25 : i32
    %ne3A_27 = arith.xori %lt3A_24, %lt3A_26 : i1
    %and3A_28 = arith.andi %ne3A_27, %ne3A_23 : i1
    %add3A_29 = arith.addi %rem3A_21, %select_n3A_20 : i32
    %select_n3A_30 = arith.select %and3A_28, %add3A_29, %rem3A_21 : i32
    %mul3A_31 = arith.constant 160000 : i32
    %mul3A_32 = arith.muli %select_n3A_30, %mul3A_31 : i32
    %mul3A_33 = arith.constant 4 : i32
    %mul3A_34 = arith.muli %select_n3A, %mul3A_33 : i32
    %dma_start3A = arith.constant 0 : i32
    %dma_start3A_35 = tpu.memref_slice %arg5[%mul3A_34, %dma_start3A] : memref<64x10240xf32, #tpu.memory_space<hbm>> -> memref<4x10240xf32, #tpu.memory_space<hbm>>
    %dma_start3A_36 = arith.constant 0 : i32
    %dma_start3A_37 = tpu.memref_slice %arg5[%mul3A_34, %dma_start3A_36] : memref<64x10240xf32, #tpu.memory_space<hbm>> -> memref<4x10240xf32, #tpu.memory_space<hbm>>
    tpu.enqueue_dma source(%dma_start3A_37 : memref<4x10240xf32, #tpu.memory_space<hbm>>) target(%arg7 : memref<4x10240xf32, #tpu.memory_space<vmem>>) target_semaphore(%arg17 : memref<!tpu.dma_semaphore, #tpu.memory_space<semaphore_mem>>)
    %add3A_38 = arith.constant 0 : i32
    %add3A_39 = arith.addi %mul3A_32, %add3A_38 : i32
    %dma_start3A_40 = tpu.memref_slice %arg2[%add3A_39] : memref<320000xi32, #tpu.memory_space<hbm>> -> memref<4000xi32, #tpu.memory_space<hbm>>
    %dma_start3A_41 = tpu.memref_slice %arg2[%add3A_39] : memref<320000xi32, #tpu.memory_space<hbm>> -> memref<4000xi32, #tpu.memory_space<hbm>>
    tpu.enqueue_dma source(%dma_start3A_41 : memref<4000xi32, #tpu.memory_space<hbm>>) target(%arg9 : memref<4000xi32, #tpu.memory_space<vmem>>) target_semaphore(%arg15 : memref<!tpu.dma_semaphore, #tpu.memory_space<semaphore_mem>>)
    %dma_start3A_42 = tpu.memref_slice %arg3[%add3A_39] : memref<320000xi32, #tpu.memory_space<hbm>> -> memref<4000xi32, #tpu.memory_space<hbm>>
    %dma_start3A_43 = tpu.memref_slice %arg3[%add3A_39] : memref<320000xi32, #tpu.memory_space<hbm>> -> memref<4000xi32, #tpu.memory_space<hbm>>
    tpu.enqueue_dma source(%dma_start3A_43 : memref<4000xi32, #tpu.memory_space<hbm>>) target(%arg11 : memref<4000xi32, #tpu.memory_space<vmem>>) target_semaphore(%arg15 : memref<!tpu.dma_semaphore, #tpu.memory_space<semaphore_mem>>)
    %dma_start3A_44 = tpu.memref_slice %arg4[%add3A_39] : memref<320000xf32, #tpu.memory_space<hbm>> -> memref<4000xf32, #tpu.memory_space<hbm>>
    %dma_start3A_45 = tpu.memref_slice %arg4[%add3A_39] : memref<320000xf32, #tpu.memory_space<hbm>> -> memref<4000xf32, #tpu.memory_space<hbm>>
    tpu.enqueue_dma source(%dma_start3A_45 : memref<4000xf32, #tpu.memory_space<hbm>>) target(%arg13 : memref<4000xf32, #tpu.memory_space<vmem>>) target_semaphore(%arg15 : memref<!tpu.dma_semaphore, #tpu.memory_space<semaphore_mem>>)
    %add3A_46 = arith.constant 4000 : i32
    %add3A_47 = arith.addi %mul3A_32, %add3A_46 : i32
    %dma_start3A_48 = tpu.memref_slice %arg2[%add3A_47] : memref<320000xi32, #tpu.memory_space<hbm>> -> memref<4000xi32, #tpu.memory_space<hbm>>
    %dma_start3A_49 = tpu.memref_slice %arg2[%add3A_47] : memref<320000xi32, #tpu.memory_space<hbm>> -> memref<4000xi32, #tpu.memory_space<hbm>>
    tpu.enqueue_dma source(%dma_start3A_49 : memref<4000xi32, #tpu.memory_space<hbm>>) target(%arg10 : memref<4000xi32, #tpu.memory_space<vmem>>) target_semaphore(%arg16 : memref<!tpu.dma_semaphore, #tpu.memory_space<semaphore_mem>>)
    %dma_start3A_50 = tpu.memref_slice %arg3[%add3A_47] : memref<320000xi32, #tpu.memory_space<hbm>> -> memref<4000xi32, #tpu.memory_space<hbm>>
    %dma_start3A_51 = tpu.memref_slice %arg3[%add3A_47] : memref<320000xi32, #tpu.memory_space<hbm>> -> memref<4000xi32, #tpu.memory_space<hbm>>
    tpu.enqueue_dma source(%dma_start3A_51 : memref<4000xi32, #tpu.memory_space<hbm>>) target(%arg12 : memref<4000xi32, #tpu.memory_space<vmem>>) target_semaphore(%arg16 : memref<!tpu.dma_semaphore, #tpu.memory_space<semaphore_mem>>)
    %dma_start3A_52 = tpu.memref_slice %arg4[%add3A_47] : memref<320000xf32, #tpu.memory_space<hbm>> -> memref<4000xf32, #tpu.memory_space<hbm>>
    %dma_start3A_53 = tpu.memref_slice %arg4[%add3A_47] : memref<320000xf32, #tpu.memory_space<hbm>> -> memref<4000xf32, #tpu.memory_space<hbm>>
    tpu.enqueue_dma source(%dma_start3A_53 : memref<4000xf32, #tpu.memory_space<hbm>>) target(%arg14 : memref<4000xf32, #tpu.memory_space<vmem>>) target_semaphore(%arg16 : memref<!tpu.dma_semaphore, #tpu.memory_space<semaphore_mem>>)
    %scan3A = arith.constant 0 : i32
    %scan3A_54 = arith.constant 0 : i32
    %scan3A_55 = arith.constant 2560 : i32
    %scan3A_56 = arith.addi %scan3A_54, %scan3A_55 : i32
    %scan3A_57 = arith.constant 1 : i32
    %scan3A_58 = scf.for %scan3A_91 = %scan3A_54 to %scan3A_56 step %scan3A_57 iter_args(%scan3A_92 = %scan3A) -> (i32)  : i32 {
      %jit3A_93 = arith.constant 640 : i32
      %div3A_94 = arith.divsi %scan3A_91, %jit3A_93 : i32
      %sign3A_95 = arith.constant 0 : i32
      %sign3A_96 = arith.cmpi sgt, %scan3A_91, %sign3A_95 : i32
      %sign3A_97 = arith.extui %sign3A_96 : i1 to i32
      %sign3A_98 = arith.constant 0 : i32
      %sign3A_99 = arith.cmpi slt, %scan3A_91, %sign3A_98 : i32
      %sign3A_100 = arith.extui %sign3A_99 : i1 to i32
      %sign3A_101 = arith.subi %sign3A_97, %sign3A_100 : i32
      %sign3A_102 = arith.constant 0 : i32
      %sign3A_103 = arith.cmpi sgt, %jit3A_93, %sign3A_102 : i32
      %sign3A_104 = arith.extui %sign3A_103 : i1 to i32
      %sign3A_105 = arith.constant 0 : i32
      %sign3A_106 = arith.cmpi slt, %jit3A_93, %sign3A_105 : i32
      %sign3A_107 = arith.extui %sign3A_106 : i1 to i32
      %sign3A_108 = arith.subi %sign3A_104, %sign3A_107 : i32
      %ne3A_109 = arith.cmpi ne, %sign3A_101, %sign3A_108 : i32
      %rem3A_110 = arith.remsi %scan3A_91, %jit3A_93 : i32
      %ne3A_111 = arith.constant 0 : i32
      %ne3A_112 = arith.cmpi ne, %rem3A_110, %ne3A_111 : i32
      %and3A_113 = arith.andi %ne3A_109, %ne3A_112 : i1
      %sub3A_114 = arith.constant 1 : i32
      %sub3A_115 = arith.subi %div3A_94, %sub3A_114 : i32
      %select_n3A_116 = arith.select %and3A_113, %sub3A_115, %div3A_94 : i32
      %jit3A_117 = arith.constant 640 : i32
      %eq3A_118 = arith.constant 0 : i32
      %eq3A_119 = arith.cmpi eq, %jit3A_117, %eq3A_118 : i32
      %jit3A_120 = arith.constant 1 : i32
      %select_n3A_121 = arith.select %eq3A_119, %jit3A_120, %jit3A_117 : i32
      %rem3A_122 = arith.remsi %scan3A_91, %select_n3A_121 : i32
      %ne3A_123 = arith.constant 0 : i32
      %ne3A_124 = arith.cmpi ne, %rem3A_122, %ne3A_123 : i32
      %lt3A_125 = arith.constant 0 : i32
      %lt3A_126 = arith.cmpi slt, %rem3A_122, %lt3A_125 : i32
      %lt3A_127 = arith.constant 0 : i32
      %lt3A_128 = arith.cmpi slt, %select_n3A_121, %lt3A_127 : i32
      %ne3A_129 = arith.xori %lt3A_126, %lt3A_128 : i1
      %and3A_130 = arith.andi %ne3A_129, %ne3A_124 : i1
      %add3A_131 = arith.addi %rem3A_122, %select_n3A_121 : i32
      %select_n3A_132 = arith.select %and3A_130, %add3A_131, %rem3A_122 : i32
      %broadcast_in_dim3A = arith.constant 0.000000e+00 : f32
      %broadcast_in_dim3A_133 = vector.broadcast %broadcast_in_dim3A : f32 to vector<16xf32>
      %mul3A_134 = arith.constant 16 : i32
      %mul3A_135 = arith.muli %select_n3A_132, %mul3A_134 : i32
      %swap3A = arith.index_cast %select_n3A_116 : i32 to index
      %swap3A_136 = arith.index_cast %mul3A_135 : i32 to index
      %swap3A_137 = tpu.vector_load %arg8[%swap3A, %swap3A_136] {strides = array<i32>} : memref<4x10240xf32, #tpu.memory_space<vmem>>, vector<16xf32>,
      tpu.vector_store %arg8[%swap3A, %swap3A_136], %broadcast_in_dim3A_133 {strides = array<i32>} : memref<4x10240xf32, #tpu.memory_space<vmem>>, vector<16xf32>,
      %scan3A_138 = arith.constant 0 : i32
      scf.yield %scan3A_138 : i32
    }
    %scan3A_59 = arith.constant 2560 : i32
    %dma_wait3A = arith.constant 0 : i32
    %dma_wait3A_60 = tpu.memref_slice %arg5[%mul3A_34, %dma_wait3A] : memref<64x10240xf32, #tpu.memory_space<hbm>> -> memref<4x10240xf32, #tpu.memory_space<hbm>>
    %dma_wait3A_61 = arith.constant 0 : i32
    %dma_wait3A_62 = tpu.memref_slice %arg5[%mul3A_34, %dma_wait3A_61] : memref<64x10240xf32, #tpu.memory_space<hbm>> -> memref<4x10240xf32, #tpu.memory_space<hbm>>
    tpu.wait_dma2 semaphore(%arg17 : memref<!tpu.dma_semaphore, #tpu.memory_space<semaphore_mem>>) src(%dma_wait3A_62 : memref<4x10240xf32, #tpu.memory_space<hbm>>) dst(%arg7 : memref<4x10240xf32, #tpu.memory_space<vmem>>)
    %scan3A_63 = arith.constant 0 : i32
    %scan3A_64 = arith.constant 0 : i32
    %scan3A_65 = arith.constant 19 : i32
    %scan3A_66 = arith.addi %scan3A_64, %scan3A_65 : i32
    %scan3A_67 = arith.constant 1 : i32
    %scan3A_68 = scf.for %scan3A_91 = %scan3A_64 to %scan3A_66 step %scan3A_67 iter_args(%scan3A_92 = %scan3A_63) -> (i32)  : i32 {
      %mul3A_93 = arith.constant 2 : i32
      %mul3A_94 = arith.muli %mul3A_93, %scan3A_91 : i32
      %mul3A_95 = arith.constant 4000 : i32
      %mul3A_96 = arith.muli %mul3A_94, %mul3A_95 : i32
      %add3A_97 = arith.addi %mul3A_32, %mul3A_96 : i32
      %dma_wait3A_98 = tpu.memref_slice %arg2[%add3A_97] : memref<320000xi32, #tpu.memory_space<hbm>> -> memref<4000xi32, #tpu.memory_space<hbm>>
      %dma_wait3A_99 = tpu.memref_slice %arg2[%add3A_97] : memref<320000xi32, #tpu.memory_space<hbm>> -> memref<4000xi32, #tpu.memory_space<hbm>>
      tpu.wait_dma2 semaphore(%arg15 : memref<!tpu.dma_semaphore, #tpu.memory_space<semaphore_mem>>) src(%dma_wait3A_99 : memref<4000xi32, #tpu.memory_space<hbm>>) dst(%arg9 : memref<4000xi32, #tpu.memory_space<vmem>>)
      %dma_wait3A_100 = tpu.memref_slice %arg3[%add3A_97] : memref<320000xi32, #tpu.memory_space<hbm>> -> memref<4000xi32, #tpu.memory_space<hbm>>
      %dma_wait3A_101 = tpu.memref_slice %arg3[%add3A_97] : memref<320000xi32, #tpu.memory_space<hbm>> -> memref<4000xi32, #tpu.memory_space<hbm>>
      tpu.wait_dma2 semaphore(%arg15 : memref<!tpu.dma_semaphore, #tpu.memory_space<semaphore_mem>>) src(%dma_wait3A_101 : memref<4000xi32, #tpu.memory_space<hbm>>) dst(%arg11 : memref<4000xi32, #tpu.memory_space<vmem>>)
      %dma_wait3A_102 = tpu.memref_slice %arg4[%add3A_97] : memref<320000xf32, #tpu.memory_space<hbm>> -> memref<4000xf32, #tpu.memory_space<hbm>>
      %dma_wait3A_103 = tpu.memref_slice %arg4[%add3A_97] : memref<320000xf32, #tpu.memory_space<hbm>> -> memref<4000xf32, #tpu.memory_space<hbm>>
      tpu.wait_dma2 semaphore(%arg15 : memref<!tpu.dma_semaphore, #tpu.memory_space<semaphore_mem>>) src(%dma_wait3A_103 : memref<4000xf32, #tpu.memory_space<hbm>>) dst(%arg13 : memref<4000xf32, #tpu.memory_space<vmem>>)
      %parallel_loop3A_104 = arith.constant 0 : i32
      %parallel_loop3A_105 = arith.constant 250 : i32
      %parallel_loop3A_106 = arith.constant 1 : i32
      scf.for %parallel_loop3A_144 = %parallel_loop3A_104 to %parallel_loop3A_105 step %parallel_loop3A_106  : i32 {
        %parallel_loop3A_145 = arith.constant 16 : i32
        %parallel_loop3A_146 = arith.muli %parallel_loop3A_144, %parallel_loop3A_145 : i32
        %parallel_loop3A_147 = arith.index_cast %parallel_loop3A_146 : i32 to index
        %parallel_loop3A_148 = tpu.vector_load %arg9[%parallel_loop3A_147] {strides = array<i32>} : memref<4000xi32, #tpu.memory_space<vmem>>, vector<16xi32>,
        %parallel_loop3A_149 = arith.index_cast %parallel_loop3A_146 : i32 to index
        %parallel_loop3A_150 = tpu.vector_load %arg11[%parallel_loop3A_149] {strides = array<i32>} : memref<4000xi32, #tpu.memory_space<vmem>>, vector<16xi32>,
        %parallel_loop3A_151 = arith.index_cast %parallel_loop3A_146 : i32 to index
        %parallel_loop3A_152 = tpu.vector_load %arg13[%parallel_loop3A_151] {strides = array<i32>} : memref<4000xf32, #tpu.memory_space<vmem>>, vector<16xf32>,
        %parallel_loop3A_153 = arith.constant 0 : i32
        %parallel_loop3A_154 = arith.constant 0 : i32
        %parallel_loop3A_155 = tpu.memref_slice %arg7[%parallel_loop3A_153, %parallel_loop3A_154] : memref<4x10240xf32, #tpu.memory_space<vmem>> -> memref<1x10240xf32, #tpu.memory_space<vmem>>
        %parallel_loop3A_156 = tpu.memref_squeeze %parallel_loop3A_155 : memref<1x10240xf32, #tpu.memory_space<vmem>> -> memref<10240xf32, #tpu.memory_space<vmem>>
        %parallel_loop3A_157 = tpu.vector_load_idx %parallel_loop3A_156[%parallel_loop3A_148] : memref<10240xf32, #tpu.memory_space<vmem>>[vector<16xi32>], vector<16xf32>,
        %parallel_loop3A_158 = arith.constant 1 : i32
        %parallel_loop3A_159 = arith.constant 0 : i32
        %parallel_loop3A_160 = tpu.memref_slice %arg7[%parallel_loop3A_158, %parallel_loop3A_159] : memref<4x10240xf32, #tpu.memory_space<vmem>> -> memref<1x10240xf32, #tpu.memory_space<vmem>>
        %parallel_loop3A_161 = tpu.memref_squeeze %parallel_loop3A_160 : memref<1x10240xf32, #tpu.memory_space<vmem>> -> memref<10240xf32, #tpu.memory_space<vmem>>
        %parallel_loop3A_162 = tpu.vector_load_idx %parallel_loop3A_161[%parallel_loop3A_148] : memref<10240xf32, #tpu.memory_space<vmem>>[vector<16xi32>], vector<16xf32>,
        %parallel_loop3A_163 = arith.constant 2 : i32
        %parallel_loop3A_164 = arith.constant 0 : i32
        %parallel_loop3A_165 = tpu.memref_slice %arg7[%parallel_loop3A_163, %parallel_loop3A_164] : memref<4x10240xf32, #tpu.memory_space<vmem>> -> memref<1x10240xf32, #tpu.memory_space<vmem>>
        %parallel_loop3A_166 = tpu.memref_squeeze %parallel_loop3A_165 : memref<1x10240xf32, #tpu.memory_space<vmem>> -> memref<10240xf32, #tpu.memory_space<vmem>>
        %parallel_loop3A_167 = tpu.vector_load_idx %parallel_loop3A_166[%parallel_loop3A_148] : memref<10240xf32, #tpu.memory_space<vmem>>[vector<16xi32>], vector<16xf32>,
        %parallel_loop3A_168 = arith.constant 3 : i32
        %parallel_loop3A_169 = arith.constant 0 : i32
        %parallel_loop3A_170 = tpu.memref_slice %arg7[%parallel_loop3A_168, %parallel_loop3A_169] : memref<4x10240xf32, #tpu.memory_space<vmem>> -> memref<1x10240xf32, #tpu.memory_space<vmem>>
        %parallel_loop3A_171 = tpu.memref_squeeze %parallel_loop3A_170 : memref<1x10240xf32, #tpu.memory_space<vmem>> -> memref<10240xf32, #tpu.memory_space<vmem>>
        %parallel_loop3A_172 = tpu.vector_load_idx %parallel_loop3A_171[%parallel_loop3A_148] : memref<10240xf32, #tpu.memory_space<vmem>>[vector<16xi32>], vector<16xf32>,
        %parallel_loop3A_173 = arith.mulf %parallel_loop3A_157, %parallel_loop3A_152 : vector<16xf32>
        %parallel_loop3A_174 = arith.constant 0 : i32
        %parallel_loop3A_175 = arith.constant 0 : i32
        %parallel_loop3A_176 = tpu.memref_slice %arg8[%parallel_loop3A_174, %parallel_loop3A_175] : memref<4x10240xf32, #tpu.memory_space<vmem>> -> memref<1x10240xf32, #tpu.memory_space<vmem>>
        %parallel_loop3A_177 = tpu.memref_squeeze %parallel_loop3A_176 : memref<1x10240xf32, #tpu.memory_space<vmem>> -> memref<10240xf32, #tpu.memory_space<vmem>>
        tpu.vector_store_idx %parallel_loop3A_177[%parallel_loop3A_150], %parallel_loop3A_173 {add = true} : memref<10240xf32, #tpu.memory_space<vmem>>[vector<16xi32>], vector<16xf32>,
        %parallel_loop3A_178 = arith.mulf %parallel_loop3A_162, %parallel_loop3A_152 : vector<16xf32>
        %parallel_loop3A_179 = arith.constant 1 : i32
        %parallel_loop3A_180 = arith.constant 0 : i32
        %parallel_loop3A_181 = tpu.memref_slice %arg8[%parallel_loop3A_179, %parallel_loop3A_180] : memref<4x10240xf32, #tpu.memory_space<vmem>> -> memref<1x10240xf32, #tpu.memory_space<vmem>>
        %parallel_loop3A_182 = tpu.memref_squeeze %parallel_loop3A_181 : memref<1x10240xf32, #tpu.memory_space<vmem>> -> memref<10240xf32, #tpu.memory_space<vmem>>
        tpu.vector_store_idx %parallel_loop3A_182[%parallel_loop3A_150], %parallel_loop3A_178 {add = true} : memref<10240xf32, #tpu.memory_space<vmem>>[vector<16xi32>], vector<16xf32>,
        %parallel_loop3A_183 = arith.mulf %parallel_loop3A_167, %parallel_loop3A_152 : vector<16xf32>
        %parallel_loop3A_184 = arith.constant 2 : i32
        %parallel_loop3A_185 = arith.constant 0 : i32
        %parallel_loop3A_186 = tpu.memref_slice %arg8[%parallel_loop3A_184, %parallel_loop3A_185] : memref<4x10240xf32, #tpu.memory_space<vmem>> -> memref<1x10240xf32, #tpu.memory_space<vmem>>
        %parallel_loop3A_187 = tpu.memref_squeeze %parallel_loop3A_186 : memref<1x10240xf32, #tpu.memory_space<vmem>> -> memref<10240xf32, #tpu.memory_space<vmem>>
        tpu.vector_store_idx %parallel_loop3A_187[%parallel_loop3A_150], %parallel_loop3A_183 {add = true} : memref<10240xf32, #tpu.memory_space<vmem>>[vector<16xi32>], vector<16xf32>,
        %parallel_loop3A_188 = arith.mulf %parallel_loop3A_172, %parallel_loop3A_152 : vector<16xf32>
        %parallel_loop3A_189 = arith.constant 3 : i32
        %parallel_loop3A_190 = arith.constant 0 : i32
        %parallel_loop3A_191 = tpu.memref_slice %arg8[%parallel_loop3A_189, %parallel_loop3A_190] : memref<4x10240xf32, #tpu.memory_space<vmem>> -> memref<1x10240xf32, #tpu.memory_space<vmem>>
        %parallel_loop3A_192 = tpu.memref_squeeze %parallel_loop3A_191 : memref<1x10240xf32, #tpu.memory_space<vmem>> -> memref<10240xf32, #tpu.memory_space<vmem>>
        tpu.vector_store_idx %parallel_loop3A_192[%parallel_loop3A_150], %parallel_loop3A_188 {add = true} : memref<10240xf32, #tpu.memory_space<vmem>>[vector<16xi32>], vector<16xf32>,
      } {sc.loop_unroll_factor = 10 : i64, sc.parallel_access}
      %add3A_107 = arith.constant 2 : i32
      %add3A_108 = arith.addi %mul3A_94, %add3A_107 : i32
      %mul3A_109 = arith.constant 4000 : i32
      %mul3A_110 = arith.muli %add3A_108, %mul3A_109 : i32
      %add3A_111 = arith.addi %mul3A_32, %mul3A_110 : i32
      %dma_start3A_112 = tpu.memref_slice %arg2[%add3A_111] : memref<320000xi32, #tpu.memory_space<hbm>> -> memref<4000xi32, #tpu.memory_space<hbm>>
      %dma_start3A_113 = tpu.memref_slice %arg2[%add3A_111] : memref<320000xi32, #tpu.memory_space<hbm>> -> memref<4000xi32, #tpu.memory_space<hbm>>
      tpu.enqueue_dma source(%dma_start3A_113 : memref<4000xi32, #tpu.memory_space<hbm>>) target(%arg9 : memref<4000xi32, #tpu.memory_space<vmem>>) target_semaphore(%arg15 : memref<!tpu.dma_semaphore, #tpu.memory_space<semaphore_mem>>)
      %dma_start3A_114 = tpu.memref_slice %arg3[%add3A_111] : memref<320000xi32, #tpu.memory_space<hbm>> -> memref<4000xi32, #tpu.memory_space<hbm>>
      %dma_start3A_115 = tpu.memref_slice %arg3[%add3A_111] : memref<320000xi32, #tpu.memory_space<hbm>> -> memref<4000xi32, #tpu.memory_space<hbm>>
      tpu.enqueue_dma source(%dma_start3A_115 : memref<4000xi32, #tpu.memory_space<hbm>>) target(%arg11 : memref<4000xi32, #tpu.memory_space<vmem>>) target_semaphore(%arg15 : memref<!tpu.dma_semaphore, #tpu.memory_space<semaphore_mem>>)
      %dma_start3A_116 = tpu.memref_slice %arg4[%add3A_111] : memref<320000xf32, #tpu.memory_space<hbm>> -> memref<4000xf32, #tpu.memory_space<hbm>>
      %dma_start3A_117 = tpu.memref_slice %arg4[%add3A_111] : memref<320000xf32, #tpu.memory_space<hbm>> -> memref<4000xf32, #tpu.memory_space<hbm>>
      tpu.enqueue_dma source(%dma_start3A_117 : memref<4000xf32, #tpu.memory_space<hbm>>) target(%arg13 : memref<4000xf32, #tpu.memory_space<vmem>>) target_semaphore(%arg15 : memref<!tpu.dma_semaphore, #tpu.memory_space<semaphore_mem>>)
      %add3A_118 = arith.constant 1 : i32
      %add3A_119 = arith.addi %mul3A_94, %add3A_118 : i32
      %mul3A_120 = arith.constant 4000 : i32
      %mul3A_121 = arith.muli %add3A_119, %mul3A_120 : i32
      %add3A_122 = arith.addi %mul3A_32, %mul3A_121 : i32
      %dma_wait3A_123 = tpu.memref_slice %arg2[%add3A_122] : memref<320000xi32, #tpu.memory_space<hbm>> -> memref<4000xi32, #tpu.memory_space<hbm>>
      %dma_wait3A_124 = tpu.memref_slice %arg2[%add3A_122] : memref<320000xi32, #tpu.memory_space<hbm>> -> memref<4000xi32, #tpu.memory_space<hbm>>
      tpu.wait_dma2 semaphore(%arg16 : memref<!tpu.dma_semaphore, #tpu.memory_space<semaphore_mem>>) src(%dma_wait3A_124 : memref<4000xi32, #tpu.memory_space<hbm>>) dst(%arg10 : memref<4000xi32, #tpu.memory_space<vmem>>)
      %dma_wait3A_125 = tpu.memref_slice %arg3[%add3A_122] : memref<320000xi32, #tpu.memory_space<hbm>> -> memref<4000xi32, #tpu.memory_space<hbm>>
      %dma_wait3A_126 = tpu.memref_slice %arg3[%add3A_122] : memref<320000xi32, #tpu.memory_space<hbm>> -> memref<4000xi32, #tpu.memory_space<hbm>>
      tpu.wait_dma2 semaphore(%arg16 : memref<!tpu.dma_semaphore, #tpu.memory_space<semaphore_mem>>) src(%dma_wait3A_126 : memref<4000xi32, #tpu.memory_space<hbm>>) dst(%arg12 : memref<4000xi32, #tpu.memory_space<vmem>>)
      %dma_wait3A_127 = tpu.memref_slice %arg4[%add3A_122] : memref<320000xf32, #tpu.memory_space<hbm>> -> memref<4000xf32, #tpu.memory_space<hbm>>
      %dma_wait3A_128 = tpu.memref_slice %arg4[%add3A_122] : memref<320000xf32, #tpu.memory_space<hbm>> -> memref<4000xf32, #tpu.memory_space<hbm>>
      tpu.wait_dma2 semaphore(%arg16 : memref<!tpu.dma_semaphore, #tpu.memory_space<semaphore_mem>>) src(%dma_wait3A_128 : memref<4000xf32, #tpu.memory_space<hbm>>) dst(%arg14 : memref<4000xf32, #tpu.memory_space<vmem>>)
      %parallel_loop3A_129 = arith.constant 0 : i32
      %parallel_loop3A_130 = arith.constant 250 : i32
      %parallel_loop3A_131 = arith.constant 1 : i32
      scf.for %parallel_loop3A_144 = %parallel_loop3A_129 to %parallel_loop3A_130 step %parallel_loop3A_131  : i32 {
        %parallel_loop3A_145 = arith.constant 16 : i32
        %parallel_loop3A_146 = arith.muli %parallel_loop3A_144, %parallel_loop3A_145 : i32
        %parallel_loop3A_147 = arith.index_cast %parallel_loop3A_146 : i32 to index
        %parallel_loop3A_148 = tpu.vector_load %arg10[%parallel_loop3A_147] {strides = array<i32>} : memref<4000xi32, #tpu.memory_space<vmem>>, vector<16xi32>,
        %parallel_loop3A_149 = arith.index_cast %parallel_loop3A_146 : i32 to index
        %parallel_loop3A_150 = tpu.vector_load %arg12[%parallel_loop3A_149] {strides = array<i32>} : memref<4000xi32, #tpu.memory_space<vmem>>, vector<16xi32>,
        %parallel_loop3A_151 = arith.index_cast %parallel_loop3A_146 : i32 to index
        %parallel_loop3A_152 = tpu.vector_load %arg14[%parallel_loop3A_151] {strides = array<i32>} : memref<4000xf32, #tpu.memory_space<vmem>>, vector<16xf32>,
        %parallel_loop3A_153 = arith.constant 0 : i32
        %parallel_loop3A_154 = arith.constant 0 : i32
        %parallel_loop3A_155 = tpu.memref_slice %arg7[%parallel_loop3A_153, %parallel_loop3A_154] : memref<4x10240xf32, #tpu.memory_space<vmem>> -> memref<1x10240xf32, #tpu.memory_space<vmem>>
        %parallel_loop3A_156 = tpu.memref_squeeze %parallel_loop3A_155 : memref<1x10240xf32, #tpu.memory_space<vmem>> -> memref<10240xf32, #tpu.memory_space<vmem>>
        %parallel_loop3A_157 = tpu.vector_load_idx %parallel_loop3A_156[%parallel_loop3A_148] : memref<10240xf32, #tpu.memory_space<vmem>>[vector<16xi32>], vector<16xf32>,
        %parallel_loop3A_158 = arith.constant 1 : i32
        %parallel_loop3A_159 = arith.constant 0 : i32
        %parallel_loop3A_160 = tpu.memref_slice %arg7[%parallel_loop3A_158, %parallel_loop3A_159] : memref<4x10240xf32, #tpu.memory_space<vmem>> -> memref<1x10240xf32, #tpu.memory_space<vmem>>
        %parallel_loop3A_161 = tpu.memref_squeeze %parallel_loop3A_160 : memref<1x10240xf32, #tpu.memory_space<vmem>> -> memref<10240xf32, #tpu.memory_space<vmem>>
        %parallel_loop3A_162 = tpu.vector_load_idx %parallel_loop3A_161[%parallel_loop3A_148] : memref<10240xf32, #tpu.memory_space<vmem>>[vector<16xi32>], vector<16xf32>,
        %parallel_loop3A_163 = arith.constant 2 : i32
        %parallel_loop3A_164 = arith.constant 0 : i32
        %parallel_loop3A_165 = tpu.memref_slice %arg7[%parallel_loop3A_163, %parallel_loop3A_164] : memref<4x10240xf32, #tpu.memory_space<vmem>> -> memref<1x10240xf32, #tpu.memory_space<vmem>>
        %parallel_loop3A_166 = tpu.memref_squeeze %parallel_loop3A_165 : memref<1x10240xf32, #tpu.memory_space<vmem>> -> memref<10240xf32, #tpu.memory_space<vmem>>
        %parallel_loop3A_167 = tpu.vector_load_idx %parallel_loop3A_166[%parallel_loop3A_148] : memref<10240xf32, #tpu.memory_space<vmem>>[vector<16xi32>], vector<16xf32>,
        %parallel_loop3A_168 = arith.constant 3 : i32
        %parallel_loop3A_169 = arith.constant 0 : i32
        %parallel_loop3A_170 = tpu.memref_slice %arg7[%parallel_loop3A_168, %parallel_loop3A_169] : memref<4x10240xf32, #tpu.memory_space<vmem>> -> memref<1x10240xf32, #tpu.memory_space<vmem>>
        %parallel_loop3A_171 = tpu.memref_squeeze %parallel_loop3A_170 : memref<1x10240xf32, #tpu.memory_space<vmem>> -> memref<10240xf32, #tpu.memory_space<vmem>>
        %parallel_loop3A_172 = tpu.vector_load_idx %parallel_loop3A_171[%parallel_loop3A_148] : memref<10240xf32, #tpu.memory_space<vmem>>[vector<16xi32>], vector<16xf32>,
        %parallel_loop3A_173 = arith.mulf %parallel_loop3A_157, %parallel_loop3A_152 : vector<16xf32>
        %parallel_loop3A_174 = arith.constant 0 : i32
        %parallel_loop3A_175 = arith.constant 0 : i32
        %parallel_loop3A_176 = tpu.memref_slice %arg8[%parallel_loop3A_174, %parallel_loop3A_175] : memref<4x10240xf32, #tpu.memory_space<vmem>> -> memref<1x10240xf32, #tpu.memory_space<vmem>>
        %parallel_loop3A_177 = tpu.memref_squeeze %parallel_loop3A_176 : memref<1x10240xf32, #tpu.memory_space<vmem>> -> memref<10240xf32, #tpu.memory_space<vmem>>
        tpu.vector_store_idx %parallel_loop3A_177[%parallel_loop3A_150], %parallel_loop3A_173 {add = true} : memref<10240xf32, #tpu.memory_space<vmem>>[vector<16xi32>], vector<16xf32>,
        %parallel_loop3A_178 = arith.mulf %parallel_loop3A_162, %parallel_loop3A_152 : vector<16xf32>
        %parallel_loop3A_179 = arith.constant 1 : i32
        %parallel_loop3A_180 = arith.constant 0 : i32
        %parallel_loop3A_181 = tpu.memref_slice %arg8[%parallel_loop3A_179, %parallel_loop3A_180] : memref<4x10240xf32, #tpu.memory_space<vmem>> -> memref<1x10240xf32, #tpu.memory_space<vmem>>
        %parallel_loop3A_182 = tpu.memref_squeeze %parallel_loop3A_181 : memref<1x10240xf32, #tpu.memory_space<vmem>> -> memref<10240xf32, #tpu.memory_space<vmem>>
        tpu.vector_store_idx %parallel_loop3A_182[%parallel_loop3A_150], %parallel_loop3A_178 {add = true} : memref<10240xf32, #tpu.memory_space<vmem>>[vector<16xi32>], vector<16xf32>,
        %parallel_loop3A_183 = arith.mulf %parallel_loop3A_167, %parallel_loop3A_152 : vector<16xf32>
        %parallel_loop3A_184 = arith.constant 2 : i32
        %parallel_loop3A_185 = arith.constant 0 : i32
        %parallel_loop3A_186 = tpu.memref_slice %arg8[%parallel_loop3A_184, %parallel_loop3A_185] : memref<4x10240xf32, #tpu.memory_space<vmem>> -> memref<1x10240xf32, #tpu.memory_space<vmem>>
        %parallel_loop3A_187 = tpu.memref_squeeze %parallel_loop3A_186 : memref<1x10240xf32, #tpu.memory_space<vmem>> -> memref<10240xf32, #tpu.memory_space<vmem>>
        tpu.vector_store_idx %parallel_loop3A_187[%parallel_loop3A_150], %parallel_loop3A_183 {add = true} : memref<10240xf32, #tpu.memory_space<vmem>>[vector<16xi32>], vector<16xf32>,
        %parallel_loop3A_188 = arith.mulf %parallel_loop3A_172, %parallel_loop3A_152 : vector<16xf32>
        %parallel_loop3A_189 = arith.constant 3 : i32
        %parallel_loop3A_190 = arith.constant 0 : i32
        %parallel_loop3A_191 = tpu.memref_slice %arg8[%parallel_loop3A_189, %parallel_loop3A_190] : memref<4x10240xf32, #tpu.memory_space<vmem>> -> memref<1x10240xf32, #tpu.memory_space<vmem>>
        %parallel_loop3A_192 = tpu.memref_squeeze %parallel_loop3A_191 : memref<1x10240xf32, #tpu.memory_space<vmem>> -> memref<10240xf32, #tpu.memory_space<vmem>>
        tpu.vector_store_idx %parallel_loop3A_192[%parallel_loop3A_150], %parallel_loop3A_188 {add = true} : memref<10240xf32, #tpu.memory_space<vmem>>[vector<16xi32>], vector<16xf32>,
      } {sc.loop_unroll_factor = 10 : i64, sc.parallel_access}
      %add3A_132 = arith.constant 3 : i32
      %add3A_133 = arith.addi %mul3A_94, %add3A_132 : i32
      %mul3A_134 = arith.constant 4000 : i32
      %mul3A_135 = arith.muli %add3A_133, %mul3A_134 : i32
      %add3A_136 = arith.addi %mul3A_32, %mul3A_135 : i32
      %dma_start3A_137 = tpu.memref_slice %arg2[%add3A_136] : memref<320000xi32, #tpu.memory_space<hbm>> -> memref<4000xi32, #tpu.memory_space<hbm>>
      %dma_start3A_138 = tpu.memref_slice %arg2[%add3A_136] : memref<320000xi32, #tpu.memory_space<hbm>> -> memref<4000xi32, #tpu.memory_space<hbm>>
      tpu.enqueue_dma source(%dma_start3A_138 : memref<4000xi32, #tpu.memory_space<hbm>>) target(%arg10 : memref<4000xi32, #tpu.memory_space<vmem>>) target_semaphore(%arg16 : memref<!tpu.dma_semaphore, #tpu.memory_space<semaphore_mem>>)
      %dma_start3A_139 = tpu.memref_slice %arg3[%add3A_136] : memref<320000xi32, #tpu.memory_space<hbm>> -> memref<4000xi32, #tpu.memory_space<hbm>>
      %dma_start3A_140 = tpu.memref_slice %arg3[%add3A_136] : memref<320000xi32, #tpu.memory_space<hbm>> -> memref<4000xi32, #tpu.memory_space<hbm>>
      tpu.enqueue_dma source(%dma_start3A_140 : memref<4000xi32, #tpu.memory_space<hbm>>) target(%arg12 : memref<4000xi32, #tpu.memory_space<vmem>>) target_semaphore(%arg16 : memref<!tpu.dma_semaphore, #tpu.memory_space<semaphore_mem>>)
      %dma_start3A_141 = tpu.memref_slice %arg4[%add3A_136] : memref<320000xf32, #tpu.memory_space<hbm>> -> memref<4000xf32, #tpu.memory_space<hbm>>
      %dma_start3A_142 = tpu.memref_slice %arg4[%add3A_136] : memref<320000xf32, #tpu.memory_space<hbm>> -> memref<4000xf32, #tpu.memory_space<hbm>>
      tpu.enqueue_dma source(%dma_start3A_142 : memref<4000xf32, #tpu.memory_space<hbm>>) target(%arg14 : memref<4000xf32, #tpu.memory_space<vmem>>) target_semaphore(%arg16 : memref<!tpu.dma_semaphore, #tpu.memory_space<semaphore_mem>>)
      %scan3A_143 = arith.constant 0 : i32
      scf.yield %scan3A_143 : i32
    }
    %scan3A_69 = arith.constant 19 : i32
    %add3A_70 = arith.constant 152000 : i32
    %add3A_71 = arith.addi %mul3A_32, %add3A_70 : i32
    %dma_wait3A_72 = tpu.memref_slice %arg2[%add3A_71] : memref<320000xi32, #tpu.memory_space<hbm>> -> memref<4000xi32, #tpu.memory_space<hbm>>
    %dma_wait3A_73 = tpu.memref_slice %arg2[%add3A_71] : memref<320000xi32, #tpu.memory_space<hbm>> -> memref<4000xi32, #tpu.memory_space<hbm>>
    tpu.wait_dma2 semaphore(%arg15 : memref<!tpu.dma_semaphore, #tpu.memory_space<semaphore_mem>>) src(%dma_wait3A_73 : memref<4000xi32, #tpu.memory_space<hbm>>) dst(%arg9 : memref<4000xi32, #tpu.memory_space<vmem>>)
    %dma_wait3A_74 = tpu.memref_slice %arg3[%add3A_71] : memref<320000xi32, #tpu.memory_space<hbm>> -> memref<4000xi32, #tpu.memory_space<hbm>>
    %dma_wait3A_75 = tpu.memref_slice %arg3[%add3A_71] : memref<320000xi32, #tpu.memory_space<hbm>> -> memref<4000xi32, #tpu.memory_space<hbm>>
    tpu.wait_dma2 semaphore(%arg15 : memref<!tpu.dma_semaphore, #tpu.memory_space<semaphore_mem>>) src(%dma_wait3A_75 : memref<4000xi32, #tpu.memory_space<hbm>>) dst(%arg11 : memref<4000xi32, #tpu.memory_space<vmem>>)
    %dma_wait3A_76 = tpu.memref_slice %arg4[%add3A_71] : memref<320000xf32, #tpu.memory_space<hbm>> -> memref<4000xf32, #tpu.memory_space<hbm>>
    %dma_wait3A_77 = tpu.memref_slice %arg4[%add3A_71] : memref<320000xf32, #tpu.memory_space<hbm>> -> memref<4000xf32, #tpu.memory_space<hbm>>
    tpu.wait_dma2 semaphore(%arg15 : memref<!tpu.dma_semaphore, #tpu.memory_space<semaphore_mem>>) src(%dma_wait3A_77 : memref<4000xf32, #tpu.memory_space<hbm>>) dst(%arg13 : memref<4000xf32, #tpu.memory_space<vmem>>)
    %parallel_loop3A = arith.constant 0 : i32
    %parallel_loop3A_78 = arith.constant 250 : i32
    %parallel_loop3A_79 = arith.constant 1 : i32
    scf.for %parallel_loop3A_91 = %parallel_loop3A to %parallel_loop3A_78 step %parallel_loop3A_79  : i32 {
      %parallel_loop3A_92 = arith.constant 16 : i32
      %parallel_loop3A_93 = arith.muli %parallel_loop3A_91, %parallel_loop3A_92 : i32
      %parallel_loop3A_94 = arith.index_cast %parallel_loop3A_93 : i32 to index
      %parallel_loop3A_95 = tpu.vector_load %arg9[%parallel_loop3A_94] {strides = array<i32>} : memref<4000xi32, #tpu.memory_space<vmem>>, vector<16xi32>,
      %parallel_loop3A_96 = arith.index_cast %parallel_loop3A_93 : i32 to index
      %parallel_loop3A_97 = tpu.vector_load %arg11[%parallel_loop3A_96] {strides = array<i32>} : memref<4000xi32, #tpu.memory_space<vmem>>, vector<16xi32>,
      %parallel_loop3A_98 = arith.index_cast %parallel_loop3A_93 : i32 to index
      %parallel_loop3A_99 = tpu.vector_load %arg13[%parallel_loop3A_98] {strides = array<i32>} : memref<4000xf32, #tpu.memory_space<vmem>>, vector<16xf32>,
      %parallel_loop3A_100 = arith.constant 0 : i32
      %parallel_loop3A_101 = arith.constant 0 : i32
      %parallel_loop3A_102 = tpu.memref_slice %arg7[%parallel_loop3A_100, %parallel_loop3A_101] : memref<4x10240xf32, #tpu.memory_space<vmem>> -> memref<1x10240xf32, #tpu.memory_space<vmem>>
      %parallel_loop3A_103 = tpu.memref_squeeze %parallel_loop3A_102 : memref<1x10240xf32, #tpu.memory_space<vmem>> -> memref<10240xf32, #tpu.memory_space<vmem>>
      %parallel_loop3A_104 = tpu.vector_load_idx %parallel_loop3A_103[%parallel_loop3A_95] : memref<10240xf32, #tpu.memory_space<vmem>>[vector<16xi32>], vector<16xf32>,
      %parallel_loop3A_105 = arith.constant 1 : i32
      %parallel_loop3A_106 = arith.constant 0 : i32
      %parallel_loop3A_107 = tpu.memref_slice %arg7[%parallel_loop3A_105, %parallel_loop3A_106] : memref<4x10240xf32, #tpu.memory_space<vmem>> -> memref<1x10240xf32, #tpu.memory_space<vmem>>
      %parallel_loop3A_108 = tpu.memref_squeeze %parallel_loop3A_107 : memref<1x10240xf32, #tpu.memory_space<vmem>> -> memref<10240xf32, #tpu.memory_space<vmem>>
      %parallel_loop3A_109 = tpu.vector_load_idx %parallel_loop3A_108[%parallel_loop3A_95] : memref<10240xf32, #tpu.memory_space<vmem>>[vector<16xi32>], vector<16xf32>,
      %parallel_loop3A_110 = arith.constant 2 : i32
      %parallel_loop3A_111 = arith.constant 0 : i32
      %parallel_loop3A_112 = tpu.memref_slice %arg7[%parallel_loop3A_110, %parallel_loop3A_111] : memref<4x10240xf32, #tpu.memory_space<vmem>> -> memref<1x10240xf32, #tpu.memory_space<vmem>>
      %parallel_loop3A_113 = tpu.memref_squeeze %parallel_loop3A_112 : memref<1x10240xf32, #tpu.memory_space<vmem>> -> memref<10240xf32, #tpu.memory_space<vmem>>
      %parallel_loop3A_114 = tpu.vector_load_idx %parallel_loop3A_113[%parallel_loop3A_95] : memref<10240xf32, #tpu.memory_space<vmem>>[vector<16xi32>], vector<16xf32>,
      %parallel_loop3A_115 = arith.constant 3 : i32
      %parallel_loop3A_116 = arith.constant 0 : i32
      %parallel_loop3A_117 = tpu.memref_slice %arg7[%parallel_loop3A_115, %parallel_loop3A_116] : memref<4x10240xf32, #tpu.memory_space<vmem>> -> memref<1x10240xf32, #tpu.memory_space<vmem>>
      %parallel_loop3A_118 = tpu.memref_squeeze %parallel_loop3A_117 : memref<1x10240xf32, #tpu.memory_space<vmem>> -> memref<10240xf32, #tpu.memory_space<vmem>>
      %parallel_loop3A_119 = tpu.vector_load_idx %parallel_loop3A_118[%parallel_loop3A_95] : memref<10240xf32, #tpu.memory_space<vmem>>[vector<16xi32>], vector<16xf32>,
      %parallel_loop3A_120 = arith.mulf %parallel_loop3A_104, %parallel_loop3A_99 : vector<16xf32>
      %parallel_loop3A_121 = arith.constant 0 : i32
      %parallel_loop3A_122 = arith.constant 0 : i32
      %parallel_loop3A_123 = tpu.memref_slice %arg8[%parallel_loop3A_121, %parallel_loop3A_122] : memref<4x10240xf32, #tpu.memory_space<vmem>> -> memref<1x10240xf32, #tpu.memory_space<vmem>>
      %parallel_loop3A_124 = tpu.memref_squeeze %parallel_loop3A_123 : memref<1x10240xf32, #tpu.memory_space<vmem>> -> memref<10240xf32, #tpu.memory_space<vmem>>
      tpu.vector_store_idx %parallel_loop3A_124[%parallel_loop3A_97], %parallel_loop3A_120 {add = true} : memref<10240xf32, #tpu.memory_space<vmem>>[vector<16xi32>], vector<16xf32>,
      %parallel_loop3A_125 = arith.mulf %parallel_loop3A_109, %parallel_loop3A_99 : vector<16xf32>
      %parallel_loop3A_126 = arith.constant 1 : i32
      %parallel_loop3A_127 = arith.constant 0 : i32
      %parallel_loop3A_128 = tpu.memref_slice %arg8[%parallel_loop3A_126, %parallel_loop3A_127] : memref<4x10240xf32, #tpu.memory_space<vmem>> -> memref<1x10240xf32, #tpu.memory_space<vmem>>
      %parallel_loop3A_129 = tpu.memref_squeeze %parallel_loop3A_128 : memref<1x10240xf32, #tpu.memory_space<vmem>> -> memref<10240xf32, #tpu.memory_space<vmem>>
      tpu.vector_store_idx %parallel_loop3A_129[%parallel_loop3A_97], %parallel_loop3A_125 {add = true} : memref<10240xf32, #tpu.memory_space<vmem>>[vector<16xi32>], vector<16xf32>,
      %parallel_loop3A_130 = arith.mulf %parallel_loop3A_114, %parallel_loop3A_99 : vector<16xf32>
      %parallel_loop3A_131 = arith.constant 2 : i32
      %parallel_loop3A_132 = arith.constant 0 : i32
      %parallel_loop3A_133 = tpu.memref_slice %arg8[%parallel_loop3A_131, %parallel_loop3A_132] : memref<4x10240xf32, #tpu.memory_space<vmem>> -> memref<1x10240xf32, #tpu.memory_space<vmem>>
      %parallel_loop3A_134 = tpu.memref_squeeze %parallel_loop3A_133 : memref<1x10240xf32, #tpu.memory_space<vmem>> -> memref<10240xf32, #tpu.memory_space<vmem>>
      tpu.vector_store_idx %parallel_loop3A_134[%parallel_loop3A_97], %parallel_loop3A_130 {add = true} : memref<10240xf32, #tpu.memory_space<vmem>>[vector<16xi32>], vector<16xf32>,
      %parallel_loop3A_135 = arith.mulf %parallel_loop3A_119, %parallel_loop3A_99 : vector<16xf32>
      %parallel_loop3A_136 = arith.constant 3 : i32
      %parallel_loop3A_137 = arith.constant 0 : i32
      %parallel_loop3A_138 = tpu.memref_slice %arg8[%parallel_loop3A_136, %parallel_loop3A_137] : memref<4x10240xf32, #tpu.memory_space<vmem>> -> memref<1x10240xf32, #tpu.memory_space<vmem>>
      %parallel_loop3A_139 = tpu.memref_squeeze %parallel_loop3A_138 : memref<1x10240xf32, #tpu.memory_space<vmem>> -> memref<10240xf32, #tpu.memory_space<vmem>>
      tpu.vector_store_idx %parallel_loop3A_139[%parallel_loop3A_97], %parallel_loop3A_135 {add = true} : memref<10240xf32, #tpu.memory_space<vmem>>[vector<16xi32>], vector<16xf32>,
    } {sc.loop_unroll_factor = 10 : i64, sc.parallel_access}
    %add3A_80 = arith.constant 156000 : i32
    %add3A_81 = arith.addi %mul3A_32, %add3A_80 : i32
    %dma_wait3A_82 = tpu.memref_slice %arg2[%add3A_81] : memref<320000xi32, #tpu.memory_space<hbm>> -> memref<4000xi32, #tpu.memory_space<hbm>>
    %dma_wait3A_83 = tpu.memref_slice %arg2[%add3A_81] : memref<320000xi32, #tpu.memory_space<hbm>> -> memref<4000xi32, #tpu.memory_space<hbm>>
    tpu.wait_dma2 semaphore(%arg16 : memref<!tpu.dma_semaphore, #tpu.memory_space<semaphore_mem>>) src(%dma_wait3A_83 : memref<4000xi32, #tpu.memory_space<hbm>>) dst(%arg10 : memref<4000xi32, #tpu.memory_space<vmem>>)
    %dma_wait3A_84 = tpu.memref_slice %arg3[%add3A_81] : memref<320000xi32, #tpu.memory_space<hbm>> -> memref<4000xi32, #tpu.memory_space<hbm>>
    %dma_wait3A_85 = tpu.memref_slice %arg3[%add3A_81] : memref<320000xi32, #tpu.memory_space<hbm>> -> memref<4000xi32, #tpu.memory_space<hbm>>
    tpu.wait_dma2 semaphore(%arg16 : memref<!tpu.dma_semaphore, #tpu.memory_space<semaphore_mem>>) src(%dma_wait3A_85 : memref<4000xi32, #tpu.memory_space<hbm>>) dst(%arg12 : memref<4000xi32, #tpu.memory_space<vmem>>)
    %dma_wait3A_86 = tpu.memref_slice %arg4[%add3A_81] : memref<320000xf32, #tpu.memory_space<hbm>> -> memref<4000xf32, #tpu.memory_space<hbm>>
    %dma_wait3A_87 = tpu.memref_slice %arg4[%add3A_81] : memref<320000xf32, #tpu.memory_space<hbm>> -> memref<4000xf32, #tpu.memory_space<hbm>>
    tpu.wait_dma2 semaphore(%arg16 : memref<!tpu.dma_semaphore, #tpu.memory_space<semaphore_mem>>) src(%dma_wait3A_87 : memref<4000xf32, #tpu.memory_space<hbm>>) dst(%arg14 : memref<4000xf32, #tpu.memory_space<vmem>>)
    %parallel_loop3A_88 = arith.constant 0 : i32
    %parallel_loop3A_89 = arith.constant 250 : i32
    %parallel_loop3A_90 = arith.constant 1 : i32
    scf.for %parallel_loop3A_91 = %parallel_loop3A_88 to %parallel_loop3A_89 step %parallel_loop3A_90  : i32 {
      %parallel_loop3A_92 = arith.constant 16 : i32
      %parallel_loop3A_93 = arith.muli %parallel_loop3A_91, %parallel_loop3A_92 : i32
      %parallel_loop3A_94 = arith.index_cast %parallel_loop3A_93 : i32 to index
      %parallel_loop3A_95 = tpu.vector_load %arg10[%parallel_loop3A_94] {strides = array<i32>} : memref<4000xi32, #tpu.memory_space<vmem>>, vector<16xi32>,
      %parallel_loop3A_96 = arith.index_cast %parallel_loop3A_93 : i32 to index
      %parallel_loop3A_97 = tpu.vector_load %arg12[%parallel_loop3A_96] {strides = array<i32>} : memref<4000xi32, #tpu.memory_space<vmem>>, vector<16xi32>,
      %parallel_loop3A_98 = arith.index_cast %parallel_loop3A_93 : i32 to index
      %parallel_loop3A_99 = tpu.vector_load %arg14[%parallel_loop3A_98] {strides = array<i32>} : memref<4000xf32, #tpu.memory_space<vmem>>, vector<16xf32>,
      %parallel_loop3A_100 = arith.constant 0 : i32
      %parallel_loop3A_101 = arith.constant 0 : i32
      %parallel_loop3A_102 = tpu.memref_slice %arg7[%parallel_loop3A_100, %parallel_loop3A_101] : memref<4x10240xf32, #tpu.memory_space<vmem>> -> memref<1x10240xf32, #tpu.memory_space<vmem>>
      %parallel_loop3A_103 = tpu.memref_squeeze %parallel_loop3A_102 : memref<1x10240xf32, #tpu.memory_space<vmem>> -> memref<10240xf32, #tpu.memory_space<vmem>>
      %parallel_loop3A_104 = tpu.vector_load_idx %parallel_loop3A_103[%parallel_loop3A_95] : memref<10240xf32, #tpu.memory_space<vmem>>[vector<16xi32>], vector<16xf32>,
      %parallel_loop3A_105 = arith.constant 1 : i32
      %parallel_loop3A_106 = arith.constant 0 : i32
      %parallel_loop3A_107 = tpu.memref_slice %arg7[%parallel_loop3A_105, %parallel_loop3A_106] : memref<4x10240xf32, #tpu.memory_space<vmem>> -> memref<1x10240xf32, #tpu.memory_space<vmem>>
      %parallel_loop3A_108 = tpu.memref_squeeze %parallel_loop3A_107 : memref<1x10240xf32, #tpu.memory_space<vmem>> -> memref<10240xf32, #tpu.memory_space<vmem>>
      %parallel_loop3A_109 = tpu.vector_load_idx %parallel_loop3A_108[%parallel_loop3A_95] : memref<10240xf32, #tpu.memory_space<vmem>>[vector<16xi32>], vector<16xf32>,
      %parallel_loop3A_110 = arith.constant 2 : i32
      %parallel_loop3A_111 = arith.constant 0 : i32
      %parallel_loop3A_112 = tpu.memref_slice %arg7[%parallel_loop3A_110, %parallel_loop3A_111] : memref<4x10240xf32, #tpu.memory_space<vmem>> -> memref<1x10240xf32, #tpu.memory_space<vmem>>
      %parallel_loop3A_113 = tpu.memref_squeeze %parallel_loop3A_112 : memref<1x10240xf32, #tpu.memory_space<vmem>> -> memref<10240xf32, #tpu.memory_space<vmem>>
      %parallel_loop3A_114 = tpu.vector_load_idx %parallel_loop3A_113[%parallel_loop3A_95] : memref<10240xf32, #tpu.memory_space<vmem>>[vector<16xi32>], vector<16xf32>,
      %parallel_loop3A_115 = arith.constant 3 : i32
      %parallel_loop3A_116 = arith.constant 0 : i32
      %parallel_loop3A_117 = tpu.memref_slice %arg7[%parallel_loop3A_115, %parallel_loop3A_116] : memref<4x10240xf32, #tpu.memory_space<vmem>> -> memref<1x10240xf32, #tpu.memory_space<vmem>>
      %parallel_loop3A_118 = tpu.memref_squeeze %parallel_loop3A_117 : memref<1x10240xf32, #tpu.memory_space<vmem>> -> memref<10240xf32, #tpu.memory_space<vmem>>
      %parallel_loop3A_119 = tpu.vector_load_idx %parallel_loop3A_118[%parallel_loop3A_95] : memref<10240xf32, #tpu.memory_space<vmem>>[vector<16xi32>], vector<16xf32>,
      %parallel_loop3A_120 = arith.mulf %parallel_loop3A_104, %parallel_loop3A_99 : vector<16xf32>
      %parallel_loop3A_121 = arith.constant 0 : i32
      %parallel_loop3A_122 = arith.constant 0 : i32
      %parallel_loop3A_123 = tpu.memref_slice %arg8[%parallel_loop3A_121, %parallel_loop3A_122] : memref<4x10240xf32, #tpu.memory_space<vmem>> -> memref<1x10240xf32, #tpu.memory_space<vmem>>
      %parallel_loop3A_124 = tpu.memref_squeeze %parallel_loop3A_123 : memref<1x10240xf32, #tpu.memory_space<vmem>> -> memref<10240xf32, #tpu.memory_space<vmem>>
      tpu.vector_store_idx %parallel_loop3A_124[%parallel_loop3A_97], %parallel_loop3A_120 {add = true} : memref<10240xf32, #tpu.memory_space<vmem>>[vector<16xi32>], vector<16xf32>,
      %parallel_loop3A_125 = arith.mulf %parallel_loop3A_109, %parallel_loop3A_99 : vector<16xf32>
      %parallel_loop3A_126 = arith.constant 1 : i32
      %parallel_loop3A_127 = arith.constant 0 : i32
      %parallel_loop3A_128 = tpu.memref_slice %arg8[%parallel_loop3A_126, %parallel_loop3A_127] : memref<4x10240xf32, #tpu.memory_space<vmem>> -> memref<1x10240xf32, #tpu.memory_space<vmem>>
      %parallel_loop3A_129 = tpu.memref_squeeze %parallel_loop3A_128 : memref<1x10240xf32, #tpu.memory_space<vmem>> -> memref<10240xf32, #tpu.memory_space<vmem>>
      tpu.vector_store_idx %parallel_loop3A_129[%parallel_loop3A_97], %parallel_loop3A_125 {add = true} : memref<10240xf32, #tpu.memory_space<vmem>>[vector<16xi32>], vector<16xf32>,
      %parallel_loop3A_130 = arith.mulf %parallel_loop3A_114, %parallel_loop3A_99 : vector<16xf32>
      %parallel_loop3A_131 = arith.constant 2 : i32
      %parallel_loop3A_132 = arith.constant 0 : i32
      %parallel_loop3A_133 = tpu.memref_slice %arg8[%parallel_loop3A_131, %parallel_loop3A_132] : memref<4x10240xf32, #tpu.memory_space<vmem>> -> memref<1x10240xf32, #tpu.memory_space<vmem>>
      %parallel_loop3A_134 = tpu.memref_squeeze %parallel_loop3A_133 : memref<1x10240xf32, #tpu.memory_space<vmem>> -> memref<10240xf32, #tpu.memory_space<vmem>>
      tpu.vector_store_idx %parallel_loop3A_134[%parallel_loop3A_97], %parallel_loop3A_130 {add = true} : memref<10240xf32, #tpu.memory_space<vmem>>[vector<16xi32>], vector<16xf32>,
      %parallel_loop3A_135 = arith.mulf %parallel_loop3A_119, %parallel_loop3A_99 : vector<16xf32>
      %parallel_loop3A_136 = arith.constant 3 : i32
      %parallel_loop3A_137 = arith.constant 0 : i32
      %parallel_loop3A_138 = tpu.memref_slice %arg8[%parallel_loop3A_136, %parallel_loop3A_137] : memref<4x10240xf32, #tpu.memory_space<vmem>> -> memref<1x10240xf32, #tpu.memory_space<vmem>>
      %parallel_loop3A_139 = tpu.memref_squeeze %parallel_loop3A_138 : memref<1x10240xf32, #tpu.memory_space<vmem>> -> memref<10240xf32, #tpu.memory_space<vmem>>
      tpu.vector_store_idx %parallel_loop3A_139[%parallel_loop3A_97], %parallel_loop3A_135 {add = true} : memref<10240xf32, #tpu.memory_space<vmem>>[vector<16xi32>], vector<16xf32>,
    } {sc.loop_unroll_factor = 10 : i64, sc.parallel_access}
    "tpu.region"() ({
      %run_scoped3A = tpu.sem_alloc : memref<!tpu.dma_semaphore, #tpu.memory_space<semaphore_mem>>
      %dma_start3A_91 = arith.constant 0 : i32
      %dma_start3A_92 = arith.constant 0 : i32
      %dma_start3A_93 = tpu.memref_slice %arg6[%add3A, %dma_start3A_91, %dma_start3A_92] : memref<32x4x10240xf32, #tpu.memory_space<hbm>> -> memref<1x4x10240xf32, #tpu.memory_space<hbm>>
      %dma_start3A_94 = tpu.memref_squeeze %dma_start3A_93 : memref<1x4x10240xf32, #tpu.memory_space<hbm>> -> memref<4x10240xf32, #tpu.memory_space<hbm>>
      %dma_start3A_95 = arith.constant 0 : i32
      %dma_start3A_96 = arith.constant 0 : i32
      %dma_start3A_97 = tpu.memref_slice %arg6[%add3A, %dma_start3A_95, %dma_start3A_96] : memref<32x4x10240xf32, #tpu.memory_space<hbm>> -> memref<1x4x10240xf32, #tpu.memory_space<hbm>>
      %dma_start3A_98 = tpu.memref_squeeze %dma_start3A_97 : memref<1x4x10240xf32, #tpu.memory_space<hbm>> -> memref<4x10240xf32, #tpu.memory_space<hbm>>
      tpu.enqueue_dma source(%arg8 : memref<4x10240xf32, #tpu.memory_space<vmem>>) target(%dma_start3A_98 : memref<4x10240xf32, #tpu.memory_space<hbm>>) target_semaphore(%run_scoped3A : memref<!tpu.dma_semaphore, #tpu.memory_space<semaphore_mem>>)
      %dma_wait3A_99 = arith.constant 0 : i32
      %dma_wait3A_100 = arith.constant 0 : i32
      %dma_wait3A_101 = tpu.memref_slice %arg6[%add3A, %dma_wait3A_99, %dma_wait3A_100] : memref<32x4x10240xf32, #tpu.memory_space<hbm>> -> memref<1x4x10240xf32, #tpu.memory_space<hbm>>
      %dma_wait3A_102 = tpu.memref_squeeze %dma_wait3A_101 : memref<1x4x10240xf32, #tpu.memory_space<hbm>> -> memref<4x10240xf32, #tpu.memory_space<hbm>>
      %dma_wait3A_103 = arith.constant 0 : i32
      %dma_wait3A_104 = arith.constant 0 : i32
      %dma_wait3A_105 = tpu.memref_slice %arg6[%add3A, %dma_wait3A_103, %dma_wait3A_104] : memref<32x4x10240xf32, #tpu.memory_space<hbm>> -> memref<1x4x10240xf32, #tpu.memory_space<hbm>>
      %dma_wait3A_106 = tpu.memref_squeeze %dma_wait3A_105 : memref<1x4x10240xf32, #tpu.memory_space<hbm>> -> memref<4x10240xf32, #tpu.memory_space<hbm>>
      tpu.wait_dma2 semaphore(%run_scoped3A : memref<!tpu.dma_semaphore, #tpu.memory_space<semaphore_mem>>) src(%arg8 : memref<4x10240xf32, #tpu.memory_space<vmem>>) dst(%dma_wait3A_106 : memref<4x10240xf32, #tpu.memory_space<hbm>>)
      tpu.yield
    }) : () -> ()
    return
  }
}

#map = affine_map<(d0, d1) -> (0)>
#map1 = affine_map<(d0, d1) -> (0, 0)>
#map2 = affine_map<(d0, d1) -> (0, 0, 0)>
module attributes {stable_mosaic.version = 14 : i64} {
  func.func @_edge_kernel(%arg0: i32, %arg1: i32, %arg2: memref<320000xi32, #tpu.memory_space<hbm>>, %arg3: memref<320000xi32, #tpu.memory_space<hbm>>, %arg4: memref<320000xf32, #tpu.memory_space<hbm>>, %arg5: memref<64x10240xf32, #tpu.memory_space<hbm>>, %arg6: memref<32x4x10240xf32, #tpu.memory_space<hbm>>, %arg7: memref<4x10240xf32, #tpu.memory_space<vmem>>, %arg8: memref<4x10240xf32, #tpu.memory_space<vmem>>, %arg9: memref<4000xi32, #tpu.memory_space<vmem>>, %arg10: memref<4000xi32, #tpu.memory_space<vmem>>, %arg11: memref<4000xi32, #tpu.memory_space<vmem>>, %arg12: memref<4000xi32, #tpu.memory_space<vmem>>, %arg13: memref<4000xf32, #tpu.memory_space<vmem>>, %arg14: memref<4000xf32, #tpu.memory_space<vmem>>, %arg15: memref<!tpu.dma_semaphore, #tpu.memory_space<semaphore_mem>>, %arg16: memref<!tpu.dma_semaphore, #tpu.memory_space<semaphore_mem>>, %arg17: memref<!tpu.dma_semaphore, #tpu.memory_space<semaphore_mem>>) attributes {dimension_semantics = [#tpu.dimension_semantics<core_parallel>, #tpu.dimension_semantics<subcore_parallel>], iteration_bounds = array<i64: 2, 16>, scalar_prefetch = 0 : i64, scratch_operands = 11 : i64, tpu.core_type = #tpu.core_type<sc_vector_subcore>, window_params = [{transform_indices = #map}, {transform_indices = #map}, {transform_indices = #map}, {transform_indices = #map1}, {transform_indices = #map2}]} {
    %mul3A = arith.constant 16 : i32
    %mul3A_0 = arith.muli %arg0, %mul3A : i32
    %add3A = arith.addi %mul3A_0, %arg1 : i32
    %jit3A = arith.constant 2 : i32
    %div3A = arith.divsi %add3A, %jit3A : i32
    %sign3A = arith.constant 0 : i32
    %sign3A_1 = arith.cmpi sgt, %add3A, %sign3A : i32
    %sign3A_2 = arith.extui %sign3A_1 : i1 to i32
    %sign3A_3 = arith.constant 0 : i32
    %sign3A_4 = arith.cmpi slt, %add3A, %sign3A_3 : i32
    %sign3A_5 = arith.extui %sign3A_4 : i1 to i32
    %sign3A_6 = arith.subi %sign3A_2, %sign3A_5 : i32
    %sign3A_7 = arith.constant 0 : i32
    %sign3A_8 = arith.cmpi sgt, %jit3A, %sign3A_7 : i32
    %sign3A_9 = arith.extui %sign3A_8 : i1 to i32
    %sign3A_10 = arith.constant 0 : i32
    %sign3A_11 = arith.cmpi slt, %jit3A, %sign3A_10 : i32
    %sign3A_12 = arith.extui %sign3A_11 : i1 to i32
    %sign3A_13 = arith.subi %sign3A_9, %sign3A_12 : i32
    %ne3A = arith.cmpi ne, %sign3A_6, %sign3A_13 : i32
    %rem3A = arith.remsi %add3A, %jit3A : i32
    %ne3A_14 = arith.constant 0 : i32
    %ne3A_15 = arith.cmpi ne, %rem3A, %ne3A_14 : i32
    %and3A = arith.andi %ne3A, %ne3A_15 : i1
    %sub3A = arith.constant 1 : i32
    %sub3A_16 = arith.subi %div3A, %sub3A : i32
    %select_n3A = arith.select %and3A, %sub3A_16, %div3A : i32
    %jit3A_17 = arith.constant 2 : i32
    %eq3A = arith.constant 0 : i32
    %eq3A_18 = arith.cmpi eq, %jit3A_17, %eq3A : i32
    %jit3A_19 = arith.constant 1 : i32
    %select_n3A_20 = arith.select %eq3A_18, %jit3A_19, %jit3A_17 : i32
    %rem3A_21 = arith.remsi %add3A, %select_n3A_20 : i32
    %ne3A_22 = arith.constant 0 : i32
    %ne3A_23 = arith.cmpi ne, %rem3A_21, %ne3A_22 : i32
    %lt3A = arith.constant 0 : i32
    %lt3A_24 = arith.cmpi slt, %rem3A_21, %lt3A : i32
    %lt3A_25 = arith.constant 0 : i32
    %lt3A_26 = arith.cmpi slt, %select_n3A_20, %lt3A_25 : i32
    %ne3A_27 = arith.xori %lt3A_24, %lt3A_26 : i1
    %and3A_28 = arith.andi %ne3A_27, %ne3A_23 : i1
    %add3A_29 = arith.addi %rem3A_21, %select_n3A_20 : i32
    %select_n3A_30 = arith.select %and3A_28, %add3A_29, %rem3A_21 : i32
    %mul3A_31 = arith.constant 160000 : i32
    %mul3A_32 = arith.muli %select_n3A_30, %mul3A_31 : i32
    %mul3A_33 = arith.constant 4 : i32
    %mul3A_34 = arith.muli %select_n3A, %mul3A_33 : i32
    %dma_start3A = arith.constant 0 : i32
    %dma_start3A_35 = tpu.memref_slice %arg5[%mul3A_34, %dma_start3A] : memref<64x10240xf32, #tpu.memory_space<hbm>> -> memref<4x10240xf32, #tpu.memory_space<hbm>>
    %dma_start3A_36 = arith.constant 0 : i32
    %dma_start3A_37 = tpu.memref_slice %arg5[%mul3A_34, %dma_start3A_36] : memref<64x10240xf32, #tpu.memory_space<hbm>> -> memref<4x10240xf32, #tpu.memory_space<hbm>>
    tpu.enqueue_dma source(%dma_start3A_37 : memref<4x10240xf32, #tpu.memory_space<hbm>>) target(%arg7 : memref<4x10240xf32, #tpu.memory_space<vmem>>) target_semaphore(%arg17 : memref<!tpu.dma_semaphore, #tpu.memory_space<semaphore_mem>>)
    %add3A_38 = arith.constant 0 : i32
    %add3A_39 = arith.addi %mul3A_32, %add3A_38 : i32
    %dma_start3A_40 = tpu.memref_slice %arg2[%add3A_39] : memref<320000xi32, #tpu.memory_space<hbm>> -> memref<4000xi32, #tpu.memory_space<hbm>>
    %dma_start3A_41 = tpu.memref_slice %arg2[%add3A_39] : memref<320000xi32, #tpu.memory_space<hbm>> -> memref<4000xi32, #tpu.memory_space<hbm>>
    tpu.enqueue_dma source(%dma_start3A_41 : memref<4000xi32, #tpu.memory_space<hbm>>) target(%arg9 : memref<4000xi32, #tpu.memory_space<vmem>>) target_semaphore(%arg15 : memref<!tpu.dma_semaphore, #tpu.memory_space<semaphore_mem>>)
    %dma_start3A_42 = tpu.memref_slice %arg3[%add3A_39] : memref<320000xi32, #tpu.memory_space<hbm>> -> memref<4000xi32, #tpu.memory_space<hbm>>
    %dma_start3A_43 = tpu.memref_slice %arg3[%add3A_39] : memref<320000xi32, #tpu.memory_space<hbm>> -> memref<4000xi32, #tpu.memory_space<hbm>>
    tpu.enqueue_dma source(%dma_start3A_43 : memref<4000xi32, #tpu.memory_space<hbm>>) target(%arg11 : memref<4000xi32, #tpu.memory_space<vmem>>) target_semaphore(%arg15 : memref<!tpu.dma_semaphore, #tpu.memory_space<semaphore_mem>>)
    %dma_start3A_44 = tpu.memref_slice %arg4[%add3A_39] : memref<320000xf32, #tpu.memory_space<hbm>> -> memref<4000xf32, #tpu.memory_space<hbm>>
    %dma_start3A_45 = tpu.memref_slice %arg4[%add3A_39] : memref<320000xf32, #tpu.memory_space<hbm>> -> memref<4000xf32, #tpu.memory_space<hbm>>
    tpu.enqueue_dma source(%dma_start3A_45 : memref<4000xf32, #tpu.memory_space<hbm>>) target(%arg13 : memref<4000xf32, #tpu.memory_space<vmem>>) target_semaphore(%arg15 : memref<!tpu.dma_semaphore, #tpu.memory_space<semaphore_mem>>)
    %add3A_46 = arith.constant 4000 : i32
    %add3A_47 = arith.addi %mul3A_32, %add3A_46 : i32
    %dma_start3A_48 = tpu.memref_slice %arg2[%add3A_47] : memref<320000xi32, #tpu.memory_space<hbm>> -> memref<4000xi32, #tpu.memory_space<hbm>>
    %dma_start3A_49 = tpu.memref_slice %arg2[%add3A_47] : memref<320000xi32, #tpu.memory_space<hbm>> -> memref<4000xi32, #tpu.memory_space<hbm>>
    tpu.enqueue_dma source(%dma_start3A_49 : memref<4000xi32, #tpu.memory_space<hbm>>) target(%arg10 : memref<4000xi32, #tpu.memory_space<vmem>>) target_semaphore(%arg16 : memref<!tpu.dma_semaphore, #tpu.memory_space<semaphore_mem>>)
    %dma_start3A_50 = tpu.memref_slice %arg3[%add3A_47] : memref<320000xi32, #tpu.memory_space<hbm>> -> memref<4000xi32, #tpu.memory_space<hbm>>
    %dma_start3A_51 = tpu.memref_slice %arg3[%add3A_47] : memref<320000xi32, #tpu.memory_space<hbm>> -> memref<4000xi32, #tpu.memory_space<hbm>>
    tpu.enqueue_dma source(%dma_start3A_51 : memref<4000xi32, #tpu.memory_space<hbm>>) target(%arg12 : memref<4000xi32, #tpu.memory_space<vmem>>) target_semaphore(%arg16 : memref<!tpu.dma_semaphore, #tpu.memory_space<semaphore_mem>>)
    %dma_start3A_52 = tpu.memref_slice %arg4[%add3A_47] : memref<320000xf32, #tpu.memory_space<hbm>> -> memref<4000xf32, #tpu.memory_space<hbm>>
    %dma_start3A_53 = tpu.memref_slice %arg4[%add3A_47] : memref<320000xf32, #tpu.memory_space<hbm>> -> memref<4000xf32, #tpu.memory_space<hbm>>
    tpu.enqueue_dma source(%dma_start3A_53 : memref<4000xf32, #tpu.memory_space<hbm>>) target(%arg14 : memref<4000xf32, #tpu.memory_space<vmem>>) target_semaphore(%arg16 : memref<!tpu.dma_semaphore, #tpu.memory_space<semaphore_mem>>)
    %scan3A = arith.constant 0 : i32
    %scan3A_54 = arith.constant 0 : i32
    %scan3A_55 = arith.constant 2560 : i32
    %scan3A_56 = arith.addi %scan3A_54, %scan3A_55 : i32
    %scan3A_57 = arith.constant 1 : i32
    %scan3A_58 = scf.for %scan3A_91 = %scan3A_54 to %scan3A_56 step %scan3A_57 iter_args(%scan3A_92 = %scan3A) -> (i32)  : i32 {
      %jit3A_93 = arith.constant 640 : i32
      %div3A_94 = arith.divsi %scan3A_91, %jit3A_93 : i32
      %sign3A_95 = arith.constant 0 : i32
      %sign3A_96 = arith.cmpi sgt, %scan3A_91, %sign3A_95 : i32
      %sign3A_97 = arith.extui %sign3A_96 : i1 to i32
      %sign3A_98 = arith.constant 0 : i32
      %sign3A_99 = arith.cmpi slt, %scan3A_91, %sign3A_98 : i32
      %sign3A_100 = arith.extui %sign3A_99 : i1 to i32
      %sign3A_101 = arith.subi %sign3A_97, %sign3A_100 : i32
      %sign3A_102 = arith.constant 0 : i32
      %sign3A_103 = arith.cmpi sgt, %jit3A_93, %sign3A_102 : i32
      %sign3A_104 = arith.extui %sign3A_103 : i1 to i32
      %sign3A_105 = arith.constant 0 : i32
      %sign3A_106 = arith.cmpi slt, %jit3A_93, %sign3A_105 : i32
      %sign3A_107 = arith.extui %sign3A_106 : i1 to i32
      %sign3A_108 = arith.subi %sign3A_104, %sign3A_107 : i32
      %ne3A_109 = arith.cmpi ne, %sign3A_101, %sign3A_108 : i32
      %rem3A_110 = arith.remsi %scan3A_91, %jit3A_93 : i32
      %ne3A_111 = arith.constant 0 : i32
      %ne3A_112 = arith.cmpi ne, %rem3A_110, %ne3A_111 : i32
      %and3A_113 = arith.andi %ne3A_109, %ne3A_112 : i1
      %sub3A_114 = arith.constant 1 : i32
      %sub3A_115 = arith.subi %div3A_94, %sub3A_114 : i32
      %select_n3A_116 = arith.select %and3A_113, %sub3A_115, %div3A_94 : i32
      %jit3A_117 = arith.constant 640 : i32
      %eq3A_118 = arith.constant 0 : i32
      %eq3A_119 = arith.cmpi eq, %jit3A_117, %eq3A_118 : i32
      %jit3A_120 = arith.constant 1 : i32
      %select_n3A_121 = arith.select %eq3A_119, %jit3A_120, %jit3A_117 : i32
      %rem3A_122 = arith.remsi %scan3A_91, %select_n3A_121 : i32
      %ne3A_123 = arith.constant 0 : i32
      %ne3A_124 = arith.cmpi ne, %rem3A_122, %ne3A_123 : i32
      %lt3A_125 = arith.constant 0 : i32
      %lt3A_126 = arith.cmpi slt, %rem3A_122, %lt3A_125 : i32
      %lt3A_127 = arith.constant 0 : i32
      %lt3A_128 = arith.cmpi slt, %select_n3A_121, %lt3A_127 : i32
      %ne3A_129 = arith.xori %lt3A_126, %lt3A_128 : i1
      %and3A_130 = arith.andi %ne3A_129, %ne3A_124 : i1
      %add3A_131 = arith.addi %rem3A_122, %select_n3A_121 : i32
      %select_n3A_132 = arith.select %and3A_130, %add3A_131, %rem3A_122 : i32
      %broadcast_in_dim3A = arith.constant 0.000000e+00 : f32
      %broadcast_in_dim3A_133 = vector.broadcast %broadcast_in_dim3A : f32 to vector<16xf32>
      %mul3A_134 = arith.constant 16 : i32
      %mul3A_135 = arith.muli %select_n3A_132, %mul3A_134 : i32
      %swap3A = arith.index_cast %select_n3A_116 : i32 to index
      %swap3A_136 = arith.index_cast %mul3A_135 : i32 to index
      %swap3A_137 = tpu.vector_load %arg8[%swap3A, %swap3A_136] {strides = array<i32>} : memref<4x10240xf32, #tpu.memory_space<vmem>>, vector<16xf32>,
      tpu.vector_store %arg8[%swap3A, %swap3A_136], %broadcast_in_dim3A_133 {strides = array<i32>} : memref<4x10240xf32, #tpu.memory_space<vmem>>, vector<16xf32>,
      %scan3A_138 = arith.constant 0 : i32
      scf.yield %scan3A_138 : i32
    }
    %scan3A_59 = arith.constant 2560 : i32
    %dma_wait3A = arith.constant 0 : i32
    %dma_wait3A_60 = tpu.memref_slice %arg5[%mul3A_34, %dma_wait3A] : memref<64x10240xf32, #tpu.memory_space<hbm>> -> memref<4x10240xf32, #tpu.memory_space<hbm>>
    %dma_wait3A_61 = arith.constant 0 : i32
    %dma_wait3A_62 = tpu.memref_slice %arg5[%mul3A_34, %dma_wait3A_61] : memref<64x10240xf32, #tpu.memory_space<hbm>> -> memref<4x10240xf32, #tpu.memory_space<hbm>>
    tpu.wait_dma2 semaphore(%arg17 : memref<!tpu.dma_semaphore, #tpu.memory_space<semaphore_mem>>) src(%dma_wait3A_62 : memref<4x10240xf32, #tpu.memory_space<hbm>>) dst(%arg7 : memref<4x10240xf32, #tpu.memory_space<vmem>>)
    %scan3A_63 = arith.constant 0 : i32
    %scan3A_64 = arith.constant 0 : i32
    %scan3A_65 = arith.constant 19 : i32
    %scan3A_66 = arith.addi %scan3A_64, %scan3A_65 : i32
    %scan3A_67 = arith.constant 1 : i32
    %scan3A_68 = scf.for %scan3A_91 = %scan3A_64 to %scan3A_66 step %scan3A_67 iter_args(%scan3A_92 = %scan3A_63) -> (i32)  : i32 {
      %mul3A_93 = arith.constant 2 : i32
      %mul3A_94 = arith.muli %mul3A_93, %scan3A_91 : i32
      %mul3A_95 = arith.constant 4000 : i32
      %mul3A_96 = arith.muli %mul3A_94, %mul3A_95 : i32
      %add3A_97 = arith.addi %mul3A_32, %mul3A_96 : i32
      %dma_wait3A_98 = tpu.memref_slice %arg2[%add3A_97] : memref<320000xi32, #tpu.memory_space<hbm>> -> memref<4000xi32, #tpu.memory_space<hbm>>
      %dma_wait3A_99 = tpu.memref_slice %arg2[%add3A_97] : memref<320000xi32, #tpu.memory_space<hbm>> -> memref<4000xi32, #tpu.memory_space<hbm>>
      tpu.wait_dma2 semaphore(%arg15 : memref<!tpu.dma_semaphore, #tpu.memory_space<semaphore_mem>>) src(%dma_wait3A_99 : memref<4000xi32, #tpu.memory_space<hbm>>) dst(%arg9 : memref<4000xi32, #tpu.memory_space<vmem>>)
      %dma_wait3A_100 = tpu.memref_slice %arg3[%add3A_97] : memref<320000xi32, #tpu.memory_space<hbm>> -> memref<4000xi32, #tpu.memory_space<hbm>>
      %dma_wait3A_101 = tpu.memref_slice %arg3[%add3A_97] : memref<320000xi32, #tpu.memory_space<hbm>> -> memref<4000xi32, #tpu.memory_space<hbm>>
      tpu.wait_dma2 semaphore(%arg15 : memref<!tpu.dma_semaphore, #tpu.memory_space<semaphore_mem>>) src(%dma_wait3A_101 : memref<4000xi32, #tpu.memory_space<hbm>>) dst(%arg11 : memref<4000xi32, #tpu.memory_space<vmem>>)
      %dma_wait3A_102 = tpu.memref_slice %arg4[%add3A_97] : memref<320000xf32, #tpu.memory_space<hbm>> -> memref<4000xf32, #tpu.memory_space<hbm>>
      %dma_wait3A_103 = tpu.memref_slice %arg4[%add3A_97] : memref<320000xf32, #tpu.memory_space<hbm>> -> memref<4000xf32, #tpu.memory_space<hbm>>
      tpu.wait_dma2 semaphore(%arg15 : memref<!tpu.dma_semaphore, #tpu.memory_space<semaphore_mem>>) src(%dma_wait3A_103 : memref<4000xf32, #tpu.memory_space<hbm>>) dst(%arg13 : memref<4000xf32, #tpu.memory_space<vmem>>)
      %parallel_loop3A_104 = arith.constant 0 : i32
      %parallel_loop3A_105 = arith.constant 250 : i32
      %parallel_loop3A_106 = arith.constant 1 : i32
      scf.for %parallel_loop3A_144 = %parallel_loop3A_104 to %parallel_loop3A_105 step %parallel_loop3A_106  : i32 {
        %parallel_loop3A_145 = arith.constant 16 : i32
        %parallel_loop3A_146 = arith.muli %parallel_loop3A_144, %parallel_loop3A_145 : i32
        %parallel_loop3A_147 = arith.index_cast %parallel_loop3A_146 : i32 to index
        %parallel_loop3A_148 = tpu.vector_load %arg9[%parallel_loop3A_147] {strides = array<i32>} : memref<4000xi32, #tpu.memory_space<vmem>>, vector<16xi32>,
        %parallel_loop3A_149 = arith.index_cast %parallel_loop3A_146 : i32 to index
        %parallel_loop3A_150 = tpu.vector_load %arg11[%parallel_loop3A_149] {strides = array<i32>} : memref<4000xi32, #tpu.memory_space<vmem>>, vector<16xi32>,
        %parallel_loop3A_151 = arith.index_cast %parallel_loop3A_146 : i32 to index
        %parallel_loop3A_152 = tpu.vector_load %arg13[%parallel_loop3A_151] {strides = array<i32>} : memref<4000xf32, #tpu.memory_space<vmem>>, vector<16xf32>,
        %parallel_loop3A_153 = arith.constant 0 : i32
        %parallel_loop3A_154 = arith.constant 0 : i32
        %parallel_loop3A_155 = tpu.memref_slice %arg7[%parallel_loop3A_153, %parallel_loop3A_154] : memref<4x10240xf32, #tpu.memory_space<vmem>> -> memref<1x10240xf32, #tpu.memory_space<vmem>>
        %parallel_loop3A_156 = tpu.memref_squeeze %parallel_loop3A_155 : memref<1x10240xf32, #tpu.memory_space<vmem>> -> memref<10240xf32, #tpu.memory_space<vmem>>
        %parallel_loop3A_157 = tpu.vector_load_idx %parallel_loop3A_156[%parallel_loop3A_148] : memref<10240xf32, #tpu.memory_space<vmem>>[vector<16xi32>], vector<16xf32>,
        %parallel_loop3A_158 = arith.constant 1 : i32
        %parallel_loop3A_159 = arith.constant 0 : i32
        %parallel_loop3A_160 = tpu.memref_slice %arg7[%parallel_loop3A_158, %parallel_loop3A_159] : memref<4x10240xf32, #tpu.memory_space<vmem>> -> memref<1x10240xf32, #tpu.memory_space<vmem>>
        %parallel_loop3A_161 = tpu.memref_squeeze %parallel_loop3A_160 : memref<1x10240xf32, #tpu.memory_space<vmem>> -> memref<10240xf32, #tpu.memory_space<vmem>>
        %parallel_loop3A_162 = tpu.vector_load_idx %parallel_loop3A_161[%parallel_loop3A_148] : memref<10240xf32, #tpu.memory_space<vmem>>[vector<16xi32>], vector<16xf32>,
        %parallel_loop3A_163 = arith.constant 2 : i32
        %parallel_loop3A_164 = arith.constant 0 : i32
        %parallel_loop3A_165 = tpu.memref_slice %arg7[%parallel_loop3A_163, %parallel_loop3A_164] : memref<4x10240xf32, #tpu.memory_space<vmem>> -> memref<1x10240xf32, #tpu.memory_space<vmem>>
        %parallel_loop3A_166 = tpu.memref_squeeze %parallel_loop3A_165 : memref<1x10240xf32, #tpu.memory_space<vmem>> -> memref<10240xf32, #tpu.memory_space<vmem>>
        %parallel_loop3A_167 = tpu.vector_load_idx %parallel_loop3A_166[%parallel_loop3A_148] : memref<10240xf32, #tpu.memory_space<vmem>>[vector<16xi32>], vector<16xf32>,
        %parallel_loop3A_168 = arith.constant 3 : i32
        %parallel_loop3A_169 = arith.constant 0 : i32
        %parallel_loop3A_170 = tpu.memref_slice %arg7[%parallel_loop3A_168, %parallel_loop3A_169] : memref<4x10240xf32, #tpu.memory_space<vmem>> -> memref<1x10240xf32, #tpu.memory_space<vmem>>
        %parallel_loop3A_171 = tpu.memref_squeeze %parallel_loop3A_170 : memref<1x10240xf32, #tpu.memory_space<vmem>> -> memref<10240xf32, #tpu.memory_space<vmem>>
        %parallel_loop3A_172 = tpu.vector_load_idx %parallel_loop3A_171[%parallel_loop3A_148] : memref<10240xf32, #tpu.memory_space<vmem>>[vector<16xi32>], vector<16xf32>,
        %parallel_loop3A_173 = arith.mulf %parallel_loop3A_157, %parallel_loop3A_152 : vector<16xf32>
        %parallel_loop3A_174 = arith.constant 0 : i32
        %parallel_loop3A_175 = arith.constant 0 : i32
        %parallel_loop3A_176 = tpu.memref_slice %arg8[%parallel_loop3A_174, %parallel_loop3A_175] : memref<4x10240xf32, #tpu.memory_space<vmem>> -> memref<1x10240xf32, #tpu.memory_space<vmem>>
        %parallel_loop3A_177 = tpu.memref_squeeze %parallel_loop3A_176 : memref<1x10240xf32, #tpu.memory_space<vmem>> -> memref<10240xf32, #tpu.memory_space<vmem>>
        tpu.vector_store_idx %parallel_loop3A_177[%parallel_loop3A_150], %parallel_loop3A_173 {add = true} : memref<10240xf32, #tpu.memory_space<vmem>>[vector<16xi32>], vector<16xf32>,
        %parallel_loop3A_178 = arith.mulf %parallel_loop3A_162, %parallel_loop3A_152 : vector<16xf32>
        %parallel_loop3A_179 = arith.constant 1 : i32
        %parallel_loop3A_180 = arith.constant 0 : i32
        %parallel_loop3A_181 = tpu.memref_slice %arg8[%parallel_loop3A_179, %parallel_loop3A_180] : memref<4x10240xf32, #tpu.memory_space<vmem>> -> memref<1x10240xf32, #tpu.memory_space<vmem>>
        %parallel_loop3A_182 = tpu.memref_squeeze %parallel_loop3A_181 : memref<1x10240xf32, #tpu.memory_space<vmem>> -> memref<10240xf32, #tpu.memory_space<vmem>>
        tpu.vector_store_idx %parallel_loop3A_182[%parallel_loop3A_150], %parallel_loop3A_178 {add = true} : memref<10240xf32, #tpu.memory_space<vmem>>[vector<16xi32>], vector<16xf32>,
        %parallel_loop3A_183 = arith.mulf %parallel_loop3A_167, %parallel_loop3A_152 : vector<16xf32>
        %parallel_loop3A_184 = arith.constant 2 : i32
        %parallel_loop3A_185 = arith.constant 0 : i32
        %parallel_loop3A_186 = tpu.memref_slice %arg8[%parallel_loop3A_184, %parallel_loop3A_185] : memref<4x10240xf32, #tpu.memory_space<vmem>> -> memref<1x10240xf32, #tpu.memory_space<vmem>>
        %parallel_loop3A_187 = tpu.memref_squeeze %parallel_loop3A_186 : memref<1x10240xf32, #tpu.memory_space<vmem>> -> memref<10240xf32, #tpu.memory_space<vmem>>
        tpu.vector_store_idx %parallel_loop3A_187[%parallel_loop3A_150], %parallel_loop3A_183 {add = true} : memref<10240xf32, #tpu.memory_space<vmem>>[vector<16xi32>], vector<16xf32>,
        %parallel_loop3A_188 = arith.mulf %parallel_loop3A_172, %parallel_loop3A_152 : vector<16xf32>
        %parallel_loop3A_189 = arith.constant 3 : i32
        %parallel_loop3A_190 = arith.constant 0 : i32
        %parallel_loop3A_191 = tpu.memref_slice %arg8[%parallel_loop3A_189, %parallel_loop3A_190] : memref<4x10240xf32, #tpu.memory_space<vmem>> -> memref<1x10240xf32, #tpu.memory_space<vmem>>
        %parallel_loop3A_192 = tpu.memref_squeeze %parallel_loop3A_191 : memref<1x10240xf32, #tpu.memory_space<vmem>> -> memref<10240xf32, #tpu.memory_space<vmem>>
        tpu.vector_store_idx %parallel_loop3A_192[%parallel_loop3A_150], %parallel_loop3A_188 {add = true} : memref<10240xf32, #tpu.memory_space<vmem>>[vector<16xi32>], vector<16xf32>,
      } {sc.loop_unroll_factor = 10 : i64, sc.parallel_access}
      %add3A_107 = arith.constant 2 : i32
      %add3A_108 = arith.addi %mul3A_94, %add3A_107 : i32
      %mul3A_109 = arith.constant 4000 : i32
      %mul3A_110 = arith.muli %add3A_108, %mul3A_109 : i32
      %add3A_111 = arith.addi %mul3A_32, %mul3A_110 : i32
      %dma_start3A_112 = tpu.memref_slice %arg2[%add3A_111] : memref<320000xi32, #tpu.memory_space<hbm>> -> memref<4000xi32, #tpu.memory_space<hbm>>
      %dma_start3A_113 = tpu.memref_slice %arg2[%add3A_111] : memref<320000xi32, #tpu.memory_space<hbm>> -> memref<4000xi32, #tpu.memory_space<hbm>>
      tpu.enqueue_dma source(%dma_start3A_113 : memref<4000xi32, #tpu.memory_space<hbm>>) target(%arg9 : memref<4000xi32, #tpu.memory_space<vmem>>) target_semaphore(%arg15 : memref<!tpu.dma_semaphore, #tpu.memory_space<semaphore_mem>>)
      %dma_start3A_114 = tpu.memref_slice %arg3[%add3A_111] : memref<320000xi32, #tpu.memory_space<hbm>> -> memref<4000xi32, #tpu.memory_space<hbm>>
      %dma_start3A_115 = tpu.memref_slice %arg3[%add3A_111] : memref<320000xi32, #tpu.memory_space<hbm>> -> memref<4000xi32, #tpu.memory_space<hbm>>
      tpu.enqueue_dma source(%dma_start3A_115 : memref<4000xi32, #tpu.memory_space<hbm>>) target(%arg11 : memref<4000xi32, #tpu.memory_space<vmem>>) target_semaphore(%arg15 : memref<!tpu.dma_semaphore, #tpu.memory_space<semaphore_mem>>)
      %dma_start3A_116 = tpu.memref_slice %arg4[%add3A_111] : memref<320000xf32, #tpu.memory_space<hbm>> -> memref<4000xf32, #tpu.memory_space<hbm>>
      %dma_start3A_117 = tpu.memref_slice %arg4[%add3A_111] : memref<320000xf32, #tpu.memory_space<hbm>> -> memref<4000xf32, #tpu.memory_space<hbm>>
      tpu.enqueue_dma source(%dma_start3A_117 : memref<4000xf32, #tpu.memory_space<hbm>>) target(%arg13 : memref<4000xf32, #tpu.memory_space<vmem>>) target_semaphore(%arg15 : memref<!tpu.dma_semaphore, #tpu.memory_space<semaphore_mem>>)
      %add3A_118 = arith.constant 1 : i32
      %add3A_119 = arith.addi %mul3A_94, %add3A_118 : i32
      %mul3A_120 = arith.constant 4000 : i32
      %mul3A_121 = arith.muli %add3A_119, %mul3A_120 : i32
      %add3A_122 = arith.addi %mul3A_32, %mul3A_121 : i32
      %dma_wait3A_123 = tpu.memref_slice %arg2[%add3A_122] : memref<320000xi32, #tpu.memory_space<hbm>> -> memref<4000xi32, #tpu.memory_space<hbm>>
      %dma_wait3A_124 = tpu.memref_slice %arg2[%add3A_122] : memref<320000xi32, #tpu.memory_space<hbm>> -> memref<4000xi32, #tpu.memory_space<hbm>>
      tpu.wait_dma2 semaphore(%arg16 : memref<!tpu.dma_semaphore, #tpu.memory_space<semaphore_mem>>) src(%dma_wait3A_124 : memref<4000xi32, #tpu.memory_space<hbm>>) dst(%arg10 : memref<4000xi32, #tpu.memory_space<vmem>>)
      %dma_wait3A_125 = tpu.memref_slice %arg3[%add3A_122] : memref<320000xi32, #tpu.memory_space<hbm>> -> memref<4000xi32, #tpu.memory_space<hbm>>
      %dma_wait3A_126 = tpu.memref_slice %arg3[%add3A_122] : memref<320000xi32, #tpu.memory_space<hbm>> -> memref<4000xi32, #tpu.memory_space<hbm>>
      tpu.wait_dma2 semaphore(%arg16 : memref<!tpu.dma_semaphore, #tpu.memory_space<semaphore_mem>>) src(%dma_wait3A_126 : memref<4000xi32, #tpu.memory_space<hbm>>) dst(%arg12 : memref<4000xi32, #tpu.memory_space<vmem>>)
      %dma_wait3A_127 = tpu.memref_slice %arg4[%add3A_122] : memref<320000xf32, #tpu.memory_space<hbm>> -> memref<4000xf32, #tpu.memory_space<hbm>>
      %dma_wait3A_128 = tpu.memref_slice %arg4[%add3A_122] : memref<320000xf32, #tpu.memory_space<hbm>> -> memref<4000xf32, #tpu.memory_space<hbm>>
      tpu.wait_dma2 semaphore(%arg16 : memref<!tpu.dma_semaphore, #tpu.memory_space<semaphore_mem>>) src(%dma_wait3A_128 : memref<4000xf32, #tpu.memory_space<hbm>>) dst(%arg14 : memref<4000xf32, #tpu.memory_space<vmem>>)
      %parallel_loop3A_129 = arith.constant 0 : i32
      %parallel_loop3A_130 = arith.constant 250 : i32
      %parallel_loop3A_131 = arith.constant 1 : i32
      scf.for %parallel_loop3A_144 = %parallel_loop3A_129 to %parallel_loop3A_130 step %parallel_loop3A_131  : i32 {
        %parallel_loop3A_145 = arith.constant 16 : i32
        %parallel_loop3A_146 = arith.muli %parallel_loop3A_144, %parallel_loop3A_145 : i32
        %parallel_loop3A_147 = arith.index_cast %parallel_loop3A_146 : i32 to index
        %parallel_loop3A_148 = tpu.vector_load %arg10[%parallel_loop3A_147] {strides = array<i32>} : memref<4000xi32, #tpu.memory_space<vmem>>, vector<16xi32>,
        %parallel_loop3A_149 = arith.index_cast %parallel_loop3A_146 : i32 to index
        %parallel_loop3A_150 = tpu.vector_load %arg12[%parallel_loop3A_149] {strides = array<i32>} : memref<4000xi32, #tpu.memory_space<vmem>>, vector<16xi32>,
        %parallel_loop3A_151 = arith.index_cast %parallel_loop3A_146 : i32 to index
        %parallel_loop3A_152 = tpu.vector_load %arg14[%parallel_loop3A_151] {strides = array<i32>} : memref<4000xf32, #tpu.memory_space<vmem>>, vector<16xf32>,
        %parallel_loop3A_153 = arith.constant 0 : i32
        %parallel_loop3A_154 = arith.constant 0 : i32
        %parallel_loop3A_155 = tpu.memref_slice %arg7[%parallel_loop3A_153, %parallel_loop3A_154] : memref<4x10240xf32, #tpu.memory_space<vmem>> -> memref<1x10240xf32, #tpu.memory_space<vmem>>
        %parallel_loop3A_156 = tpu.memref_squeeze %parallel_loop3A_155 : memref<1x10240xf32, #tpu.memory_space<vmem>> -> memref<10240xf32, #tpu.memory_space<vmem>>
        %parallel_loop3A_157 = tpu.vector_load_idx %parallel_loop3A_156[%parallel_loop3A_148] : memref<10240xf32, #tpu.memory_space<vmem>>[vector<16xi32>], vector<16xf32>,
        %parallel_loop3A_158 = arith.constant 1 : i32
        %parallel_loop3A_159 = arith.constant 0 : i32
        %parallel_loop3A_160 = tpu.memref_slice %arg7[%parallel_loop3A_158, %parallel_loop3A_159] : memref<4x10240xf32, #tpu.memory_space<vmem>> -> memref<1x10240xf32, #tpu.memory_space<vmem>>
        %parallel_loop3A_161 = tpu.memref_squeeze %parallel_loop3A_160 : memref<1x10240xf32, #tpu.memory_space<vmem>> -> memref<10240xf32, #tpu.memory_space<vmem>>
        %parallel_loop3A_162 = tpu.vector_load_idx %parallel_loop3A_161[%parallel_loop3A_148] : memref<10240xf32, #tpu.memory_space<vmem>>[vector<16xi32>], vector<16xf32>,
        %parallel_loop3A_163 = arith.constant 2 : i32
        %parallel_loop3A_164 = arith.constant 0 : i32
        %parallel_loop3A_165 = tpu.memref_slice %arg7[%parallel_loop3A_163, %parallel_loop3A_164] : memref<4x10240xf32, #tpu.memory_space<vmem>> -> memref<1x10240xf32, #tpu.memory_space<vmem>>
        %parallel_loop3A_166 = tpu.memref_squeeze %parallel_loop3A_165 : memref<1x10240xf32, #tpu.memory_space<vmem>> -> memref<10240xf32, #tpu.memory_space<vmem>>
        %parallel_loop3A_167 = tpu.vector_load_idx %parallel_loop3A_166[%parallel_loop3A_148] : memref<10240xf32, #tpu.memory_space<vmem>>[vector<16xi32>], vector<16xf32>,
        %parallel_loop3A_168 = arith.constant 3 : i32
        %parallel_loop3A_169 = arith.constant 0 : i32
        %parallel_loop3A_170 = tpu.memref_slice %arg7[%parallel_loop3A_168, %parallel_loop3A_169] : memref<4x10240xf32, #tpu.memory_space<vmem>> -> memref<1x10240xf32, #tpu.memory_space<vmem>>
        %parallel_loop3A_171 = tpu.memref_squeeze %parallel_loop3A_170 : memref<1x10240xf32, #tpu.memory_space<vmem>> -> memref<10240xf32, #tpu.memory_space<vmem>>
        %parallel_loop3A_172 = tpu.vector_load_idx %parallel_loop3A_171[%parallel_loop3A_148] : memref<10240xf32, #tpu.memory_space<vmem>>[vector<16xi32>], vector<16xf32>,
        %parallel_loop3A_173 = arith.mulf %parallel_loop3A_157, %parallel_loop3A_152 : vector<16xf32>
        %parallel_loop3A_174 = arith.constant 0 : i32
        %parallel_loop3A_175 = arith.constant 0 : i32
        %parallel_loop3A_176 = tpu.memref_slice %arg8[%parallel_loop3A_174, %parallel_loop3A_175] : memref<4x10240xf32, #tpu.memory_space<vmem>> -> memref<1x10240xf32, #tpu.memory_space<vmem>>
        %parallel_loop3A_177 = tpu.memref_squeeze %parallel_loop3A_176 : memref<1x10240xf32, #tpu.memory_space<vmem>> -> memref<10240xf32, #tpu.memory_space<vmem>>
        tpu.vector_store_idx %parallel_loop3A_177[%parallel_loop3A_150], %parallel_loop3A_173 {add = true} : memref<10240xf32, #tpu.memory_space<vmem>>[vector<16xi32>], vector<16xf32>,
        %parallel_loop3A_178 = arith.mulf %parallel_loop3A_162, %parallel_loop3A_152 : vector<16xf32>
        %parallel_loop3A_179 = arith.constant 1 : i32
        %parallel_loop3A_180 = arith.constant 0 : i32
        %parallel_loop3A_181 = tpu.memref_slice %arg8[%parallel_loop3A_179, %parallel_loop3A_180] : memref<4x10240xf32, #tpu.memory_space<vmem>> -> memref<1x10240xf32, #tpu.memory_space<vmem>>
        %parallel_loop3A_182 = tpu.memref_squeeze %parallel_loop3A_181 : memref<1x10240xf32, #tpu.memory_space<vmem>> -> memref<10240xf32, #tpu.memory_space<vmem>>
        tpu.vector_store_idx %parallel_loop3A_182[%parallel_loop3A_150], %parallel_loop3A_178 {add = true} : memref<10240xf32, #tpu.memory_space<vmem>>[vector<16xi32>], vector<16xf32>,
        %parallel_loop3A_183 = arith.mulf %parallel_loop3A_167, %parallel_loop3A_152 : vector<16xf32>
        %parallel_loop3A_184 = arith.constant 2 : i32
        %parallel_loop3A_185 = arith.constant 0 : i32
        %parallel_loop3A_186 = tpu.memref_slice %arg8[%parallel_loop3A_184, %parallel_loop3A_185] : memref<4x10240xf32, #tpu.memory_space<vmem>> -> memref<1x10240xf32, #tpu.memory_space<vmem>>
        %parallel_loop3A_187 = tpu.memref_squeeze %parallel_loop3A_186 : memref<1x10240xf32, #tpu.memory_space<vmem>> -> memref<10240xf32, #tpu.memory_space<vmem>>
        tpu.vector_store_idx %parallel_loop3A_187[%parallel_loop3A_150], %parallel_loop3A_183 {add = true} : memref<10240xf32, #tpu.memory_space<vmem>>[vector<16xi32>], vector<16xf32>,
        %parallel_loop3A_188 = arith.mulf %parallel_loop3A_172, %parallel_loop3A_152 : vector<16xf32>
        %parallel_loop3A_189 = arith.constant 3 : i32
        %parallel_loop3A_190 = arith.constant 0 : i32
        %parallel_loop3A_191 = tpu.memref_slice %arg8[%parallel_loop3A_189, %parallel_loop3A_190] : memref<4x10240xf32, #tpu.memory_space<vmem>> -> memref<1x10240xf32, #tpu.memory_space<vmem>>
        %parallel_loop3A_192 = tpu.memref_squeeze %parallel_loop3A_191 : memref<1x10240xf32, #tpu.memory_space<vmem>> -> memref<10240xf32, #tpu.memory_space<vmem>>
        tpu.vector_store_idx %parallel_loop3A_192[%parallel_loop3A_150], %parallel_loop3A_188 {add = true} : memref<10240xf32, #tpu.memory_space<vmem>>[vector<16xi32>], vector<16xf32>,
      } {sc.loop_unroll_factor = 10 : i64, sc.parallel_access}
      %add3A_132 = arith.constant 3 : i32
      %add3A_133 = arith.addi %mul3A_94, %add3A_132 : i32
      %mul3A_134 = arith.constant 4000 : i32
      %mul3A_135 = arith.muli %add3A_133, %mul3A_134 : i32
      %add3A_136 = arith.addi %mul3A_32, %mul3A_135 : i32
      %dma_start3A_137 = tpu.memref_slice %arg2[%add3A_136] : memref<320000xi32, #tpu.memory_space<hbm>> -> memref<4000xi32, #tpu.memory_space<hbm>>
      %dma_start3A_138 = tpu.memref_slice %arg2[%add3A_136] : memref<320000xi32, #tpu.memory_space<hbm>> -> memref<4000xi32, #tpu.memory_space<hbm>>
      tpu.enqueue_dma source(%dma_start3A_138 : memref<4000xi32, #tpu.memory_space<hbm>>) target(%arg10 : memref<4000xi32, #tpu.memory_space<vmem>>) target_semaphore(%arg16 : memref<!tpu.dma_semaphore, #tpu.memory_space<semaphore_mem>>)
      %dma_start3A_139 = tpu.memref_slice %arg3[%add3A_136] : memref<320000xi32, #tpu.memory_space<hbm>> -> memref<4000xi32, #tpu.memory_space<hbm>>
      %dma_start3A_140 = tpu.memref_slice %arg3[%add3A_136] : memref<320000xi32, #tpu.memory_space<hbm>> -> memref<4000xi32, #tpu.memory_space<hbm>>
      tpu.enqueue_dma source(%dma_start3A_140 : memref<4000xi32, #tpu.memory_space<hbm>>) target(%arg12 : memref<4000xi32, #tpu.memory_space<vmem>>) target_semaphore(%arg16 : memref<!tpu.dma_semaphore, #tpu.memory_space<semaphore_mem>>)
      %dma_start3A_141 = tpu.memref_slice %arg4[%add3A_136] : memref<320000xf32, #tpu.memory_space<hbm>> -> memref<4000xf32, #tpu.memory_space<hbm>>
      %dma_start3A_142 = tpu.memref_slice %arg4[%add3A_136] : memref<320000xf32, #tpu.memory_space<hbm>> -> memref<4000xf32, #tpu.memory_space<hbm>>
      tpu.enqueue_dma source(%dma_start3A_142 : memref<4000xf32, #tpu.memory_space<hbm>>) target(%arg14 : memref<4000xf32, #tpu.memory_space<vmem>>) target_semaphore(%arg16 : memref<!tpu.dma_semaphore, #tpu.memory_space<semaphore_mem>>)
      %scan3A_143 = arith.constant 0 : i32
      scf.yield %scan3A_143 : i32
    }
    %scan3A_69 = arith.constant 19 : i32
    %add3A_70 = arith.constant 152000 : i32
    %add3A_71 = arith.addi %mul3A_32, %add3A_70 : i32
    %dma_wait3A_72 = tpu.memref_slice %arg2[%add3A_71] : memref<320000xi32, #tpu.memory_space<hbm>> -> memref<4000xi32, #tpu.memory_space<hbm>>
    %dma_wait3A_73 = tpu.memref_slice %arg2[%add3A_71] : memref<320000xi32, #tpu.memory_space<hbm>> -> memref<4000xi32, #tpu.memory_space<hbm>>
    tpu.wait_dma2 semaphore(%arg15 : memref<!tpu.dma_semaphore, #tpu.memory_space<semaphore_mem>>) src(%dma_wait3A_73 : memref<4000xi32, #tpu.memory_space<hbm>>) dst(%arg9 : memref<4000xi32, #tpu.memory_space<vmem>>)
    %dma_wait3A_74 = tpu.memref_slice %arg3[%add3A_71] : memref<320000xi32, #tpu.memory_space<hbm>> -> memref<4000xi32, #tpu.memory_space<hbm>>
    %dma_wait3A_75 = tpu.memref_slice %arg3[%add3A_71] : memref<320000xi32, #tpu.memory_space<hbm>> -> memref<4000xi32, #tpu.memory_space<hbm>>
    tpu.wait_dma2 semaphore(%arg15 : memref<!tpu.dma_semaphore, #tpu.memory_space<semaphore_mem>>) src(%dma_wait3A_75 : memref<4000xi32, #tpu.memory_space<hbm>>) dst(%arg11 : memref<4000xi32, #tpu.memory_space<vmem>>)
    %dma_wait3A_76 = tpu.memref_slice %arg4[%add3A_71] : memref<320000xf32, #tpu.memory_space<hbm>> -> memref<4000xf32, #tpu.memory_space<hbm>>
    %dma_wait3A_77 = tpu.memref_slice %arg4[%add3A_71] : memref<320000xf32, #tpu.memory_space<hbm>> -> memref<4000xf32, #tpu.memory_space<hbm>>
    tpu.wait_dma2 semaphore(%arg15 : memref<!tpu.dma_semaphore, #tpu.memory_space<semaphore_mem>>) src(%dma_wait3A_77 : memref<4000xf32, #tpu.memory_space<hbm>>) dst(%arg13 : memref<4000xf32, #tpu.memory_space<vmem>>)
    %parallel_loop3A = arith.constant 0 : i32
    %parallel_loop3A_78 = arith.constant 250 : i32
    %parallel_loop3A_79 = arith.constant 1 : i32
    scf.for %parallel_loop3A_91 = %parallel_loop3A to %parallel_loop3A_78 step %parallel_loop3A_79  : i32 {
      %parallel_loop3A_92 = arith.constant 16 : i32
      %parallel_loop3A_93 = arith.muli %parallel_loop3A_91, %parallel_loop3A_92 : i32
      %parallel_loop3A_94 = arith.index_cast %parallel_loop3A_93 : i32 to index
      %parallel_loop3A_95 = tpu.vector_load %arg9[%parallel_loop3A_94] {strides = array<i32>} : memref<4000xi32, #tpu.memory_space<vmem>>, vector<16xi32>,
      %parallel_loop3A_96 = arith.index_cast %parallel_loop3A_93 : i32 to index
      %parallel_loop3A_97 = tpu.vector_load %arg11[%parallel_loop3A_96] {strides = array<i32>} : memref<4000xi32, #tpu.memory_space<vmem>>, vector<16xi32>,
      %parallel_loop3A_98 = arith.index_cast %parallel_loop3A_93 : i32 to index
      %parallel_loop3A_99 = tpu.vector_load %arg13[%parallel_loop3A_98] {strides = array<i32>} : memref<4000xf32, #tpu.memory_space<vmem>>, vector<16xf32>,
      %parallel_loop3A_100 = arith.constant 0 : i32
      %parallel_loop3A_101 = arith.constant 0 : i32
      %parallel_loop3A_102 = tpu.memref_slice %arg7[%parallel_loop3A_100, %parallel_loop3A_101] : memref<4x10240xf32, #tpu.memory_space<vmem>> -> memref<1x10240xf32, #tpu.memory_space<vmem>>
      %parallel_loop3A_103 = tpu.memref_squeeze %parallel_loop3A_102 : memref<1x10240xf32, #tpu.memory_space<vmem>> -> memref<10240xf32, #tpu.memory_space<vmem>>
      %parallel_loop3A_104 = tpu.vector_load_idx %parallel_loop3A_103[%parallel_loop3A_95] : memref<10240xf32, #tpu.memory_space<vmem>>[vector<16xi32>], vector<16xf32>,
      %parallel_loop3A_105 = arith.constant 1 : i32
      %parallel_loop3A_106 = arith.constant 0 : i32
      %parallel_loop3A_107 = tpu.memref_slice %arg7[%parallel_loop3A_105, %parallel_loop3A_106] : memref<4x10240xf32, #tpu.memory_space<vmem>> -> memref<1x10240xf32, #tpu.memory_space<vmem>>
      %parallel_loop3A_108 = tpu.memref_squeeze %parallel_loop3A_107 : memref<1x10240xf32, #tpu.memory_space<vmem>> -> memref<10240xf32, #tpu.memory_space<vmem>>
      %parallel_loop3A_109 = tpu.vector_load_idx %parallel_loop3A_108[%parallel_loop3A_95] : memref<10240xf32, #tpu.memory_space<vmem>>[vector<16xi32>], vector<16xf32>,
      %parallel_loop3A_110 = arith.constant 2 : i32
      %parallel_loop3A_111 = arith.constant 0 : i32
      %parallel_loop3A_112 = tpu.memref_slice %arg7[%parallel_loop3A_110, %parallel_loop3A_111] : memref<4x10240xf32, #tpu.memory_space<vmem>> -> memref<1x10240xf32, #tpu.memory_space<vmem>>
      %parallel_loop3A_113 = tpu.memref_squeeze %parallel_loop3A_112 : memref<1x10240xf32, #tpu.memory_space<vmem>> -> memref<10240xf32, #tpu.memory_space<vmem>>
      %parallel_loop3A_114 = tpu.vector_load_idx %parallel_loop3A_113[%parallel_loop3A_95] : memref<10240xf32, #tpu.memory_space<vmem>>[vector<16xi32>], vector<16xf32>,
      %parallel_loop3A_115 = arith.constant 3 : i32
      %parallel_loop3A_116 = arith.constant 0 : i32
      %parallel_loop3A_117 = tpu.memref_slice %arg7[%parallel_loop3A_115, %parallel_loop3A_116] : memref<4x10240xf32, #tpu.memory_space<vmem>> -> memref<1x10240xf32, #tpu.memory_space<vmem>>
      %parallel_loop3A_118 = tpu.memref_squeeze %parallel_loop3A_117 : memref<1x10240xf32, #tpu.memory_space<vmem>> -> memref<10240xf32, #tpu.memory_space<vmem>>
      %parallel_loop3A_119 = tpu.vector_load_idx %parallel_loop3A_118[%parallel_loop3A_95] : memref<10240xf32, #tpu.memory_space<vmem>>[vector<16xi32>], vector<16xf32>,
      %parallel_loop3A_120 = arith.mulf %parallel_loop3A_104, %parallel_loop3A_99 : vector<16xf32>
      %parallel_loop3A_121 = arith.constant 0 : i32
      %parallel_loop3A_122 = arith.constant 0 : i32
      %parallel_loop3A_123 = tpu.memref_slice %arg8[%parallel_loop3A_121, %parallel_loop3A_122] : memref<4x10240xf32, #tpu.memory_space<vmem>> -> memref<1x10240xf32, #tpu.memory_space<vmem>>
      %parallel_loop3A_124 = tpu.memref_squeeze %parallel_loop3A_123 : memref<1x10240xf32, #tpu.memory_space<vmem>> -> memref<10240xf32, #tpu.memory_space<vmem>>
      tpu.vector_store_idx %parallel_loop3A_124[%parallel_loop3A_97], %parallel_loop3A_120 {add = true} : memref<10240xf32, #tpu.memory_space<vmem>>[vector<16xi32>], vector<16xf32>,
      %parallel_loop3A_125 = arith.mulf %parallel_loop3A_109, %parallel_loop3A_99 : vector<16xf32>
      %parallel_loop3A_126 = arith.constant 1 : i32
      %parallel_loop3A_127 = arith.constant 0 : i32
      %parallel_loop3A_128 = tpu.memref_slice %arg8[%parallel_loop3A_126, %parallel_loop3A_127] : memref<4x10240xf32, #tpu.memory_space<vmem>> -> memref<1x10240xf32, #tpu.memory_space<vmem>>
      %parallel_loop3A_129 = tpu.memref_squeeze %parallel_loop3A_128 : memref<1x10240xf32, #tpu.memory_space<vmem>> -> memref<10240xf32, #tpu.memory_space<vmem>>
      tpu.vector_store_idx %parallel_loop3A_129[%parallel_loop3A_97], %parallel_loop3A_125 {add = true} : memref<10240xf32, #tpu.memory_space<vmem>>[vector<16xi32>], vector<16xf32>,
      %parallel_loop3A_130 = arith.mulf %parallel_loop3A_114, %parallel_loop3A_99 : vector<16xf32>
      %parallel_loop3A_131 = arith.constant 2 : i32
      %parallel_loop3A_132 = arith.constant 0 : i32
      %parallel_loop3A_133 = tpu.memref_slice %arg8[%parallel_loop3A_131, %parallel_loop3A_132] : memref<4x10240xf32, #tpu.memory_space<vmem>> -> memref<1x10240xf32, #tpu.memory_space<vmem>>
      %parallel_loop3A_134 = tpu.memref_squeeze %parallel_loop3A_133 : memref<1x10240xf32, #tpu.memory_space<vmem>> -> memref<10240xf32, #tpu.memory_space<vmem>>
      tpu.vector_store_idx %parallel_loop3A_134[%parallel_loop3A_97], %parallel_loop3A_130 {add = true} : memref<10240xf32, #tpu.memory_space<vmem>>[vector<16xi32>], vector<16xf32>,
      %parallel_loop3A_135 = arith.mulf %parallel_loop3A_119, %parallel_loop3A_99 : vector<16xf32>
      %parallel_loop3A_136 = arith.constant 3 : i32
      %parallel_loop3A_137 = arith.constant 0 : i32
      %parallel_loop3A_138 = tpu.memref_slice %arg8[%parallel_loop3A_136, %parallel_loop3A_137] : memref<4x10240xf32, #tpu.memory_space<vmem>> -> memref<1x10240xf32, #tpu.memory_space<vmem>>
      %parallel_loop3A_139 = tpu.memref_squeeze %parallel_loop3A_138 : memref<1x10240xf32, #tpu.memory_space<vmem>> -> memref<10240xf32, #tpu.memory_space<vmem>>
      tpu.vector_store_idx %parallel_loop3A_139[%parallel_loop3A_97], %parallel_loop3A_135 {add = true} : memref<10240xf32, #tpu.memory_space<vmem>>[vector<16xi32>], vector<16xf32>,
    } {sc.loop_unroll_factor = 10 : i64, sc.parallel_access}
    %add3A_80 = arith.constant 156000 : i32
    %add3A_81 = arith.addi %mul3A_32, %add3A_80 : i32
    %dma_wait3A_82 = tpu.memref_slice %arg2[%add3A_81] : memref<320000xi32, #tpu.memory_space<hbm>> -> memref<4000xi32, #tpu.memory_space<hbm>>
    %dma_wait3A_83 = tpu.memref_slice %arg2[%add3A_81] : memref<320000xi32, #tpu.memory_space<hbm>> -> memref<4000xi32, #tpu.memory_space<hbm>>
    tpu.wait_dma2 semaphore(%arg16 : memref<!tpu.dma_semaphore, #tpu.memory_space<semaphore_mem>>) src(%dma_wait3A_83 : memref<4000xi32, #tpu.memory_space<hbm>>) dst(%arg10 : memref<4000xi32, #tpu.memory_space<vmem>>)
    %dma_wait3A_84 = tpu.memref_slice %arg3[%add3A_81] : memref<320000xi32, #tpu.memory_space<hbm>> -> memref<4000xi32, #tpu.memory_space<hbm>>
    %dma_wait3A_85 = tpu.memref_slice %arg3[%add3A_81] : memref<320000xi32, #tpu.memory_space<hbm>> -> memref<4000xi32, #tpu.memory_space<hbm>>
    tpu.wait_dma2 semaphore(%arg16 : memref<!tpu.dma_semaphore, #tpu.memory_space<semaphore_mem>>) src(%dma_wait3A_85 : memref<4000xi32, #tpu.memory_space<hbm>>) dst(%arg12 : memref<4000xi32, #tpu.memory_space<vmem>>)
    %dma_wait3A_86 = tpu.memref_slice %arg4[%add3A_81] : memref<320000xf32, #tpu.memory_space<hbm>> -> memref<4000xf32, #tpu.memory_space<hbm>>
    %dma_wait3A_87 = tpu.memref_slice %arg4[%add3A_81] : memref<320000xf32, #tpu.memory_space<hbm>> -> memref<4000xf32, #tpu.memory_space<hbm>>
    tpu.wait_dma2 semaphore(%arg16 : memref<!tpu.dma_semaphore, #tpu.memory_space<semaphore_mem>>) src(%dma_wait3A_87 : memref<4000xf32, #tpu.memory_space<hbm>>) dst(%arg14 : memref<4000xf32, #tpu.memory_space<vmem>>)
    %parallel_loop3A_88 = arith.constant 0 : i32
    %parallel_loop3A_89 = arith.constant 250 : i32
    %parallel_loop3A_90 = arith.constant 1 : i32
    scf.for %parallel_loop3A_91 = %parallel_loop3A_88 to %parallel_loop3A_89 step %parallel_loop3A_90  : i32 {
      %parallel_loop3A_92 = arith.constant 16 : i32
      %parallel_loop3A_93 = arith.muli %parallel_loop3A_91, %parallel_loop3A_92 : i32
      %parallel_loop3A_94 = arith.index_cast %parallel_loop3A_93 : i32 to index
      %parallel_loop3A_95 = tpu.vector_load %arg10[%parallel_loop3A_94] {strides = array<i32>} : memref<4000xi32, #tpu.memory_space<vmem>>, vector<16xi32>,
      %parallel_loop3A_96 = arith.index_cast %parallel_loop3A_93 : i32 to index
      %parallel_loop3A_97 = tpu.vector_load %arg12[%parallel_loop3A_96] {strides = array<i32>} : memref<4000xi32, #tpu.memory_space<vmem>>, vector<16xi32>,
      %parallel_loop3A_98 = arith.index_cast %parallel_loop3A_93 : i32 to index
      %parallel_loop3A_99 = tpu.vector_load %arg14[%parallel_loop3A_98] {strides = array<i32>} : memref<4000xf32, #tpu.memory_space<vmem>>, vector<16xf32>,
      %parallel_loop3A_100 = arith.constant 0 : i32
      %parallel_loop3A_101 = arith.constant 0 : i32
      %parallel_loop3A_102 = tpu.memref_slice %arg7[%parallel_loop3A_100, %parallel_loop3A_101] : memref<4x10240xf32, #tpu.memory_space<vmem>> -> memref<1x10240xf32, #tpu.memory_space<vmem>>
      %parallel_loop3A_103 = tpu.memref_squeeze %parallel_loop3A_102 : memref<1x10240xf32, #tpu.memory_space<vmem>> -> memref<10240xf32, #tpu.memory_space<vmem>>
      %parallel_loop3A_104 = tpu.vector_load_idx %parallel_loop3A_103[%parallel_loop3A_95] : memref<10240xf32, #tpu.memory_space<vmem>>[vector<16xi32>], vector<16xf32>,
      %parallel_loop3A_105 = arith.constant 1 : i32
      %parallel_loop3A_106 = arith.constant 0 : i32
      %parallel_loop3A_107 = tpu.memref_slice %arg7[%parallel_loop3A_105, %parallel_loop3A_106] : memref<4x10240xf32, #tpu.memory_space<vmem>> -> memref<1x10240xf32, #tpu.memory_space<vmem>>
      %parallel_loop3A_108 = tpu.memref_squeeze %parallel_loop3A_107 : memref<1x10240xf32, #tpu.memory_space<vmem>> -> memref<10240xf32, #tpu.memory_space<vmem>>
      %parallel_loop3A_109 = tpu.vector_load_idx %parallel_loop3A_108[%parallel_loop3A_95] : memref<10240xf32, #tpu.memory_space<vmem>>[vector<16xi32>], vector<16xf32>,
      %parallel_loop3A_110 = arith.constant 2 : i32
      %parallel_loop3A_111 = arith.constant 0 : i32
      %parallel_loop3A_112 = tpu.memref_slice %arg7[%parallel_loop3A_110, %parallel_loop3A_111] : memref<4x10240xf32, #tpu.memory_space<vmem>> -> memref<1x10240xf32, #tpu.memory_space<vmem>>
      %parallel_loop3A_113 = tpu.memref_squeeze %parallel_loop3A_112 : memref<1x10240xf32, #tpu.memory_space<vmem>> -> memref<10240xf32, #tpu.memory_space<vmem>>
      %parallel_loop3A_114 = tpu.vector_load_idx %parallel_loop3A_113[%parallel_loop3A_95] : memref<10240xf32, #tpu.memory_space<vmem>>[vector<16xi32>], vector<16xf32>,
      %parallel_loop3A_115 = arith.constant 3 : i32
      %parallel_loop3A_116 = arith.constant 0 : i32
      %parallel_loop3A_117 = tpu.memref_slice %arg7[%parallel_loop3A_115, %parallel_loop3A_116] : memref<4x10240xf32, #tpu.memory_space<vmem>> -> memref<1x10240xf32, #tpu.memory_space<vmem>>
      %parallel_loop3A_118 = tpu.memref_squeeze %parallel_loop3A_117 : memref<1x10240xf32, #tpu.memory_space<vmem>> -> memref<10240xf32, #tpu.memory_space<vmem>>
      %parallel_loop3A_119 = tpu.vector_load_idx %parallel_loop3A_118[%parallel_loop3A_95] : memref<10240xf32, #tpu.memory_space<vmem>>[vector<16xi32>], vector<16xf32>,
      %parallel_loop3A_120 = arith.mulf %parallel_loop3A_104, %parallel_loop3A_99 : vector<16xf32>
      %parallel_loop3A_121 = arith.constant 0 : i32
      %parallel_loop3A_122 = arith.constant 0 : i32
      %parallel_loop3A_123 = tpu.memref_slice %arg8[%parallel_loop3A_121, %parallel_loop3A_122] : memref<4x10240xf32, #tpu.memory_space<vmem>> -> memref<1x10240xf32, #tpu.memory_space<vmem>>
      %parallel_loop3A_124 = tpu.memref_squeeze %parallel_loop3A_123 : memref<1x10240xf32, #tpu.memory_space<vmem>> -> memref<10240xf32, #tpu.memory_space<vmem>>
      tpu.vector_store_idx %parallel_loop3A_124[%parallel_loop3A_97], %parallel_loop3A_120 {add = true} : memref<10240xf32, #tpu.memory_space<vmem>>[vector<16xi32>], vector<16xf32>,
      %parallel_loop3A_125 = arith.mulf %parallel_loop3A_109, %parallel_loop3A_99 : vector<16xf32>
      %parallel_loop3A_126 = arith.constant 1 : i32
      %parallel_loop3A_127 = arith.constant 0 : i32
      %parallel_loop3A_128 = tpu.memref_slice %arg8[%parallel_loop3A_126, %parallel_loop3A_127] : memref<4x10240xf32, #tpu.memory_space<vmem>> -> memref<1x10240xf32, #tpu.memory_space<vmem>>
      %parallel_loop3A_129 = tpu.memref_squeeze %parallel_loop3A_128 : memref<1x10240xf32, #tpu.memory_space<vmem>> -> memref<10240xf32, #tpu.memory_space<vmem>>
      tpu.vector_store_idx %parallel_loop3A_129[%parallel_loop3A_97], %parallel_loop3A_125 {add = true} : memref<10240xf32, #tpu.memory_space<vmem>>[vector<16xi32>], vector<16xf32>,
      %parallel_loop3A_130 = arith.mulf %parallel_loop3A_114, %parallel_loop3A_99 : vector<16xf32>
      %parallel_loop3A_131 = arith.constant 2 : i32
      %parallel_loop3A_132 = arith.constant 0 : i32
      %parallel_loop3A_133 = tpu.memref_slice %arg8[%parallel_loop3A_131, %parallel_loop3A_132] : memref<4x10240xf32, #tpu.memory_space<vmem>> -> memref<1x10240xf32, #tpu.memory_space<vmem>>
      %parallel_loop3A_134 = tpu.memref_squeeze %parallel_loop3A_133 : memref<1x10240xf32, #tpu.memory_space<vmem>> -> memref<10240xf32, #tpu.memory_space<vmem>>
      tpu.vector_store_idx %parallel_loop3A_134[%parallel_loop3A_97], %parallel_loop3A_130 {add = true} : memref<10240xf32, #tpu.memory_space<vmem>>[vector<16xi32>], vector<16xf32>,
      %parallel_loop3A_135 = arith.mulf %parallel_loop3A_119, %parallel_loop3A_99 : vector<16xf32>
      %parallel_loop3A_136 = arith.constant 3 : i32
      %parallel_loop3A_137 = arith.constant 0 : i32
      %parallel_loop3A_138 = tpu.memref_slice %arg8[%parallel_loop3A_136, %parallel_loop3A_137] : memref<4x10240xf32, #tpu.memory_space<vmem>> -> memref<1x10240xf32, #tpu.memory_space<vmem>>
      %parallel_loop3A_139 = tpu.memref_squeeze %parallel_loop3A_138 : memref<1x10240xf32, #tpu.memory_space<vmem>> -> memref<10240xf32, #tpu.memory_space<vmem>>
      tpu.vector_store_idx %parallel_loop3A_139[%parallel_loop3A_97], %parallel_loop3A_135 {add = true} : memref<10240xf32, #tpu.memory_space<vmem>>[vector<16xi32>], vector<16xf32>,
    } {sc.loop_unroll_factor = 10 : i64, sc.parallel_access}
    "tpu.region"() ({
      %run_scoped3A = tpu.sem_alloc : memref<!tpu.dma_semaphore, #tpu.memory_space<semaphore_mem>>
      %dma_start3A_91 = arith.constant 0 : i32
      %dma_start3A_92 = arith.constant 0 : i32
      %dma_start3A_93 = tpu.memref_slice %arg6[%add3A, %dma_start3A_91, %dma_start3A_92] : memref<32x4x10240xf32, #tpu.memory_space<hbm>> -> memref<1x4x10240xf32, #tpu.memory_space<hbm>>
      %dma_start3A_94 = tpu.memref_squeeze %dma_start3A_93 : memref<1x4x10240xf32, #tpu.memory_space<hbm>> -> memref<4x10240xf32, #tpu.memory_space<hbm>>
      %dma_start3A_95 = arith.constant 0 : i32
      %dma_start3A_96 = arith.constant 0 : i32
      %dma_start3A_97 = tpu.memref_slice %arg6[%add3A, %dma_start3A_95, %dma_start3A_96] : memref<32x4x10240xf32, #tpu.memory_space<hbm>> -> memref<1x4x10240xf32, #tpu.memory_space<hbm>>
      %dma_start3A_98 = tpu.memref_squeeze %dma_start3A_97 : memref<1x4x10240xf32, #tpu.memory_space<hbm>> -> memref<4x10240xf32, #tpu.memory_space<hbm>>
      tpu.enqueue_dma source(%arg8 : memref<4x10240xf32, #tpu.memory_space<vmem>>) target(%dma_start3A_98 : memref<4x10240xf32, #tpu.memory_space<hbm>>) target_semaphore(%run_scoped3A : memref<!tpu.dma_semaphore, #tpu.memory_space<semaphore_mem>>)
      %dma_wait3A_99 = arith.constant 0 : i32
      %dma_wait3A_100 = arith.constant 0 : i32
      %dma_wait3A_101 = tpu.memref_slice %arg6[%add3A, %dma_wait3A_99, %dma_wait3A_100] : memref<32x4x10240xf32, #tpu.memory_space<hbm>> -> memref<1x4x10240xf32, #tpu.memory_space<hbm>>
      %dma_wait3A_102 = tpu.memref_squeeze %dma_wait3A_101 : memref<1x4x10240xf32, #tpu.memory_space<hbm>> -> memref<4x10240xf32, #tpu.memory_space<hbm>>
      %dma_wait3A_103 = arith.constant 0 : i32
      %dma_wait3A_104 = arith.constant 0 : i32
      %dma_wait3A_105 = tpu.memref_slice %arg6[%add3A, %dma_wait3A_103, %dma_wait3A_104] : memref<32x4x10240xf32, #tpu.memory_space<hbm>> -> memref<1x4x10240xf32, #tpu.memory_space<hbm>>
      %dma_wait3A_106 = tpu.memref_squeeze %dma_wait3A_105 : memref<1x4x10240xf32, #tpu.memory_space<hbm>> -> memref<4x10240xf32, #tpu.memory_space<hbm>>
      tpu.wait_dma2 semaphore(%run_scoped3A : memref<!tpu.dma_semaphore, #tpu.memory_space<semaphore_mem>>) src(%arg8 : memref<4x10240xf32, #tpu.memory_space<vmem>>) dst(%dma_wait3A_106 : memref<4x10240xf32, #tpu.memory_space<hbm>>)
      tpu.yield
    }) : () -> ()
    return
  }
}

module attributes {stable_mosaic.version = 14 : i64} {
  func.func @_dense1_body(%arg0: i32, %arg1: memref<1024x128xf32, #tpu.memory_space<vmem>>, %arg2: memref<128x64xf32, #tpu.memory_space<vmem>>, %arg3: memref<2x1024xf32, #tpu.memory_space<vmem>>, %arg4: memref<64x1024xf32, #tpu.memory_space<vmem>>, %arg5: memref<1x1024xf32, #tpu.memory_space<vmem>>) attributes {dimension_semantics = [#tpu.dimension_semantics<arbitrary>], iteration_bounds = array<i64: 10>, scalar_prefetch = 0 : i64, scratch_operands = 0 : i64, tpu.core_type = #tpu.core_type<tc>, window_params = [{transform_indices = @transform_0, window_bounds = array<i64: 1024, 128>}, {pipeline_mode = #tpu.pipeline_mode<synchronous>, transform_indices = @transform_1, window_bounds = array<i64: 128, 64>}, {transform_indices = @transform_2, window_bounds = array<i64: 2, 1024>}, {transform_indices = @transform_3, window_bounds = array<i64: 64, 1024>}, {transform_indices = @transform_4, window_bounds = array<i64: 1, 1024>}]} {
    %get3A = arith.constant 0 : index
    %get3A_0 = arith.constant 0 : index
    %get3A_1 = vector.load %arg1[%get3A, %get3A_0] : memref<1024x128xf32, #tpu.memory_space<vmem>>, vector<1024x128xf32>
    %get3A_2 = arith.constant 0 : index
    %get3A_3 = arith.constant 0 : index
    %get3A_4 = vector.load %arg2[%get3A_2, %get3A_3] : memref<128x64xf32, #tpu.memory_space<vmem>>, vector<128x64xf32>
    %dot_general3A = arith.constant dense<0.000000e+00> : vector<1024x64xf32>
    %dot_general3A_5 = tpu.matmul %get3A_1, %get3A_4, %dot_general3A {dimension_numbers = #tpu.dot_dimension_numbers<[1], [0], [0], [1], [0, 0, 1, 1], [], []>, transpose_lhs_hint = false} : vector<1024x128xf32>, vector<128x64xf32>, vector<1024x64xf32> -> vector<1024x64xf32>
    %get3A_6 = arith.constant 0 : index
    %get3A_7 = arith.constant 0 : index
    %get3A_8 = vector.load %arg3[%get3A_6, %get3A_7] : memref<2x1024xf32, #tpu.memory_space<vmem>>, vector<1x1024xf32>
    %add3A = arith.constant 1.000000e+00 : f32
    %add3A_9 = vector.broadcast %add3A : f32 to vector<1x1024xf32>
    %add3A_10 = arith.addf %add3A_9, %get3A_8 : vector<1x1024xf32>
    %get3A_11 = arith.constant 1 : index
    %get3A_12 = arith.constant 0 : index
    %get3A_13 = vector.load %arg3[%get3A_11, %get3A_12] : memref<2x1024xf32, #tpu.memory_space<vmem>>, vector<1x1024xf32>
    %add3A_14 = arith.addf %add3A_10, %get3A_13 : vector<1x1024xf32>
    %rsqrt3A = math.rsqrt %add3A_14 : vector<1x1024xf32>
    %transpose3A = tpu.transpose %dot_general3A_5, [1, 0] : vector<1024x64xf32> -> vector<64x1024xf32>
    %mul3A = vector.broadcast %rsqrt3A : vector<1x1024xf32> to vector<64x1024xf32>
    %mul3A_15 = arith.mulf %mul3A, %transpose3A : vector<64x1024xf32>
    %swap3A = arith.constant 0 : index
    %swap3A_16 = arith.constant 0 : index
    %swap3A_17 = vector.load %arg4[%swap3A, %swap3A_16] : memref<64x1024xf32, #tpu.memory_space<vmem>>, vector<64x1024xf32>
    tpu.vector_store %arg4[%swap3A, %swap3A_16], %mul3A_15 {strides = array<i32>} : memref<64x1024xf32, #tpu.memory_space<vmem>>, vector<64x1024xf32>,
    %swap3A_18 = arith.constant 0 : index
    %swap3A_19 = arith.constant 0 : index
    %swap3A_20 = vector.load %arg5[%swap3A_18, %swap3A_19] : memref<1x1024xf32, #tpu.memory_space<vmem>>, vector<1x1024xf32>
    tpu.vector_store %arg5[%swap3A_18, %swap3A_19], %rsqrt3A {strides = array<i32>} : memref<1x1024xf32, #tpu.memory_space<vmem>>, vector<1x1024xf32>,
    return
  }
  func.func @transform_0(%arg0: i32) -> (i32, i32) {
    %c0_i32 = arith.constant 0 : i32
    %c0_i32_0 = arith.constant 0 : i32
    return %arg0, %c0_i32 : i32, i32
  }
  func.func @transform_1(%arg0: i32) -> (i32, i32) {
    %c0_i32 = arith.constant 0 : i32
    %c0_i32_0 = arith.constant 0 : i32
    %c0_i32_1 = arith.constant 0 : i32
    return %c0_i32, %c0_i32_0 : i32, i32
  }
  func.func @transform_2(%arg0: i32) -> (i32, i32) {
    %c0_i32 = arith.constant 0 : i32
    %c0_i32_0 = arith.constant 0 : i32
    return %c0_i32, %arg0 : i32, i32
  }
  func.func @transform_3(%arg0: i32) -> (i32, i32) {
    %c0_i32 = arith.constant 0 : i32
    %c0_i32_0 = arith.constant 0 : i32
    return %c0_i32, %arg0 : i32, i32
  }
  func.func @transform_4(%arg0: i32) -> (i32, i32) {
    %c0_i32 = arith.constant 0 : i32
    %c0_i32_0 = arith.constant 0 : i32
    return %c0_i32, %arg0 : i32, i32
  }
}

module attributes {stable_mosaic.version = 14 : i64} {
  func.func @_dense2_body(%arg0: i32, %arg1: memref<16x2x4x1024xf32, #tpu.memory_space<vmem>>, %arg2: memref<64x1024xf32, #tpu.memory_space<vmem>>, %arg3: memref<1x1024xf32, #tpu.memory_space<vmem>>, %arg4: memref<64x64xf32, #tpu.memory_space<vmem>>, %arg5: memref<64x1xf32, #tpu.memory_space<vmem>>, %arg6: memref<64x1024xf32, #tpu.memory_space<vmem>>) attributes {dimension_semantics = [#tpu.dimension_semantics<arbitrary>], iteration_bounds = array<i64: 10>, scalar_prefetch = 0 : i64, scratch_operands = 0 : i64, tpu.core_type = #tpu.core_type<tc>, window_params = [{transform_indices = @transform_0, window_bounds = array<i64: 16, 2, 4, 1024>}, {transform_indices = @transform_1, window_bounds = array<i64: 64, 1024>}, {transform_indices = @transform_2, window_bounds = array<i64: 1, 1024>}, {pipeline_mode = #tpu.pipeline_mode<synchronous>, transform_indices = @transform_3, window_bounds = array<i64: 64, 64>}, {pipeline_mode = #tpu.pipeline_mode<synchronous>, transform_indices = @transform_4, window_bounds = array<i64: 64, 1>}, {transform_indices = @transform_5, window_bounds = array<i64: 64, 1024>}]} {
    %get3A = arith.constant 0 : index
    %get3A_0 = arith.constant 0 : index
    %get3A_1 = vector.load %arg3[%get3A, %get3A_0] : memref<1x1024xf32, #tpu.memory_space<vmem>>, vector<1x1024xf32>
    %get3A_2 = arith.constant 0 : index
    %get3A_3 = arith.constant 0 : index
    %get3A_4 = arith.constant 0 : index
    %get3A_5 = arith.constant 0 : index
    %get3A_6 = vector.load %arg1[%get3A_2, %get3A_3, %get3A_4, %get3A_5] : memref<16x2x4x1024xf32, #tpu.memory_space<vmem>>, vector<16x1x4x1024xf32>
    %get3A_7 = vector.shape_cast %get3A_6 : vector<16x1x4x1024xf32> to vector<16x4x1024xf32>
    %get3A_8 = arith.constant 0 : index
    %get3A_9 = arith.constant 1 : index
    %get3A_10 = arith.constant 0 : index
    %get3A_11 = arith.constant 0 : index
    %get3A_12 = vector.load %arg1[%get3A_8, %get3A_9, %get3A_10, %get3A_11] : memref<16x2x4x1024xf32, #tpu.memory_space<vmem>>, vector<16x1x4x1024xf32>
    %get3A_13 = vector.shape_cast %get3A_12 : vector<16x1x4x1024xf32> to vector<16x4x1024xf32>
    %add3A = arith.addf %get3A_7, %get3A_13 : vector<16x4x1024xf32>
    %reshape3A = vector.shape_cast %add3A : vector<16x4x1024xf32> to vector<64x1024xf32>
    %get3A_14 = arith.constant 0 : index
    %get3A_15 = arith.constant 0 : index
    %get3A_16 = vector.load %arg2[%get3A_14, %get3A_15] : memref<64x1024xf32, #tpu.memory_space<vmem>>, vector<64x1024xf32>
    %add3A_17 = arith.addf %reshape3A, %get3A_16 : vector<64x1024xf32>
    %mul3A = vector.broadcast %get3A_1 : vector<1x1024xf32> to vector<64x1024xf32>
    %mul3A_18 = arith.mulf %mul3A, %add3A_17 : vector<64x1024xf32>
    %get3A_19 = arith.constant 0 : index
    %get3A_20 = arith.constant 0 : index
    %get3A_21 = vector.load %arg5[%get3A_19, %get3A_20] : memref<64x1xf32, #tpu.memory_space<vmem>>, vector<64x1xf32>
    %add3A_22 = vector.broadcast %get3A_21 : vector<64x1xf32> to vector<64x1024xf32>
    %add3A_23 = arith.addf %mul3A_18, %add3A_22 : vector<64x1024xf32>
    %max3A = arith.constant 0.000000e+00 : f32
    %max3A_24 = vector.broadcast %max3A : f32 to vector<64x1024xf32>
    %max3A_25 = arith.maximumf %add3A_23, %max3A_24 : vector<64x1024xf32>
    %get3A_26 = arith.constant 0 : index
    %get3A_27 = arith.constant 0 : index
    %get3A_28 = vector.load %arg4[%get3A_26, %get3A_27] : memref<64x64xf32, #tpu.memory_space<vmem>>, vector<64x64xf32>
    %dot_general3A = arith.constant dense<0.000000e+00> : vector<64x1024xf32>
    %dot_general3A_29 = tpu.matmul %get3A_28, %max3A_25, %dot_general3A {dimension_numbers = #tpu.dot_dimension_numbers<[1], [0], [0], [1], [0, 0, 1, 1], [], []>, transpose_lhs_hint = false} : vector<64x64xf32>, vector<64x1024xf32>, vector<64x1024xf32> -> vector<64x1024xf32>
    %mul3A_30 = vector.broadcast %get3A_1 : vector<1x1024xf32> to vector<64x1024xf32>
    %mul3A_31 = arith.mulf %mul3A_30, %dot_general3A_29 : vector<64x1024xf32>
    %swap3A = arith.constant 0 : index
    %swap3A_32 = arith.constant 0 : index
    %swap3A_33 = vector.load %arg6[%swap3A, %swap3A_32] : memref<64x1024xf32, #tpu.memory_space<vmem>>, vector<64x1024xf32>
    tpu.vector_store %arg6[%swap3A, %swap3A_32], %mul3A_31 {strides = array<i32>} : memref<64x1024xf32, #tpu.memory_space<vmem>>, vector<64x1024xf32>,
    return
  }
  func.func @transform_0(%arg0: i32) -> (i32, i32, i32, i32) {
    %c0_i32 = arith.constant 0 : i32
    %c0_i32_0 = arith.constant 0 : i32
    %c0_i32_1 = arith.constant 0 : i32
    %c0_i32_2 = arith.constant 0 : i32
    return %c0_i32, %c0_i32_0, %c0_i32_1, %arg0 : i32, i32, i32, i32
  }
  func.func @transform_1(%arg0: i32) -> (i32, i32) {
    %c0_i32 = arith.constant 0 : i32
    %c0_i32_0 = arith.constant 0 : i32
    return %c0_i32, %arg0 : i32, i32
  }
  func.func @transform_2(%arg0: i32) -> (i32, i32) {
    %c0_i32 = arith.constant 0 : i32
    %c0_i32_0 = arith.constant 0 : i32
    return %c0_i32, %arg0 : i32, i32
  }
  func.func @transform_3(%arg0: i32) -> (i32, i32) {
    %c0_i32 = arith.constant 0 : i32
    %c0_i32_0 = arith.constant 0 : i32
    %c0_i32_1 = arith.constant 0 : i32
    return %c0_i32, %c0_i32_0 : i32, i32
  }
  func.func @transform_4(%arg0: i32) -> (i32, i32) {
    %c0_i32 = arith.constant 0 : i32
    %c0_i32_0 = arith.constant 0 : i32
    %c0_i32_1 = arith.constant 0 : i32
    return %c0_i32, %c0_i32_0 : i32, i32
  }
  func.func @transform_5(%arg0: i32) -> (i32, i32) {
    %c0_i32 = arith.constant 0 : i32
    %c0_i32_0 = arith.constant 0 : i32
    return %c0_i32, %arg0 : i32, i32
  }
}

module attributes {stable_mosaic.version = 14 : i64} {
  func.func @_dense3_body(%arg0: i32, %arg1: memref<16x2x4x1024xf32, #tpu.memory_space<vmem>>, %arg2: memref<64x1024xf32, #tpu.memory_space<vmem>>, %arg3: memref<1x1024xf32, #tpu.memory_space<vmem>>, %arg4: memref<1x64xf32, #tpu.memory_space<vmem>>, %arg5: memref<64x1xf32, #tpu.memory_space<vmem>>, %arg6: memref<1x1xf32, #tpu.memory_space<vmem>>, %arg7: memref<1x1024xf32, #tpu.memory_space<vmem>>) attributes {dimension_semantics = [#tpu.dimension_semantics<arbitrary>], iteration_bounds = array<i64: 10>, scalar_prefetch = 0 : i64, scratch_operands = 0 : i64, tpu.core_type = #tpu.core_type<tc>, window_params = [{transform_indices = @transform_0, window_bounds = array<i64: 16, 2, 4, 1024>}, {transform_indices = @transform_1, window_bounds = array<i64: 64, 1024>}, {transform_indices = @transform_2, window_bounds = array<i64: 1, 1024>}, {pipeline_mode = #tpu.pipeline_mode<synchronous>, transform_indices = @transform_3, window_bounds = array<i64: 1, 64>}, {pipeline_mode = #tpu.pipeline_mode<synchronous>, transform_indices = @transform_4, window_bounds = array<i64: 64, 1>}, {pipeline_mode = #tpu.pipeline_mode<synchronous>, transform_indices = @transform_5, window_bounds = array<i64: 1, 1>}, {transform_indices = @transform_6, window_bounds = array<i64: 1, 1024>}]} {
    %get3A = arith.constant 0 : index
    %get3A_0 = arith.constant 0 : index
    %get3A_1 = vector.load %arg3[%get3A, %get3A_0] : memref<1x1024xf32, #tpu.memory_space<vmem>>, vector<1x1024xf32>
    %get3A_2 = arith.constant 0 : index
    %get3A_3 = arith.constant 0 : index
    %get3A_4 = arith.constant 0 : index
    %get3A_5 = arith.constant 0 : index
    %get3A_6 = vector.load %arg1[%get3A_2, %get3A_3, %get3A_4, %get3A_5] : memref<16x2x4x1024xf32, #tpu.memory_space<vmem>>, vector<16x1x4x1024xf32>
    %get3A_7 = vector.shape_cast %get3A_6 : vector<16x1x4x1024xf32> to vector<16x4x1024xf32>
    %get3A_8 = arith.constant 0 : index
    %get3A_9 = arith.constant 1 : index
    %get3A_10 = arith.constant 0 : index
    %get3A_11 = arith.constant 0 : index
    %get3A_12 = vector.load %arg1[%get3A_8, %get3A_9, %get3A_10, %get3A_11] : memref<16x2x4x1024xf32, #tpu.memory_space<vmem>>, vector<16x1x4x1024xf32>
    %get3A_13 = vector.shape_cast %get3A_12 : vector<16x1x4x1024xf32> to vector<16x4x1024xf32>
    %add3A = arith.addf %get3A_7, %get3A_13 : vector<16x4x1024xf32>
    %reshape3A = vector.shape_cast %add3A : vector<16x4x1024xf32> to vector<64x1024xf32>
    %get3A_14 = arith.constant 0 : index
    %get3A_15 = arith.constant 0 : index
    %get3A_16 = vector.load %arg2[%get3A_14, %get3A_15] : memref<64x1024xf32, #tpu.memory_space<vmem>>, vector<64x1024xf32>
    %add3A_17 = arith.addf %reshape3A, %get3A_16 : vector<64x1024xf32>
    %mul3A = vector.broadcast %get3A_1 : vector<1x1024xf32> to vector<64x1024xf32>
    %mul3A_18 = arith.mulf %mul3A, %add3A_17 : vector<64x1024xf32>
    %get3A_19 = arith.constant 0 : index
    %get3A_20 = arith.constant 0 : index
    %get3A_21 = vector.load %arg5[%get3A_19, %get3A_20] : memref<64x1xf32, #tpu.memory_space<vmem>>, vector<64x1xf32>
    %add3A_22 = vector.broadcast %get3A_21 : vector<64x1xf32> to vector<64x1024xf32>
    %add3A_23 = arith.addf %mul3A_18, %add3A_22 : vector<64x1024xf32>
    %max3A = arith.constant 0.000000e+00 : f32
    %max3A_24 = vector.broadcast %max3A : f32 to vector<64x1024xf32>
    %max3A_25 = arith.maximumf %add3A_23, %max3A_24 : vector<64x1024xf32>
    %get3A_26 = arith.constant 0 : index
    %get3A_27 = arith.constant 0 : index
    %get3A_28 = vector.load %arg4[%get3A_26, %get3A_27] : memref<1x64xf32, #tpu.memory_space<vmem>>, vector<1x64xf32>
    %dot_general3A = arith.constant dense<0.000000e+00> : vector<1x1024xf32>
    %dot_general3A_29 = tpu.matmul %get3A_28, %max3A_25, %dot_general3A {dimension_numbers = #tpu.dot_dimension_numbers<[1], [0], [0], [1], [0, 0, 1, 1], [], []>, transpose_lhs_hint = false} : vector<1x64xf32>, vector<64x1024xf32>, vector<1x1024xf32> -> vector<1x1024xf32>
    %get3A_30 = arith.constant 0 : index
    %get3A_31 = arith.constant 0 : index
    %get3A_32 = vector.load %arg6[%get3A_30, %get3A_31] : memref<1x1xf32, #tpu.memory_space<vmem>>, vector<1x1xf32>
    %add3A_33 = vector.broadcast %get3A_32 : vector<1x1xf32> to vector<1x1024xf32>
    %add3A_34 = arith.addf %dot_general3A_29, %add3A_33 : vector<1x1024xf32>
    %logistic3A = arith.negf %add3A_34 : vector<1x1024xf32>
    %logistic3A_35 = math.exp %logistic3A : vector<1x1024xf32>
    %logistic3A_36 = arith.constant 1.000000e+00 : f32
    %logistic3A_37 = vector.broadcast %logistic3A_36 : f32 to vector<1x1024xf32>
    %logistic3A_38 = arith.addf %logistic3A_37, %logistic3A_35 : vector<1x1024xf32>
    %logistic3A_39 = arith.divf %logistic3A_37, %logistic3A_38 : vector<1x1024xf32>
    %swap3A = arith.constant 0 : index
    %swap3A_40 = arith.constant 0 : index
    %swap3A_41 = vector.load %arg7[%swap3A, %swap3A_40] : memref<1x1024xf32, #tpu.memory_space<vmem>>, vector<1x1024xf32>
    tpu.vector_store %arg7[%swap3A, %swap3A_40], %logistic3A_39 {strides = array<i32>} : memref<1x1024xf32, #tpu.memory_space<vmem>>, vector<1x1024xf32>,
    return
  }
  func.func @transform_0(%arg0: i32) -> (i32, i32, i32, i32) {
    %c0_i32 = arith.constant 0 : i32
    %c0_i32_0 = arith.constant 0 : i32
    %c0_i32_1 = arith.constant 0 : i32
    %c0_i32_2 = arith.constant 0 : i32
    return %c0_i32, %c0_i32_0, %c0_i32_1, %arg0 : i32, i32, i32, i32
  }
  func.func @transform_1(%arg0: i32) -> (i32, i32) {
    %c0_i32 = arith.constant 0 : i32
    %c0_i32_0 = arith.constant 0 : i32
    return %c0_i32, %arg0 : i32, i32
  }
  func.func @transform_2(%arg0: i32) -> (i32, i32) {
    %c0_i32 = arith.constant 0 : i32
    %c0_i32_0 = arith.constant 0 : i32
    return %c0_i32, %arg0 : i32, i32
  }
  func.func @transform_3(%arg0: i32) -> (i32, i32) {
    %c0_i32 = arith.constant 0 : i32
    %c0_i32_0 = arith.constant 0 : i32
    %c0_i32_1 = arith.constant 0 : i32
    return %c0_i32, %c0_i32_0 : i32, i32
  }
  func.func @transform_4(%arg0: i32) -> (i32, i32) {
    %c0_i32 = arith.constant 0 : i32
    %c0_i32_0 = arith.constant 0 : i32
    %c0_i32_1 = arith.constant 0 : i32
    return %c0_i32, %c0_i32_0 : i32, i32
  }
  func.func @transform_5(%arg0: i32) -> (i32, i32) {
    %c0_i32 = arith.constant 0 : i32
    %c0_i32_0 = arith.constant 0 : i32
    %c0_i32_1 = arith.constant 0 : i32
    return %c0_i32, %c0_i32_0 : i32, i32
  }
  func.func @transform_6(%arg0: i32) -> (i32, i32) {
    %c0_i32 = arith.constant 0 : i32
    %c0_i32_0 = arith.constant 0 : i32
    return %c0_i32, %arg0 : i32, i32
  }
}

</mosaic_0001>

<sc_bundles>
// kernel: kernel.11.cloned.1.call-start
scs
__scs_entry_jumppad:
0x0: {  	(pc) =	sbr.rel $0x88, $3  }
0x1: {  	(tag) =	ssettag $0x0;
	lr =	simm.s32 $0x1  }
0x2: {  	[smem:$0x3F98] =	sst lr;
	_ =	strace $0xD0000000  }
0x3: {  	_ = 	snop  }
0x4: {  	_ = 	snop  }
0x5: {  	_ = 	snop  }
0x6: {  	_ = 	snop  }
0x7: {  	_ = 	snop  }
__scs_overlays_trampoline_lowered:
0x8: {  	[smem:$0x3FA7] =	sst s0  }
0x9: {  	[smem:$0x3FA8] =	sst s1  }
0xa: {  	[smem:$0x3FA9] =	sst s2  }
0xb: {  	[smem:$0x3FAA] =	sst s3  }
0xc: {  	[smem:$0x3FAB] =	sst s4  }
0xd: {  	[smem:$0x3FAC] =	sst s5  }
0xe: {  	[smem:$0x3FAD] =	sst s6  }
0xf: {  	[smem:$0x3FAE] =	sst s7  }
0x10: {  	[smem:$0x3FAF] =	sst s8  }
0x11: {  	[smem:$0x3FB0] =	sst s9;
	s0 =	simm.s32 @!p0 $0x0  }
0x12: {  	s1 =	sld [smem:$0x3F96];
	s0 =	simm.s32 @p0 $0x1  }
0x13: {  	[smem:$0x3FB1] =	sst s0;
	s0 =	simm.s32 @!p1 $0x0  }
0x14: {  	s2 =	sld [smem:$0x3F95];
	s0 =	simm.s32 @p1 $0x1  }
0x15: {  	[smem:$0x3FB2] =	sst s0;
	s0 =	simm.s32 @!p2 $0x0  }
0x16: {  	s3 =	sld [smem:$0x3FDB];
	s0 =	simm.s32 @p2 $0x1  }
0x17: {  	s4 =	simm.s32 $0x1BF5;
	[smem:$0x3FB4] =	sst s0  }
0x18: {  	s0 =	sld [smem:$0x3F97];
	_ =	swait.ge [sflag:s4], $0x0  }
0x19: {  	s7 =	sld [smem:$0x3F98]  }
0x1a: {  	s8 =	sadd.s32 $0xFFFFE003, lr  }
0x1b: {  	s9 =	sadd.s32 $0xFFFFFEF7, lr;
	s5 =	simm.s32 $0xFFFFFFFF;
	p2 =	slt.u32 s8, $0xFFFFF086  }
0x1c: {  	p1 =	slt.u32 s9, $0xF7A;
	s5 =	simm.s32 @!p2 $0x0  }
0x1d: {  	s5 =	simm.s32 @p1 $0x1;
	p0 =	seq.s32 s7, s2  }
0x1e: {  	s7 =	smul.u32 @!p0 $0xF7A, s2;
	p2 =	seq.s32 @!p0 s5, $0x0  }
0x1f: {  	s9 =	smul.u32 $0xF7A, s1;
	s8 =	simm.s32 @!p0 $0x1BF5;
	p2 =	por !p2, p0  }
0x20: {  	[sflag:s8] =	ssyncset.s32 @!p0 $0xFFFFF086;
	s6 =	sadd.s32 @!p0 s3, s7;
	s7 =	simm.s32 @!p0 $0x108  }
0x21: {  	s3 =	sadd.s32 s3, s9;
	s6 =	sadd.s32 @!p0 $0x88, s6;
	s7 =	simm.s32 @p2 $0x1082  }
0x22: {  	[simem:s7], [sflag:s8] =	dma.local @!p0 [hbm:s6], $0xF7A  }
0x23: {  	s9 =	sor.u32 $0xD0000000, s2;
	s6 =	simm.s32 $0x108;
	_ =	swait.ge @!p0 [sflag:s8], $0x0  }
0x24: {  	s3 =	sadd.s32 $0x88, s3;
	s6 =	simm.s32 @!p1 $0x1082;
	[sflag:s4] =	ssyncset.s32 $0xFFFFF086  }
0x25: {  	[simem:s6], [sflag:s4] =	dma.local [hbm:s3], $0xF7A  }
0x26: {  	[smem:$0x3F98] =	sst s1;
	(tag) =	ssettag s2;
	_ =	strace s9  }
0x27: {  	s1 =	sld [smem:$0x3FA8]  }
0x28: {  	s2 =	sld [smem:$0x3FA9]  }
0x29: {  	s4 =	sld [smem:$0x3FAB]  }
0x2a: {  	p0 =	seq.s32 s5, $0x0;
	s5 =	sld [smem:$0x3FAC]  }
0x2b: {  	s6 =	sld [smem:$0x3FAD]  }
0x2c: {  	s7 =	sld [smem:$0x3FAE]  }
0x2d: {  	s3 =	simm.s32 $0x108;
	s8 =	sld [smem:$0x3FAF]  }
0x2e: {  	s3 =	simm.s32 @!p0 $0x1082;
	s9 =	sld [smem:$0x3FB0]  }
0x2f: {  	lr =	sadd.s32 s0, s3;
	s0 =	sld [smem:$0x3FA7]  }
0x30: {  	s3 =	sld [smem:$0x3FAA]  }
0x31: {  	[smem:$0x3FB3] =	sst s10  }
0x32: {  	s10 =	sld [smem:$0x3FB1];
	_ =	sdelay $0x3  }
0x33: {  	p0 =	seq.s32 s10, $0x1;
	s10 =	sld [smem:$0x3FB3];
	_ =	sdelay $0x3  }
0x34: {  	[smem:$0x3FB3] =	sst s10  }
0x35: {  	s10 =	sld [smem:$0x3FB2];
	_ =	sdelay $0x3  }
0x36: {  	p1 =	seq.s32 s10, $0x1;
	s10 =	sld [smem:$0x3FB3];
	_ =	sdelay $0x3  }
0x37: {  	[smem:$0x3FB3] =	sst s10  }
0x38: {  	s10 =	sld [smem:$0x3FB4]  }
0x39: {  	_ = 	snop;
	(pc) =	sbr.ind lr, $3  }
0x3a: {  	_ = 	snop  }
0x3b: {  	_ = 	snop  }
0x3c: {  	p2 =	seq.s32 s10, $0x1;
	s10 =	sld [smem:$0x3FB3]  }
0x3d: {  	_ =	shalt  }
0x3e: {  	_ =	shalt  }
0x3f: {  	_ =	shalt  }
0x40: {  	_ =	shalt  }
0x41: {  	_ =	shalt  }
0x42: {  	_ =	shalt  }
0x43: {  	_ =	shalt  }
0x44: {  	_ =	shalt  }
0x45: {  	_ =	shalt  }
0x46: {  	_ =	shalt  }
0x47: {  	_ =	shalt  }
0x48: {  	_ =	shalt  }
0x49: {  	_ =	shalt  }
0x4a: {  	_ =	shalt  }
0x4b: {  	_ =	shalt  }
0x4c: {  	_ =	shalt  }
0x4d: {  	_ =	shalt  }
0x4e: {  	_ =	shalt  }
0x4f: {  	_ =	shalt  }
0x50: {  	_ =	shalt  }
0x51: {  	_ =	shalt  }
0x52: {  	_ =	shalt  }
0x53: {  	_ =	shalt  }
0x54: {  	_ =	shalt  }
0x55: {  	_ =	shalt  }
0x56: {  	_ =	shalt  }
0x57: {  	_ =	shalt  }
0x58: {  	_ =	shalt  }
0x59: {  	_ =	shalt  }
0x5a: {  	_ =	shalt  }
0x5b: {  	_ =	shalt  }
0x5c: {  	_ =	shalt  }
0x5d: {  	_ =	shalt  }
0x5e: {  	_ =	shalt  }
0x5f: {  	_ =	shalt  }
0x60: {  	_ =	shalt  }
0x61: {  	_ =	shalt  }
0x62: {  	_ =	shalt  }
0x63: {  	_ =	shalt  }
0x64: {  	_ =	shalt  }
0x65: {  	_ =	shalt  }
0x66: {  	_ =	shalt  }
0x67: {  	_ =	shalt  }
0x68: {  	_ =	shalt  }
0x69: {  	_ =	shalt  }
0x6a: {  	_ =	shalt  }
0x6b: {  	_ =	shalt  }
0x6c: {  	_ =	shalt  }
0x6d: {  	_ =	shalt  }
0x6e: {  	_ =	shalt  }
0x6f: {  	_ =	shalt  }
0x70: {  	_ =	shalt  }
0x71: {  	_ =	shalt  }
0x72: {  	_ =	shalt  }
0x73: {  	_ =	shalt  }
0x74: {  	_ =	shalt  }
0x75: {  	_ =	shalt  }
0x76: {  	_ =	shalt  }
0x77: {  	_ =	shalt  }
0x78: {  	_ =	shalt  }
0x79: {  	_ =	shalt  }
0x7a: {  	_ =	shalt  }
0x7b: {  	_ =	shalt  }
0x7c: {  	_ =	shalt  }
0x7d: {  	_ =	shalt  }
0x7e: {  	_ =	shalt  }
0x7f: {  	_ =	shalt  }
0x80: {  	_ =	shalt  }
0x81: {  	_ =	shalt  }
0x82: {  	_ =	shalt  }
0x83: {  	_ =	shalt  }
0x84: {  	_ =	shalt  }
0x85: {  	_ =	shalt  }
0x86: {  	_ =	shalt  }
0x87: {  	_ =	shalt  }
.Lfunc_end0:
.L_simem_size_0:
called_computation.1_lowered:
.L_overlay_start_0:
0x88: {  	s2 =	sld [smem:$0x3FD9]  }
0x89: {  	s3 =	sld [smem:$0x3FFE];
	_ =	sdelay $0x1  }
0x8a: {  	s1 =	srdreg.scid  }
0x8b: {  	s0 =	sand.u32 $0x1, s1  }
0x8c: {  	s17 =	sshll.u32 s0, $0xA;
	s2 =	sadd.s32 s3, s2  }
0x8d: {  	s2 =	sadd.s32 s2, s17  }
0x8e: {  	[smem:$0x3FBF] =	sst s2  }
0x8f: {  	_ = 	snop  }
0x90: {  	s2 =	sld [smem:$0x3FC7];
	(tm) =	ssettm $0x1  }
0x91: {  	s18 =	sld [smem:$0x3FFB];
	_ =	sdelay $0x3  }
0x92: {  	_ =	strace s18  }
0x93: {  	s3 =	sld [smem:$0x3FFC];
	_ =	sdelay $0x3  }
0x94: {  	_ =	strace s3  }
0x95: {  	s3 =	sld [smem:$0x3FFD];
	_ =	sdelay $0x3  }
0x96: {  	_ =	strace s3  }
0x97: {  	_ =	strace $0x8FFFFFFF  }
0x98: {  	s19 =	sld [smem:$0x3FDB];
	_ =	sdelay $0x1  }
0x99: {  	s4 =	simm.s32 $_scs_section_size  }
0x9a: {  	s5 =	simm.s32 $_size__tile_overlayer_lowered;
	s6 =	simm.s32 $_tile_overlayer_lowered  }
0x9b: {  	s22 =	simm.s32 $0x1BFF;
	s21 =	sshll.u32 s6, $0x1;
	s3 =	sadd.s32 s4, s19  }
0x9c: {  	s7 =	simm.s32 $0x0;
	s20 =	sshll.u32 s5, $0x1;
	s5 =	sadd.s32 s21, s3  }
0x9d: {  	[timem:s7], [sflag:s22] =	dma.local [hbm:s5], s20  }
0x9e: {  	_ =	swait.ge [sflag:s22], s20  }
0x9f: {  	s4 =	ssub.s32 $0x0, s20;
	[sflag:s22] =	ssyncset.done $0x0  }
0xa0: {  	[sflag:s22] =	ssyncadd.s32 s4;
	_ =	sdelay $0x1  }
0xa1: {  	s23 =	simm.s32 $0x1B8B  }
0xa2: {  	_ =	swait.ge [sflag:s23], $0x1  }
0xa3: {  	[sflag:s23] =	ssyncset.done $0x0  }
0xa4: {  	s25 =	simm.s32 $0x1B8E;
	s24 =	sld [smem:$0x3FFE];
	[sflag:s23] =	ssyncadd.s32 $0xFFFFFFFF  }
0xa5: {  	s26 =	simm.s32 $execute0_lowered;
	[smem:$0x3FD2] =	sst s25  }
0xa6: {  	s5 =	sshll.u32 s26, $0x1;
	_ =	strace $0x80000049;
	[dreg:$0x1] =	wrdreg $0xFFFFFFFF  }
0xa7: {  	s28 =	simm.s32 $_size_execute0_lowered;
	s3 =	sadd.s32 s3, s5;
	[dreg:$0x0] =	wrdreg $0x0  }
0xa8: {  	s5 =	sshll.u32 s28, $0x1;
	[dreg:$0x2] =	wrdreg s3  }
0xa9: {  	[dreg:$0x3] =	wrdreg s5  }
0xaa: {  	[dreg:$0x4] =	wrdreg $0xC0  }
0xab: {  	_ =	task [dreg:s7], $0x5FFFF  }
0xac: {  	[dreg:$0x1] =	wrdreg $0xFFFFFFFF  }
0xad: {  	[dreg:$0x0] =	wrdreg $0x60  }
0xae: {  	[dreg:$0x2] =	wrdreg s24  }
0xaf: {  	[dreg:$0x3] =	wrdreg s2  }
0xb0: {  	[dreg:$0x4] =	wrdreg $0x9  }
0xb1: {  	_ =	task.clear_ibuf [dreg:s7], $0x5FFFF;
	_ =	strace $0x90000049  }
0xb2: {  	s29 =	simm.s32 $0x9;
	_ =	strace $0x8000004B  }
0xb3: {  	_ =	swait.ge [sflag:s29], $0x1  }
0xb4: {  	[sflag:s29] =	ssyncadd.s32 $0xFFFFFFFF  }
0xb5: {  	_ =	strace $0x9000004B  }
0xb6: {  	_ =	sfence  }
0xb7: {  	s30 =	sld [smem:$0x0];
	_ =	sdelay $0x2  }
0xb8: {  	s31 =	sshll.u32 s1, $0xD;
	s1 =	sshrl.u32 s1, $0x2  }
0xb9: {  	s3 =	sand.u32 $0x4000, s31;
	s1 =	sadd.s32 s1, s30  }
0xba: {  	s0 =	sor.u32 s3, s0;
	s1 =	sshll.u32 s1, $0x11  }
0xbb: {  	s0 =	sor.u32 s1, s0  }
0xbc: {  	s0 =	sadd.s32 $0x8F2B, s0  }
0xbd: {  	[sflag:s0] =	ssyncadd.remote.s32 $0x1  }
0xbe: {  	_ =	sfence.sel $0xFFFF  }
0xbf: {  	[dreg:$0x0] =	wrdreg $0xFFFFFFFF;
	(pc) =	sbr.abs _section_cstart, $3  }
0xc0: {  	[dreg:$0x1] =	wrdreg $0xFFFFFFFF  }
0xc1: {  	_ =	task.clear_ibuf [dreg:s7], $0x2FFFF;
	_ =	strace $0x9FFFFFFF  }
0xc2: {  	(tm) =	ssettm $0x7FFFFFFF  }
0xc3: {  	_ =	shalt  }
tec
execute0_lowered:
.L_overlay_start_1:
0x0: {  	(tag) =	ssettag $0x1  }
0x1: {  	s0 =	srdreg.scid;
	s2 =	stileid.u32  }
0x2: {  	s7 =	rddreg [dreg:$0x0];
	s4 =	simm.s32 $0x1;
	s3 =	simm.s32 $0x0  }
0x3: {  	s6 =	simm.s32 $0x1;
	s9 =	simm.s32 $0x27100;
	s18 =	simm.s32 $0x14000  }
0x4: {  	s28 =	simm.s32 $0x7800;
	s29 =	simm.s32 $0xA000;
	s0 =	sand.u32 $0x1, s0  }
0x5: {  	s30 =	simm.s32 $0xC800;
	s31 =	simm.s32 $0xF000;
	s1 =	sshll.u32 s0, $0x4  }
0x6: {  	s0 =	ssub.s32 $0x2, s0;
	s1 =	sor.u32 s2, s1;
	s2 =	sand.u32 $0x1, s2  }
0x7: {  	[smem:$0x7FF] =	sst s3;
	s19 =	sshrl.u32 s0, $0x1;
	p0 =	seq.s32 s2, $0x1  }
0x8: {  	p1 =	seq.s32 s1, $0x0;
	s2 =	rddreg [dreg:$0x1];
	s5 =	sshrl.u32 s1, $0x1  }
0x9: {  	_ =	strace $0x8000004A;
	s1 =	smul.u32 $0x1400, s1;
	s0 =	ssub.s32 s0, s19  }
0xa: {  	s19 =	simm.s32 $0x15F40;
	p1 =	por !p1, !p0;
	s9 =	simm.s32 @!p0 $0x0  }
0xb: {  	s0 =	smax.u32 s0, $0x1;
	p1 =	por !p1, !p1;
	s1 =	sadd.s32 s1, s7  }
0xc: {  	s10 =	sshrl.u32 s9, $0x3;
	s14 =	sadd.s32 $0x1F40, s9;
	s15 =	sadd.s32 $0x2EE0, s9  }
0xd: {  	[dreg:$0xb] =	wrdreg s0;
	s0 =	simm.s32 $0x2;
	s4 =	simm.s32 @!p1 $0x0  }
0xe: {  	s23 =	sadd.s32 s2, s10;
	s24 =	sadd.s32 $0x1F4, s10;
	s1 =	sadd.s32 $0x29400, s1  }
0xf: {  	s4 =	ssub.s32 s5, s4;
	s5 =	sadd.s32 $0xB600, s7;
	[dreg:$0x6] =	wrdreg s23  }
0x10: {  	[dreg:$0xa] =	wrdreg s1;
	s23 =	simm.s32 $0x18E20;
	s1 =	simm.s32 $0x11800  }
0x11: {  	s8 =	smul.u32 $0xA000, s4;
	s4 =	sadd.s32 $0x1800, s7;
	s22 =	sadd.s32 s5, s10  }
0x12: {  	s26 =	sadd.s32 s5, s24;
	s21 =	sadd.s32 s4, s10;
	[dreg:$0x5] =	wrdreg s22  }
0x13: {  	s25 =	sadd.s32 s4, s24;
	[dreg:$0x8] =	wrdreg s26;
	s22 =	simm.s32 $0x16EE0  }
0x14: {  	s26 =	simm.s32 $0x5000;
	s8 =	sshrl.u32 s8, $0x3;
	[dreg:$0x4] =	wrdreg s21  }
0x15: {  	[dreg:$0x7] =	wrdreg s25;
	s21 =	simm.s32 $0x14FA0;
	s25 =	simm.s32 $0x2800  }
0x16: {  	s8 =	sadd.s32 s8, s7;
	s7 =	sadd.s32 s2, s24;
	s24 =	simm.s32 $0x3  }
0x17: {  	s20 =	sadd.s32 $0x15400, s8;
	[dreg:$0x9] =	wrdreg s7;
	s7 =	simm.s32 $0x4  }
0x18: {  	v0 =	vimm.f32 $0.0e+00;
	s8 =	simm.s32 $0x0;
	[dreg:$0x3] =	wrdreg s20;
	s20 =	simm.s32 $0x17E80  }
.LBB2_1:
0x19: {  	s9 =	rddreg [dreg:$0x3]  }
0x1a: {  	[tilespmem:s3], [sflag:$0x3] =	stream.linear.gather [hbm4b:s9+s3], $0xA000, $0x38;
	[tilespmem:$0x19DC0] =	vst v63  }
0x1b: {  	s10 =	rddreg [dreg:$0x4]  }
0x1c: {  	[tilespmem:s18], [sflag:$0x1] =	stream.linear.gather [hbm4b:s10+s3], $0xFA0, $0x38;
	[tilespmem:$0x19DC0] =	vst v63  }
0x1d: {  	s11 =	rddreg [dreg:$0x5]  }
0x1e: {  	[tilespmem:s19], [sflag:$0x1] =	stream.linear.gather [hbm4b:s11+s3], $0xFA0, $0x38;
	[tilespmem:$0x19DC0] =	vst v63  }
0x1f: {  	s12 =	rddreg [dreg:$0x6]  }
0x20: {  	[tilespmem:s20], [sflag:$0x1] =	stream.linear.gather [hbm4b:s12+s3], $0xFA0, $0x38;
	[tilespmem:$0x19DC0] =	vst v63  }
0x21: {  	s13 =	rddreg [dreg:$0x7]  }
0x22: {  	[tilespmem:s21], [sflag:$0x2] =	stream.linear.gather [hbm4b:s13+s3], $0xFA0, $0x38;
	[tilespmem:$0x19DC0] =	vst v63  }
0x23: {  	s16 =	rddreg [dreg:$0x8]  }
0x24: {  	[tilespmem:s22], [sflag:$0x2] =	stream.linear.gather [hbm4b:s16+s3], $0xFA0, $0x38;
	[tilespmem:$0x19DC0] =	vst v63  }
0x25: {  	s17 =	smul.u32 $0xCCCD, s3;
	s10 =	rddreg [dreg:$0x9]  }
0x26: {  	[tilespmem:s23], [sflag:$0x2] =	stream.linear.gather [hbm4b:s10+s3], $0xFA0, $0x38;
	[tilespmem:$0x19DC0] =	vst v63  }
0x27: {  	s10 =	sshrl.u32 s17, $0x19  }
0x28: {  	s9 =	simm.s32 $0x1;
	s11 =	simm.s32 $0x0;
	s12 =	smul.u32 $0x280, s10  }
.LBB2_2:
0x29: {  	s13 =	smul.u32 $0xCCCD, s9  }
0x2a: {  	s16 =	smov.u32 s9;
	s10 =	smul.u32 $0xA000, s10;
	p0 =	sne.s32 s9, $0x9FF  }
.Ltmp0:
0x2b: {  	s11 =	ssub.s32 s11, s12;
	(pc) =	sbr.rel @p0 .LBB2_2-.Ltmp0, $4  }
0x2c: {  	s9 =	sadd.s32 $0x1, s9;
	s11 =	sand.u32 $0xFFFF, s11  }
0x2d: {  	s12 =	sshrl.u32 s10, $0x2;
	s17 =	sshll.u32 s11, $0x4;
	s11 =	smov.u32 s16  }
0x2e: {  	s10 =	sshrl.u32 s13, $0x19;
	s13 =	sadd.s32 s17, s12  }
0x2f: {  	s12 =	smul.u32 $0x280, s10;
	[tilespmem:s13+$0xA000] =	vst v0  }
0x30: {  	_ = 	snop  }
0x31: {  	s10 =	smul.u32 $0xA000, s10;
	s9 =	ssub.s32 s11, s12  }
0x32: {  	s9 =	sand.u32 $0xFFFF, s9  }
0x33: {  	s10 =	sshrl.u32 s10, $0x2;
	s9 =	sshll.u32 s9, $0x4  }
0x34: {  	s9 =	sadd.s32 s9, s10  }
0x35: {  	[tilespmem:s9+$0xA000] =	vst v0  }
0x36: {  	_ =	swait.ge [sflag:s24], $0xA000  }
0x37: {  	[sflag:s24] =	ssyncset.done $0x0  }
0x38: {  	s9 =	simm.s32 $0x0;
	[sflag:s24] =	ssyncadd.s32 $0xFFFF6000  }
.LBB2_4:
0x39: {  	_ =	swait.ge [sflag:s6], $0xFA0  }
0x3a: {  	[sflag:s6] =	ssyncset.done $0x0  }
0x3b: {  	[sflag:s6] =	ssyncadd.s32 $0xFFFFF060  }
0x3c: {  	_ =	swait.ge [sflag:s6], $0xFA0  }
0x3d: {  	[sflag:s6] =	ssyncset.done $0x0  }
0x3e: {  	[sflag:s6] =	ssyncadd.s32 $0xFFFFF060  }
0x3f: {  	_ =	swait.ge [sflag:s6], $0xFA0  }
0x40: {  	[sflag:s6] =	ssyncset.done $0x0  }
0x41: {  	s12 =	simm.s32 $0x14050;
	[sflag:s6] =	ssyncadd.s32 $0xFFFFF060  }
0x42: {  	v1 =	vld [tilespmem:s12+$0x40]  }
0x43: {  	v2 =	vld [tilespmem:s12+$0xFFFFFFC0]  }
0x44: {  	v3 =	vld [tilespmem:s12+$0xFFFFFFD0]  }
0x45: {  	v4 =	vld [tilespmem:s12+$0xFFFFFFE0]  }
0x46: {  	v5 =	vld [tilespmem:s12+$0xFFFFFFF0]  }
0x47: {  	s10 =	simm.s32 $0x17ED0;
	v6 =	vld [tilespmem:s12+$0x0]  }
0x48: {  	s11 =	simm.s32 $0x15F90;
	v7 =	vld [tilespmem:s10+$0x40]  }
0x49: {  	v8 =	vld [tilespmem:s11+$0x40]  }
0x4a: {  	v12 =	vld [tilespmem:s12+$0x10]  }
0x4b: {  	v13 =	vld [tilespmem:s12+$0x20]  }
0x4c: {  	v14 =	vld [tilespmem:s12+$0x30]  }
0x4d: {  	v15 =	vld [tilespmem:s12+$0xFFFFFFB0]  }
0x4e: {  	v37 =	vld [tilespmem:s10+$0xFFFFFFB0]  }
0x4f: {  	v38 =	vld [tilespmem:s10+$0xFFFFFFC0]  }
0x50: {  	v39 =	vld [tilespmem:s10+$0xFFFFFFD0]  }
0x51: {  	v40 =	vld [tilespmem:s10+$0xFFFFFFE0]  }
0x52: {  	v41 =	vld [tilespmem:s10+$0xFFFFFFF0]  }
0x53: {  	v42 =	vld [tilespmem:s11+$0xFFFFFFB0]  }
0x54: {  	v43 =	vld [tilespmem:s10+$0x0]  }
0x55: {  	v44 =	vld [tilespmem:s10+$0x10]  }
0x56: {  	v45 =	vld [tilespmem:s10+$0x20]  }
0x57: {  	v46 =	vld [tilespmem:s10+$0x30]  }
0x58: {  	v47 =	vld [tilespmem:s11+$0xFFFFFFC0]  }
0x59: {  	v48 =	vld [tilespmem:s11+$0xFFFFFFD0]  }
0x5a: {  	v49 =	vld [tilespmem:s11+$0xFFFFFFE0]  }
0x5b: {  	v58 =	vld [tilespmem:s11+$0xFFFFFFF0]  }
0x5c: {  	v59 =	vld [tilespmem:s11+$0x0]  }
0x5d: {  	v60 =	vld [tilespmem:s11+$0x10]  }
0x5e: {  	v61 =	vld [tilespmem:s11+$0x20]  }
0x5f: {  	v62 =	vld [tilespmem:s11+$0x30]  }
0x60: {  	v9 =	vld.idx.msk [tilespmem:v1+s3+$0x0], $0xffff  }
0x61: {  	v10 =	vld.idx.msk [tilespmem:v1+s25+$0x0], $0xffff  }
0x62: {  	v11 =	vld.idx.msk [tilespmem:v1+s26+$0x0], $0xffff  }
0x63: {  	v1 =	vld.idx.msk [tilespmem:v1+s28+$0x0], $0xffff  }
0x64: {  	v53 =	vld.idx.msk [tilespmem:v2+s25+$0x0], $0xffff  }
0x65: {  	v54 =	vld.idx.msk [tilespmem:v2+s26+$0x0], $0xffff  }
0x66: {  	v55 =	vld.idx.msk [tilespmem:v15+s3+$0x0], $0xffff  }
0x67: {  	v56 =	vld.idx.msk [tilespmem:v15+s25+$0x0], $0xffff  }
0x68: {  	v57 =	vld.idx.msk [tilespmem:v15+s26+$0x0], $0xffff  }
0x69: {  	v15 =	vld.idx.msk [tilespmem:v15+s28+$0x0], $0xffff  }
0x6a: {  	v16 =	vld.idx.msk [tilespmem:v3+s3+$0x0], $0xffff  }
0x6b: {  	v17 =	vld.idx.msk [tilespmem:v3+s25+$0x0], $0xffff  }
0x6c: {  	v18 =	vld.idx.msk [tilespmem:v3+s26+$0x0], $0xffff  }
0x6d: {  	v3 =	vld.idx.msk [tilespmem:v3+s28+$0x0], $0xffff  }
0x6e: {  	v19 =	vld.idx.msk [tilespmem:v4+s3+$0x0], $0xffff  }
0x6f: {  	v20 =	vld.idx.msk [tilespmem:v4+s25+$0x0], $0xffff  }
0x70: {  	v21 =	vld.idx.msk [tilespmem:v4+s26+$0x0], $0xffff  }
0x71: {  	v4 =	vld.idx.msk [tilespmem:v4+s28+$0x0], $0xffff  }
0x72: {  	v22 =	vld.idx.msk [tilespmem:v5+s3+$0x0], $0xffff  }
0x73: {  	v23 =	vld.idx.msk [tilespmem:v5+s25+$0x0], $0xffff  }
0x74: {  	v24 =	vld.idx.msk [tilespmem:v5+s26+$0x0], $0xffff  }
0x75: {  	v5 =	vld.idx.msk [tilespmem:v5+s28+$0x0], $0xffff  }
0x76: {  	v25 =	vld.idx.msk [tilespmem:v6+s3+$0x0], $0xffff  }
0x77: {  	v26 =	vld.idx.msk [tilespmem:v6+s25+$0x0], $0xffff  }
0x78: {  	v27 =	vld.idx.msk [tilespmem:v6+s26+$0x0], $0xffff  }
0x79: {  	v6 =	vld.idx.msk [tilespmem:v6+s28+$0x0], $0xffff  }
0x7a: {  	v28 =	vld.idx.msk [tilespmem:v12+s3+$0x0], $0xffff  }
0x7b: {  	v29 =	vld.idx.msk [tilespmem:v12+s25+$0x0], $0xffff  }
0x7c: {  	v30 =	vld.idx.msk [tilespmem:v12+s26+$0x0], $0xffff  }
0x7d: {  	v12 =	vld.idx.msk [tilespmem:v12+s28+$0x0], $0xffff  }
0x7e: {  	v31 =	vld.idx.msk [tilespmem:v13+s3+$0x0], $0xffff  }
0x7f: {  	v32 =	vld.idx.msk [tilespmem:v13+s25+$0x0], $0xffff  }
0x80: {  	v33 =	vld.idx.msk [tilespmem:v13+s26+$0x0], $0xffff  }
0x81: {  	v13 =	vld.idx.msk [tilespmem:v13+s28+$0x0], $0xffff  }
0x82: {  	v34 =	vld.idx.msk [tilespmem:v14+s3+$0x0], $0xffff  }
0x83: {  	v35 =	vld.idx.msk [tilespmem:v14+s25+$0x0], $0xffff;
	v9 =	vmul.f32 v9, v7  }
0x84: {  	v36 =	vld.idx.msk [tilespmem:v14+s26+$0x0], $0xffff;
	v10 =	vmul.f32 v10, v7  }
0x85: {  	v52 =	vmul.f32 v11, v7;
	[tilespmem:v8+s29+$0x0] =	vst.idx.add.f32.msk $0xffff, v9  }
0x86: {  	v1 =	vmul.f32 v1, v7;
	[tilespmem:v8+s30+$0x0] =	vst.idx.add.f32.msk $0xffff, v10  }
0x87: {  	[tilespmem:v8+s31+$0x0] =	vst.idx.add.f32.msk $0xffff, v52  }
0x88: {  	[tilespmem:v8+s1+$0x0] =	vst.idx.add.f32.msk $0xffff, v1  }
0x89: {  	v9 =	vmul.f32 v55, v37;
	v1 =	vld.idx.msk [tilespmem:v2+s3+$0x0], $0xffff  }
0x8a: {  	v14 =	vld.idx.msk [tilespmem:v14+s28+$0x0], $0xffff  }
0x8b: {  	v10 =	vmul.f32 v56, v37;
	[tilespmem:v42+s29+$0x0] =	vst.idx.add.f32.msk $0xffff, v9  }
0x8c: {  	v11 =	vmul.f32 v57, v37;
	v2 =	vld.idx.msk [tilespmem:v2+s28+$0x0], $0xffff  }
0x8d: {  	v15 =	vmul.f32 v15, v37;
	[tilespmem:v42+s30+$0x0] =	vst.idx.add.f32.msk $0xffff, v10  }
0x8e: {  	[tilespmem:v42+s31+$0x0] =	vst.idx.add.f32.msk $0xffff, v11;
	v1 =	vmul.f32 v1, v38  }
0x8f: {  	v7 =	vmul.f32 v53, v38;
	[tilespmem:v42+s1+$0x0] =	vst.idx.add.f32.msk $0xffff, v15  }
0x90: {  	v8 =	vmul.f32 v54, v38;
	[tilespmem:v47+s29+$0x0] =	vst.idx.add.f32.msk $0xffff, v1  }
0x91: {  	v1 =	vmul.f32 v2, v38;
	v2 =	vmul.f32 v16, v39;
	[tilespmem:v47+s30+$0x0] =	vst.idx.add.f32.msk $0xffff, v7  }
0x92: {  	[tilespmem:v47+s31+$0x0] =	vst.idx.add.f32.msk $0xffff, v8  }
0x93: {  	v63 =	vmul.f32 v17, v39;
	[tilespmem:v48+s29+$0x0] =	vst.idx.add.f32.msk $0xffff, v2  }
0x94: {  	v2 =	vmul.f32 v3, v39;
	v3 =	vmul.f32 v19, v40;
	[tilespmem:v47+s1+$0x0] =	vst.idx.add.f32.msk $0xffff, v1  }
0x95: {  	v1 =	vmul.f32 v18, v39;
	[tilespmem:v48+s30+$0x0] =	vst.idx.add.f32.msk $0xffff, v63  }
0x96: {  	[tilespmem:v49+s29+$0x0] =	vst.idx.add.f32.msk $0xffff, v3  }
0x97: {  	[tilespmem:v48+s31+$0x0] =	vst.idx.add.f32.msk $0xffff, v1;
	v1 =	vmul.f32 v20, v40  }
0x98: {  	[tilespmem:v48+s1+$0x0] =	vst.idx.add.f32.msk $0xffff, v2;
	v2 =	vmul.f32 v21, v40  }
0x99: {  	v3 =	vmul.f32 v4, v40;
	[tilespmem:v49+s30+$0x0] =	vst.idx.add.f32.msk $0xffff, v1  }
0x9a: {  	v1 =	vmul.f32 v22, v41;
	[tilespmem:v49+s31+$0x0] =	vst.idx.add.f32.msk $0xffff, v2  }
0x9b: {  	v2 =	vmul.f32 v23, v41;
	[tilespmem:v49+s1+$0x0] =	vst.idx.add.f32.msk $0xffff, v3  }
0x9c: {  	v3 =	vmul.f32 v24, v41;
	[tilespmem:v58+s29+$0x0] =	vst.idx.add.f32.msk $0xffff, v1  }
0x9d: {  	v1 =	vmul.f32 v5, v41;
	[tilespmem:v58+s30+$0x0] =	vst.idx.add.f32.msk $0xffff, v2  }
0x9e: {  	v2 =	vmul.f32 v25, v43;
	[tilespmem:v58+s31+$0x0] =	vst.idx.add.f32.msk $0xffff, v3  }
0x9f: {  	v3 =	vmul.f32 v26, v43;
	[tilespmem:v58+s1+$0x0] =	vst.idx.add.f32.msk $0xffff, v1  }
0xa0: {  	v1 =	vmul.f32 v27, v43;
	[tilespmem:v59+s29+$0x0] =	vst.idx.add.f32.msk $0xffff, v2  }
0xa1: {  	v2 =	vmul.f32 v6, v43;
	[tilespmem:v59+s30+$0x0] =	vst.idx.add.f32.msk $0xffff, v3  }
0xa2: {  	v3 =	vmul.f32 v28, v44;
	[tilespmem:v59+s31+$0x0] =	vst.idx.add.f32.msk $0xffff, v1  }
0xa3: {  	v1 =	vmul.f32 v29, v44;
	[tilespmem:v59+s1+$0x0] =	vst.idx.add.f32.msk $0xffff, v2  }
0xa4: {  	v2 =	vmul.f32 v30, v44;
	[tilespmem:v60+s29+$0x0] =	vst.idx.add.f32.msk $0xffff, v3  }
0xa5: {  	v3 =	vmul.f32 v12, v44;
	[tilespmem:v60+s30+$0x0] =	vst.idx.add.f32.msk $0xffff, v1  }
0xa6: {  	v1 =	vmul.f32 v31, v45;
	[tilespmem:v60+s31+$0x0] =	vst.idx.add.f32.msk $0xffff, v2  }
0xa7: {  	v2 =	vmul.f32 v32, v45;
	[tilespmem:v60+s1+$0x0] =	vst.idx.add.f32.msk $0xffff, v3  }
0xa8: {  	v3 =	vmul.f32 v33, v45;
	[tilespmem:v61+s29+$0x0] =	vst.idx.add.f32.msk $0xffff, v1  }
0xa9: {  	v1 =	vmul.f32 v13, v45;
	[tilespmem:v61+s30+$0x0] =	vst.idx.add.f32.msk $0xffff, v2  }
0xaa: {  	v2 =	vmul.f32 v34, v46;
	[tilespmem:v61+s31+$0x0] =	vst.idx.add.f32.msk $0xffff, v3  }
0xab: {  	v3 =	vmul.f32 v35, v46;
	[tilespmem:v61+s1+$0x0] =	vst.idx.add.f32.msk $0xffff, v1  }
0xac: {  	v1 =	vmul.f32 v36, v46;
	[tilespmem:v62+s29+$0x0] =	vst.idx.add.f32.msk $0xffff, v2  }
0xad: {  	v2 =	vmul.f32 v14, v46;
	[tilespmem:v62+s30+$0x0] =	vst.idx.add.f32.msk $0xffff, v3  }
0xae: {  	[tilespmem:v62+s31+$0x0] =	vst.idx.add.f32.msk $0xffff, v1  }
0xaf: {  	s13 =	simm.s32 $0x140F0;
	s12 =	simm.s32 $0x0;
	[tilespmem:v62+s1+$0x0] =	vst.idx.add.f32.msk $0xffff, v2  }
.LBB2_5:
0xb0: {  	v1 =	vld [tilespmem:s13+$0x40]  }
0xb1: {  	v2 =	vld [tilespmem:s13+$0xFFFFFFC0]  }
0xb2: {  	v3 =	vld [tilespmem:s13+$0xFFFFFFD0]  }
0xb3: {  	s12 =	sadd.s32 $0xA, s12;
	v4 =	vld [tilespmem:s13+$0xFFFFFFE0]  }
0xb4: {  	p0 =	slt.u32 s12, $0xF0;
	v5 =	vld [tilespmem:s13+$0xFFFFFFF0]  }
0xb5: {  	s10 =	sadd.s32 $0xA0, s10;
	v6 =	vld [tilespmem:s13+$0x0]  }
0xb6: {  	s11 =	sadd.s32 $0xA0, s11;
	v7 =	vld [tilespmem:s10+$0x40]  }
0xb7: {  	v8 =	vld [tilespmem:s11+$0x40]  }
0xb8: {  	v9 =	vld.idx.msk [tilespmem:v1+s3+$0x0], $0xffff  }
0xb9: {  	v10 =	vld.idx.msk [tilespmem:v1+s25+$0x0], $0xffff  }
0xba: {  	v11 =	vld.idx.msk [tilespmem:v1+s26+$0x0], $0xffff  }
0xbb: {  	v1 =	vld.idx.msk [tilespmem:v1+s28+$0x0], $0xffff  }
0xbc: {  	v12 =	vld [tilespmem:s13+$0x10]  }
0xbd: {  	v13 =	vld [tilespmem:s13+$0x20]  }
0xbe: {  	v9 =	vmul.f32 v9, v7;
	v14 =	vld [tilespmem:s13+$0x30]  }
0xbf: {  	v10 =	vmul.f32 v10, v7;
	v15 =	vld [tilespmem:s13+$0xFFFFFFB0]  }
0xc0: {  	[tilespmem:v8+s29+$0x0] =	vst.idx.add.f32.msk $0xffff, v9;
	v9 =	vmul.f32 v11, v7  }
0xc1: {  	v1 =	vmul.f32 v1, v7;
	[tilespmem:v8+s30+$0x0] =	vst.idx.add.f32.msk $0xffff, v10  }
0xc2: {  	[tilespmem:v8+s31+$0x0] =	vst.idx.add.f32.msk $0xffff, v9  }
0xc3: {  	[tilespmem:v8+s1+$0x0] =	vst.idx.add.f32.msk $0xffff, v1  }
0xc4: {  	v1 =	vld.idx.msk [tilespmem:v2+s3+$0x0], $0xffff  }
0xc5: {  	v7 =	vld.idx.msk [tilespmem:v2+s25+$0x0], $0xffff  }
0xc6: {  	v8 =	vld.idx.msk [tilespmem:v2+s26+$0x0], $0xffff  }
0xc7: {  	v9 =	vld.idx.msk [tilespmem:v15+s3+$0x0], $0xffff  }
0xc8: {  	v10 =	vld.idx.msk [tilespmem:v15+s25+$0x0], $0xffff  }
0xc9: {  	v11 =	vld.idx.msk [tilespmem:v15+s26+$0x0], $0xffff  }
0xca: {  	v15 =	vld.idx.msk [tilespmem:v15+s28+$0x0], $0xffff  }
0xcb: {  	v2 =	vld.idx.msk [tilespmem:v2+s28+$0x0], $0xffff  }
0xcc: {  	v16 =	vld.idx.msk [tilespmem:v3+s3+$0x0], $0xffff  }
0xcd: {  	v17 =	vld.idx.msk [tilespmem:v3+s25+$0x0], $0xffff  }
0xce: {  	v18 =	vld.idx.msk [tilespmem:v3+s26+$0x0], $0xffff  }
0xcf: {  	v3 =	vld.idx.msk [tilespmem:v3+s28+$0x0], $0xffff  }
0xd0: {  	v19 =	vld.idx.msk [tilespmem:v4+s3+$0x0], $0xffff  }
0xd1: {  	v20 =	vld.idx.msk [tilespmem:v4+s25+$0x0], $0xffff  }
0xd2: {  	v21 =	vld.idx.msk [tilespmem:v4+s26+$0x0], $0xffff  }
0xd3: {  	v4 =	vld.idx.msk [tilespmem:v4+s28+$0x0], $0xffff  }
0xd4: {  	v22 =	vld.idx.msk [tilespmem:v5+s3+$0x0], $0xffff  }
0xd5: {  	v23 =	vld.idx.msk [tilespmem:v5+s25+$0x0], $0xffff  }
0xd6: {  	v24 =	vld.idx.msk [tilespmem:v5+s26+$0x0], $0xffff  }
0xd7: {  	v5 =	vld.idx.msk [tilespmem:v5+s28+$0x0], $0xffff  }
0xd8: {  	v25 =	vld.idx.msk [tilespmem:v6+s3+$0x0], $0xffff  }
0xd9: {  	v26 =	vld.idx.msk [tilespmem:v6+s25+$0x0], $0xffff  }
0xda: {  	v27 =	vld.idx.msk [tilespmem:v6+s26+$0x0], $0xffff  }
0xdb: {  	v6 =	vld.idx.msk [tilespmem:v6+s28+$0x0], $0xffff  }
0xdc: {  	v28 =	vld.idx.msk [tilespmem:v12+s3+$0x0], $0xffff  }
0xdd: {  	v29 =	vld.idx.msk [tilespmem:v12+s25+$0x0], $0xffff  }
0xde: {  	v30 =	vld.idx.msk [tilespmem:v12+s26+$0x0], $0xffff  }
0xdf: {  	v12 =	vld.idx.msk [tilespmem:v12+s28+$0x0], $0xffff  }
0xe0: {  	v31 =	vld.idx.msk [tilespmem:v13+s3+$0x0], $0xffff  }
0xe1: {  	v32 =	vld.idx.msk [tilespmem:v13+s25+$0x0], $0xffff  }
0xe2: {  	v33 =	vld.idx.msk [tilespmem:v13+s26+$0x0], $0xffff  }
0xe3: {  	v13 =	vld.idx.msk [tilespmem:v13+s28+$0x0], $0xffff  }
0xe4: {  	v34 =	vld.idx.msk [tilespmem:v14+s3+$0x0], $0xffff  }
0xe5: {  	v35 =	vld.idx.msk [tilespmem:v14+s25+$0x0], $0xffff  }
0xe6: {  	v36 =	vld.idx.msk [tilespmem:v14+s26+$0x0], $0xffff  }
0xe7: {  	v14 =	vld.idx.msk [tilespmem:v14+s28+$0x0], $0xffff  }
0xe8: {  	v37 =	vld [tilespmem:s10+$0xFFFFFFB0]  }
0xe9: {  	v38 =	vld [tilespmem:s10+$0xFFFFFFC0]  }
0xea: {  	v39 =	vld [tilespmem:s10+$0xFFFFFFD0]  }
0xeb: {  	v40 =	vld [tilespmem:s10+$0xFFFFFFE0]  }
0xec: {  	v41 =	vld [tilespmem:s10+$0xFFFFFFF0]  }
0xed: {  	v9 =	vmul.f32 v9, v37;
	v10 =	vmul.f32 v10, v37;
	v42 =	vld [tilespmem:s10+$0x0]  }
0xee: {  	v11 =	vmul.f32 v11, v37;
	v15 =	vmul.f32 v15, v37;
	v37 =	vld [tilespmem:s10+$0x10]  }
0xef: {  	v1 =	vmul.f32 v1, v38;
	v7 =	vmul.f32 v7, v38;
	v43 =	vld [tilespmem:s10+$0x20]  }
0xf0: {  	v8 =	vmul.f32 v8, v38;
	v2 =	vmul.f32 v2, v38;
	v38 =	vld [tilespmem:s10+$0x30]  }
0xf1: {  	v16 =	vmul.f32 v16, v39;
	v17 =	vmul.f32 v17, v39;
	v44 =	vld [tilespmem:s11+$0xFFFFFFB0]  }
0xf2: {  	v18 =	vmul.f32 v18, v39;
	v3 =	vmul.f32 v3, v39;
	v45 =	vld [tilespmem:s11+$0xFFFFFFC0]  }
0xf3: {  	v19 =	vmul.f32 v19, v40;
	v20 =	vmul.f32 v20, v40;
	v39 =	vld [tilespmem:s11+$0xFFFFFFD0]  }
0xf4: {  	v21 =	vmul.f32 v21, v40;
	v4 =	vmul.f32 v4, v40;
	v46 =	vld [tilespmem:s11+$0xFFFFFFE0]  }
0xf5: {  	v22 =	vmul.f32 v22, v41;
	v23 =	vmul.f32 v23, v41;
	v40 =	vld [tilespmem:s11+$0xFFFFFFF0]  }
0xf6: {  	v24 =	vmul.f32 v24, v41;
	v5 =	vmul.f32 v5, v41;
	v41 =	vld [tilespmem:s11+$0x0]  }
0xf7: {  	v25 =	vmul.f32 v25, v42;
	v26 =	vmul.f32 v26, v42;
	v47 =	vld [tilespmem:s11+$0x10]  }
0xf8: {  	v27 =	vmul.f32 v27, v42;
	v6 =	vmul.f32 v6, v42;
	v42 =	vld [tilespmem:s11+$0x20]  }
0xf9: {  	v28 =	vmul.f32 v28, v37;
	v29 =	vmul.f32 v29, v37;
	v48 =	vld [tilespmem:s11+$0x30]  }
0xfa: {  	v12 =	vmul.f32 v12, v37;
	[tilespmem:v44+s29+$0x0] =	vst.idx.add.f32.msk $0xffff, v9;
	v9 =	vmul.f32 v30, v37  }
0xfb: {  	v30 =	vmul.f32 v32, v43;
	[tilespmem:v44+s30+$0x0] =	vst.idx.add.f32.msk $0xffff, v10;
	v10 =	vmul.f32 v31, v43  }
0xfc: {  	v13 =	vmul.f32 v13, v43;
	[tilespmem:v44+s31+$0x0] =	vst.idx.add.f32.msk $0xffff, v11;
	v11 =	vmul.f32 v33, v43  }
0xfd: {  	v31 =	vmul.f32 v35, v38;
	[tilespmem:v44+s1+$0x0] =	vst.idx.add.f32.msk $0xffff, v15;
	v15 =	vmul.f32 v34, v38  }
0xfe: {  	v14 =	vmul.f32 v14, v38;
	[tilespmem:v45+s29+$0x0] =	vst.idx.add.f32.msk $0xffff, v1;
	v1 =	vmul.f32 v36, v38  }
0xff: {  	[tilespmem:v45+s30+$0x0] =	vst.idx.add.f32.msk $0xffff, v7  }
0x100: {  	[tilespmem:v45+s31+$0x0] =	vst.idx.add.f32.msk $0xffff, v8  }
0x101: {  	[tilespmem:v45+s1+$0x0] =	vst.idx.add.f32.msk $0xffff, v2  }
0x102: {  	[tilespmem:v39+s29+$0x0] =	vst.idx.add.f32.msk $0xffff, v16  }
0x103: {  	[tilespmem:v39+s30+$0x0] =	vst.idx.add.f32.msk $0xffff, v17  }
0x104: {  	[tilespmem:v39+s31+$0x0] =	vst.idx.add.f32.msk $0xffff, v18  }
0x105: {  	[tilespmem:v39+s1+$0x0] =	vst.idx.add.f32.msk $0xffff, v3  }
0x106: {  	[tilespmem:v46+s29+$0x0] =	vst.idx.add.f32.msk $0xffff, v19  }
0x107: {  	[tilespmem:v46+s30+$0x0] =	vst.idx.add.f32.msk $0xffff, v20  }
0x108: {  	[tilespmem:v46+s31+$0x0] =	vst.idx.add.f32.msk $0xffff, v21  }
0x109: {  	[tilespmem:v46+s1+$0x0] =	vst.idx.add.f32.msk $0xffff, v4  }
0x10a: {  	[tilespmem:v40+s29+$0x0] =	vst.idx.add.f32.msk $0xffff, v22  }
0x10b: {  	[tilespmem:v40+s30+$0x0] =	vst.idx.add.f32.msk $0xffff, v23  }
0x10c: {  	[tilespmem:v40+s31+$0x0] =	vst.idx.add.f32.msk $0xffff, v24  }
0x10d: {  	[tilespmem:v40+s1+$0x0] =	vst.idx.add.f32.msk $0xffff, v5  }
0x10e: {  	[tilespmem:v41+s29+$0x0] =	vst.idx.add.f32.msk $0xffff, v25  }
0x10f: {  	[tilespmem:v41+s30+$0x0] =	vst.idx.add.f32.msk $0xffff, v26  }
0x110: {  	[tilespmem:v41+s31+$0x0] =	vst.idx.add.f32.msk $0xffff, v27  }
0x111: {  	[tilespmem:v41+s1+$0x0] =	vst.idx.add.f32.msk $0xffff, v6  }
0x112: {  	[tilespmem:v47+s29+$0x0] =	vst.idx.add.f32.msk $0xffff, v28  }
0x113: {  	[tilespmem:v47+s30+$0x0] =	vst.idx.add.f32.msk $0xffff, v29  }
0x114: {  	[tilespmem:v47+s31+$0x0] =	vst.idx.add.f32.msk $0xffff, v9  }
0x115: {  	[tilespmem:v47+s1+$0x0] =	vst.idx.add.f32.msk $0xffff, v12  }
0x116: {  	[tilespmem:v42+s29+$0x0] =	vst.idx.add.f32.msk $0xffff, v10  }
0x117: {  	[tilespmem:v42+s30+$0x0] =	vst.idx.add.f32.msk $0xffff, v30  }
0x118: {  	[tilespmem:v42+s31+$0x0] =	vst.idx.add.f32.msk $0xffff, v11  }
.Ltmp1:
0x119: {  	[tilespmem:v42+s1+$0x0] =	vst.idx.add.f32.msk $0xffff, v13;
	(pc) =	sbr.rel @p0 .LBB2_5-.Ltmp1, $4  }
0x11a: {  	[tilespmem:v48+s29+$0x0] =	vst.idx.add.f32.msk $0xffff, v15  }
0x11b: {  	[tilespmem:v48+s30+$0x0] =	vst.idx.add.f32.msk $0xffff, v31  }
0x11c: {  	[tilespmem:v48+s31+$0x0] =	vst.idx.add.f32.msk $0xffff, v1  }
0x11d: {  	s13 =	sadd.s32 $0xA0, s13;
	[tilespmem:v48+s1+$0x0] =	vst.idx.add.f32.msk $0xffff, v14  }
0x11e: {  	s10 =	smul.u32 $0x1F40, s9;
	_ =	sdelay $0x1  }
0x11f: {  	s11 =	sadd.s32 s10, s14  }
0x120: {  	s11 =	sshrl.u32 s11, $0x3  }
0x121: {  	s12 =	sadd.s32 s4, s11  }
0x122: {  	[tilespmem:s18], [sflag:$0x1] =	stream.linear.gather [hbm4b:s12+s3], $0xFA0, $0x38;
	[tilespmem:$0x19DC0] =	vst v63  }
0x123: {  	s17 =	sadd.s32 s5, s11  }
0x124: {  	[tilespmem:s19], [sflag:$0x1] =	stream.linear.gather [hbm4b:s17+s3], $0xFA0, $0x38;
	[tilespmem:$0x19DC0] =	vst v63  }
0x125: {  	s11 =	sadd.s32 s2, s11  }
0x126: {  	[tilespmem:s20], [sflag:$0x1] =	stream.linear.gather [hbm4b:s11+s3], $0xFA0, $0x38;
	[tilespmem:$0x19DC0] =	vst v63  }
0x127: {  	_ =	swait.ge [sflag:s0], $0xFA0  }
0x128: {  	[sflag:s0] =	ssyncset.done $0x0  }
0x129: {  	[sflag:s0] =	ssyncadd.s32 $0xFFFFF060  }
0x12a: {  	_ =	swait.ge [sflag:s0], $0xFA0  }
0x12b: {  	[sflag:s0] =	ssyncset.done $0x0  }
0x12c: {  	[sflag:s0] =	ssyncadd.s32 $0xFFFFF060  }
0x12d: {  	_ =	swait.ge [sflag:s0], $0xFA0  }
0x12e: {  	[sflag:s0] =	ssyncset.done $0x0  }
0x12f: {  	s13 =	simm.s32 $0x14FF0;
	[sflag:s0] =	ssyncadd.s32 $0xFFFFF060  }
0x130: {  	v1 =	vld [tilespmem:s13+$0x40]  }
0x131: {  	v2 =	vld [tilespmem:s13+$0xFFFFFFC0]  }
0x132: {  	v3 =	vld [tilespmem:s13+$0xFFFFFFD0]  }
0x133: {  	v4 =	vld [tilespmem:s13+$0xFFFFFFE0]  }
0x134: {  	v5 =	vld [tilespmem:s13+$0xFFFFFFF0]  }
0x135: {  	s11 =	simm.s32 $0x18E70;
	v6 =	vld [tilespmem:s13+$0x0]  }
0x136: {  	s12 =	simm.s32 $0x16F30;
	v7 =	vld [tilespmem:s11+$0x40]  }
0x137: {  	v8 =	vld [tilespmem:s12+$0x40]  }
0x138: {  	v12 =	vld [tilespmem:s13+$0x10]  }
0x139: {  	v13 =	vld [tilespmem:s13+$0x20]  }
0x13a: {  	v14 =	vld [tilespmem:s13+$0x30]  }
0x13b: {  	v15 =	vld [tilespmem:s13+$0xFFFFFFB0]  }
0x13c: {  	v37 =	vld [tilespmem:s11+$0xFFFFFFB0]  }
0x13d: {  	v38 =	vld [tilespmem:s11+$0xFFFFFFC0]  }
0x13e: {  	v39 =	vld [tilespmem:s11+$0xFFFFFFD0]  }
0x13f: {  	v40 =	vld [tilespmem:s11+$0xFFFFFFE0]  }
0x140: {  	v41 =	vld [tilespmem:s11+$0xFFFFFFF0]  }
0x141: {  	v42 =	vld [tilespmem:s12+$0xFFFFFFB0]  }
0x142: {  	v43 =	vld [tilespmem:s11+$0x0]  }
0x143: {  	v44 =	vld [tilespmem:s11+$0x10]  }
0x144: {  	v45 =	vld [tilespmem:s11+$0x20]  }
0x145: {  	v46 =	vld [tilespmem:s11+$0x30]  }
0x146: {  	v47 =	vld [tilespmem:s12+$0xFFFFFFC0]  }
0x147: {  	v48 =	vld [tilespmem:s12+$0xFFFFFFD0]  }
0x148: {  	v49 =	vld [tilespmem:s12+$0xFFFFFFE0]  }
0x149: {  	v58 =	vld [tilespmem:s12+$0xFFFFFFF0]  }
0x14a: {  	v59 =	vld [tilespmem:s12+$0x0]  }
0x14b: {  	v60 =	vld [tilespmem:s12+$0x10]  }
0x14c: {  	v61 =	vld [tilespmem:s12+$0x20]  }
0x14d: {  	v62 =	vld [tilespmem:s12+$0x30]  }
0x14e: {  	v9 =	vld.idx.msk [tilespmem:v1+s3+$0x0], $0xffff  }
0x14f: {  	v10 =	vld.idx.msk [tilespmem:v1+s25+$0x0], $0xffff  }
0x150: {  	v11 =	vld.idx.msk [tilespmem:v1+s26+$0x0], $0xffff  }
0x151: {  	v1 =	vld.idx.msk [tilespmem:v1+s28+$0x0], $0xffff  }
0x152: {  	v53 =	vld.idx.msk [tilespmem:v2+s25+$0x0], $0xffff  }
0x153: {  	v54 =	vld.idx.msk [tilespmem:v2+s26+$0x0], $0xffff  }
0x154: {  	v55 =	vld.idx.msk [tilespmem:v15+s3+$0x0], $0xffff  }
0x155: {  	v56 =	vld.idx.msk [tilespmem:v15+s25+$0x0], $0xffff  }
0x156: {  	v57 =	vld.idx.msk [tilespmem:v15+s26+$0x0], $0xffff  }
0x157: {  	v15 =	vld.idx.msk [tilespmem:v15+s28+$0x0], $0xffff  }
0x158: {  	v16 =	vld.idx.msk [tilespmem:v3+s3+$0x0], $0xffff  }
0x159: {  	v17 =	vld.idx.msk [tilespmem:v3+s25+$0x0], $0xffff  }
0x15a: {  	v18 =	vld.idx.msk [tilespmem:v3+s26+$0x0], $0xffff  }
0x15b: {  	v3 =	vld.idx.msk [tilespmem:v3+s28+$0x0], $0xffff  }
0x15c: {  	v19 =	vld.idx.msk [tilespmem:v4+s3+$0x0], $0xffff  }
0x15d: {  	v20 =	vld.idx.msk [tilespmem:v4+s25+$0x0], $0xffff  }
0x15e: {  	v21 =	vld.idx.msk [tilespmem:v4+s26+$0x0], $0xffff  }
0x15f: {  	v4 =	vld.idx.msk [tilespmem:v4+s28+$0x0], $0xffff  }
0x160: {  	v22 =	vld.idx.msk [tilespmem:v5+s3+$0x0], $0xffff  }
0x161: {  	v23 =	vld.idx.msk [tilespmem:v5+s25+$0x0], $0xffff  }
0x162: {  	v24 =	vld.idx.msk [tilespmem:v5+s26+$0x0], $0xffff  }
0x163: {  	v5 =	vld.idx.msk [tilespmem:v5+s28+$0x0], $0xffff  }
0x164: {  	v25 =	vld.idx.msk [tilespmem:v6+s3+$0x0], $0xffff  }
0x165: {  	v26 =	vld.idx.msk [tilespmem:v6+s25+$0x0], $0xffff  }
0x166: {  	v27 =	vld.idx.msk [tilespmem:v6+s26+$0x0], $0xffff  }
0x167: {  	v6 =	vld.idx.msk [tilespmem:v6+s28+$0x0], $0xffff  }
0x168: {  	v28 =	vld.idx.msk [tilespmem:v12+s3+$0x0], $0xffff  }
0x169: {  	v29 =	vld.idx.msk [tilespmem:v12+s25+$0x0], $0xffff  }
0x16a: {  	v30 =	vld.idx.msk [tilespmem:v12+s26+$0x0], $0xffff  }
0x16b: {  	v12 =	vld.idx.msk [tilespmem:v12+s28+$0x0], $0xffff  }
0x16c: {  	v31 =	vld.idx.msk [tilespmem:v13+s3+$0x0], $0xffff  }
0x16d: {  	v32 =	vld.idx.msk [tilespmem:v13+s25+$0x0], $0xffff  }
0x16e: {  	v33 =	vld.idx.msk [tilespmem:v13+s26+$0x0], $0xffff  }
0x16f: {  	v13 =	vld.idx.msk [tilespmem:v13+s28+$0x0], $0xffff  }
0x170: {  	v34 =	vld.idx.msk [tilespmem:v14+s3+$0x0], $0xffff  }
0x171: {  	v35 =	vld.idx.msk [tilespmem:v14+s25+$0x0], $0xffff;
	v9 =	vmul.f32 v9, v7  }
0x172: {  	v36 =	vld.idx.msk [tilespmem:v14+s26+$0x0], $0xffff;
	v10 =	vmul.f32 v10, v7  }
0x173: {  	v52 =	vmul.f32 v11, v7;
	[tilespmem:v8+s29+$0x0] =	vst.idx.add.f32.msk $0xffff, v9  }
0x174: {  	v1 =	vmul.f32 v1, v7;
	[tilespmem:v8+s30+$0x0] =	vst.idx.add.f32.msk $0xffff, v10  }
0x175: {  	[tilespmem:v8+s31+$0x0] =	vst.idx.add.f32.msk $0xffff, v52  }
0x176: {  	[tilespmem:v8+s1+$0x0] =	vst.idx.add.f32.msk $0xffff, v1  }
0x177: {  	v9 =	vmul.f32 v55, v37;
	v1 =	vld.idx.msk [tilespmem:v2+s3+$0x0], $0xffff  }
0x178: {  	v14 =	vld.idx.msk [tilespmem:v14+s28+$0x0], $0xffff  }
0x179: {  	v10 =	vmul.f32 v56, v37;
	[tilespmem:v42+s29+$0x0] =	vst.idx.add.f32.msk $0xffff, v9  }
0x17a: {  	v11 =	vmul.f32 v57, v37;
	v2 =	vld.idx.msk [tilespmem:v2+s28+$0x0], $0xffff  }
0x17b: {  	v15 =	vmul.f32 v15, v37;
	[tilespmem:v42+s30+$0x0] =	vst.idx.add.f32.msk $0xffff, v10  }
0x17c: {  	[tilespmem:v42+s31+$0x0] =	vst.idx.add.f32.msk $0xffff, v11;
	v1 =	vmul.f32 v1, v38  }
0x17d: {  	v7 =	vmul.f32 v53, v38;
	[tilespmem:v42+s1+$0x0] =	vst.idx.add.f32.msk $0xffff, v15  }
0x17e: {  	v8 =	vmul.f32 v54, v38;
	[tilespmem:v47+s29+$0x0] =	vst.idx.add.f32.msk $0xffff, v1  }
0x17f: {  	v1 =	vmul.f32 v2, v38;
	v2 =	vmul.f32 v16, v39;
	[tilespmem:v47+s30+$0x0] =	vst.idx.add.f32.msk $0xffff, v7  }
0x180: {  	[tilespmem:v47+s31+$0x0] =	vst.idx.add.f32.msk $0xffff, v8  }
0x181: {  	v63 =	vmul.f32 v17, v39;
	[tilespmem:v48+s29+$0x0] =	vst.idx.add.f32.msk $0xffff, v2  }
0x182: {  	v2 =	vmul.f32 v3, v39;
	v3 =	vmul.f32 v19, v40;
	[tilespmem:v47+s1+$0x0] =	vst.idx.add.f32.msk $0xffff, v1  }
0x183: {  	v1 =	vmul.f32 v18, v39;
	[tilespmem:v48+s30+$0x0] =	vst.idx.add.f32.msk $0xffff, v63  }
0x184: {  	[tilespmem:v49+s29+$0x0] =	vst.idx.add.f32.msk $0xffff, v3  }
0x185: {  	[tilespmem:v48+s31+$0x0] =	vst.idx.add.f32.msk $0xffff, v1;
	v1 =	vmul.f32 v20, v40  }
0x186: {  	[tilespmem:v48+s1+$0x0] =	vst.idx.add.f32.msk $0xffff, v2;
	v2 =	vmul.f32 v21, v40  }
0x187: {  	v3 =	vmul.f32 v4, v40;
	[tilespmem:v49+s30+$0x0] =	vst.idx.add.f32.msk $0xffff, v1  }
0x188: {  	v1 =	vmul.f32 v22, v41;
	[tilespmem:v49+s31+$0x0] =	vst.idx.add.f32.msk $0xffff, v2  }
0x189: {  	v2 =	vmul.f32 v23, v41;
	[tilespmem:v49+s1+$0x0] =	vst.idx.add.f32.msk $0xffff, v3  }
0x18a: {  	v3 =	vmul.f32 v24, v41;
	[tilespmem:v58+s29+$0x0] =	vst.idx.add.f32.msk $0xffff, v1  }
0x18b: {  	v1 =	vmul.f32 v5, v41;
	[tilespmem:v58+s30+$0x0] =	vst.idx.add.f32.msk $0xffff, v2  }
0x18c: {  	v2 =	vmul.f32 v25, v43;
	[tilespmem:v58+s31+$0x0] =	vst.idx.add.f32.msk $0xffff, v3  }
0x18d: {  	v3 =	vmul.f32 v26, v43;
	[tilespmem:v58+s1+$0x0] =	vst.idx.add.f32.msk $0xffff, v1  }
0x18e: {  	v1 =	vmul.f32 v27, v43;
	[tilespmem:v59+s29+$0x0] =	vst.idx.add.f32.msk $0xffff, v2  }
0x18f: {  	v2 =	vmul.f32 v6, v43;
	[tilespmem:v59+s30+$0x0] =	vst.idx.add.f32.msk $0xffff, v3  }
0x190: {  	v3 =	vmul.f32 v28, v44;
	[tilespmem:v59+s31+$0x0] =	vst.idx.add.f32.msk $0xffff, v1  }
0x191: {  	v1 =	vmul.f32 v29, v44;
	[tilespmem:v59+s1+$0x0] =	vst.idx.add.f32.msk $0xffff, v2  }
0x192: {  	v2 =	vmul.f32 v30, v44;
	[tilespmem:v60+s29+$0x0] =	vst.idx.add.f32.msk $0xffff, v3  }
0x193: {  	v3 =	vmul.f32 v12, v44;
	[tilespmem:v60+s30+$0x0] =	vst.idx.add.f32.msk $0xffff, v1  }
0x194: {  	v1 =	vmul.f32 v31, v45;
	[tilespmem:v60+s31+$0x0] =	vst.idx.add.f32.msk $0xffff, v2  }
0x195: {  	v2 =	vmul.f32 v32, v45;
	[tilespmem:v60+s1+$0x0] =	vst.idx.add.f32.msk $0xffff, v3  }
0x196: {  	v3 =	vmul.f32 v33, v45;
	[tilespmem:v61+s29+$0x0] =	vst.idx.add.f32.msk $0xffff, v1  }
0x197: {  	v1 =	vmul.f32 v13, v45;
	[tilespmem:v61+s30+$0x0] =	vst.idx.add.f32.msk $0xffff, v2  }
0x198: {  	v2 =	vmul.f32 v34, v46;
	[tilespmem:v61+s31+$0x0] =	vst.idx.add.f32.msk $0xffff, v3  }
0x199: {  	v3 =	vmul.f32 v35, v46;
	[tilespmem:v61+s1+$0x0] =	vst.idx.add.f32.msk $0xffff, v1  }
0x19a: {  	v1 =	vmul.f32 v36, v46;
	[tilespmem:v62+s29+$0x0] =	vst.idx.add.f32.msk $0xffff, v2  }
0x19b: {  	v2 =	vmul.f32 v14, v46;
	[tilespmem:v62+s30+$0x0] =	vst.idx.add.f32.msk $0xffff, v3  }
0x19c: {  	[tilespmem:v62+s31+$0x0] =	vst.idx.add.f32.msk $0xffff, v1  }
0x19d: {  	s16 =	simm.s32 $0x15090;
	s13 =	simm.s32 $0x0;
	[tilespmem:v62+s1+$0x0] =	vst.idx.add.f32.msk $0xffff, v2  }
.LBB2_7:
0x19e: {  	v1 =	vld [tilespmem:s16+$0x40]  }
0x19f: {  	v2 =	vld [tilespmem:s16+$0xFFFFFFC0]  }
0x1a0: {  	v3 =	vld [tilespmem:s16+$0xFFFFFFD0]  }
0x1a1: {  	s13 =	sadd.s32 $0xA, s13;
	v4 =	vld [tilespmem:s16+$0xFFFFFFE0]  }
0x1a2: {  	p0 =	slt.u32 s13, $0xF0;
	v5 =	vld [tilespmem:s16+$0xFFFFFFF0]  }
0x1a3: {  	s11 =	sadd.s32 $0xA0, s11;
	v6 =	vld [tilespmem:s16+$0x0]  }
0x1a4: {  	s12 =	sadd.s32 $0xA0, s12;
	v7 =	vld [tilespmem:s11+$0x40]  }
0x1a5: {  	v8 =	vld [tilespmem:s12+$0x40]  }
0x1a6: {  	v9 =	vld.idx.msk [tilespmem:v1+s3+$0x0], $0xffff  }
0x1a7: {  	v10 =	vld.idx.msk [tilespmem:v1+s25+$0x0], $0xffff  }
0x1a8: {  	v11 =	vld.idx.msk [tilespmem:v1+s26+$0x0], $0xffff  }
0x1a9: {  	v1 =	vld.idx.msk [tilespmem:v1+s28+$0x0], $0xffff  }
0x1aa: {  	v12 =	vld [tilespmem:s16+$0x10]  }
0x1ab: {  	v13 =	vld [tilespmem:s16+$0x20]  }
0x1ac: {  	v9 =	vmul.f32 v9, v7;
	v14 =	vld [tilespmem:s16+$0x30]  }
0x1ad: {  	v10 =	vmul.f32 v10, v7;
	v15 =	vld [tilespmem:s16+$0xFFFFFFB0]  }
0x1ae: {  	[tilespmem:v8+s29+$0x0] =	vst.idx.add.f32.msk $0xffff, v9;
	v9 =	vmul.f32 v11, v7  }
0x1af: {  	v1 =	vmul.f32 v1, v7;
	[tilespmem:v8+s30+$0x0] =	vst.idx.add.f32.msk $0xffff, v10  }
0x1b0: {  	[tilespmem:v8+s31+$0x0] =	vst.idx.add.f32.msk $0xffff, v9  }
0x1b1: {  	[tilespmem:v8+s1+$0x0] =	vst.idx.add.f32.msk $0xffff, v1  }
0x1b2: {  	v1 =	vld.idx.msk [tilespmem:v2+s3+$0x0], $0xffff  }
0x1b3: {  	v7 =	vld.idx.msk [tilespmem:v2+s25+$0x0], $0xffff  }
0x1b4: {  	v8 =	vld.idx.msk [tilespmem:v2+s26+$0x0], $0xffff  }
0x1b5: {  	v9 =	vld.idx.msk [tilespmem:v15+s3+$0x0], $0xffff  }
0x1b6: {  	v10 =	vld.idx.msk [tilespmem:v15+s25+$0x0], $0xffff  }
0x1b7: {  	v11 =	vld.idx.msk [tilespmem:v15+s26+$0x0], $0xffff  }
0x1b8: {  	v15 =	vld.idx.msk [tilespmem:v15+s28+$0x0], $0xffff  }
0x1b9: {  	v2 =	vld.idx.msk [tilespmem:v2+s28+$0x0], $0xffff  }
0x1ba: {  	v16 =	vld.idx.msk [tilespmem:v3+s3+$0x0], $0xffff  }
0x1bb: {  	v17 =	vld.idx.msk [tilespmem:v3+s25+$0x0], $0xffff  }
0x1bc: {  	v18 =	vld.idx.msk [tilespmem:v3+s26+$0x0], $0xffff  }
0x1bd: {  	v3 =	vld.idx.msk [tilespmem:v3+s28+$0x0], $0xffff  }
0x1be: {  	v19 =	vld.idx.msk [tilespmem:v4+s3+$0x0], $0xffff  }
0x1bf: {  	v20 =	vld.idx.msk [tilespmem:v4+s25+$0x0], $0xffff  }
0x1c0: {  	v21 =	vld.idx.msk [tilespmem:v4+s26+$0x0], $0xffff  }
0x1c1: {  	v4 =	vld.idx.msk [tilespmem:v4+s28+$0x0], $0xffff  }
0x1c2: {  	v22 =	vld.idx.msk [tilespmem:v5+s3+$0x0], $0xffff  }
0x1c3: {  	v23 =	vld.idx.msk [tilespmem:v5+s25+$0x0], $0xffff  }
0x1c4: {  	v24 =	vld.idx.msk [tilespmem:v5+s26+$0x0], $0xffff  }
0x1c5: {  	v5 =	vld.idx.msk [tilespmem:v5+s28+$0x0], $0xffff  }
0x1c6: {  	v25 =	vld.idx.msk [tilespmem:v6+s3+$0x0], $0xffff  }
0x1c7: {  	v26 =	vld.idx.msk [tilespmem:v6+s25+$0x0], $0xffff  }
0x1c8: {  	v27 =	vld.idx.msk [tilespmem:v6+s26+$0x0], $0xffff  }
0x1c9: {  	v6 =	vld.idx.msk [tilespmem:v6+s28+$0x0], $0xffff  }
0x1ca: {  	v28 =	vld.idx.msk [tilespmem:v12+s3+$0x0], $0xffff  }
0x1cb: {  	v29 =	vld.idx.msk [tilespmem:v12+s25+$0x0], $0xffff  }
0x1cc: {  	v30 =	vld.idx.msk [tilespmem:v12+s26+$0x0], $0xffff  }
0x1cd: {  	v12 =	vld.idx.msk [tilespmem:v12+s28+$0x0], $0xffff  }
0x1ce: {  	v31 =	vld.idx.msk [tilespmem:v13+s3+$0x0], $0xffff  }
0x1cf: {  	v32 =	vld.idx.msk [tilespmem:v13+s25+$0x0], $0xffff  }
0x1d0: {  	v33 =	vld.idx.msk [tilespmem:v13+s26+$0x0], $0xffff  }
0x1d1: {  	v13 =	vld.idx.msk [tilespmem:v13+s28+$0x0], $0xffff  }
0x1d2: {  	v34 =	vld.idx.msk [tilespmem:v14+s3+$0x0], $0xffff  }
0x1d3: {  	v35 =	vld.idx.msk [tilespmem:v14+s25+$0x0], $0xffff  }
0x1d4: {  	v36 =	vld.idx.msk [tilespmem:v14+s26+$0x0], $0xffff  }
0x1d5: {  	v14 =	vld.idx.msk [tilespmem:v14+s28+$0x0], $0xffff  }
0x1d6: {  	v37 =	vld [tilespmem:s11+$0xFFFFFFB0]  }
0x1d7: {  	v38 =	vld [tilespmem:s11+$0xFFFFFFC0]  }
0x1d8: {  	v39 =	vld [tilespmem:s11+$0xFFFFFFD0]  }
0x1d9: {  	v40 =	vld [tilespmem:s11+$0xFFFFFFE0]  }
0x1da: {  	v41 =	vld [tilespmem:s11+$0xFFFFFFF0]  }
0x1db: {  	v9 =	vmul.f32 v9, v37;
	v10 =	vmul.f32 v10, v37;
	v42 =	vld [tilespmem:s11+$0x0]  }
0x1dc: {  	v11 =	vmul.f32 v11, v37;
	v15 =	vmul.f32 v15, v37;
	v37 =	vld [tilespmem:s11+$0x10]  }
0x1dd: {  	v1 =	vmul.f32 v1, v38;
	v7 =	vmul.f32 v7, v38;
	v43 =	vld [tilespmem:s11+$0x20]  }
0x1de: {  	v8 =	vmul.f32 v8, v38;
	v2 =	vmul.f32 v2, v38;
	v38 =	vld [tilespmem:s11+$0x30]  }
0x1df: {  	v16 =	vmul.f32 v16, v39;
	v17 =	vmul.f32 v17, v39;
	v44 =	vld [tilespmem:s12+$0xFFFFFFB0]  }
0x1e0: {  	v18 =	vmul.f32 v18, v39;
	v3 =	vmul.f32 v3, v39;
	v45 =	vld [tilespmem:s12+$0xFFFFFFC0]  }
0x1e1: {  	v19 =	vmul.f32 v19, v40;
	v20 =	vmul.f32 v20, v40;
	v39 =	vld [tilespmem:s12+$0xFFFFFFD0]  }
0x1e2: {  	v21 =	vmul.f32 v21, v40;
	v4 =	vmul.f32 v4, v40;
	v46 =	vld [tilespmem:s12+$0xFFFFFFE0]  }
0x1e3: {  	v22 =	vmul.f32 v22, v41;
	v23 =	vmul.f32 v23, v41;
	v40 =	vld [tilespmem:s12+$0xFFFFFFF0]  }
0x1e4: {  	v24 =	vmul.f32 v24, v41;
	v5 =	vmul.f32 v5, v41;
	v41 =	vld [tilespmem:s12+$0x0]  }
0x1e5: {  	v25 =	vmul.f32 v25, v42;
	v26 =	vmul.f32 v26, v42;
	v47 =	vld [tilespmem:s12+$0x10]  }
0x1e6: {  	v27 =	vmul.f32 v27, v42;
	v6 =	vmul.f32 v6, v42;
	v42 =	vld [tilespmem:s12+$0x20]  }
0x1e7: {  	v28 =	vmul.f32 v28, v37;
	v29 =	vmul.f32 v29, v37;
	v48 =	vld [tilespmem:s12+$0x30]  }
0x1e8: {  	v12 =	vmul.f32 v12, v37;
	[tilespmem:v44+s29+$0x0] =	vst.idx.add.f32.msk $0xffff, v9;
	v9 =	vmul.f32 v30, v37  }
0x1e9: {  	v30 =	vmul.f32 v32, v43;
	[tilespmem:v44+s30+$0x0] =	vst.idx.add.f32.msk $0xffff, v10;
	v10 =	vmul.f32 v31, v43  }
0x1ea: {  	v13 =	vmul.f32 v13, v43;
	[tilespmem:v44+s31+$0x0] =	vst.idx.add.f32.msk $0xffff, v11;
	v11 =	vmul.f32 v33, v43  }
0x1eb: {  	v31 =	vmul.f32 v35, v38;
	[tilespmem:v44+s1+$0x0] =	vst.idx.add.f32.msk $0xffff, v15;
	v15 =	vmul.f32 v34, v38  }
0x1ec: {  	v14 =	vmul.f32 v14, v38;
	[tilespmem:v45+s29+$0x0] =	vst.idx.add.f32.msk $0xffff, v1;
	v1 =	vmul.f32 v36, v38  }
0x1ed: {  	[tilespmem:v45+s30+$0x0] =	vst.idx.add.f32.msk $0xffff, v7  }
0x1ee: {  	[tilespmem:v45+s31+$0x0] =	vst.idx.add.f32.msk $0xffff, v8  }
0x1ef: {  	[tilespmem:v45+s1+$0x0] =	vst.idx.add.f32.msk $0xffff, v2  }
0x1f0: {  	[tilespmem:v39+s29+$0x0] =	vst.idx.add.f32.msk $0xffff, v16  }
0x1f1: {  	[tilespmem:v39+s30+$0x0] =	vst.idx.add.f32.msk $0xffff, v17  }
0x1f2: {  	[tilespmem:v39+s31+$0x0] =	vst.idx.add.f32.msk $0xffff, v18  }
0x1f3: {  	[tilespmem:v39+s1+$0x0] =	vst.idx.add.f32.msk $0xffff, v3  }
0x1f4: {  	[tilespmem:v46+s29+$0x0] =	vst.idx.add.f32.msk $0xffff, v19  }
0x1f5: {  	[tilespmem:v46+s30+$0x0] =	vst.idx.add.f32.msk $0xffff, v20  }
0x1f6: {  	[tilespmem:v46+s31+$0x0] =	vst.idx.add.f32.msk $0xffff, v21  }
0x1f7: {  	[tilespmem:v46+s1+$0x0] =	vst.idx.add.f32.msk $0xffff, v4  }
0x1f8: {  	[tilespmem:v40+s29+$0x0] =	vst.idx.add.f32.msk $0xffff, v22  }
0x1f9: {  	[tilespmem:v40+s30+$0x0] =	vst.idx.add.f32.msk $0xffff, v23  }
0x1fa: {  	[tilespmem:v40+s31+$0x0] =	vst.idx.add.f32.msk $0xffff, v24  }
0x1fb: {  	[tilespmem:v40+s1+$0x0] =	vst.idx.add.f32.msk $0xffff, v5  }
0x1fc: {  	[tilespmem:v41+s29+$0x0] =	vst.idx.add.f32.msk $0xffff, v25  }
0x1fd: {  	[tilespmem:v41+s30+$0x0] =	vst.idx.add.f32.msk $0xffff, v26  }
0x1fe: {  	[tilespmem:v41+s31+$0x0] =	vst.idx.add.f32.msk $0xffff, v27  }
0x1ff: {  	[tilespmem:v41+s1+$0x0] =	vst.idx.add.f32.msk $0xffff, v6  }
0x200: {  	[tilespmem:v47+s29+$0x0] =	vst.idx.add.f32.msk $0xffff, v28  }
0x201: {  	[tilespmem:v47+s30+$0x0] =	vst.idx.add.f32.msk $0xffff, v29  }
0x202: {  	[tilespmem:v47+s31+$0x0] =	vst.idx.add.f32.msk $0xffff, v9  }
0x203: {  	[tilespmem:v47+s1+$0x0] =	vst.idx.add.f32.msk $0xffff, v12  }
0x204: {  	[tilespmem:v42+s29+$0x0] =	vst.idx.add.f32.msk $0xffff, v10  }
0x205: {  	[tilespmem:v42+s30+$0x0] =	vst.idx.add.f32.msk $0xffff, v30  }
0x206: {  	[tilespmem:v42+s31+$0x0] =	vst.idx.add.f32.msk $0xffff, v11  }
.Ltmp2:
0x207: {  	[tilespmem:v42+s1+$0x0] =	vst.idx.add.f32.msk $0xffff, v13;
	(pc) =	sbr.rel @p0 .LBB2_7-.Ltmp2, $4  }
0x208: {  	[tilespmem:v48+s29+$0x0] =	vst.idx.add.f32.msk $0xffff, v15  }
0x209: {  	[tilespmem:v48+s30+$0x0] =	vst.idx.add.f32.msk $0xffff, v31  }
0x20a: {  	[tilespmem:v48+s31+$0x0] =	vst.idx.add.f32.msk $0xffff, v1  }
0x20b: {  	s16 =	sadd.s32 $0xA0, s16;
	[tilespmem:v48+s1+$0x0] =	vst.idx.add.f32.msk $0xffff, v14  }
0x20c: {  	s10 =	sadd.s32 s10, s15  }
0x20d: {  	s9 =	sadd.s32 $0x1, s9;
	s10 =	sshrl.u32 s10, $0x3  }
0x20e: {  	p0 =	sne.s32 s9, $0x13;
	s11 =	sadd.s32 s4, s10  }
0x20f: {  	[tilespmem:s21], [sflag:$0x2] =	stream.linear.gather [hbm4b:s11+s3], $0xFA0, $0x38;
	[tilespmem:$0x19DC0] =	vst v63  }
.Ltmp3:
0x210: {  	_ = 	snop;
	(pc) =	sbr.rel @p0 .LBB2_4-.Ltmp3, $4  }
0x211: {  	s17 =	sadd.s32 s5, s10  }
0x212: {  	[tilespmem:s22], [sflag:$0x2] =	stream.linear.gather [hbm4b:s17+s3], $0xFA0, $0x38;
	[tilespmem:$0x19DC0] =	vst v63  }
0x213: {  	s10 =	sadd.s32 s2, s10  }
0x214: {  	[tilespmem:s23], [sflag:$0x2] =	stream.linear.gather [hbm4b:s10+s3], $0xFA0, $0x38;
	[tilespmem:$0x19DC0] =	vst v63  }
0x215: {  	_ =	swait.ge [sflag:s6], $0xFA0  }
0x216: {  	[sflag:s6] =	ssyncset.done $0x0  }
0x217: {  	[sflag:s6] =	ssyncadd.s32 $0xFFFFF060  }
0x218: {  	_ =	swait.ge [sflag:s6], $0xFA0  }
0x219: {  	[sflag:s6] =	ssyncset.done $0x0  }
0x21a: {  	[sflag:s6] =	ssyncadd.s32 $0xFFFFF060  }
0x21b: {  	_ =	swait.ge [sflag:s6], $0xFA0  }
0x21c: {  	[sflag:s6] =	ssyncset.done $0x0  }
0x21d: {  	s11 =	simm.s32 $0x14050;
	[sflag:s6] =	ssyncadd.s32 $0xFFFFF060  }
0x21e: {  	v1 =	vld [tilespmem:s11+$0x40]  }
0x21f: {  	v2 =	vld [tilespmem:s11+$0xFFFFFFC0]  }
0x220: {  	v3 =	vld [tilespmem:s11+$0xFFFFFFD0]  }
0x221: {  	v4 =	vld [tilespmem:s11+$0xFFFFFFE0]  }
0x222: {  	v5 =	vld [tilespmem:s11+$0xFFFFFFF0]  }
0x223: {  	s9 =	simm.s32 $0x17ED0;
	v6 =	vld [tilespmem:s11+$0x0]  }
0x224: {  	s10 =	simm.s32 $0x15F90;
	v7 =	vld [tilespmem:s9+$0x40]  }
0x225: {  	v8 =	vld [tilespmem:s10+$0x40]  }
0x226: {  	v12 =	vld [tilespmem:s11+$0x10]  }
0x227: {  	v13 =	vld [tilespmem:s11+$0x20]  }
0x228: {  	v14 =	vld [tilespmem:s11+$0x30]  }
0x229: {  	v15 =	vld [tilespmem:s11+$0xFFFFFFB0]  }
0x22a: {  	v37 =	vld [tilespmem:s9+$0xFFFFFFB0]  }
0x22b: {  	v38 =	vld [tilespmem:s9+$0xFFFFFFC0]  }
0x22c: {  	v39 =	vld [tilespmem:s9+$0xFFFFFFD0]  }
0x22d: {  	v40 =	vld [tilespmem:s9+$0xFFFFFFE0]  }
0x22e: {  	v41 =	vld [tilespmem:s9+$0xFFFFFFF0]  }
0x22f: {  	v42 =	vld [tilespmem:s10+$0xFFFFFFB0]  }
0x230: {  	v43 =	vld [tilespmem:s9+$0x0]  }
0x231: {  	v44 =	vld [tilespmem:s9+$0x10]  }
0x232: {  	v45 =	vld [tilespmem:s9+$0x20]  }
0x233: {  	v46 =	vld [tilespmem:s9+$0x30]  }
0x234: {  	v47 =	vld [tilespmem:s10+$0xFFFFFFC0]  }
0x235: {  	v48 =	vld [tilespmem:s10+$0xFFFFFFD0]  }
0x236: {  	v49 =	vld [tilespmem:s10+$0xFFFFFFE0]  }
0x237: {  	v58 =	vld [tilespmem:s10+$0xFFFFFFF0]  }
0x238: {  	v59 =	vld [tilespmem:s10+$0x0]  }
0x239: {  	v60 =	vld [tilespmem:s10+$0x10]  }
0x23a: {  	v61 =	vld [tilespmem:s10+$0x20]  }
0x23b: {  	v62 =	vld [tilespmem:s10+$0x30]  }
0x23c: {  	v9 =	vld.idx.msk [tilespmem:v1+s3+$0x0], $0xffff  }
0x23d: {  	v10 =	vld.idx.msk [tilespmem:v1+s25+$0x0], $0xffff  }
0x23e: {  	v11 =	vld.idx.msk [tilespmem:v1+s26+$0x0], $0xffff  }
0x23f: {  	v1 =	vld.idx.msk [tilespmem:v1+s28+$0x0], $0xffff  }
0x240: {  	v53 =	vld.idx.msk [tilespmem:v2+s25+$0x0], $0xffff  }
0x241: {  	v54 =	vld.idx.msk [tilespmem:v2+s26+$0x0], $0xffff  }
0x242: {  	v55 =	vld.idx.msk [tilespmem:v15+s3+$0x0], $0xffff  }
0x243: {  	v56 =	vld.idx.msk [tilespmem:v15+s25+$0x0], $0xffff  }
0x244: {  	v57 =	vld.idx.msk [tilespmem:v15+s26+$0x0], $0xffff  }
0x245: {  	v15 =	vld.idx.msk [tilespmem:v15+s28+$0x0], $0xffff  }
0x246: {  	v16 =	vld.idx.msk [tilespmem:v3+s3+$0x0], $0xffff  }
0x247: {  	v17 =	vld.idx.msk [tilespmem:v3+s25+$0x0], $0xffff  }
0x248: {  	v18 =	vld.idx.msk [tilespmem:v3+s26+$0x0], $0xffff  }
0x249: {  	v3 =	vld.idx.msk [tilespmem:v3+s28+$0x0], $0xffff  }
0x24a: {  	v19 =	vld.idx.msk [tilespmem:v4+s3+$0x0], $0xffff  }
0x24b: {  	v20 =	vld.idx.msk [tilespmem:v4+s25+$0x0], $0xffff  }
0x24c: {  	v21 =	vld.idx.msk [tilespmem:v4+s26+$0x0], $0xffff  }
0x24d: {  	v4 =	vld.idx.msk [tilespmem:v4+s28+$0x0], $0xffff  }
0x24e: {  	v22 =	vld.idx.msk [tilespmem:v5+s3+$0x0], $0xffff  }
0x24f: {  	v23 =	vld.idx.msk [tilespmem:v5+s25+$0x0], $0xffff  }
0x250: {  	v24 =	vld.idx.msk [tilespmem:v5+s26+$0x0], $0xffff  }
0x251: {  	v5 =	vld.idx.msk [tilespmem:v5+s28+$0x0], $0xffff  }
0x252: {  	v25 =	vld.idx.msk [tilespmem:v6+s3+$0x0], $0xffff  }
0x253: {  	v26 =	vld.idx.msk [tilespmem:v6+s25+$0x0], $0xffff  }
0x254: {  	v27 =	vld.idx.msk [tilespmem:v6+s26+$0x0], $0xffff  }
0x255: {  	v6 =	vld.idx.msk [tilespmem:v6+s28+$0x0], $0xffff  }
0x256: {  	v28 =	vld.idx.msk [tilespmem:v12+s3+$0x0], $0xffff  }
0x257: {  	v29 =	vld.idx.msk [tilespmem:v12+s25+$0x0], $0xffff  }
0x258: {  	v30 =	vld.idx.msk [tilespmem:v12+s26+$0x0], $0xffff  }
0x259: {  	v12 =	vld.idx.msk [tilespmem:v12+s28+$0x0], $0xffff  }
0x25a: {  	v31 =	vld.idx.msk [tilespmem:v13+s3+$0x0], $0xffff  }
0x25b: {  	v32 =	vld.idx.msk [tilespmem:v13+s25+$0x0], $0xffff  }
0x25c: {  	v33 =	vld.idx.msk [tilespmem:v13+s26+$0x0], $0xffff  }
0x25d: {  	v13 =	vld.idx.msk [tilespmem:v13+s28+$0x0], $0xffff  }
0x25e: {  	v34 =	vld.idx.msk [tilespmem:v14+s3+$0x0], $0xffff  }
0x25f: {  	v35 =	vld.idx.msk [tilespmem:v14+s25+$0x0], $0xffff;
	v9 =	vmul.f32 v9, v7  }
0x260: {  	v36 =	vld.idx.msk [tilespmem:v14+s26+$0x0], $0xffff;
	v10 =	vmul.f32 v10, v7  }
0x261: {  	v52 =	vmul.f32 v11, v7;
	[tilespmem:v8+s29+$0x0] =	vst.idx.add.f32.msk $0xffff, v9  }
0x262: {  	v1 =	vmul.f32 v1, v7;
	[tilespmem:v8+s30+$0x0] =	vst.idx.add.f32.msk $0xffff, v10  }
0x263: {  	[tilespmem:v8+s31+$0x0] =	vst.idx.add.f32.msk $0xffff, v52  }
0x264: {  	[tilespmem:v8+s1+$0x0] =	vst.idx.add.f32.msk $0xffff, v1  }
0x265: {  	v9 =	vmul.f32 v55, v37;
	v1 =	vld.idx.msk [tilespmem:v2+s3+$0x0], $0xffff  }
0x266: {  	v14 =	vld.idx.msk [tilespmem:v14+s28+$0x0], $0xffff  }
0x267: {  	v10 =	vmul.f32 v56, v37;
	[tilespmem:v42+s29+$0x0] =	vst.idx.add.f32.msk $0xffff, v9  }
0x268: {  	v11 =	vmul.f32 v57, v37;
	v2 =	vld.idx.msk [tilespmem:v2+s28+$0x0], $0xffff  }
0x269: {  	v15 =	vmul.f32 v15, v37;
	[tilespmem:v42+s30+$0x0] =	vst.idx.add.f32.msk $0xffff, v10  }
0x26a: {  	[tilespmem:v42+s31+$0x0] =	vst.idx.add.f32.msk $0xffff, v11;
	v1 =	vmul.f32 v1, v38  }
0x26b: {  	v7 =	vmul.f32 v53, v38;
	[tilespmem:v42+s1+$0x0] =	vst.idx.add.f32.msk $0xffff, v15  }
0x26c: {  	v8 =	vmul.f32 v54, v38;
	[tilespmem:v47+s29+$0x0] =	vst.idx.add.f32.msk $0xffff, v1  }
0x26d: {  	v1 =	vmul.f32 v2, v38;
	v2 =	vmul.f32 v16, v39;
	[tilespmem:v47+s30+$0x0] =	vst.idx.add.f32.msk $0xffff, v7  }
0x26e: {  	[tilespmem:v47+s31+$0x0] =	vst.idx.add.f32.msk $0xffff, v8  }
0x26f: {  	v63 =	vmul.f32 v17, v39;
	[tilespmem:v48+s29+$0x0] =	vst.idx.add.f32.msk $0xffff, v2  }
0x270: {  	v2 =	vmul.f32 v3, v39;
	v3 =	vmul.f32 v19, v40;
	[tilespmem:v47+s1+$0x0] =	vst.idx.add.f32.msk $0xffff, v1  }
0x271: {  	v1 =	vmul.f32 v18, v39;
	[tilespmem:v48+s30+$0x0] =	vst.idx.add.f32.msk $0xffff, v63  }
0x272: {  	[tilespmem:v49+s29+$0x0] =	vst.idx.add.f32.msk $0xffff, v3  }
0x273: {  	[tilespmem:v48+s31+$0x0] =	vst.idx.add.f32.msk $0xffff, v1;
	v1 =	vmul.f32 v20, v40  }
0x274: {  	[tilespmem:v48+s1+$0x0] =	vst.idx.add.f32.msk $0xffff, v2;
	v2 =	vmul.f32 v21, v40  }
0x275: {  	v3 =	vmul.f32 v4, v40;
	[tilespmem:v49+s30+$0x0] =	vst.idx.add.f32.msk $0xffff, v1  }
0x276: {  	v1 =	vmul.f32 v22, v41;
	[tilespmem:v49+s31+$0x0] =	vst.idx.add.f32.msk $0xffff, v2  }
0x277: {  	v2 =	vmul.f32 v23, v41;
	[tilespmem:v49+s1+$0x0] =	vst.idx.add.f32.msk $0xffff, v3  }
0x278: {  	v3 =	vmul.f32 v24, v41;
	[tilespmem:v58+s29+$0x0] =	vst.idx.add.f32.msk $0xffff, v1  }
0x279: {  	v1 =	vmul.f32 v5, v41;
	[tilespmem:v58+s30+$0x0] =	vst.idx.add.f32.msk $0xffff, v2  }
0x27a: {  	v2 =	vmul.f32 v25, v43;
	[tilespmem:v58+s31+$0x0] =	vst.idx.add.f32.msk $0xffff, v3  }
0x27b: {  	v3 =	vmul.f32 v26, v43;
	[tilespmem:v58+s1+$0x0] =	vst.idx.add.f32.msk $0xffff, v1  }
0x27c: {  	v1 =	vmul.f32 v27, v43;
	[tilespmem:v59+s29+$0x0] =	vst.idx.add.f32.msk $0xffff, v2  }
0x27d: {  	v2 =	vmul.f32 v6, v43;
	[tilespmem:v59+s30+$0x0] =	vst.idx.add.f32.msk $0xffff, v3  }
0x27e: {  	v3 =	vmul.f32 v28, v44;
	[tilespmem:v59+s31+$0x0] =	vst.idx.add.f32.msk $0xffff, v1  }
0x27f: {  	v1 =	vmul.f32 v29, v44;
	[tilespmem:v59+s1+$0x0] =	vst.idx.add.f32.msk $0xffff, v2  }
0x280: {  	v2 =	vmul.f32 v30, v44;
	[tilespmem:v60+s29+$0x0] =	vst.idx.add.f32.msk $0xffff, v3  }
0x281: {  	v3 =	vmul.f32 v12, v44;
	[tilespmem:v60+s30+$0x0] =	vst.idx.add.f32.msk $0xffff, v1  }
0x282: {  	v1 =	vmul.f32 v31, v45;
	[tilespmem:v60+s31+$0x0] =	vst.idx.add.f32.msk $0xffff, v2  }
0x283: {  	v2 =	vmul.f32 v32, v45;
	[tilespmem:v60+s1+$0x0] =	vst.idx.add.f32.msk $0xffff, v3  }
0x284: {  	v3 =	vmul.f32 v33, v45;
	[tilespmem:v61+s29+$0x0] =	vst.idx.add.f32.msk $0xffff, v1  }
0x285: {  	v1 =	vmul.f32 v13, v45;
	[tilespmem:v61+s30+$0x0] =	vst.idx.add.f32.msk $0xffff, v2  }
0x286: {  	v2 =	vmul.f32 v34, v46;
	[tilespmem:v61+s31+$0x0] =	vst.idx.add.f32.msk $0xffff, v3  }
0x287: {  	v3 =	vmul.f32 v35, v46;
	[tilespmem:v61+s1+$0x0] =	vst.idx.add.f32.msk $0xffff, v1  }
0x288: {  	v1 =	vmul.f32 v36, v46;
	[tilespmem:v62+s29+$0x0] =	vst.idx.add.f32.msk $0xffff, v2  }
0x289: {  	v2 =	vmul.f32 v14, v46;
	[tilespmem:v62+s30+$0x0] =	vst.idx.add.f32.msk $0xffff, v3  }
0x28a: {  	[tilespmem:v62+s31+$0x0] =	vst.idx.add.f32.msk $0xffff, v1  }
0x28b: {  	s12 =	simm.s32 $0x140F0;
	s11 =	simm.s32 $0x0;
	[tilespmem:v62+s1+$0x0] =	vst.idx.add.f32.msk $0xffff, v2  }
.LBB2_10:
0x28c: {  	v1 =	vld [tilespmem:s12+$0x40]  }
0x28d: {  	v2 =	vld [tilespmem:s12+$0xFFFFFFC0]  }
0x28e: {  	v3 =	vld [tilespmem:s12+$0xFFFFFFD0]  }
0x28f: {  	s11 =	sadd.s32 $0xA, s11;
	v4 =	vld [tilespmem:s12+$0xFFFFFFE0]  }
0x290: {  	p0 =	slt.u32 s11, $0xF0;
	v5 =	vld [tilespmem:s12+$0xFFFFFFF0]  }
0x291: {  	s9 =	sadd.s32 $0xA0, s9;
	v6 =	vld [tilespmem:s12+$0x0]  }
0x292: {  	s10 =	sadd.s32 $0xA0, s10;
	v7 =	vld [tilespmem:s9+$0x40]  }
0x293: {  	v8 =	vld [tilespmem:s10+$0x40]  }
0x294: {  	v9 =	vld.idx.msk [tilespmem:v1+s3+$0x0], $0xffff  }
0x295: {  	v10 =	vld.idx.msk [tilespmem:v1+s25+$0x0], $0xffff  }
0x296: {  	v11 =	vld.idx.msk [tilespmem:v1+s26+$0x0], $0xffff  }
0x297: {  	v1 =	vld.idx.msk [tilespmem:v1+s28+$0x0], $0xffff  }
0x298: {  	v12 =	vld [tilespmem:s12+$0x10]  }
0x299: {  	v13 =	vld [tilespmem:s12+$0x20]  }
0x29a: {  	v9 =	vmul.f32 v9, v7;
	v14 =	vld [tilespmem:s12+$0x30]  }
0x29b: {  	v10 =	vmul.f32 v10, v7;
	v15 =	vld [tilespmem:s12+$0xFFFFFFB0]  }
0x29c: {  	[tilespmem:v8+s29+$0x0] =	vst.idx.add.f32.msk $0xffff, v9;
	v9 =	vmul.f32 v11, v7  }
0x29d: {  	v1 =	vmul.f32 v1, v7;
	[tilespmem:v8+s30+$0x0] =	vst.idx.add.f32.msk $0xffff, v10  }
0x29e: {  	[tilespmem:v8+s31+$0x0] =	vst.idx.add.f32.msk $0xffff, v9  }
0x29f: {  	[tilespmem:v8+s1+$0x0] =	vst.idx.add.f32.msk $0xffff, v1  }
0x2a0: {  	v1 =	vld.idx.msk [tilespmem:v2+s3+$0x0], $0xffff  }
0x2a1: {  	v7 =	vld.idx.msk [tilespmem:v2+s25+$0x0], $0xffff  }
0x2a2: {  	v8 =	vld.idx.msk [tilespmem:v2+s26+$0x0], $0xffff  }
0x2a3: {  	v9 =	vld.idx.msk [tilespmem:v15+s3+$0x0], $0xffff  }
0x2a4: {  	v10 =	vld.idx.msk [tilespmem:v15+s25+$0x0], $0xffff  }
0x2a5: {  	v11 =	vld.idx.msk [tilespmem:v15+s26+$0x0], $0xffff  }
0x2a6: {  	v15 =	vld.idx.msk [tilespmem:v15+s28+$0x0], $0xffff  }
0x2a7: {  	v2 =	vld.idx.msk [tilespmem:v2+s28+$0x0], $0xffff  }
0x2a8: {  	v16 =	vld.idx.msk [tilespmem:v3+s3+$0x0], $0xffff  }
0x2a9: {  	v17 =	vld.idx.msk [tilespmem:v3+s25+$0x0], $0xffff  }
0x2aa: {  	v18 =	vld.idx.msk [tilespmem:v3+s26+$0x0], $0xffff  }
0x2ab: {  	v3 =	vld.idx.msk [tilespmem:v3+s28+$0x0], $0xffff  }
0x2ac: {  	v19 =	vld.idx.msk [tilespmem:v4+s3+$0x0], $0xffff  }
0x2ad: {  	v20 =	vld.idx.msk [tilespmem:v4+s25+$0x0], $0xffff  }
0x2ae: {  	v21 =	vld.idx.msk [tilespmem:v4+s26+$0x0], $0xffff  }
0x2af: {  	v4 =	vld.idx.msk [tilespmem:v4+s28+$0x0], $0xffff  }
0x2b0: {  	v22 =	vld.idx.msk [tilespmem:v5+s3+$0x0], $0xffff  }
0x2b1: {  	v23 =	vld.idx.msk [tilespmem:v5+s25+$0x0], $0xffff  }
0x2b2: {  	v24 =	vld.idx.msk [tilespmem:v5+s26+$0x0], $0xffff  }
0x2b3: {  	v5 =	vld.idx.msk [tilespmem:v5+s28+$0x0], $0xffff  }
0x2b4: {  	v25 =	vld.idx.msk [tilespmem:v6+s3+$0x0], $0xffff  }
0x2b5: {  	v26 =	vld.idx.msk [tilespmem:v6+s25+$0x0], $0xffff  }
0x2b6: {  	v27 =	vld.idx.msk [tilespmem:v6+s26+$0x0], $0xffff  }
0x2b7: {  	v6 =	vld.idx.msk [tilespmem:v6+s28+$0x0], $0xffff  }
0x2b8: {  	v28 =	vld.idx.msk [tilespmem:v12+s3+$0x0], $0xffff  }
0x2b9: {  	v29 =	vld.idx.msk [tilespmem:v12+s25+$0x0], $0xffff  }
0x2ba: {  	v30 =	vld.idx.msk [tilespmem:v12+s26+$0x0], $0xffff  }
0x2bb: {  	v12 =	vld.idx.msk [tilespmem:v12+s28+$0x0], $0xffff  }
0x2bc: {  	v31 =	vld.idx.msk [tilespmem:v13+s3+$0x0], $0xffff  }
0x2bd: {  	v32 =	vld.idx.msk [tilespmem:v13+s25+$0x0], $0xffff  }
0x2be: {  	v33 =	vld.idx.msk [tilespmem:v13+s26+$0x0], $0xffff  }
0x2bf: {  	v13 =	vld.idx.msk [tilespmem:v13+s28+$0x0], $0xffff  }
0x2c0: {  	v34 =	vld.idx.msk [tilespmem:v14+s3+$0x0], $0xffff  }
0x2c1: {  	v35 =	vld.idx.msk [tilespmem:v14+s25+$0x0], $0xffff  }
0x2c2: {  	v36 =	vld.idx.msk [tilespmem:v14+s26+$0x0], $0xffff  }
0x2c3: {  	v14 =	vld.idx.msk [tilespmem:v14+s28+$0x0], $0xffff  }
0x2c4: {  	v37 =	vld [tilespmem:s9+$0xFFFFFFB0]  }
0x2c5: {  	v38 =	vld [tilespmem:s9+$0xFFFFFFC0]  }
0x2c6: {  	v39 =	vld [tilespmem:s9+$0xFFFFFFD0]  }
0x2c7: {  	v40 =	vld [tilespmem:s9+$0xFFFFFFE0]  }
0x2c8: {  	v41 =	vld [tilespmem:s9+$0xFFFFFFF0]  }
0x2c9: {  	v9 =	vmul.f32 v9, v37;
	v10 =	vmul.f32 v10, v37;
	v42 =	vld [tilespmem:s9+$0x0]  }
0x2ca: {  	v11 =	vmul.f32 v11, v37;
	v15 =	vmul.f32 v15, v37;
	v37 =	vld [tilespmem:s9+$0x10]  }
0x2cb: {  	v1 =	vmul.f32 v1, v38;
	v7 =	vmul.f32 v7, v38;
	v43 =	vld [tilespmem:s9+$0x20]  }
0x2cc: {  	v8 =	vmul.f32 v8, v38;
	v2 =	vmul.f32 v2, v38;
	v38 =	vld [tilespmem:s9+$0x30]  }
0x2cd: {  	v16 =	vmul.f32 v16, v39;
	v17 =	vmul.f32 v17, v39;
	v44 =	vld [tilespmem:s10+$0xFFFFFFB0]  }
0x2ce: {  	v18 =	vmul.f32 v18, v39;
	v3 =	vmul.f32 v3, v39;
	v45 =	vld [tilespmem:s10+$0xFFFFFFC0]  }
0x2cf: {  	v19 =	vmul.f32 v19, v40;
	v20 =	vmul.f32 v20, v40;
	v39 =	vld [tilespmem:s10+$0xFFFFFFD0]  }
0x2d0: {  	v21 =	vmul.f32 v21, v40;
	v4 =	vmul.f32 v4, v40;
	v46 =	vld [tilespmem:s10+$0xFFFFFFE0]  }
0x2d1: {  	v22 =	vmul.f32 v22, v41;
	v23 =	vmul.f32 v23, v41;
	v40 =	vld [tilespmem:s10+$0xFFFFFFF0]  }
0x2d2: {  	v24 =	vmul.f32 v24, v41;
	v5 =	vmul.f32 v5, v41;
	v41 =	vld [tilespmem:s10+$0x0]  }
0x2d3: {  	v25 =	vmul.f32 v25, v42;
	v26 =	vmul.f32 v26, v42;
	v47 =	vld [tilespmem:s10+$0x10]  }
0x2d4: {  	v27 =	vmul.f32 v27, v42;
	v6 =	vmul.f32 v6, v42;
	v42 =	vld [tilespmem:s10+$0x20]  }
0x2d5: {  	v28 =	vmul.f32 v28, v37;
	v29 =	vmul.f32 v29, v37;
	v48 =	vld [tilespmem:s10+$0x30]  }
0x2d6: {  	v12 =	vmul.f32 v12, v37;
	[tilespmem:v44+s29+$0x0] =	vst.idx.add.f32.msk $0xffff, v9;
	v9 =	vmul.f32 v30, v37  }
0x2d7: {  	v30 =	vmul.f32 v32, v43;
	[tilespmem:v44+s30+$0x0] =	vst.idx.add.f32.msk $0xffff, v10;
	v10 =	vmul.f32 v31, v43  }
0x2d8: {  	v13 =	vmul.f32 v13, v43;
	[tilespmem:v44+s31+$0x0] =	vst.idx.add.f32.msk $0xffff, v11;
	v11 =	vmul.f32 v33, v43  }
0x2d9: {  	v31 =	vmul.f32 v35, v38;
	[tilespmem:v44+s1+$0x0] =	vst.idx.add.f32.msk $0xffff, v15;
	v15 =	vmul.f32 v34, v38  }
0x2da: {  	v14 =	vmul.f32 v14, v38;
	[tilespmem:v45+s29+$0x0] =	vst.idx.add.f32.msk $0xffff, v1;
	v1 =	vmul.f32 v36, v38  }
0x2db: {  	[tilespmem:v45+s30+$0x0] =	vst.idx.add.f32.msk $0xffff, v7  }
0x2dc: {  	[tilespmem:v45+s31+$0x0] =	vst.idx.add.f32.msk $0xffff, v8  }
0x2dd: {  	[tilespmem:v45+s1+$0x0] =	vst.idx.add.f32.msk $0xffff, v2  }
0x2de: {  	[tilespmem:v39+s29+$0x0] =	vst.idx.add.f32.msk $0xffff, v16  }
0x2df: {  	[tilespmem:v39+s30+$0x0] =	vst.idx.add.f32.msk $0xffff, v17  }
0x2e0: {  	[tilespmem:v39+s31+$0x0] =	vst.idx.add.f32.msk $0xffff, v18  }
0x2e1: {  	[tilespmem:v39+s1+$0x0] =	vst.idx.add.f32.msk $0xffff, v3  }
0x2e2: {  	[tilespmem:v46+s29+$0x0] =	vst.idx.add.f32.msk $0xffff, v19  }
0x2e3: {  	[tilespmem:v46+s30+$0x0] =	vst.idx.add.f32.msk $0xffff, v20  }
0x2e4: {  	[tilespmem:v46+s31+$0x0] =	vst.idx.add.f32.msk $0xffff, v21  }
0x2e5: {  	[tilespmem:v46+s1+$0x0] =	vst.idx.add.f32.msk $0xffff, v4  }
0x2e6: {  	[tilespmem:v40+s29+$0x0] =	vst.idx.add.f32.msk $0xffff, v22  }
0x2e7: {  	[tilespmem:v40+s30+$0x0] =	vst.idx.add.f32.msk $0xffff, v23  }
0x2e8: {  	[tilespmem:v40+s31+$0x0] =	vst.idx.add.f32.msk $0xffff, v24  }
0x2e9: {  	[tilespmem:v40+s1+$0x0] =	vst.idx.add.f32.msk $0xffff, v5  }
0x2ea: {  	[tilespmem:v41+s29+$0x0] =	vst.idx.add.f32.msk $0xffff, v25  }
0x2eb: {  	[tilespmem:v41+s30+$0x0] =	vst.idx.add.f32.msk $0xffff, v26  }
0x2ec: {  	[tilespmem:v41+s31+$0x0] =	vst.idx.add.f32.msk $0xffff, v27  }
0x2ed: {  	[tilespmem:v41+s1+$0x0] =	vst.idx.add.f32.msk $0xffff, v6  }
0x2ee: {  	[tilespmem:v47+s29+$0x0] =	vst.idx.add.f32.msk $0xffff, v28  }
0x2ef: {  	[tilespmem:v47+s30+$0x0] =	vst.idx.add.f32.msk $0xffff, v29  }
0x2f0: {  	[tilespmem:v47+s31+$0x0] =	vst.idx.add.f32.msk $0xffff, v9  }
0x2f1: {  	[tilespmem:v47+s1+$0x0] =	vst.idx.add.f32.msk $0xffff, v12  }
0x2f2: {  	[tilespmem:v42+s29+$0x0] =	vst.idx.add.f32.msk $0xffff, v10  }
0x2f3: {  	[tilespmem:v42+s30+$0x0] =	vst.idx.add.f32.msk $0xffff, v30  }
0x2f4: {  	[tilespmem:v42+s31+$0x0] =	vst.idx.add.f32.msk $0xffff, v11  }
.Ltmp4:
0x2f5: {  	[tilespmem:v42+s1+$0x0] =	vst.idx.add.f32.msk $0xffff, v13;
	(pc) =	sbr.rel @p0 .LBB2_10-.Ltmp4, $4  }
0x2f6: {  	[tilespmem:v48+s29+$0x0] =	vst.idx.add.f32.msk $0xffff, v15  }
0x2f7: {  	[tilespmem:v48+s30+$0x0] =	vst.idx.add.f32.msk $0xffff, v31  }
0x2f8: {  	[tilespmem:v48+s31+$0x0] =	vst.idx.add.f32.msk $0xffff, v1  }
0x2f9: {  	s12 =	sadd.s32 $0xA0, s12;
	[tilespmem:v48+s1+$0x0] =	vst.idx.add.f32.msk $0xffff, v14  }
0x2fa: {  	_ =	swait.ge [sflag:s0], $0xFA0  }
0x2fb: {  	[sflag:s0] =	ssyncset.done $0x0  }
0x2fc: {  	[sflag:s0] =	ssyncadd.s32 $0xFFFFF060  }
0x2fd: {  	_ =	swait.ge [sflag:s0], $0xFA0  }
0x2fe: {  	[sflag:s0] =	ssyncset.done $0x0  }
0x2ff: {  	[sflag:s0] =	ssyncadd.s32 $0xFFFFF060  }
0x300: {  	_ =	swait.ge [sflag:s0], $0xFA0  }
0x301: {  	[sflag:s0] =	ssyncset.done $0x0  }
0x302: {  	s11 =	simm.s32 $0x14FF0;
	[sflag:s0] =	ssyncadd.s32 $0xFFFFF060  }
0x303: {  	v1 =	vld [tilespmem:s11+$0x40]  }
0x304: {  	v2 =	vld [tilespmem:s11+$0xFFFFFFC0]  }
0x305: {  	v3 =	vld [tilespmem:s11+$0xFFFFFFD0]  }
0x306: {  	v4 =	vld [tilespmem:s11+$0xFFFFFFE0]  }
0x307: {  	v5 =	vld [tilespmem:s11+$0xFFFFFFF0]  }
0x308: {  	s9 =	simm.s32 $0x18E70;
	v6 =	vld [tilespmem:s11+$0x0]  }
0x309: {  	s10 =	simm.s32 $0x16F30;
	v7 =	vld [tilespmem:s9+$0x40]  }
0x30a: {  	v8 =	vld [tilespmem:s10+$0x40]  }
0x30b: {  	v12 =	vld [tilespmem:s11+$0x10]  }
0x30c: {  	v13 =	vld [tilespmem:s11+$0x20]  }
0x30d: {  	v14 =	vld [tilespmem:s11+$0x30]  }
0x30e: {  	v15 =	vld [tilespmem:s11+$0xFFFFFFB0]  }
0x30f: {  	v37 =	vld [tilespmem:s9+$0xFFFFFFB0]  }
0x310: {  	v38 =	vld [tilespmem:s9+$0xFFFFFFC0]  }
0x311: {  	v39 =	vld [tilespmem:s9+$0xFFFFFFD0]  }
0x312: {  	v40 =	vld [tilespmem:s9+$0xFFFFFFE0]  }
0x313: {  	v41 =	vld [tilespmem:s9+$0xFFFFFFF0]  }
0x314: {  	v42 =	vld [tilespmem:s10+$0xFFFFFFB0]  }
0x315: {  	v43 =	vld [tilespmem:s9+$0x0]  }
0x316: {  	v44 =	vld [tilespmem:s9+$0x10]  }
0x317: {  	v45 =	vld [tilespmem:s9+$0x20]  }
0x318: {  	v46 =	vld [tilespmem:s9+$0x30]  }
0x319: {  	v47 =	vld [tilespmem:s10+$0xFFFFFFC0]  }
0x31a: {  	v48 =	vld [tilespmem:s10+$0xFFFFFFD0]  }
0x31b: {  	v49 =	vld [tilespmem:s10+$0xFFFFFFE0]  }
0x31c: {  	v58 =	vld [tilespmem:s10+$0xFFFFFFF0]  }
0x31d: {  	v59 =	vld [tilespmem:s10+$0x0]  }
0x31e: {  	v60 =	vld [tilespmem:s10+$0x10]  }
0x31f: {  	v61 =	vld [tilespmem:s10+$0x20]  }
0x320: {  	v62 =	vld [tilespmem:s10+$0x30]  }
0x321: {  	v9 =	vld.idx.msk [tilespmem:v1+s3+$0x0], $0xffff  }
0x322: {  	v10 =	vld.idx.msk [tilespmem:v1+s25+$0x0], $0xffff  }
0x323: {  	v11 =	vld.idx.msk [tilespmem:v1+s26+$0x0], $0xffff  }
0x324: {  	v1 =	vld.idx.msk [tilespmem:v1+s28+$0x0], $0xffff  }
0x325: {  	v53 =	vld.idx.msk [tilespmem:v2+s25+$0x0], $0xffff  }
0x326: {  	v54 =	vld.idx.msk [tilespmem:v2+s26+$0x0], $0xffff  }
0x327: {  	v55 =	vld.idx.msk [tilespmem:v15+s3+$0x0], $0xffff  }
0x328: {  	v56 =	vld.idx.msk [tilespmem:v15+s25+$0x0], $0xffff  }
0x329: {  	v57 =	vld.idx.msk [tilespmem:v15+s26+$0x0], $0xffff  }
0x32a: {  	v15 =	vld.idx.msk [tilespmem:v15+s28+$0x0], $0xffff  }
0x32b: {  	v16 =	vld.idx.msk [tilespmem:v3+s3+$0x0], $0xffff  }
0x32c: {  	v17 =	vld.idx.msk [tilespmem:v3+s25+$0x0], $0xffff  }
0x32d: {  	v18 =	vld.idx.msk [tilespmem:v3+s26+$0x0], $0xffff  }
0x32e: {  	v3 =	vld.idx.msk [tilespmem:v3+s28+$0x0], $0xffff  }
0x32f: {  	v19 =	vld.idx.msk [tilespmem:v4+s3+$0x0], $0xffff  }
0x330: {  	v20 =	vld.idx.msk [tilespmem:v4+s25+$0x0], $0xffff  }
0x331: {  	v21 =	vld.idx.msk [tilespmem:v4+s26+$0x0], $0xffff  }
0x332: {  	v4 =	vld.idx.msk [tilespmem:v4+s28+$0x0], $0xffff  }
0x333: {  	v22 =	vld.idx.msk [tilespmem:v5+s3+$0x0], $0xffff  }
0x334: {  	v23 =	vld.idx.msk [tilespmem:v5+s25+$0x0], $0xffff  }
0x335: {  	v24 =	vld.idx.msk [tilespmem:v5+s26+$0x0], $0xffff  }
0x336: {  	v5 =	vld.idx.msk [tilespmem:v5+s28+$0x0], $0xffff  }
0x337: {  	v25 =	vld.idx.msk [tilespmem:v6+s3+$0x0], $0xffff  }
0x338: {  	v26 =	vld.idx.msk [tilespmem:v6+s25+$0x0], $0xffff  }
0x339: {  	v27 =	vld.idx.msk [tilespmem:v6+s26+$0x0], $0xffff  }
0x33a: {  	v6 =	vld.idx.msk [tilespmem:v6+s28+$0x0], $0xffff  }
0x33b: {  	v28 =	vld.idx.msk [tilespmem:v12+s3+$0x0], $0xffff  }
0x33c: {  	v29 =	vld.idx.msk [tilespmem:v12+s25+$0x0], $0xffff  }
0x33d: {  	v30 =	vld.idx.msk [tilespmem:v12+s26+$0x0], $0xffff  }
0x33e: {  	v12 =	vld.idx.msk [tilespmem:v12+s28+$0x0], $0xffff  }
0x33f: {  	v31 =	vld.idx.msk [tilespmem:v13+s3+$0x0], $0xffff  }
0x340: {  	v32 =	vld.idx.msk [tilespmem:v13+s25+$0x0], $0xffff  }
0x341: {  	v33 =	vld.idx.msk [tilespmem:v13+s26+$0x0], $0xffff  }
0x342: {  	v13 =	vld.idx.msk [tilespmem:v13+s28+$0x0], $0xffff  }
0x343: {  	v34 =	vld.idx.msk [tilespmem:v14+s3+$0x0], $0xffff  }
0x344: {  	v35 =	vld.idx.msk [tilespmem:v14+s25+$0x0], $0xffff;
	v9 =	vmul.f32 v9, v7  }
0x345: {  	v36 =	vld.idx.msk [tilespmem:v14+s26+$0x0], $0xffff;
	v10 =	vmul.f32 v10, v7  }
0x346: {  	v52 =	vmul.f32 v11, v7;
	[tilespmem:v8+s29+$0x0] =	vst.idx.add.f32.msk $0xffff, v9  }
0x347: {  	v1 =	vmul.f32 v1, v7;
	[tilespmem:v8+s30+$0x0] =	vst.idx.add.f32.msk $0xffff, v10  }
0x348: {  	[tilespmem:v8+s31+$0x0] =	vst.idx.add.f32.msk $0xffff, v52  }
0x349: {  	[tilespmem:v8+s1+$0x0] =	vst.idx.add.f32.msk $0xffff, v1  }
0x34a: {  	v9 =	vmul.f32 v55, v37;
	v1 =	vld.idx.msk [tilespmem:v2+s3+$0x0], $0xffff  }
0x34b: {  	v14 =	vld.idx.msk [tilespmem:v14+s28+$0x0], $0xffff  }
0x34c: {  	v10 =	vmul.f32 v56, v37;
	[tilespmem:v42+s29+$0x0] =	vst.idx.add.f32.msk $0xffff, v9  }
0x34d: {  	v11 =	vmul.f32 v57, v37;
	v2 =	vld.idx.msk [tilespmem:v2+s28+$0x0], $0xffff  }
0x34e: {  	v15 =	vmul.f32 v15, v37;
	[tilespmem:v42+s30+$0x0] =	vst.idx.add.f32.msk $0xffff, v10  }
0x34f: {  	[tilespmem:v42+s31+$0x0] =	vst.idx.add.f32.msk $0xffff, v11;
	v1 =	vmul.f32 v1, v38  }
0x350: {  	v7 =	vmul.f32 v53, v38;
	[tilespmem:v42+s1+$0x0] =	vst.idx.add.f32.msk $0xffff, v15  }
0x351: {  	v8 =	vmul.f32 v54, v38;
	[tilespmem:v47+s29+$0x0] =	vst.idx.add.f32.msk $0xffff, v1  }
0x352: {  	v1 =	vmul.f32 v2, v38;
	v2 =	vmul.f32 v16, v39;
	[tilespmem:v47+s30+$0x0] =	vst.idx.add.f32.msk $0xffff, v7  }
0x353: {  	[tilespmem:v47+s31+$0x0] =	vst.idx.add.f32.msk $0xffff, v8  }
0x354: {  	v63 =	vmul.f32 v17, v39;
	[tilespmem:v48+s29+$0x0] =	vst.idx.add.f32.msk $0xffff, v2  }
0x355: {  	v2 =	vmul.f32 v3, v39;
	v3 =	vmul.f32 v19, v40;
	[tilespmem:v47+s1+$0x0] =	vst.idx.add.f32.msk $0xffff, v1  }
0x356: {  	v1 =	vmul.f32 v18, v39;
	[tilespmem:v48+s30+$0x0] =	vst.idx.add.f32.msk $0xffff, v63  }
0x357: {  	[tilespmem:v49+s29+$0x0] =	vst.idx.add.f32.msk $0xffff, v3  }
0x358: {  	[tilespmem:v48+s31+$0x0] =	vst.idx.add.f32.msk $0xffff, v1;
	v1 =	vmul.f32 v20, v40  }
0x359: {  	[tilespmem:v48+s1+$0x0] =	vst.idx.add.f32.msk $0xffff, v2;
	v2 =	vmul.f32 v21, v40  }
0x35a: {  	v3 =	vmul.f32 v4, v40;
	[tilespmem:v49+s30+$0x0] =	vst.idx.add.f32.msk $0xffff, v1  }
0x35b: {  	v1 =	vmul.f32 v22, v41;
	[tilespmem:v49+s31+$0x0] =	vst.idx.add.f32.msk $0xffff, v2  }
0x35c: {  	v2 =	vmul.f32 v23, v41;
	[tilespmem:v49+s1+$0x0] =	vst.idx.add.f32.msk $0xffff, v3  }
0x35d: {  	v3 =	vmul.f32 v24, v41;
	[tilespmem:v58+s29+$0x0] =	vst.idx.add.f32.msk $0xffff, v1  }
0x35e: {  	v1 =	vmul.f32 v5, v41;
	[tilespmem:v58+s30+$0x0] =	vst.idx.add.f32.msk $0xffff, v2  }
0x35f: {  	v2 =	vmul.f32 v25, v43;
	[tilespmem:v58+s31+$0x0] =	vst.idx.add.f32.msk $0xffff, v3  }
0x360: {  	v3 =	vmul.f32 v26, v43;
	[tilespmem:v58+s1+$0x0] =	vst.idx.add.f32.msk $0xffff, v1  }
0x361: {  	v1 =	vmul.f32 v27, v43;
	[tilespmem:v59+s29+$0x0] =	vst.idx.add.f32.msk $0xffff, v2  }
0x362: {  	v2 =	vmul.f32 v6, v43;
	[tilespmem:v59+s30+$0x0] =	vst.idx.add.f32.msk $0xffff, v3  }
0x363: {  	v3 =	vmul.f32 v28, v44;
	[tilespmem:v59+s31+$0x0] =	vst.idx.add.f32.msk $0xffff, v1  }
0x364: {  	v1 =	vmul.f32 v29, v44;
	[tilespmem:v59+s1+$0x0] =	vst.idx.add.f32.msk $0xffff, v2  }
0x365: {  	v2 =	vmul.f32 v30, v44;
	[tilespmem:v60+s29+$0x0] =	vst.idx.add.f32.msk $0xffff, v3  }
0x366: {  	v3 =	vmul.f32 v12, v44;
	[tilespmem:v60+s30+$0x0] =	vst.idx.add.f32.msk $0xffff, v1  }
0x367: {  	v1 =	vmul.f32 v31, v45;
	[tilespmem:v60+s31+$0x0] =	vst.idx.add.f32.msk $0xffff, v2  }
0x368: {  	v2 =	vmul.f32 v32, v45;
	[tilespmem:v60+s1+$0x0] =	vst.idx.add.f32.msk $0xffff, v3  }
0x369: {  	v3 =	vmul.f32 v33, v45;
	[tilespmem:v61+s29+$0x0] =	vst.idx.add.f32.msk $0xffff, v1  }
0x36a: {  	v1 =	vmul.f32 v13, v45;
	[tilespmem:v61+s30+$0x0] =	vst.idx.add.f32.msk $0xffff, v2  }
0x36b: {  	v2 =	vmul.f32 v34, v46;
	[tilespmem:v61+s31+$0x0] =	vst.idx.add.f32.msk $0xffff, v3  }
0x36c: {  	v3 =	vmul.f32 v35, v46;
	[tilespmem:v61+s1+$0x0] =	vst.idx.add.f32.msk $0xffff, v1  }
0x36d: {  	v1 =	vmul.f32 v36, v46;
	[tilespmem:v62+s29+$0x0] =	vst.idx.add.f32.msk $0xffff, v2  }
0x36e: {  	v2 =	vmul.f32 v14, v46;
	[tilespmem:v62+s30+$0x0] =	vst.idx.add.f32.msk $0xffff, v3  }
0x36f: {  	[tilespmem:v62+s31+$0x0] =	vst.idx.add.f32.msk $0xffff, v1  }
0x370: {  	s12 =	simm.s32 $0x15090;
	s11 =	simm.s32 $0x0;
	[tilespmem:v62+s1+$0x0] =	vst.idx.add.f32.msk $0xffff, v2  }
.LBB2_12:
0x371: {  	v1 =	vld [tilespmem:s12+$0x40]  }
0x372: {  	v2 =	vld [tilespmem:s12+$0xFFFFFFC0]  }
0x373: {  	v3 =	vld [tilespmem:s12+$0xFFFFFFD0]  }
0x374: {  	s11 =	sadd.s32 $0xA, s11;
	v4 =	vld [tilespmem:s12+$0xFFFFFFE0]  }
0x375: {  	p0 =	slt.u32 s11, $0xF0;
	v5 =	vld [tilespmem:s12+$0xFFFFFFF0]  }
0x376: {  	s9 =	sadd.s32 $0xA0, s9;
	v6 =	vld [tilespmem:s12+$0x0]  }
0x377: {  	s10 =	sadd.s32 $0xA0, s10;
	v7 =	vld [tilespmem:s9+$0x40]  }
0x378: {  	v8 =	vld [tilespmem:s10+$0x40]  }
0x379: {  	v9 =	vld.idx.msk [tilespmem:v1+s3+$0x0], $0xffff  }
0x37a: {  	v10 =	vld.idx.msk [tilespmem:v1+s25+$0x0], $0xffff  }
0x37b: {  	v11 =	vld.idx.msk [tilespmem:v1+s26+$0x0], $0xffff  }
0x37c: {  	v1 =	vld.idx.msk [tilespmem:v1+s28+$0x0], $0xffff  }
0x37d: {  	v12 =	vld [tilespmem:s12+$0x10]  }
0x37e: {  	v13 =	vld [tilespmem:s12+$0x20]  }
0x37f: {  	v9 =	vmul.f32 v9, v7;
	v14 =	vld [tilespmem:s12+$0x30]  }
0x380: {  	v10 =	vmul.f32 v10, v7;
	v15 =	vld [tilespmem:s12+$0xFFFFFFB0]  }
0x381: {  	[tilespmem:v8+s29+$0x0] =	vst.idx.add.f32.msk $0xffff, v9;
	v9 =	vmul.f32 v11, v7  }
0x382: {  	v1 =	vmul.f32 v1, v7;
	[tilespmem:v8+s30+$0x0] =	vst.idx.add.f32.msk $0xffff, v10  }
0x383: {  	[tilespmem:v8+s31+$0x0] =	vst.idx.add.f32.msk $0xffff, v9  }
0x384: {  	[tilespmem:v8+s1+$0x0] =	vst.idx.add.f32.msk $0xffff, v1  }
0x385: {  	v1 =	vld.idx.msk [tilespmem:v2+s3+$0x0], $0xffff  }
0x386: {  	v7 =	vld.idx.msk [tilespmem:v2+s25+$0x0], $0xffff  }
0x387: {  	v8 =	vld.idx.msk [tilespmem:v2+s26+$0x0], $0xffff  }
0x388: {  	v9 =	vld.idx.msk [tilespmem:v15+s3+$0x0], $0xffff  }
0x389: {  	v10 =	vld.idx.msk [tilespmem:v15+s25+$0x0], $0xffff  }
0x38a: {  	v11 =	vld.idx.msk [tilespmem:v15+s26+$0x0], $0xffff  }
0x38b: {  	v15 =	vld.idx.msk [tilespmem:v15+s28+$0x0], $0xffff  }
0x38c: {  	v2 =	vld.idx.msk [tilespmem:v2+s28+$0x0], $0xffff  }
0x38d: {  	v16 =	vld.idx.msk [tilespmem:v3+s3+$0x0], $0xffff  }
0x38e: {  	v17 =	vld.idx.msk [tilespmem:v3+s25+$0x0], $0xffff  }
0x38f: {  	v18 =	vld.idx.msk [tilespmem:v3+s26+$0x0], $0xffff  }
0x390: {  	v3 =	vld.idx.msk [tilespmem:v3+s28+$0x0], $0xffff  }
0x391: {  	v19 =	vld.idx.msk [tilespmem:v4+s3+$0x0], $0xffff  }
0x392: {  	v20 =	vld.idx.msk [tilespmem:v4+s25+$0x0], $0xffff  }
0x393: {  	v21 =	vld.idx.msk [tilespmem:v4+s26+$0x0], $0xffff  }
0x394: {  	v4 =	vld.idx.msk [tilespmem:v4+s28+$0x0], $0xffff  }
0x395: {  	v22 =	vld.idx.msk [tilespmem:v5+s3+$0x0], $0xffff  }
0x396: {  	v23 =	vld.idx.msk [tilespmem:v5+s25+$0x0], $0xffff  }
0x397: {  	v24 =	vld.idx.msk [tilespmem:v5+s26+$0x0], $0xffff  }
0x398: {  	v5 =	vld.idx.msk [tilespmem:v5+s28+$0x0], $0xffff  }
0x399: {  	v25 =	vld.idx.msk [tilespmem:v6+s3+$0x0], $0xffff  }
0x39a: {  	v26 =	vld.idx.msk [tilespmem:v6+s25+$0x0], $0xffff  }
0x39b: {  	v27 =	vld.idx.msk [tilespmem:v6+s26+$0x0], $0xffff  }
0x39c: {  	v6 =	vld.idx.msk [tilespmem:v6+s28+$0x0], $0xffff  }
0x39d: {  	v28 =	vld.idx.msk [tilespmem:v12+s3+$0x0], $0xffff  }
0x39e: {  	v29 =	vld.idx.msk [tilespmem:v12+s25+$0x0], $0xffff  }
0x39f: {  	v30 =	vld.idx.msk [tilespmem:v12+s26+$0x0], $0xffff  }
0x3a0: {  	v12 =	vld.idx.msk [tilespmem:v12+s28+$0x0], $0xffff  }
0x3a1: {  	v31 =	vld.idx.msk [tilespmem:v13+s3+$0x0], $0xffff  }
0x3a2: {  	v32 =	vld.idx.msk [tilespmem:v13+s25+$0x0], $0xffff  }
0x3a3: {  	v33 =	vld.idx.msk [tilespmem:v13+s26+$0x0], $0xffff  }
0x3a4: {  	v13 =	vld.idx.msk [tilespmem:v13+s28+$0x0], $0xffff  }
0x3a5: {  	v34 =	vld.idx.msk [tilespmem:v14+s3+$0x0], $0xffff  }
0x3a6: {  	v35 =	vld.idx.msk [tilespmem:v14+s25+$0x0], $0xffff  }
0x3a7: {  	v36 =	vld.idx.msk [tilespmem:v14+s26+$0x0], $0xffff  }
0x3a8: {  	v14 =	vld.idx.msk [tilespmem:v14+s28+$0x0], $0xffff  }
0x3a9: {  	v37 =	vld [tilespmem:s9+$0xFFFFFFB0]  }
0x3aa: {  	v38 =	vld [tilespmem:s9+$0xFFFFFFC0]  }
0x3ab: {  	v39 =	vld [tilespmem:s9+$0xFFFFFFD0]  }
0x3ac: {  	v40 =	vld [tilespmem:s9+$0xFFFFFFE0]  }
0x3ad: {  	v41 =	vld [tilespmem:s9+$0xFFFFFFF0]  }
0x3ae: {  	v9 =	vmul.f32 v9, v37;
	v10 =	vmul.f32 v10, v37;
	v42 =	vld [tilespmem:s9+$0x0]  }
0x3af: {  	v11 =	vmul.f32 v11, v37;
	v15 =	vmul.f32 v15, v37;
	v37 =	vld [tilespmem:s9+$0x10]  }
0x3b0: {  	v1 =	vmul.f32 v1, v38;
	v7 =	vmul.f32 v7, v38;
	v43 =	vld [tilespmem:s9+$0x20]  }
0x3b1: {  	v8 =	vmul.f32 v8, v38;
	v2 =	vmul.f32 v2, v38;
	v38 =	vld [tilespmem:s9+$0x30]  }
0x3b2: {  	v16 =	vmul.f32 v16, v39;
	v17 =	vmul.f32 v17, v39;
	v44 =	vld [tilespmem:s10+$0xFFFFFFB0]  }
0x3b3: {  	v18 =	vmul.f32 v18, v39;
	v3 =	vmul.f32 v3, v39;
	v45 =	vld [tilespmem:s10+$0xFFFFFFC0]  }
0x3b4: {  	v19 =	vmul.f32 v19, v40;
	v20 =	vmul.f32 v20, v40;
	v39 =	vld [tilespmem:s10+$0xFFFFFFD0]  }
0x3b5: {  	v21 =	vmul.f32 v21, v40;
	v4 =	vmul.f32 v4, v40;
	v46 =	vld [tilespmem:s10+$0xFFFFFFE0]  }
0x3b6: {  	v22 =	vmul.f32 v22, v41;
	v23 =	vmul.f32 v23, v41;
	v40 =	vld [tilespmem:s10+$0xFFFFFFF0]  }
0x3b7: {  	v24 =	vmul.f32 v24, v41;
	v5 =	vmul.f32 v5, v41;
	v41 =	vld [tilespmem:s10+$0x0]  }
0x3b8: {  	v25 =	vmul.f32 v25, v42;
	v26 =	vmul.f32 v26, v42;
	v47 =	vld [tilespmem:s10+$0x10]  }
0x3b9: {  	v27 =	vmul.f32 v27, v42;
	v6 =	vmul.f32 v6, v42;
	v42 =	vld [tilespmem:s10+$0x20]  }
0x3ba: {  	v28 =	vmul.f32 v28, v37;
	v29 =	vmul.f32 v29, v37;
	v48 =	vld [tilespmem:s10+$0x30]  }
0x3bb: {  	v12 =	vmul.f32 v12, v37;
	[tilespmem:v44+s29+$0x0] =	vst.idx.add.f32.msk $0xffff, v9;
	v9 =	vmul.f32 v30, v37  }
0x3bc: {  	v30 =	vmul.f32 v32, v43;
	[tilespmem:v44+s30+$0x0] =	vst.idx.add.f32.msk $0xffff, v10;
	v10 =	vmul.f32 v31, v43  }
0x3bd: {  	v13 =	vmul.f32 v13, v43;
	[tilespmem:v44+s31+$0x0] =	vst.idx.add.f32.msk $0xffff, v11;
	v11 =	vmul.f32 v33, v43  }
0x3be: {  	v31 =	vmul.f32 v35, v38;
	[tilespmem:v44+s1+$0x0] =	vst.idx.add.f32.msk $0xffff, v15;
	v15 =	vmul.f32 v34, v38  }
0x3bf: {  	v14 =	vmul.f32 v14, v38;
	[tilespmem:v45+s29+$0x0] =	vst.idx.add.f32.msk $0xffff, v1;
	v1 =	vmul.f32 v36, v38  }
0x3c0: {  	[tilespmem:v45+s30+$0x0] =	vst.idx.add.f32.msk $0xffff, v7  }
0x3c1: {  	[tilespmem:v45+s31+$0x0] =	vst.idx.add.f32.msk $0xffff, v8  }
0x3c2: {  	[tilespmem:v45+s1+$0x0] =	vst.idx.add.f32.msk $0xffff, v2  }
0x3c3: {  	[tilespmem:v39+s29+$0x0] =	vst.idx.add.f32.msk $0xffff, v16  }
0x3c4: {  	[tilespmem:v39+s30+$0x0] =	vst.idx.add.f32.msk $0xffff, v17  }
0x3c5: {  	[tilespmem:v39+s31+$0x0] =	vst.idx.add.f32.msk $0xffff, v18  }
0x3c6: {  	[tilespmem:v39+s1+$0x0] =	vst.idx.add.f32.msk $0xffff, v3  }
0x3c7: {  	[tilespmem:v46+s29+$0x0] =	vst.idx.add.f32.msk $0xffff, v19  }
0x3c8: {  	[tilespmem:v46+s30+$0x0] =	vst.idx.add.f32.msk $0xffff, v20  }
0x3c9: {  	[tilespmem:v46+s31+$0x0] =	vst.idx.add.f32.msk $0xffff, v21  }
0x3ca: {  	[tilespmem:v46+s1+$0x0] =	vst.idx.add.f32.msk $0xffff, v4  }
0x3cb: {  	[tilespmem:v40+s29+$0x0] =	vst.idx.add.f32.msk $0xffff, v22  }
0x3cc: {  	[tilespmem:v40+s30+$0x0] =	vst.idx.add.f32.msk $0xffff, v23  }
0x3cd: {  	[tilespmem:v40+s31+$0x0] =	vst.idx.add.f32.msk $0xffff, v24  }
0x3ce: {  	[tilespmem:v40+s1+$0x0] =	vst.idx.add.f32.msk $0xffff, v5  }
0x3cf: {  	[tilespmem:v41+s29+$0x0] =	vst.idx.add.f32.msk $0xffff, v25  }
0x3d0: {  	[tilespmem:v41+s30+$0x0] =	vst.idx.add.f32.msk $0xffff, v26  }
0x3d1: {  	[tilespmem:v41+s31+$0x0] =	vst.idx.add.f32.msk $0xffff, v27  }
0x3d2: {  	[tilespmem:v41+s1+$0x0] =	vst.idx.add.f32.msk $0xffff, v6  }
0x3d3: {  	[tilespmem:v47+s29+$0x0] =	vst.idx.add.f32.msk $0xffff, v28  }
0x3d4: {  	[tilespmem:v47+s30+$0x0] =	vst.idx.add.f32.msk $0xffff, v29  }
0x3d5: {  	[tilespmem:v47+s31+$0x0] =	vst.idx.add.f32.msk $0xffff, v9  }
0x3d6: {  	[tilespmem:v47+s1+$0x0] =	vst.idx.add.f32.msk $0xffff, v12  }
0x3d7: {  	[tilespmem:v42+s29+$0x0] =	vst.idx.add.f32.msk $0xffff, v10  }
0x3d8: {  	[tilespmem:v42+s30+$0x0] =	vst.idx.add.f32.msk $0xffff, v30  }
0x3d9: {  	[tilespmem:v42+s31+$0x0] =	vst.idx.add.f32.msk $0xffff, v11  }
.Ltmp5:
0x3da: {  	[tilespmem:v42+s1+$0x0] =	vst.idx.add.f32.msk $0xffff, v13;
	(pc) =	sbr.rel @p0 .LBB2_12-.Ltmp5, $4  }
0x3db: {  	[tilespmem:v48+s29+$0x0] =	vst.idx.add.f32.msk $0xffff, v15  }
0x3dc: {  	[tilespmem:v48+s30+$0x0] =	vst.idx.add.f32.msk $0xffff, v31  }
0x3dd: {  	[tilespmem:v48+s31+$0x0] =	vst.idx.add.f32.msk $0xffff, v1  }
0x3de: {  	s12 =	sadd.s32 $0xA0, s12;
	[tilespmem:v48+s1+$0x0] =	vst.idx.add.f32.msk $0xffff, v14  }
0x3df: {  	s9 =	rddreg [dreg:$0xa]  }
0x3e0: {  	[hbm4b:s9+s3] =	stream.linear.scatter [tilespmem:s29], [sflag:$0x4], $0xA000, $0x38;
	[tilespmem:$0x19DC0] =	vst v63  }
0x3e1: {  	_ =	swait.ge [sflag:s7], $0xA000  }
0x3e2: {  	s8 =	sadd.s32 $0x1, s8;
	s17 =	rddreg [dreg:$0xb]  }
0x3e3: {  	p0 =	sne.s32 s8, s17  }
.Ltmp6:
0x3e4: {  	_ = 	snop;
	(pc) =	sbr.rel @p0 .LBB2_1-.Ltmp6, $3  }
0x3e5: {  	_ =	sdelay $0x1  }
0x3e6: {  	[sflag:s7] =	ssyncset.done $0x0  }
0x3e7: {  	[sflag:s7] =	ssyncadd.s32 $0xFFFF6000  }
0x3e8: {  	_ =	sfence.sel $0x180000  }
0x3e9: {  	[bflag:$0x0] =	sbarrier.arrive $0xFFFF  }
0x3ea: {  	_ =	strace $0x9000004A  }
0x3eb: {  	s0 =	stileid.u32;
	[bflag:$0x2] =	sbarrier.arrive $0xFFFF  }
0x3ec: {  	p0 =	sne.s32 s0, $0x0;
	s0 =	rddreg [dreg:$0x2]  }
0x3ed: {  	s0 =	sadd.s32 @!p0 $0x100000, s0  }
0x3ee: {  	[sflag:s0] =	ssyncadd.tile.s32 @!p0 $0x1;
	_ =	shalt  }
.Lfunc_end2:
_tile_overlayer_lowered:
.L_overlay_start_2:
0x3ef: {  	(tag) =	ssettag $0x2  }
0x3f0: {  	s0 =	rddreg [dreg:$0x0];
	s2 =	stileid.u32  }
0x3f1: {  	s1 =	rddreg [dreg:$0x1];
	p0 =	sne.s32 s2, $0x0  }
0x3f2: {  	s3 =	rddreg [dreg:$0x2];
	[bflag:$0x3] =	sbarrier.arrive $0xFFFF;
	s2 =	simm.s32 @!p0 $0x1C04  }
0x3f3: {  	[timem:s3], [sflag:s2] =	dma.local @!p0 [hbm:s0], s1  }
0x3f4: {  	s0 =	simm.s32 @!p0 $0x4  }
0x3f5: {  	_ =	swait.ge @!p0 [sflag:s0], s1  }
0x3f6: {  	s1 =	ssub.s32 @!p0 $0x0, s1;
	[sflag:s0] =	ssyncset.done @!p0 $0x0  }
0x3f7: {  	[sflag:s0] =	ssyncadd.s32 @!p0 s1  }
0x3f8: {  	[bflag:$0x3] =	sbarrier.arrive $0xFFFF  }
0x3f9: {  	_ =	shalt  }

// kernel: kernel.14.cloned.1.call-start
scs
__scs_entry_jumppad:
0x0: {  	(pc) =	sbr.rel $0x88, $3  }
0x1: {  	(tag) =	ssettag $0x0;
	lr =	simm.s32 $0x1  }
0x2: {  	[smem:$0x3F98] =	sst lr;
	_ =	strace $0xD0000000  }
0x3: {  	_ = 	snop  }
0x4: {  	_ = 	snop  }
0x5: {  	_ = 	snop  }
0x6: {  	_ = 	snop  }
0x7: {  	_ = 	snop  }
__scs_overlays_trampoline_lowered:
0x8: {  	[smem:$0x3FA7] =	sst s0  }
0x9: {  	[smem:$0x3FA8] =	sst s1  }
0xa: {  	[smem:$0x3FA9] =	sst s2  }
0xb: {  	[smem:$0x3FAA] =	sst s3  }
0xc: {  	[smem:$0x3FAB] =	sst s4  }
0xd: {  	[smem:$0x3FAC] =	sst s5  }
0xe: {  	[smem:$0x3FAD] =	sst s6  }
0xf: {  	[smem:$0x3FAE] =	sst s7  }
0x10: {  	[smem:$0x3FAF] =	sst s8  }
0x11: {  	[smem:$0x3FB0] =	sst s9;
	s0 =	simm.s32 @!p0 $0x0  }
0x12: {  	s1 =	sld [smem:$0x3F96];
	s0 =	simm.s32 @p0 $0x1  }
0x13: {  	[smem:$0x3FB1] =	sst s0;
	s0 =	simm.s32 @!p1 $0x0  }
0x14: {  	s2 =	sld [smem:$0x3F95];
	s0 =	simm.s32 @p1 $0x1  }
0x15: {  	[smem:$0x3FB2] =	sst s0;
	s0 =	simm.s32 @!p2 $0x0  }
0x16: {  	s3 =	sld [smem:$0x3FDB];
	s0 =	simm.s32 @p2 $0x1  }
0x17: {  	s4 =	simm.s32 $0x1BF5;
	[smem:$0x3FB4] =	sst s0  }
0x18: {  	s0 =	sld [smem:$0x3F97];
	_ =	swait.ge [sflag:s4], $0x0  }
0x19: {  	s7 =	sld [smem:$0x3F98]  }
0x1a: {  	s8 =	sadd.s32 $0xFFFFE003, lr  }
0x1b: {  	s9 =	sadd.s32 $0xFFFFFEF7, lr;
	s5 =	simm.s32 $0xFFFFFFFF;
	p2 =	slt.u32 s8, $0xFFFFF086  }
0x1c: {  	p1 =	slt.u32 s9, $0xF7A;
	s5 =	simm.s32 @!p2 $0x0  }
0x1d: {  	s5 =	simm.s32 @p1 $0x1;
	p0 =	seq.s32 s7, s2  }
0x1e: {  	s7 =	smul.u32 @!p0 $0xF7A, s2;
	p2 =	seq.s32 @!p0 s5, $0x0  }
0x1f: {  	s9 =	smul.u32 $0xF7A, s1;
	s8 =	simm.s32 @!p0 $0x1BF5;
	p2 =	por !p2, p0  }
0x20: {  	[sflag:s8] =	ssyncset.s32 @!p0 $0xFFFFF086;
	s6 =	sadd.s32 @!p0 s3, s7;
	s7 =	simm.s32 @!p0 $0x108  }
0x21: {  	s3 =	sadd.s32 s3, s9;
	s6 =	sadd.s32 @!p0 $0x88, s6;
	s7 =	simm.s32 @p2 $0x1082  }
0x22: {  	[simem:s7], [sflag:s8] =	dma.local @!p0 [hbm:s6], $0xF7A  }
0x23: {  	s9 =	sor.u32 $0xD0000000, s2;
	s6 =	simm.s32 $0x108;
	_ =	swait.ge @!p0 [sflag:s8], $0x0  }
0x24: {  	s3 =	sadd.s32 $0x88, s3;
	s6 =	simm.s32 @!p1 $0x1082;
	[sflag:s4] =	ssyncset.s32 $0xFFFFF086  }
0x25: {  	[simem:s6], [sflag:s4] =	dma.local [hbm:s3], $0xF7A  }
0x26: {  	[smem:$0x3F98] =	sst s1;
	(tag) =	ssettag s2;
	_ =	strace s9  }
0x27: {  	s1 =	sld [smem:$0x3FA8]  }
0x28: {  	s2 =	sld [smem:$0x3FA9]  }
0x29: {  	s4 =	sld [smem:$0x3FAB]  }
0x2a: {  	p0 =	seq.s32 s5, $0x0;
	s5 =	sld [smem:$0x3FAC]  }
0x2b: {  	s6 =	sld [smem:$0x3FAD]  }
0x2c: {  	s7 =	sld [smem:$0x3FAE]  }
0x2d: {  	s3 =	simm.s32 $0x108;
	s8 =	sld [smem:$0x3FAF]  }
0x2e: {  	s3 =	simm.s32 @!p0 $0x1082;
	s9 =	sld [smem:$0x3FB0]  }
0x2f: {  	lr =	sadd.s32 s0, s3;
	s0 =	sld [smem:$0x3FA7]  }
0x30: {  	s3 =	sld [smem:$0x3FAA]  }
0x31: {  	[smem:$0x3FB3] =	sst s10  }
0x32: {  	s10 =	sld [smem:$0x3FB1];
	_ =	sdelay $0x3  }
0x33: {  	p0 =	seq.s32 s10, $0x1;
	s10 =	sld [smem:$0x3FB3];
	_ =	sdelay $0x3  }
0x34: {  	[smem:$0x3FB3] =	sst s10  }
0x35: {  	s10 =	sld [smem:$0x3FB2];
	_ =	sdelay $0x3  }
0x36: {  	p1 =	seq.s32 s10, $0x1;
	s10 =	sld [smem:$0x3FB3];
	_ =	sdelay $0x3  }
0x37: {  	[smem:$0x3FB3] =	sst s10  }
0x38: {  	s10 =	sld [smem:$0x3FB4]  }
0x39: {  	_ = 	snop;
	(pc) =	sbr.ind lr, $3  }
0x3a: {  	_ = 	snop  }
0x3b: {  	_ = 	snop  }
0x3c: {  	p2 =	seq.s32 s10, $0x1;
	s10 =	sld [smem:$0x3FB3]  }
0x3d: {  	_ =	shalt  }
0x3e: {  	_ =	shalt  }
0x3f: {  	_ =	shalt  }
0x40: {  	_ =	shalt  }
0x41: {  	_ =	shalt  }
0x42: {  	_ =	shalt  }
0x43: {  	_ =	shalt  }
0x44: {  	_ =	shalt  }
0x45: {  	_ =	shalt  }
0x46: {  	_ =	shalt  }
0x47: {  	_ =	shalt  }
0x48: {  	_ =	shalt  }
0x49: {  	_ =	shalt  }
0x4a: {  	_ =	shalt  }
0x4b: {  	_ =	shalt  }
0x4c: {  	_ =	shalt  }
0x4d: {  	_ =	shalt  }
0x4e: {  	_ =	shalt  }
0x4f: {  	_ =	shalt  }
0x50: {  	_ =	shalt  }
0x51: {  	_ =	shalt  }
0x52: {  	_ =	shalt  }
0x53: {  	_ =	shalt  }
0x54: {  	_ =	shalt  }
0x55: {  	_ =	shalt  }
0x56: {  	_ =	shalt  }
0x57: {  	_ =	shalt  }
0x58: {  	_ =	shalt  }
0x59: {  	_ =	shalt  }
0x5a: {  	_ =	shalt  }
0x5b: {  	_ =	shalt  }
0x5c: {  	_ =	shalt  }
0x5d: {  	_ =	shalt  }
0x5e: {  	_ =	shalt  }
0x5f: {  	_ =	shalt  }
0x60: {  	_ =	shalt  }
0x61: {  	_ =	shalt  }
0x62: {  	_ =	shalt  }
0x63: {  	_ =	shalt  }
0x64: {  	_ =	shalt  }
0x65: {  	_ =	shalt  }
0x66: {  	_ =	shalt  }
0x67: {  	_ =	shalt  }
0x68: {  	_ =	shalt  }
0x69: {  	_ =	shalt  }
0x6a: {  	_ =	shalt  }
0x6b: {  	_ =	shalt  }
0x6c: {  	_ =	shalt  }
0x6d: {  	_ =	shalt  }
0x6e: {  	_ =	shalt  }
0x6f: {  	_ =	shalt  }
0x70: {  	_ =	shalt  }
0x71: {  	_ =	shalt  }
0x72: {  	_ =	shalt  }
0x73: {  	_ =	shalt  }
0x74: {  	_ =	shalt  }
0x75: {  	_ =	shalt  }
0x76: {  	_ =	shalt  }
0x77: {  	_ =	shalt  }
0x78: {  	_ =	shalt  }
0x79: {  	_ =	shalt  }
0x7a: {  	_ =	shalt  }
0x7b: {  	_ =	shalt  }
0x7c: {  	_ =	shalt  }
0x7d: {  	_ =	shalt  }
0x7e: {  	_ =	shalt  }
0x7f: {  	_ =	shalt  }
0x80: {  	_ =	shalt  }
0x81: {  	_ =	shalt  }
0x82: {  	_ =	shalt  }
0x83: {  	_ =	shalt  }
0x84: {  	_ =	shalt  }
0x85: {  	_ =	shalt  }
0x86: {  	_ =	shalt  }
0x87: {  	_ =	shalt  }
.Lfunc_end0:
.L_simem_size_0:
called_computation.2_lowered:
.L_overlay_start_0:
0x88: {  	s2 =	sld [smem:$0x3FD9]  }
0x89: {  	s3 =	sld [smem:$0x3FFE];
	_ =	sdelay $0x1  }
0x8a: {  	s1 =	srdreg.scid  }
0x8b: {  	s0 =	sand.u32 $0x1, s1  }
0x8c: {  	s17 =	sshll.u32 s0, $0xA;
	s2 =	sadd.s32 s3, s2  }
0x8d: {  	s2 =	sadd.s32 s2, s17  }
0x8e: {  	[smem:$0x3FBF] =	sst s2  }
0x8f: {  	_ = 	snop  }
0x90: {  	s2 =	sld [smem:$0x3FC7];
	(tm) =	ssettm $0x1  }
0x91: {  	s18 =	sld [smem:$0x3FFB];
	_ =	sdelay $0x3  }
0x92: {  	_ =	strace s18  }
0x93: {  	s3 =	sld [smem:$0x3FFC];
	_ =	sdelay $0x3  }
0x94: {  	_ =	strace s3  }
0x95: {  	s3 =	sld [smem:$0x3FFD];
	_ =	sdelay $0x3  }
0x96: {  	_ =	strace s3  }
0x97: {  	_ =	strace $0x8FFFFFFF  }
0x98: {  	s19 =	sld [smem:$0x3FDB];
	_ =	sdelay $0x1  }
0x99: {  	s4 =	simm.s32 $_scs_section_size  }
0x9a: {  	s5 =	simm.s32 $_size__tile_overlayer_lowered;
	s6 =	simm.s32 $_tile_overlayer_lowered  }
0x9b: {  	s22 =	simm.s32 $0x1BFF;
	s21 =	sshll.u32 s6, $0x1;
	s3 =	sadd.s32 s4, s19  }
0x9c: {  	s7 =	simm.s32 $0x0;
	s20 =	sshll.u32 s5, $0x1;
	s5 =	sadd.s32 s21, s3  }
0x9d: {  	[timem:s7], [sflag:s22] =	dma.local [hbm:s5], s20  }
0x9e: {  	_ =	swait.ge [sflag:s22], s20  }
0x9f: {  	s4 =	ssub.s32 $0x0, s20;
	[sflag:s22] =	ssyncset.done $0x0  }
0xa0: {  	[sflag:s22] =	ssyncadd.s32 s4;
	_ =	sdelay $0x1  }
0xa1: {  	s23 =	simm.s32 $0x1B8B  }
0xa2: {  	_ =	swait.ge [sflag:s23], $0x1  }
0xa3: {  	[sflag:s23] =	ssyncset.done $0x0  }
0xa4: {  	s25 =	simm.s32 $0x1B8E;
	s24 =	sld [smem:$0x3FFE];
	[sflag:s23] =	ssyncadd.s32 $0xFFFFFFFF  }
0xa5: {  	s26 =	simm.s32 $execute0_lowered;
	[smem:$0x3FD2] =	sst s25  }
0xa6: {  	s5 =	sshll.u32 s26, $0x1;
	_ =	strace $0x8000004C;
	[dreg:$0x1] =	wrdreg $0xFFFFFFFF  }
0xa7: {  	s28 =	simm.s32 $_size_execute0_lowered;
	s3 =	sadd.s32 s3, s5;
	[dreg:$0x0] =	wrdreg $0x0  }
0xa8: {  	s5 =	sshll.u32 s28, $0x1;
	[dreg:$0x2] =	wrdreg s3  }
0xa9: {  	[dreg:$0x3] =	wrdreg s5  }
0xaa: {  	[dreg:$0x4] =	wrdreg $0xC0  }
0xab: {  	_ =	task [dreg:s7], $0x5FFFF  }
0xac: {  	[dreg:$0x1] =	wrdreg $0xFFFFFFFF  }
0xad: {  	[dreg:$0x0] =	wrdreg $0x60  }
0xae: {  	[dreg:$0x2] =	wrdreg s24  }
0xaf: {  	[dreg:$0x3] =	wrdreg s2  }
0xb0: {  	[dreg:$0x4] =	wrdreg $0x9  }
0xb1: {  	_ =	task.clear_ibuf [dreg:s7], $0x5FFFF;
	_ =	strace $0x9000004C  }
0xb2: {  	s29 =	simm.s32 $0x9;
	_ =	strace $0x8000004E  }
0xb3: {  	_ =	swait.ge [sflag:s29], $0x1  }
0xb4: {  	[sflag:s29] =	ssyncadd.s32 $0xFFFFFFFF  }
0xb5: {  	_ =	strace $0x9000004E  }
0xb6: {  	_ =	sfence  }
0xb7: {  	s30 =	sld [smem:$0x0];
	_ =	sdelay $0x2  }
0xb8: {  	s31 =	sshll.u32 s1, $0xD;
	s1 =	sshrl.u32 s1, $0x2  }
0xb9: {  	s3 =	sand.u32 $0x4000, s31;
	s1 =	sadd.s32 s1, s30  }
0xba: {  	s0 =	sor.u32 s3, s0;
	s1 =	sshll.u32 s1, $0x11  }
0xbb: {  	s0 =	sor.u32 s1, s0  }
0xbc: {  	s0 =	sadd.s32 $0x8F2B, s0  }
0xbd: {  	[sflag:s0] =	ssyncadd.remote.s32 $0x1  }
0xbe: {  	_ =	sfence.sel $0xFFFF  }
0xbf: {  	[dreg:$0x0] =	wrdreg $0xFFFFFFFF;
	(pc) =	sbr.abs _section_cstart, $3  }
0xc0: {  	[dreg:$0x1] =	wrdreg $0xFFFFFFFF  }
0xc1: {  	_ =	task.clear_ibuf [dreg:s7], $0x2FFFF;
	_ =	strace $0x9FFFFFFF  }
0xc2: {  	(tm) =	ssettm $0x7FFFFFFF  }
0xc3: {  	_ =	shalt  }
tec
execute0_lowered:
.L_overlay_start_1:
0x0: {  	(tag) =	ssettag $0x1  }
0x1: {  	s0 =	srdreg.scid;
	s2 =	stileid.u32  }
0x2: {  	s7 =	rddreg [dreg:$0x0];
	s4 =	simm.s32 $0x1;
	s3 =	simm.s32 $0x0  }
0x3: {  	s6 =	simm.s32 $0x1;
	s9 =	simm.s32 $0x27100;
	s18 =	simm.s32 $0x14000  }
0x4: {  	s28 =	simm.s32 $0x7800;
	s29 =	simm.s32 $0xA000;
	s0 =	sand.u32 $0x1, s0  }
0x5: {  	s30 =	simm.s32 $0xC800;
	s31 =	simm.s32 $0xF000;
	s1 =	sshll.u32 s0, $0x4  }
0x6: {  	s0 =	ssub.s32 $0x2, s0;
	s1 =	sor.u32 s2, s1;
	s2 =	sand.u32 $0x1, s2  }
0x7: {  	[smem:$0x7FF] =	sst s3;
	s19 =	sshrl.u32 s0, $0x1;
	p0 =	seq.s32 s2, $0x1  }
0x8: {  	p1 =	seq.s32 s1, $0x0;
	s2 =	rddreg [dreg:$0x1];
	s5 =	sshrl.u32 s1, $0x1  }
0x9: {  	_ =	strace $0x8000004D;
	s1 =	smul.u32 $0x1400, s1;
	s0 =	ssub.s32 s0, s19  }
0xa: {  	s19 =	simm.s32 $0x15F40;
	p1 =	por !p1, !p0;
	s9 =	simm.s32 @!p0 $0x0  }
0xb: {  	s0 =	smax.u32 s0, $0x1;
	p1 =	por !p1, !p1;
	s1 =	sadd.s32 s1, s7  }
0xc: {  	s10 =	sshrl.u32 s9, $0x3;
	s14 =	sadd.s32 $0x1F40, s9;
	s15 =	sadd.s32 $0x2EE0, s9  }
0xd: {  	[dreg:$0xb] =	wrdreg s0;
	s0 =	simm.s32 $0x2;
	s4 =	simm.s32 @!p1 $0x0  }
0xe: {  	s23 =	sadd.s32 s2, s10;
	s24 =	sadd.s32 $0x1F4, s10;
	s1 =	sadd.s32 $0x29400, s1  }
0xf: {  	s4 =	ssub.s32 s5, s4;
	s5 =	sadd.s32 $0xB600, s7;
	[dreg:$0x6] =	wrdreg s23  }
0x10: {  	[dreg:$0xa] =	wrdreg s1;
	s23 =	simm.s32 $0x18E20;
	s1 =	simm.s32 $0x11800  }
0x11: {  	s8 =	smul.u32 $0xA000, s4;
	s4 =	sadd.s32 $0x1800, s7;
	s22 =	sadd.s32 s5, s10  }
0x12: {  	s26 =	sadd.s32 s5, s24;
	s21 =	sadd.s32 s4, s10;
	[dreg:$0x5] =	wrdreg s22  }
0x13: {  	s25 =	sadd.s32 s4, s24;
	[dreg:$0x8] =	wrdreg s26;
	s22 =	simm.s32 $0x16EE0  }
0x14: {  	s26 =	simm.s32 $0x5000;
	s8 =	sshrl.u32 s8, $0x3;
	[dreg:$0x4] =	wrdreg s21  }
0x15: {  	[dreg:$0x7] =	wrdreg s25;
	s21 =	simm.s32 $0x14FA0;
	s25 =	simm.s32 $0x2800  }
0x16: {  	s8 =	sadd.s32 s8, s7;
	s7 =	sadd.s32 s2, s24;
	s24 =	simm.s32 $0x3  }
0x17: {  	s20 =	sadd.s32 $0x15400, s8;
	[dreg:$0x9] =	wrdreg s7;
	s7 =	simm.s32 $0x4  }
0x18: {  	v0 =	vimm.f32 $0.0e+00;
	s8 =	simm.s32 $0x0;
	[dreg:$0x3] =	wrdreg s20;
	s20 =	simm.s32 $0x17E80  }
.LBB2_1:
0x19: {  	s9 =	rddreg [dreg:$0x3]  }
0x1a: {  	[tilespmem:s3], [sflag:$0x3] =	stream.linear.gather [hbm4b:s9+s3], $0xA000, $0x38;
	[tilespmem:$0x19DC0] =	vst v63  }
0x1b: {  	s10 =	rddreg [dreg:$0x4]  }
0x1c: {  	[tilespmem:s18], [sflag:$0x1] =	stream.linear.gather [hbm4b:s10+s3], $0xFA0, $0x38;
	[tilespmem:$0x19DC0] =	vst v63  }
0x1d: {  	s11 =	rddreg [dreg:$0x5]  }
0x1e: {  	[tilespmem:s19], [sflag:$0x1] =	stream.linear.gather [hbm4b:s11+s3], $0xFA0, $0x38;
	[tilespmem:$0x19DC0] =	vst v63  }
0x1f: {  	s12 =	rddreg [dreg:$0x6]  }
0x20: {  	[tilespmem:s20], [sflag:$0x1] =	stream.linear.gather [hbm4b:s12+s3], $0xFA0, $0x38;
	[tilespmem:$0x19DC0] =	vst v63  }
0x21: {  	s13 =	rddreg [dreg:$0x7]  }
0x22: {  	[tilespmem:s21], [sflag:$0x2] =	stream.linear.gather [hbm4b:s13+s3], $0xFA0, $0x38;
	[tilespmem:$0x19DC0] =	vst v63  }
0x23: {  	s16 =	rddreg [dreg:$0x8]  }
0x24: {  	[tilespmem:s22], [sflag:$0x2] =	stream.linear.gather [hbm4b:s16+s3], $0xFA0, $0x38;
	[tilespmem:$0x19DC0] =	vst v63  }
0x25: {  	s17 =	smul.u32 $0xCCCD, s3;
	s10 =	rddreg [dreg:$0x9]  }
0x26: {  	[tilespmem:s23], [sflag:$0x2] =	stream.linear.gather [hbm4b:s10+s3], $0xFA0, $0x38;
	[tilespmem:$0x19DC0] =	vst v63  }
0x27: {  	s10 =	sshrl.u32 s17, $0x19  }
0x28: {  	s9 =	simm.s32 $0x1;
	s11 =	simm.s32 $0x0;
	s12 =	smul.u32 $0x280, s10  }
.LBB2_2:
0x29: {  	s13 =	smul.u32 $0xCCCD, s9  }
0x2a: {  	s16 =	smov.u32 s9;
	s10 =	smul.u32 $0xA000, s10;
	p0 =	sne.s32 s9, $0x9FF  }
.Ltmp0:
0x2b: {  	s11 =	ssub.s32 s11, s12;
	(pc) =	sbr.rel @p0 .LBB2_2-.Ltmp0, $4  }
0x2c: {  	s9 =	sadd.s32 $0x1, s9;
	s11 =	sand.u32 $0xFFFF, s11  }
0x2d: {  	s12 =	sshrl.u32 s10, $0x2;
	s17 =	sshll.u32 s11, $0x4;
	s11 =	smov.u32 s16  }
0x2e: {  	s10 =	sshrl.u32 s13, $0x19;
	s13 =	sadd.s32 s17, s12  }
0x2f: {  	s12 =	smul.u32 $0x280, s10;
	[tilespmem:s13+$0xA000] =	vst v0  }
0x30: {  	_ = 	snop  }
0x31: {  	s10 =	smul.u32 $0xA000, s10;
	s9 =	ssub.s32 s11, s12  }
0x32: {  	s9 =	sand.u32 $0xFFFF, s9  }
0x33: {  	s10 =	sshrl.u32 s10, $0x2;
	s9 =	sshll.u32 s9, $0x4  }
0x34: {  	s9 =	sadd.s32 s9, s10  }
0x35: {  	[tilespmem:s9+$0xA000] =	vst v0  }
0x36: {  	_ =	swait.ge [sflag:s24], $0xA000  }
0x37: {  	[sflag:s24] =	ssyncset.done $0x0  }
0x38: {  	s9 =	simm.s32 $0x0;
	[sflag:s24] =	ssyncadd.s32 $0xFFFF6000  }
.LBB2_4:
0x39: {  	_ =	swait.ge [sflag:s6], $0xFA0  }
0x3a: {  	[sflag:s6] =	ssyncset.done $0x0  }
0x3b: {  	[sflag:s6] =	ssyncadd.s32 $0xFFFFF060  }
0x3c: {  	_ =	swait.ge [sflag:s6], $0xFA0  }
0x3d: {  	[sflag:s6] =	ssyncset.done $0x0  }
0x3e: {  	[sflag:s6] =	ssyncadd.s32 $0xFFFFF060  }
0x3f: {  	_ =	swait.ge [sflag:s6], $0xFA0  }
0x40: {  	[sflag:s6] =	ssyncset.done $0x0  }
0x41: {  	s12 =	simm.s32 $0x14050;
	[sflag:s6] =	ssyncadd.s32 $0xFFFFF060  }
0x42: {  	v1 =	vld [tilespmem:s12+$0x40]  }
0x43: {  	v2 =	vld [tilespmem:s12+$0xFFFFFFC0]  }
0x44: {  	v3 =	vld [tilespmem:s12+$0xFFFFFFD0]  }
0x45: {  	v4 =	vld [tilespmem:s12+$0xFFFFFFE0]  }
0x46: {  	v5 =	vld [tilespmem:s12+$0xFFFFFFF0]  }
0x47: {  	s10 =	simm.s32 $0x17ED0;
	v6 =	vld [tilespmem:s12+$0x0]  }
0x48: {  	s11 =	simm.s32 $0x15F90;
	v7 =	vld [tilespmem:s10+$0x40]  }
0x49: {  	v8 =	vld [tilespmem:s11+$0x40]  }
0x4a: {  	v12 =	vld [tilespmem:s12+$0x10]  }
0x4b: {  	v13 =	vld [tilespmem:s12+$0x20]  }
0x4c: {  	v14 =	vld [tilespmem:s12+$0x30]  }
0x4d: {  	v15 =	vld [tilespmem:s12+$0xFFFFFFB0]  }
0x4e: {  	v37 =	vld [tilespmem:s10+$0xFFFFFFB0]  }
0x4f: {  	v38 =	vld [tilespmem:s10+$0xFFFFFFC0]  }
0x50: {  	v39 =	vld [tilespmem:s10+$0xFFFFFFD0]  }
0x51: {  	v40 =	vld [tilespmem:s10+$0xFFFFFFE0]  }
0x52: {  	v41 =	vld [tilespmem:s10+$0xFFFFFFF0]  }
0x53: {  	v42 =	vld [tilespmem:s11+$0xFFFFFFB0]  }
0x54: {  	v43 =	vld [tilespmem:s10+$0x0]  }
0x55: {  	v44 =	vld [tilespmem:s10+$0x10]  }
0x56: {  	v45 =	vld [tilespmem:s10+$0x20]  }
0x57: {  	v46 =	vld [tilespmem:s10+$0x30]  }
0x58: {  	v47 =	vld [tilespmem:s11+$0xFFFFFFC0]  }
0x59: {  	v48 =	vld [tilespmem:s11+$0xFFFFFFD0]  }
0x5a: {  	v49 =	vld [tilespmem:s11+$0xFFFFFFE0]  }
0x5b: {  	v58 =	vld [tilespmem:s11+$0xFFFFFFF0]  }
0x5c: {  	v59 =	vld [tilespmem:s11+$0x0]  }
0x5d: {  	v60 =	vld [tilespmem:s11+$0x10]  }
0x5e: {  	v61 =	vld [tilespmem:s11+$0x20]  }
0x5f: {  	v62 =	vld [tilespmem:s11+$0x30]  }
0x60: {  	v9 =	vld.idx.msk [tilespmem:v1+s3+$0x0], $0xffff  }
0x61: {  	v10 =	vld.idx.msk [tilespmem:v1+s25+$0x0], $0xffff  }
0x62: {  	v11 =	vld.idx.msk [tilespmem:v1+s26+$0x0], $0xffff  }
0x63: {  	v1 =	vld.idx.msk [tilespmem:v1+s28+$0x0], $0xffff  }
0x64: {  	v53 =	vld.idx.msk [tilespmem:v2+s25+$0x0], $0xffff  }
0x65: {  	v54 =	vld.idx.msk [tilespmem:v2+s26+$0x0], $0xffff  }
0x66: {  	v55 =	vld.idx.msk [tilespmem:v15+s3+$0x0], $0xffff  }
0x67: {  	v56 =	vld.idx.msk [tilespmem:v15+s25+$0x0], $0xffff  }
0x68: {  	v57 =	vld.idx.msk [tilespmem:v15+s26+$0x0], $0xffff  }
0x69: {  	v15 =	vld.idx.msk [tilespmem:v15+s28+$0x0], $0xffff  }
0x6a: {  	v16 =	vld.idx.msk [tilespmem:v3+s3+$0x0], $0xffff  }
0x6b: {  	v17 =	vld.idx.msk [tilespmem:v3+s25+$0x0], $0xffff  }
0x6c: {  	v18 =	vld.idx.msk [tilespmem:v3+s26+$0x0], $0xffff  }
0x6d: {  	v3 =	vld.idx.msk [tilespmem:v3+s28+$0x0], $0xffff  }
0x6e: {  	v19 =	vld.idx.msk [tilespmem:v4+s3+$0x0], $0xffff  }
0x6f: {  	v20 =	vld.idx.msk [tilespmem:v4+s25+$0x0], $0xffff  }
0x70: {  	v21 =	vld.idx.msk [tilespmem:v4+s26+$0x0], $0xffff  }
0x71: {  	v4 =	vld.idx.msk [tilespmem:v4+s28+$0x0], $0xffff  }
0x72: {  	v22 =	vld.idx.msk [tilespmem:v5+s3+$0x0], $0xffff  }
0x73: {  	v23 =	vld.idx.msk [tilespmem:v5+s25+$0x0], $0xffff  }
0x74: {  	v24 =	vld.idx.msk [tilespmem:v5+s26+$0x0], $0xffff  }
0x75: {  	v5 =	vld.idx.msk [tilespmem:v5+s28+$0x0], $0xffff  }
0x76: {  	v25 =	vld.idx.msk [tilespmem:v6+s3+$0x0], $0xffff  }
0x77: {  	v26 =	vld.idx.msk [tilespmem:v6+s25+$0x0], $0xffff  }
0x78: {  	v27 =	vld.idx.msk [tilespmem:v6+s26+$0x0], $0xffff  }
0x79: {  	v6 =	vld.idx.msk [tilespmem:v6+s28+$0x0], $0xffff  }
0x7a: {  	v28 =	vld.idx.msk [tilespmem:v12+s3+$0x0], $0xffff  }
0x7b: {  	v29 =	vld.idx.msk [tilespmem:v12+s25+$0x0], $0xffff  }
0x7c: {  	v30 =	vld.idx.msk [tilespmem:v12+s26+$0x0], $0xffff  }
0x7d: {  	v12 =	vld.idx.msk [tilespmem:v12+s28+$0x0], $0xffff  }
0x7e: {  	v31 =	vld.idx.msk [tilespmem:v13+s3+$0x0], $0xffff  }
0x7f: {  	v32 =	vld.idx.msk [tilespmem:v13+s25+$0x0], $0xffff  }
0x80: {  	v33 =	vld.idx.msk [tilespmem:v13+s26+$0x0], $0xffff  }
0x81: {  	v13 =	vld.idx.msk [tilespmem:v13+s28+$0x0], $0xffff  }
0x82: {  	v34 =	vld.idx.msk [tilespmem:v14+s3+$0x0], $0xffff  }
0x83: {  	v35 =	vld.idx.msk [tilespmem:v14+s25+$0x0], $0xffff;
	v9 =	vmul.f32 v9, v7  }
0x84: {  	v36 =	vld.idx.msk [tilespmem:v14+s26+$0x0], $0xffff;
	v10 =	vmul.f32 v10, v7  }
0x85: {  	v52 =	vmul.f32 v11, v7;
	[tilespmem:v8+s29+$0x0] =	vst.idx.add.f32.msk $0xffff, v9  }
0x86: {  	v1 =	vmul.f32 v1, v7;
	[tilespmem:v8+s30+$0x0] =	vst.idx.add.f32.msk $0xffff, v10  }
0x87: {  	[tilespmem:v8+s31+$0x0] =	vst.idx.add.f32.msk $0xffff, v52  }
0x88: {  	[tilespmem:v8+s1+$0x0] =	vst.idx.add.f32.msk $0xffff, v1  }
0x89: {  	v9 =	vmul.f32 v55, v37;
	v1 =	vld.idx.msk [tilespmem:v2+s3+$0x0], $0xffff  }
0x8a: {  	v14 =	vld.idx.msk [tilespmem:v14+s28+$0x0], $0xffff  }
0x8b: {  	v10 =	vmul.f32 v56, v37;
	[tilespmem:v42+s29+$0x0] =	vst.idx.add.f32.msk $0xffff, v9  }
0x8c: {  	v11 =	vmul.f32 v57, v37;
	v2 =	vld.idx.msk [tilespmem:v2+s28+$0x0], $0xffff  }
0x8d: {  	v15 =	vmul.f32 v15, v37;
	[tilespmem:v42+s30+$0x0] =	vst.idx.add.f32.msk $0xffff, v10  }
0x8e: {  	[tilespmem:v42+s31+$0x0] =	vst.idx.add.f32.msk $0xffff, v11;
	v1 =	vmul.f32 v1, v38  }
0x8f: {  	v7 =	vmul.f32 v53, v38;
	[tilespmem:v42+s1+$0x0] =	vst.idx.add.f32.msk $0xffff, v15  }
0x90: {  	v8 =	vmul.f32 v54, v38;
	[tilespmem:v47+s29+$0x0] =	vst.idx.add.f32.msk $0xffff, v1  }
0x91: {  	v1 =	vmul.f32 v2, v38;
	v2 =	vmul.f32 v16, v39;
	[tilespmem:v47+s30+$0x0] =	vst.idx.add.f32.msk $0xffff, v7  }
0x92: {  	[tilespmem:v47+s31+$0x0] =	vst.idx.add.f32.msk $0xffff, v8  }
0x93: {  	v63 =	vmul.f32 v17, v39;
	[tilespmem:v48+s29+$0x0] =	vst.idx.add.f32.msk $0xffff, v2  }
0x94: {  	v2 =	vmul.f32 v3, v39;
	v3 =	vmul.f32 v19, v40;
	[tilespmem:v47+s1+$0x0] =	vst.idx.add.f32.msk $0xffff, v1  }
0x95: {  	v1 =	vmul.f32 v18, v39;
	[tilespmem:v48+s30+$0x0] =	vst.idx.add.f32.msk $0xffff, v63  }
0x96: {  	[tilespmem:v49+s29+$0x0] =	vst.idx.add.f32.msk $0xffff, v3  }
0x97: {  	[tilespmem:v48+s31+$0x0] =	vst.idx.add.f32.msk $0xffff, v1;
	v1 =	vmul.f32 v20, v40  }
0x98: {  	[tilespmem:v48+s1+$0x0] =	vst.idx.add.f32.msk $0xffff, v2;
	v2 =	vmul.f32 v21, v40  }
0x99: {  	v3 =	vmul.f32 v4, v40;
	[tilespmem:v49+s30+$0x0] =	vst.idx.add.f32.msk $0xffff, v1  }
0x9a: {  	v1 =	vmul.f32 v22, v41;
	[tilespmem:v49+s31+$0x0] =	vst.idx.add.f32.msk $0xffff, v2  }
0x9b: {  	v2 =	vmul.f32 v23, v41;
	[tilespmem:v49+s1+$0x0] =	vst.idx.add.f32.msk $0xffff, v3  }
0x9c: {  	v3 =	vmul.f32 v24, v41;
	[tilespmem:v58+s29+$0x0] =	vst.idx.add.f32.msk $0xffff, v1  }
0x9d: {  	v1 =	vmul.f32 v5, v41;
	[tilespmem:v58+s30+$0x0] =	vst.idx.add.f32.msk $0xffff, v2  }
0x9e: {  	v2 =	vmul.f32 v25, v43;
	[tilespmem:v58+s31+$0x0] =	vst.idx.add.f32.msk $0xffff, v3  }
0x9f: {  	v3 =	vmul.f32 v26, v43;
	[tilespmem:v58+s1+$0x0] =	vst.idx.add.f32.msk $0xffff, v1  }
0xa0: {  	v1 =	vmul.f32 v27, v43;
	[tilespmem:v59+s29+$0x0] =	vst.idx.add.f32.msk $0xffff, v2  }
0xa1: {  	v2 =	vmul.f32 v6, v43;
	[tilespmem:v59+s30+$0x0] =	vst.idx.add.f32.msk $0xffff, v3  }
0xa2: {  	v3 =	vmul.f32 v28, v44;
	[tilespmem:v59+s31+$0x0] =	vst.idx.add.f32.msk $0xffff, v1  }
0xa3: {  	v1 =	vmul.f32 v29, v44;
	[tilespmem:v59+s1+$0x0] =	vst.idx.add.f32.msk $0xffff, v2  }
0xa4: {  	v2 =	vmul.f32 v30, v44;
	[tilespmem:v60+s29+$0x0] =	vst.idx.add.f32.msk $0xffff, v3  }
0xa5: {  	v3 =	vmul.f32 v12, v44;
	[tilespmem:v60+s30+$0x0] =	vst.idx.add.f32.msk $0xffff, v1  }
0xa6: {  	v1 =	vmul.f32 v31, v45;
	[tilespmem:v60+s31+$0x0] =	vst.idx.add.f32.msk $0xffff, v2  }
0xa7: {  	v2 =	vmul.f32 v32, v45;
	[tilespmem:v60+s1+$0x0] =	vst.idx.add.f32.msk $0xffff, v3  }
0xa8: {  	v3 =	vmul.f32 v33, v45;
	[tilespmem:v61+s29+$0x0] =	vst.idx.add.f32.msk $0xffff, v1  }
0xa9: {  	v1 =	vmul.f32 v13, v45;
	[tilespmem:v61+s30+$0x0] =	vst.idx.add.f32.msk $0xffff, v2  }
0xaa: {  	v2 =	vmul.f32 v34, v46;
	[tilespmem:v61+s31+$0x0] =	vst.idx.add.f32.msk $0xffff, v3  }
0xab: {  	v3 =	vmul.f32 v35, v46;
	[tilespmem:v61+s1+$0x0] =	vst.idx.add.f32.msk $0xffff, v1  }
0xac: {  	v1 =	vmul.f32 v36, v46;
	[tilespmem:v62+s29+$0x0] =	vst.idx.add.f32.msk $0xffff, v2  }
0xad: {  	v2 =	vmul.f32 v14, v46;
	[tilespmem:v62+s30+$0x0] =	vst.idx.add.f32.msk $0xffff, v3  }
0xae: {  	[tilespmem:v62+s31+$0x0] =	vst.idx.add.f32.msk $0xffff, v1  }
0xaf: {  	s13 =	simm.s32 $0x140F0;
	s12 =	simm.s32 $0x0;
	[tilespmem:v62+s1+$0x0] =	vst.idx.add.f32.msk $0xffff, v2  }
.LBB2_5:
0xb0: {  	v1 =	vld [tilespmem:s13+$0x40]  }
0xb1: {  	v2 =	vld [tilespmem:s13+$0xFFFFFFC0]  }
0xb2: {  	v3 =	vld [tilespmem:s13+$0xFFFFFFD0]  }
0xb3: {  	s12 =	sadd.s32 $0xA, s12;
	v4 =	vld [tilespmem:s13+$0xFFFFFFE0]  }
0xb4: {  	p0 =	slt.u32 s12, $0xF0;
	v5 =	vld [tilespmem:s13+$0xFFFFFFF0]  }
0xb5: {  	s10 =	sadd.s32 $0xA0, s10;
	v6 =	vld [tilespmem:s13+$0x0]  }
0xb6: {  	s11 =	sadd.s32 $0xA0, s11;
	v7 =	vld [tilespmem:s10+$0x40]  }
0xb7: {  	v8 =	vld [tilespmem:s11+$0x40]  }
0xb8: {  	v9 =	vld.idx.msk [tilespmem:v1+s3+$0x0], $0xffff  }
0xb9: {  	v10 =	vld.idx.msk [tilespmem:v1+s25+$0x0], $0xffff  }
0xba: {  	v11 =	vld.idx.msk [tilespmem:v1+s26+$0x0], $0xffff  }
0xbb: {  	v1 =	vld.idx.msk [tilespmem:v1+s28+$0x0], $0xffff  }
0xbc: {  	v12 =	vld [tilespmem:s13+$0x10]  }
0xbd: {  	v13 =	vld [tilespmem:s13+$0x20]  }
0xbe: {  	v9 =	vmul.f32 v9, v7;
	v14 =	vld [tilespmem:s13+$0x30]  }
0xbf: {  	v10 =	vmul.f32 v10, v7;
	v15 =	vld [tilespmem:s13+$0xFFFFFFB0]  }
0xc0: {  	[tilespmem:v8+s29+$0x0] =	vst.idx.add.f32.msk $0xffff, v9;
	v9 =	vmul.f32 v11, v7  }
0xc1: {  	v1 =	vmul.f32 v1, v7;
	[tilespmem:v8+s30+$0x0] =	vst.idx.add.f32.msk $0xffff, v10  }
0xc2: {  	[tilespmem:v8+s31+$0x0] =	vst.idx.add.f32.msk $0xffff, v9  }
0xc3: {  	[tilespmem:v8+s1+$0x0] =	vst.idx.add.f32.msk $0xffff, v1  }
0xc4: {  	v1 =	vld.idx.msk [tilespmem:v2+s3+$0x0], $0xffff  }
0xc5: {  	v7 =	vld.idx.msk [tilespmem:v2+s25+$0x0], $0xffff  }
0xc6: {  	v8 =	vld.idx.msk [tilespmem:v2+s26+$0x0], $0xffff  }
0xc7: {  	v9 =	vld.idx.msk [tilespmem:v15+s3+$0x0], $0xffff  }
0xc8: {  	v10 =	vld.idx.msk [tilespmem:v15+s25+$0x0], $0xffff  }
0xc9: {  	v11 =	vld.idx.msk [tilespmem:v15+s26+$0x0], $0xffff  }
0xca: {  	v15 =	vld.idx.msk [tilespmem:v15+s28+$0x0], $0xffff  }
0xcb: {  	v2 =	vld.idx.msk [tilespmem:v2+s28+$0x0], $0xffff  }
0xcc: {  	v16 =	vld.idx.msk [tilespmem:v3+s3+$0x0], $0xffff  }
0xcd: {  	v17 =	vld.idx.msk [tilespmem:v3+s25+$0x0], $0xffff  }
0xce: {  	v18 =	vld.idx.msk [tilespmem:v3+s26+$0x0], $0xffff  }
0xcf: {  	v3 =	vld.idx.msk [tilespmem:v3+s28+$0x0], $0xffff  }
0xd0: {  	v19 =	vld.idx.msk [tilespmem:v4+s3+$0x0], $0xffff  }
0xd1: {  	v20 =	vld.idx.msk [tilespmem:v4+s25+$0x0], $0xffff  }
0xd2: {  	v21 =	vld.idx.msk [tilespmem:v4+s26+$0x0], $0xffff  }
0xd3: {  	v4 =	vld.idx.msk [tilespmem:v4+s28+$0x0], $0xffff  }
0xd4: {  	v22 =	vld.idx.msk [tilespmem:v5+s3+$0x0], $0xffff  }
0xd5: {  	v23 =	vld.idx.msk [tilespmem:v5+s25+$0x0], $0xffff  }
0xd6: {  	v24 =	vld.idx.msk [tilespmem:v5+s26+$0x0], $0xffff  }
0xd7: {  	v5 =	vld.idx.msk [tilespmem:v5+s28+$0x0], $0xffff  }
0xd8: {  	v25 =	vld.idx.msk [tilespmem:v6+s3+$0x0], $0xffff  }
0xd9: {  	v26 =	vld.idx.msk [tilespmem:v6+s25+$0x0], $0xffff  }
0xda: {  	v27 =	vld.idx.msk [tilespmem:v6+s26+$0x0], $0xffff  }
0xdb: {  	v6 =	vld.idx.msk [tilespmem:v6+s28+$0x0], $0xffff  }
0xdc: {  	v28 =	vld.idx.msk [tilespmem:v12+s3+$0x0], $0xffff  }
0xdd: {  	v29 =	vld.idx.msk [tilespmem:v12+s25+$0x0], $0xffff  }
0xde: {  	v30 =	vld.idx.msk [tilespmem:v12+s26+$0x0], $0xffff  }
0xdf: {  	v12 =	vld.idx.msk [tilespmem:v12+s28+$0x0], $0xffff  }
0xe0: {  	v31 =	vld.idx.msk [tilespmem:v13+s3+$0x0], $0xffff  }
0xe1: {  	v32 =	vld.idx.msk [tilespmem:v13+s25+$0x0], $0xffff  }
0xe2: {  	v33 =	vld.idx.msk [tilespmem:v13+s26+$0x0], $0xffff  }
0xe3: {  	v13 =	vld.idx.msk [tilespmem:v13+s28+$0x0], $0xffff  }
0xe4: {  	v34 =	vld.idx.msk [tilespmem:v14+s3+$0x0], $0xffff  }
0xe5: {  	v35 =	vld.idx.msk [tilespmem:v14+s25+$0x0], $0xffff  }
0xe6: {  	v36 =	vld.idx.msk [tilespmem:v14+s26+$0x0], $0xffff  }
0xe7: {  	v14 =	vld.idx.msk [tilespmem:v14+s28+$0x0], $0xffff  }
0xe8: {  	v37 =	vld [tilespmem:s10+$0xFFFFFFB0]  }
0xe9: {  	v38 =	vld [tilespmem:s10+$0xFFFFFFC0]  }
0xea: {  	v39 =	vld [tilespmem:s10+$0xFFFFFFD0]  }
0xeb: {  	v40 =	vld [tilespmem:s10+$0xFFFFFFE0]  }
0xec: {  	v41 =	vld [tilespmem:s10+$0xFFFFFFF0]  }
0xed: {  	v9 =	vmul.f32 v9, v37;
	v10 =	vmul.f32 v10, v37;
	v42 =	vld [tilespmem:s10+$0x0]  }
0xee: {  	v11 =	vmul.f32 v11, v37;
	v15 =	vmul.f32 v15, v37;
	v37 =	vld [tilespmem:s10+$0x10]  }
0xef: {  	v1 =	vmul.f32 v1, v38;
	v7 =	vmul.f32 v7, v38;
	v43 =	vld [tilespmem:s10+$0x20]  }
0xf0: {  	v8 =	vmul.f32 v8, v38;
	v2 =	vmul.f32 v2, v38;
	v38 =	vld [tilespmem:s10+$0x30]  }
0xf1: {  	v16 =	vmul.f32 v16, v39;
	v17 =	vmul.f32 v17, v39;
	v44 =	vld [tilespmem:s11+$0xFFFFFFB0]  }
0xf2: {  	v18 =	vmul.f32 v18, v39;
	v3 =	vmul.f32 v3, v39;
	v45 =	vld [tilespmem:s11+$0xFFFFFFC0]  }
0xf3: {  	v19 =	vmul.f32 v19, v40;
	v20 =	vmul.f32 v20, v40;
	v39 =	vld [tilespmem:s11+$0xFFFFFFD0]  }
0xf4: {  	v21 =	vmul.f32 v21, v40;
	v4 =	vmul.f32 v4, v40;
	v46 =	vld [tilespmem:s11+$0xFFFFFFE0]  }
0xf5: {  	v22 =	vmul.f32 v22, v41;
	v23 =	vmul.f32 v23, v41;
	v40 =	vld [tilespmem:s11+$0xFFFFFFF0]  }
0xf6: {  	v24 =	vmul.f32 v24, v41;
	v5 =	vmul.f32 v5, v41;
	v41 =	vld [tilespmem:s11+$0x0]  }
0xf7: {  	v25 =	vmul.f32 v25, v42;
	v26 =	vmul.f32 v26, v42;
	v47 =	vld [tilespmem:s11+$0x10]  }
0xf8: {  	v27 =	vmul.f32 v27, v42;
	v6 =	vmul.f32 v6, v42;
	v42 =	vld [tilespmem:s11+$0x20]  }
0xf9: {  	v28 =	vmul.f32 v28, v37;
	v29 =	vmul.f32 v29, v37;
	v48 =	vld [tilespmem:s11+$0x30]  }
0xfa: {  	v12 =	vmul.f32 v12, v37;
	[tilespmem:v44+s29+$0x0] =	vst.idx.add.f32.msk $0xffff, v9;
	v9 =	vmul.f32 v30, v37  }
0xfb: {  	v30 =	vmul.f32 v32, v43;
	[tilespmem:v44+s30+$0x0] =	vst.idx.add.f32.msk $0xffff, v10;
	v10 =	vmul.f32 v31, v43  }
0xfc: {  	v13 =	vmul.f32 v13, v43;
	[tilespmem:v44+s31+$0x0] =	vst.idx.add.f32.msk $0xffff, v11;
	v11 =	vmul.f32 v33, v43  }
0xfd: {  	v31 =	vmul.f32 v35, v38;
	[tilespmem:v44+s1+$0x0] =	vst.idx.add.f32.msk $0xffff, v15;
	v15 =	vmul.f32 v34, v38  }
0xfe: {  	v14 =	vmul.f32 v14, v38;
	[tilespmem:v45+s29+$0x0] =	vst.idx.add.f32.msk $0xffff, v1;
	v1 =	vmul.f32 v36, v38  }
0xff: {  	[tilespmem:v45+s30+$0x0] =	vst.idx.add.f32.msk $0xffff, v7  }
0x100: {  	[tilespmem:v45+s31+$0x0] =	vst.idx.add.f32.msk $0xffff, v8  }
0x101: {  	[tilespmem:v45+s1+$0x0] =	vst.idx.add.f32.msk $0xffff, v2  }
0x102: {  	[tilespmem:v39+s29+$0x0] =	vst.idx.add.f32.msk $0xffff, v16  }
0x103: {  	[tilespmem:v39+s30+$0x0] =	vst.idx.add.f32.msk $0xffff, v17  }
0x104: {  	[tilespmem:v39+s31+$0x0] =	vst.idx.add.f32.msk $0xffff, v18  }
0x105: {  	[tilespmem:v39+s1+$0x0] =	vst.idx.add.f32.msk $0xffff, v3  }
0x106: {  	[tilespmem:v46+s29+$0x0] =	vst.idx.add.f32.msk $0xffff, v19  }
0x107: {  	[tilespmem:v46+s30+$0x0] =	vst.idx.add.f32.msk $0xffff, v20  }
0x108: {  	[tilespmem:v46+s31+$0x0] =	vst.idx.add.f32.msk $0xffff, v21  }
0x109: {  	[tilespmem:v46+s1+$0x0] =	vst.idx.add.f32.msk $0xffff, v4  }
0x10a: {  	[tilespmem:v40+s29+$0x0] =	vst.idx.add.f32.msk $0xffff, v22  }
0x10b: {  	[tilespmem:v40+s30+$0x0] =	vst.idx.add.f32.msk $0xffff, v23  }
0x10c: {  	[tilespmem:v40+s31+$0x0] =	vst.idx.add.f32.msk $0xffff, v24  }
0x10d: {  	[tilespmem:v40+s1+$0x0] =	vst.idx.add.f32.msk $0xffff, v5  }
0x10e: {  	[tilespmem:v41+s29+$0x0] =	vst.idx.add.f32.msk $0xffff, v25  }
0x10f: {  	[tilespmem:v41+s30+$0x0] =	vst.idx.add.f32.msk $0xffff, v26  }
0x110: {  	[tilespmem:v41+s31+$0x0] =	vst.idx.add.f32.msk $0xffff, v27  }
0x111: {  	[tilespmem:v41+s1+$0x0] =	vst.idx.add.f32.msk $0xffff, v6  }
0x112: {  	[tilespmem:v47+s29+$0x0] =	vst.idx.add.f32.msk $0xffff, v28  }
0x113: {  	[tilespmem:v47+s30+$0x0] =	vst.idx.add.f32.msk $0xffff, v29  }
0x114: {  	[tilespmem:v47+s31+$0x0] =	vst.idx.add.f32.msk $0xffff, v9  }
0x115: {  	[tilespmem:v47+s1+$0x0] =	vst.idx.add.f32.msk $0xffff, v12  }
0x116: {  	[tilespmem:v42+s29+$0x0] =	vst.idx.add.f32.msk $0xffff, v10  }
0x117: {  	[tilespmem:v42+s30+$0x0] =	vst.idx.add.f32.msk $0xffff, v30  }
0x118: {  	[tilespmem:v42+s31+$0x0] =	vst.idx.add.f32.msk $0xffff, v11  }
.Ltmp1:
0x119: {  	[tilespmem:v42+s1+$0x0] =	vst.idx.add.f32.msk $0xffff, v13;
	(pc) =	sbr.rel @p0 .LBB2_5-.Ltmp1, $4  }
0x11a: {  	[tilespmem:v48+s29+$0x0] =	vst.idx.add.f32.msk $0xffff, v15  }
0x11b: {  	[tilespmem:v48+s30+$0x0] =	vst.idx.add.f32.msk $0xffff, v31  }
0x11c: {  	[tilespmem:v48+s31+$0x0] =	vst.idx.add.f32.msk $0xffff, v1  }
0x11d: {  	s13 =	sadd.s32 $0xA0, s13;
	[tilespmem:v48+s1+$0x0] =	vst.idx.add.f32.msk $0xffff, v14  }
0x11e: {  	s10 =	smul.u32 $0x1F40, s9;
	_ =	sdelay $0x1  }
0x11f: {  	s11 =	sadd.s32 s10, s14  }
0x120: {  	s11 =	sshrl.u32 s11, $0x3  }
0x121: {  	s12 =	sadd.s32 s4, s11  }
0x122: {  	[tilespmem:s18], [sflag:$0x1] =	stream.linear.gather [hbm4b:s12+s3], $0xFA0, $0x38;
	[tilespmem:$0x19DC0] =	vst v63  }
0x123: {  	s17 =	sadd.s32 s5, s11  }
0x124: {  	[tilespmem:s19], [sflag:$0x1] =	stream.linear.gather [hbm4b:s17+s3], $0xFA0, $0x38;
	[tilespmem:$0x19DC0] =	vst v63  }
0x125: {  	s11 =	sadd.s32 s2, s11  }
0x126: {  	[tilespmem:s20], [sflag:$0x1] =	stream.linear.gather [hbm4b:s11+s3], $0xFA0, $0x38;
	[tilespmem:$0x19DC0] =	vst v63  }
0x127: {  	_ =	swait.ge [sflag:s0], $0xFA0  }
0x128: {  	[sflag:s0] =	ssyncset.done $0x0  }
0x129: {  	[sflag:s0] =	ssyncadd.s32 $0xFFFFF060  }
0x12a: {  	_ =	swait.ge [sflag:s0], $0xFA0  }
0x12b: {  	[sflag:s0] =	ssyncset.done $0x0  }
0x12c: {  	[sflag:s0] =	ssyncadd.s32 $0xFFFFF060  }
0x12d: {  	_ =	swait.ge [sflag:s0], $0xFA0  }
0x12e: {  	[sflag:s0] =	ssyncset.done $0x0  }
0x12f: {  	s13 =	simm.s32 $0x14FF0;
	[sflag:s0] =	ssyncadd.s32 $0xFFFFF060  }
0x130: {  	v1 =	vld [tilespmem:s13+$0x40]  }
0x131: {  	v2 =	vld [tilespmem:s13+$0xFFFFFFC0]  }
0x132: {  	v3 =	vld [tilespmem:s13+$0xFFFFFFD0]  }
0x133: {  	v4 =	vld [tilespmem:s13+$0xFFFFFFE0]  }
0x134: {  	v5 =	vld [tilespmem:s13+$0xFFFFFFF0]  }
0x135: {  	s11 =	simm.s32 $0x18E70;
	v6 =	vld [tilespmem:s13+$0x0]  }
0x136: {  	s12 =	simm.s32 $0x16F30;
	v7 =	vld [tilespmem:s11+$0x40]  }
0x137: {  	v8 =	vld [tilespmem:s12+$0x40]  }
0x138: {  	v12 =	vld [tilespmem:s13+$0x10]  }
0x139: {  	v13 =	vld [tilespmem:s13+$0x20]  }
0x13a: {  	v14 =	vld [tilespmem:s13+$0x30]  }
0x13b: {  	v15 =	vld [tilespmem:s13+$0xFFFFFFB0]  }
0x13c: {  	v37 =	vld [tilespmem:s11+$0xFFFFFFB0]  }
0x13d: {  	v38 =	vld [tilespmem:s11+$0xFFFFFFC0]  }
0x13e: {  	v39 =	vld [tilespmem:s11+$0xFFFFFFD0]  }
0x13f: {  	v40 =	vld [tilespmem:s11+$0xFFFFFFE0]  }
0x140: {  	v41 =	vld [tilespmem:s11+$0xFFFFFFF0]  }
0x141: {  	v42 =	vld [tilespmem:s12+$0xFFFFFFB0]  }
0x142: {  	v43 =	vld [tilespmem:s11+$0x0]  }
0x143: {  	v44 =	vld [tilespmem:s11+$0x10]  }
0x144: {  	v45 =	vld [tilespmem:s11+$0x20]  }
0x145: {  	v46 =	vld [tilespmem:s11+$0x30]  }
0x146: {  	v47 =	vld [tilespmem:s12+$0xFFFFFFC0]  }
0x147: {  	v48 =	vld [tilespmem:s12+$0xFFFFFFD0]  }
0x148: {  	v49 =	vld [tilespmem:s12+$0xFFFFFFE0]  }
0x149: {  	v58 =	vld [tilespmem:s12+$0xFFFFFFF0]  }
0x14a: {  	v59 =	vld [tilespmem:s12+$0x0]  }
0x14b: {  	v60 =	vld [tilespmem:s12+$0x10]  }
0x14c: {  	v61 =	vld [tilespmem:s12+$0x20]  }
0x14d: {  	v62 =	vld [tilespmem:s12+$0x30]  }
0x14e: {  	v9 =	vld.idx.msk [tilespmem:v1+s3+$0x0], $0xffff  }
0x14f: {  	v10 =	vld.idx.msk [tilespmem:v1+s25+$0x0], $0xffff  }
0x150: {  	v11 =	vld.idx.msk [tilespmem:v1+s26+$0x0], $0xffff  }
0x151: {  	v1 =	vld.idx.msk [tilespmem:v1+s28+$0x0], $0xffff  }
0x152: {  	v53 =	vld.idx.msk [tilespmem:v2+s25+$0x0], $0xffff  }
0x153: {  	v54 =	vld.idx.msk [tilespmem:v2+s26+$0x0], $0xffff  }
0x154: {  	v55 =	vld.idx.msk [tilespmem:v15+s3+$0x0], $0xffff  }
0x155: {  	v56 =	vld.idx.msk [tilespmem:v15+s25+$0x0], $0xffff  }
0x156: {  	v57 =	vld.idx.msk [tilespmem:v15+s26+$0x0], $0xffff  }
0x157: {  	v15 =	vld.idx.msk [tilespmem:v15+s28+$0x0], $0xffff  }
0x158: {  	v16 =	vld.idx.msk [tilespmem:v3+s3+$0x0], $0xffff  }
0x159: {  	v17 =	vld.idx.msk [tilespmem:v3+s25+$0x0], $0xffff  }
0x15a: {  	v18 =	vld.idx.msk [tilespmem:v3+s26+$0x0], $0xffff  }
0x15b: {  	v3 =	vld.idx.msk [tilespmem:v3+s28+$0x0], $0xffff  }
0x15c: {  	v19 =	vld.idx.msk [tilespmem:v4+s3+$0x0], $0xffff  }
0x15d: {  	v20 =	vld.idx.msk [tilespmem:v4+s25+$0x0], $0xffff  }
0x15e: {  	v21 =	vld.idx.msk [tilespmem:v4+s26+$0x0], $0xffff  }
0x15f: {  	v4 =	vld.idx.msk [tilespmem:v4+s28+$0x0], $0xffff  }
0x160: {  	v22 =	vld.idx.msk [tilespmem:v5+s3+$0x0], $0xffff  }
0x161: {  	v23 =	vld.idx.msk [tilespmem:v5+s25+$0x0], $0xffff  }
0x162: {  	v24 =	vld.idx.msk [tilespmem:v5+s26+$0x0], $0xffff  }
0x163: {  	v5 =	vld.idx.msk [tilespmem:v5+s28+$0x0], $0xffff  }
0x164: {  	v25 =	vld.idx.msk [tilespmem:v6+s3+$0x0], $0xffff  }
0x165: {  	v26 =	vld.idx.msk [tilespmem:v6+s25+$0x0], $0xffff  }
0x166: {  	v27 =	vld.idx.msk [tilespmem:v6+s26+$0x0], $0xffff  }
0x167: {  	v6 =	vld.idx.msk [tilespmem:v6+s28+$0x0], $0xffff  }
0x168: {  	v28 =	vld.idx.msk [tilespmem:v12+s3+$0x0], $0xffff  }
0x169: {  	v29 =	vld.idx.msk [tilespmem:v12+s25+$0x0], $0xffff  }
0x16a: {  	v30 =	vld.idx.msk [tilespmem:v12+s26+$0x0], $0xffff  }
0x16b: {  	v12 =	vld.idx.msk [tilespmem:v12+s28+$0x0], $0xffff  }
0x16c: {  	v31 =	vld.idx.msk [tilespmem:v13+s3+$0x0], $0xffff  }
0x16d: {  	v32 =	vld.idx.msk [tilespmem:v13+s25+$0x0], $0xffff  }
0x16e: {  	v33 =	vld.idx.msk [tilespmem:v13+s26+$0x0], $0xffff  }
0x16f: {  	v13 =	vld.idx.msk [tilespmem:v13+s28+$0x0], $0xffff  }
0x170: {  	v34 =	vld.idx.msk [tilespmem:v14+s3+$0x0], $0xffff  }
0x171: {  	v35 =	vld.idx.msk [tilespmem:v14+s25+$0x0], $0xffff;
	v9 =	vmul.f32 v9, v7  }
0x172: {  	v36 =	vld.idx.msk [tilespmem:v14+s26+$0x0], $0xffff;
	v10 =	vmul.f32 v10, v7  }
0x173: {  	v52 =	vmul.f32 v11, v7;
	[tilespmem:v8+s29+$0x0] =	vst.idx.add.f32.msk $0xffff, v9  }
0x174: {  	v1 =	vmul.f32 v1, v7;
	[tilespmem:v8+s30+$0x0] =	vst.idx.add.f32.msk $0xffff, v10  }
0x175: {  	[tilespmem:v8+s31+$0x0] =	vst.idx.add.f32.msk $0xffff, v52  }
0x176: {  	[tilespmem:v8+s1+$0x0] =	vst.idx.add.f32.msk $0xffff, v1  }
0x177: {  	v9 =	vmul.f32 v55, v37;
	v1 =	vld.idx.msk [tilespmem:v2+s3+$0x0], $0xffff  }
0x178: {  	v14 =	vld.idx.msk [tilespmem:v14+s28+$0x0], $0xffff  }
0x179: {  	v10 =	vmul.f32 v56, v37;
	[tilespmem:v42+s29+$0x0] =	vst.idx.add.f32.msk $0xffff, v9  }
0x17a: {  	v11 =	vmul.f32 v57, v37;
	v2 =	vld.idx.msk [tilespmem:v2+s28+$0x0], $0xffff  }
0x17b: {  	v15 =	vmul.f32 v15, v37;
	[tilespmem:v42+s30+$0x0] =	vst.idx.add.f32.msk $0xffff, v10  }
0x17c: {  	[tilespmem:v42+s31+$0x0] =	vst.idx.add.f32.msk $0xffff, v11;
	v1 =	vmul.f32 v1, v38  }
0x17d: {  	v7 =	vmul.f32 v53, v38;
	[tilespmem:v42+s1+$0x0] =	vst.idx.add.f32.msk $0xffff, v15  }
0x17e: {  	v8 =	vmul.f32 v54, v38;
	[tilespmem:v47+s29+$0x0] =	vst.idx.add.f32.msk $0xffff, v1  }
0x17f: {  	v1 =	vmul.f32 v2, v38;
	v2 =	vmul.f32 v16, v39;
	[tilespmem:v47+s30+$0x0] =	vst.idx.add.f32.msk $0xffff, v7  }
0x180: {  	[tilespmem:v47+s31+$0x0] =	vst.idx.add.f32.msk $0xffff, v8  }
0x181: {  	v63 =	vmul.f32 v17, v39;
	[tilespmem:v48+s29+$0x0] =	vst.idx.add.f32.msk $0xffff, v2  }
0x182: {  	v2 =	vmul.f32 v3, v39;
	v3 =	vmul.f32 v19, v40;
	[tilespmem:v47+s1+$0x0] =	vst.idx.add.f32.msk $0xffff, v1  }
0x183: {  	v1 =	vmul.f32 v18, v39;
	[tilespmem:v48+s30+$0x0] =	vst.idx.add.f32.msk $0xffff, v63  }
0x184: {  	[tilespmem:v49+s29+$0x0] =	vst.idx.add.f32.msk $0xffff, v3  }
0x185: {  	[tilespmem:v48+s31+$0x0] =	vst.idx.add.f32.msk $0xffff, v1;
	v1 =	vmul.f32 v20, v40  }
0x186: {  	[tilespmem:v48+s1+$0x0] =	vst.idx.add.f32.msk $0xffff, v2;
	v2 =	vmul.f32 v21, v40  }
0x187: {  	v3 =	vmul.f32 v4, v40;
	[tilespmem:v49+s30+$0x0] =	vst.idx.add.f32.msk $0xffff, v1  }
0x188: {  	v1 =	vmul.f32 v22, v41;
	[tilespmem:v49+s31+$0x0] =	vst.idx.add.f32.msk $0xffff, v2  }
0x189: {  	v2 =	vmul.f32 v23, v41;
	[tilespmem:v49+s1+$0x0] =	vst.idx.add.f32.msk $0xffff, v3  }
0x18a: {  	v3 =	vmul.f32 v24, v41;
	[tilespmem:v58+s29+$0x0] =	vst.idx.add.f32.msk $0xffff, v1  }
0x18b: {  	v1 =	vmul.f32 v5, v41;
	[tilespmem:v58+s30+$0x0] =	vst.idx.add.f32.msk $0xffff, v2  }
0x18c: {  	v2 =	vmul.f32 v25, v43;
	[tilespmem:v58+s31+$0x0] =	vst.idx.add.f32.msk $0xffff, v3  }
0x18d: {  	v3 =	vmul.f32 v26, v43;
	[tilespmem:v58+s1+$0x0] =	vst.idx.add.f32.msk $0xffff, v1  }
0x18e: {  	v1 =	vmul.f32 v27, v43;
	[tilespmem:v59+s29+$0x0] =	vst.idx.add.f32.msk $0xffff, v2  }
0x18f: {  	v2 =	vmul.f32 v6, v43;
	[tilespmem:v59+s30+$0x0] =	vst.idx.add.f32.msk $0xffff, v3  }
0x190: {  	v3 =	vmul.f32 v28, v44;
	[tilespmem:v59+s31+$0x0] =	vst.idx.add.f32.msk $0xffff, v1  }
0x191: {  	v1 =	vmul.f32 v29, v44;
	[tilespmem:v59+s1+$0x0] =	vst.idx.add.f32.msk $0xffff, v2  }
0x192: {  	v2 =	vmul.f32 v30, v44;
	[tilespmem:v60+s29+$0x0] =	vst.idx.add.f32.msk $0xffff, v3  }
0x193: {  	v3 =	vmul.f32 v12, v44;
	[tilespmem:v60+s30+$0x0] =	vst.idx.add.f32.msk $0xffff, v1  }
0x194: {  	v1 =	vmul.f32 v31, v45;
	[tilespmem:v60+s31+$0x0] =	vst.idx.add.f32.msk $0xffff, v2  }
0x195: {  	v2 =	vmul.f32 v32, v45;
	[tilespmem:v60+s1+$0x0] =	vst.idx.add.f32.msk $0xffff, v3  }
0x196: {  	v3 =	vmul.f32 v33, v45;
	[tilespmem:v61+s29+$0x0] =	vst.idx.add.f32.msk $0xffff, v1  }
0x197: {  	v1 =	vmul.f32 v13, v45;
	[tilespmem:v61+s30+$0x0] =	vst.idx.add.f32.msk $0xffff, v2  }
0x198: {  	v2 =	vmul.f32 v34, v46;
	[tilespmem:v61+s31+$0x0] =	vst.idx.add.f32.msk $0xffff, v3  }
0x199: {  	v3 =	vmul.f32 v35, v46;
	[tilespmem:v61+s1+$0x0] =	vst.idx.add.f32.msk $0xffff, v1  }
0x19a: {  	v1 =	vmul.f32 v36, v46;
	[tilespmem:v62+s29+$0x0] =	vst.idx.add.f32.msk $0xffff, v2  }
0x19b: {  	v2 =	vmul.f32 v14, v46;
	[tilespmem:v62+s30+$0x0] =	vst.idx.add.f32.msk $0xffff, v3  }
0x19c: {  	[tilespmem:v62+s31+$0x0] =	vst.idx.add.f32.msk $0xffff, v1  }
0x19d: {  	s16 =	simm.s32 $0x15090;
	s13 =	simm.s32 $0x0;
	[tilespmem:v62+s1+$0x0] =	vst.idx.add.f32.msk $0xffff, v2  }
.LBB2_7:
0x19e: {  	v1 =	vld [tilespmem:s16+$0x40]  }
0x19f: {  	v2 =	vld [tilespmem:s16+$0xFFFFFFC0]  }
0x1a0: {  	v3 =	vld [tilespmem:s16+$0xFFFFFFD0]  }
0x1a1: {  	s13 =	sadd.s32 $0xA, s13;
	v4 =	vld [tilespmem:s16+$0xFFFFFFE0]  }
0x1a2: {  	p0 =	slt.u32 s13, $0xF0;
	v5 =	vld [tilespmem:s16+$0xFFFFFFF0]  }
0x1a3: {  	s11 =	sadd.s32 $0xA0, s11;
	v6 =	vld [tilespmem:s16+$0x0]  }
0x1a4: {  	s12 =	sadd.s32 $0xA0, s12;
	v7 =	vld [tilespmem:s11+$0x40]  }
0x1a5: {  	v8 =	vld [tilespmem:s12+$0x40]  }
0x1a6: {  	v9 =	vld.idx.msk [tilespmem:v1+s3+$0x0], $0xffff  }
0x1a7: {  	v10 =	vld.idx.msk [tilespmem:v1+s25+$0x0], $0xffff  }
0x1a8: {  	v11 =	vld.idx.msk [tilespmem:v1+s26+$0x0], $0xffff  }
0x1a9: {  	v1 =	vld.idx.msk [tilespmem:v1+s28+$0x0], $0xffff  }
0x1aa: {  	v12 =	vld [tilespmem:s16+$0x10]  }
0x1ab: {  	v13 =	vld [tilespmem:s16+$0x20]  }
0x1ac: {  	v9 =	vmul.f32 v9, v7;
	v14 =	vld [tilespmem:s16+$0x30]  }
0x1ad: {  	v10 =	vmul.f32 v10, v7;
	v15 =	vld [tilespmem:s16+$0xFFFFFFB0]  }
0x1ae: {  	[tilespmem:v8+s29+$0x0] =	vst.idx.add.f32.msk $0xffff, v9;
	v9 =	vmul.f32 v11, v7  }
0x1af: {  	v1 =	vmul.f32 v1, v7;
	[tilespmem:v8+s30+$0x0] =	vst.idx.add.f32.msk $0xffff, v10  }
0x1b0: {  	[tilespmem:v8+s31+$0x0] =	vst.idx.add.f32.msk $0xffff, v9  }
0x1b1: {  	[tilespmem:v8+s1+$0x0] =	vst.idx.add.f32.msk $0xffff, v1  }
0x1b2: {  	v1 =	vld.idx.msk [tilespmem:v2+s3+$0x0], $0xffff  }
0x1b3: {  	v7 =	vld.idx.msk [tilespmem:v2+s25+$0x0], $0xffff  }
0x1b4: {  	v8 =	vld.idx.msk [tilespmem:v2+s26+$0x0], $0xffff  }
0x1b5: {  	v9 =	vld.idx.msk [tilespmem:v15+s3+$0x0], $0xffff  }
0x1b6: {  	v10 =	vld.idx.msk [tilespmem:v15+s25+$0x0], $0xffff  }
0x1b7: {  	v11 =	vld.idx.msk [tilespmem:v15+s26+$0x0], $0xffff  }
0x1b8: {  	v15 =	vld.idx.msk [tilespmem:v15+s28+$0x0], $0xffff  }
0x1b9: {  	v2 =	vld.idx.msk [tilespmem:v2+s28+$0x0], $0xffff  }
0x1ba: {  	v16 =	vld.idx.msk [tilespmem:v3+s3+$0x0], $0xffff  }
0x1bb: {  	v17 =	vld.idx.msk [tilespmem:v3+s25+$0x0], $0xffff  }
0x1bc: {  	v18 =	vld.idx.msk [tilespmem:v3+s26+$0x0], $0xffff  }
0x1bd: {  	v3 =	vld.idx.msk [tilespmem:v3+s28+$0x0], $0xffff  }
0x1be: {  	v19 =	vld.idx.msk [tilespmem:v4+s3+$0x0], $0xffff  }
0x1bf: {  	v20 =	vld.idx.msk [tilespmem:v4+s25+$0x0], $0xffff  }
0x1c0: {  	v21 =	vld.idx.msk [tilespmem:v4+s26+$0x0], $0xffff  }
0x1c1: {  	v4 =	vld.idx.msk [tilespmem:v4+s28+$0x0], $0xffff  }
0x1c2: {  	v22 =	vld.idx.msk [tilespmem:v5+s3+$0x0], $0xffff  }
0x1c3: {  	v23 =	vld.idx.msk [tilespmem:v5+s25+$0x0], $0xffff  }
0x1c4: {  	v24 =	vld.idx.msk [tilespmem:v5+s26+$0x0], $0xffff  }
0x1c5: {  	v5 =	vld.idx.msk [tilespmem:v5+s28+$0x0], $0xffff  }
0x1c6: {  	v25 =	vld.idx.msk [tilespmem:v6+s3+$0x0], $0xffff  }
0x1c7: {  	v26 =	vld.idx.msk [tilespmem:v6+s25+$0x0], $0xffff  }
0x1c8: {  	v27 =	vld.idx.msk [tilespmem:v6+s26+$0x0], $0xffff  }
0x1c9: {  	v6 =	vld.idx.msk [tilespmem:v6+s28+$0x0], $0xffff  }
0x1ca: {  	v28 =	vld.idx.msk [tilespmem:v12+s3+$0x0], $0xffff  }
0x1cb: {  	v29 =	vld.idx.msk [tilespmem:v12+s25+$0x0], $0xffff  }
0x1cc: {  	v30 =	vld.idx.msk [tilespmem:v12+s26+$0x0], $0xffff  }
0x1cd: {  	v12 =	vld.idx.msk [tilespmem:v12+s28+$0x0], $0xffff  }
0x1ce: {  	v31 =	vld.idx.msk [tilespmem:v13+s3+$0x0], $0xffff  }
0x1cf: {  	v32 =	vld.idx.msk [tilespmem:v13+s25+$0x0], $0xffff  }
0x1d0: {  	v33 =	vld.idx.msk [tilespmem:v13+s26+$0x0], $0xffff  }
0x1d1: {  	v13 =	vld.idx.msk [tilespmem:v13+s28+$0x0], $0xffff  }
0x1d2: {  	v34 =	vld.idx.msk [tilespmem:v14+s3+$0x0], $0xffff  }
0x1d3: {  	v35 =	vld.idx.msk [tilespmem:v14+s25+$0x0], $0xffff  }
0x1d4: {  	v36 =	vld.idx.msk [tilespmem:v14+s26+$0x0], $0xffff  }
0x1d5: {  	v14 =	vld.idx.msk [tilespmem:v14+s28+$0x0], $0xffff  }
0x1d6: {  	v37 =	vld [tilespmem:s11+$0xFFFFFFB0]  }
0x1d7: {  	v38 =	vld [tilespmem:s11+$0xFFFFFFC0]  }
0x1d8: {  	v39 =	vld [tilespmem:s11+$0xFFFFFFD0]  }
0x1d9: {  	v40 =	vld [tilespmem:s11+$0xFFFFFFE0]  }
0x1da: {  	v41 =	vld [tilespmem:s11+$0xFFFFFFF0]  }
0x1db: {  	v9 =	vmul.f32 v9, v37;
	v10 =	vmul.f32 v10, v37;
	v42 =	vld [tilespmem:s11+$0x0]  }
0x1dc: {  	v11 =	vmul.f32 v11, v37;
	v15 =	vmul.f32 v15, v37;
	v37 =	vld [tilespmem:s11+$0x10]  }
0x1dd: {  	v1 =	vmul.f32 v1, v38;
	v7 =	vmul.f32 v7, v38;
	v43 =	vld [tilespmem:s11+$0x20]  }
0x1de: {  	v8 =	vmul.f32 v8, v38;
	v2 =	vmul.f32 v2, v38;
	v38 =	vld [tilespmem:s11+$0x30]  }
0x1df: {  	v16 =	vmul.f32 v16, v39;
	v17 =	vmul.f32 v17, v39;
	v44 =	vld [tilespmem:s12+$0xFFFFFFB0]  }
0x1e0: {  	v18 =	vmul.f32 v18, v39;
	v3 =	vmul.f32 v3, v39;
	v45 =	vld [tilespmem:s12+$0xFFFFFFC0]  }
0x1e1: {  	v19 =	vmul.f32 v19, v40;
	v20 =	vmul.f32 v20, v40;
	v39 =	vld [tilespmem:s12+$0xFFFFFFD0]  }
0x1e2: {  	v21 =	vmul.f32 v21, v40;
	v4 =	vmul.f32 v4, v40;
	v46 =	vld [tilespmem:s12+$0xFFFFFFE0]  }
0x1e3: {  	v22 =	vmul.f32 v22, v41;
	v23 =	vmul.f32 v23, v41;
	v40 =	vld [tilespmem:s12+$0xFFFFFFF0]  }
0x1e4: {  	v24 =	vmul.f32 v24, v41;
	v5 =	vmul.f32 v5, v41;
	v41 =	vld [tilespmem:s12+$0x0]  }
0x1e5: {  	v25 =	vmul.f32 v25, v42;
	v26 =	vmul.f32 v26, v42;
	v47 =	vld [tilespmem:s12+$0x10]  }
0x1e6: {  	v27 =	vmul.f32 v27, v42;
	v6 =	vmul.f32 v6, v42;
	v42 =	vld [tilespmem:s12+$0x20]  }
0x1e7: {  	v28 =	vmul.f32 v28, v37;
	v29 =	vmul.f32 v29, v37;
	v48 =	vld [tilespmem:s12+$0x30]  }
0x1e8: {  	v12 =	vmul.f32 v12, v37;
	[tilespmem:v44+s29+$0x0] =	vst.idx.add.f32.msk $0xffff, v9;
	v9 =	vmul.f32 v30, v37  }
0x1e9: {  	v30 =	vmul.f32 v32, v43;
	[tilespmem:v44+s30+$0x0] =	vst.idx.add.f32.msk $0xffff, v10;
	v10 =	vmul.f32 v31, v43  }
0x1ea: {  	v13 =	vmul.f32 v13, v43;
	[tilespmem:v44+s31+$0x0] =	vst.idx.add.f32.msk $0xffff, v11;
	v11 =	vmul.f32 v33, v43  }
0x1eb: {  	v31 =	vmul.f32 v35, v38;
	[tilespmem:v44+s1+$0x0] =	vst.idx.add.f32.msk $0xffff, v15;
	v15 =	vmul.f32 v34, v38  }
0x1ec: {  	v14 =	vmul.f32 v14, v38;
	[tilespmem:v45+s29+$0x0] =	vst.idx.add.f32.msk $0xffff, v1;
	v1 =	vmul.f32 v36, v38  }
0x1ed: {  	[tilespmem:v45+s30+$0x0] =	vst.idx.add.f32.msk $0xffff, v7  }
0x1ee: {  	[tilespmem:v45+s31+$0x0] =	vst.idx.add.f32.msk $0xffff, v8  }
0x1ef: {  	[tilespmem:v45+s1+$0x0] =	vst.idx.add.f32.msk $0xffff, v2  }
0x1f0: {  	[tilespmem:v39+s29+$0x0] =	vst.idx.add.f32.msk $0xffff, v16  }
0x1f1: {  	[tilespmem:v39+s30+$0x0] =	vst.idx.add.f32.msk $0xffff, v17  }
0x1f2: {  	[tilespmem:v39+s31+$0x0] =	vst.idx.add.f32.msk $0xffff, v18  }
0x1f3: {  	[tilespmem:v39+s1+$0x0] =	vst.idx.add.f32.msk $0xffff, v3  }
0x1f4: {  	[tilespmem:v46+s29+$0x0] =	vst.idx.add.f32.msk $0xffff, v19  }
0x1f5: {  	[tilespmem:v46+s30+$0x0] =	vst.idx.add.f32.msk $0xffff, v20  }
0x1f6: {  	[tilespmem:v46+s31+$0x0] =	vst.idx.add.f32.msk $0xffff, v21  }
0x1f7: {  	[tilespmem:v46+s1+$0x0] =	vst.idx.add.f32.msk $0xffff, v4  }
0x1f8: {  	[tilespmem:v40+s29+$0x0] =	vst.idx.add.f32.msk $0xffff, v22  }
0x1f9: {  	[tilespmem:v40+s30+$0x0] =	vst.idx.add.f32.msk $0xffff, v23  }
0x1fa: {  	[tilespmem:v40+s31+$0x0] =	vst.idx.add.f32.msk $0xffff, v24  }
0x1fb: {  	[tilespmem:v40+s1+$0x0] =	vst.idx.add.f32.msk $0xffff, v5  }
0x1fc: {  	[tilespmem:v41+s29+$0x0] =	vst.idx.add.f32.msk $0xffff, v25  }
0x1fd: {  	[tilespmem:v41+s30+$0x0] =	vst.idx.add.f32.msk $0xffff, v26  }
0x1fe: {  	[tilespmem:v41+s31+$0x0] =	vst.idx.add.f32.msk $0xffff, v27  }
0x1ff: {  	[tilespmem:v41+s1+$0x0] =	vst.idx.add.f32.msk $0xffff, v6  }
0x200: {  	[tilespmem:v47+s29+$0x0] =	vst.idx.add.f32.msk $0xffff, v28  }
0x201: {  	[tilespmem:v47+s30+$0x0] =	vst.idx.add.f32.msk $0xffff, v29  }
0x202: {  	[tilespmem:v47+s31+$0x0] =	vst.idx.add.f32.msk $0xffff, v9  }
0x203: {  	[tilespmem:v47+s1+$0x0] =	vst.idx.add.f32.msk $0xffff, v12  }
0x204: {  	[tilespmem:v42+s29+$0x0] =	vst.idx.add.f32.msk $0xffff, v10  }
0x205: {  	[tilespmem:v42+s30+$0x0] =	vst.idx.add.f32.msk $0xffff, v30  }
0x206: {  	[tilespmem:v42+s31+$0x0] =	vst.idx.add.f32.msk $0xffff, v11  }
.Ltmp2:
0x207: {  	[tilespmem:v42+s1+$0x0] =	vst.idx.add.f32.msk $0xffff, v13;
	(pc) =	sbr.rel @p0 .LBB2_7-.Ltmp2, $4  }
0x208: {  	[tilespmem:v48+s29+$0x0] =	vst.idx.add.f32.msk $0xffff, v15  }
0x209: {  	[tilespmem:v48+s30+$0x0] =	vst.idx.add.f32.msk $0xffff, v31  }
0x20a: {  	[tilespmem:v48+s31+$0x0] =	vst.idx.add.f32.msk $0xffff, v1  }
0x20b: {  	s16 =	sadd.s32 $0xA0, s16;
	[tilespmem:v48+s1+$0x0] =	vst.idx.add.f32.msk $0xffff, v14  }
0x20c: {  	s10 =	sadd.s32 s10, s15  }
0x20d: {  	s9 =	sadd.s32 $0x1, s9;
	s10 =	sshrl.u32 s10, $0x3  }
0x20e: {  	p0 =	sne.s32 s9, $0x13;
	s11 =	sadd.s32 s4, s10  }
0x20f: {  	[tilespmem:s21], [sflag:$0x2] =	stream.linear.gather [hbm4b:s11+s3], $0xFA0, $0x38;
	[tilespmem:$0x19DC0] =	vst v63  }
.Ltmp3:
0x210: {  	_ = 	snop;
	(pc) =	sbr.rel @p0 .LBB2_4-.Ltmp3, $4  }
0x211: {  	s17 =	sadd.s32 s5, s10  }
0x212: {  	[tilespmem:s22], [sflag:$0x2] =	stream.linear.gather [hbm4b:s17+s3], $0xFA0, $0x38;
	[tilespmem:$0x19DC0] =	vst v63  }
0x213: {  	s10 =	sadd.s32 s2, s10  }
0x214: {  	[tilespmem:s23], [sflag:$0x2] =	stream.linear.gather [hbm4b:s10+s3], $0xFA0, $0x38;
	[tilespmem:$0x19DC0] =	vst v63  }
0x215: {  	_ =	swait.ge [sflag:s6], $0xFA0  }
0x216: {  	[sflag:s6] =	ssyncset.done $0x0  }
0x217: {  	[sflag:s6] =	ssyncadd.s32 $0xFFFFF060  }
0x218: {  	_ =	swait.ge [sflag:s6], $0xFA0  }
0x219: {  	[sflag:s6] =	ssyncset.done $0x0  }
0x21a: {  	[sflag:s6] =	ssyncadd.s32 $0xFFFFF060  }
0x21b: {  	_ =	swait.ge [sflag:s6], $0xFA0  }
0x21c: {  	[sflag:s6] =	ssyncset.done $0x0  }
0x21d: {  	s11 =	simm.s32 $0x14050;
	[sflag:s6] =	ssyncadd.s32 $0xFFFFF060  }
0x21e: {  	v1 =	vld [tilespmem:s11+$0x40]  }
0x21f: {  	v2 =	vld [tilespmem:s11+$0xFFFFFFC0]  }
0x220: {  	v3 =	vld [tilespmem:s11+$0xFFFFFFD0]  }
0x221: {  	v4 =	vld [tilespmem:s11+$0xFFFFFFE0]  }
0x222: {  	v5 =	vld [tilespmem:s11+$0xFFFFFFF0]  }
0x223: {  	s9 =	simm.s32 $0x17ED0;
	v6 =	vld [tilespmem:s11+$0x0]  }
0x224: {  	s10 =	simm.s32 $0x15F90;
	v7 =	vld [tilespmem:s9+$0x40]  }
0x225: {  	v8 =	vld [tilespmem:s10+$0x40]  }
0x226: {  	v12 =	vld [tilespmem:s11+$0x10]  }
0x227: {  	v13 =	vld [tilespmem:s11+$0x20]  }
0x228: {  	v14 =	vld [tilespmem:s11+$0x30]  }
0x229: {  	v15 =	vld [tilespmem:s11+$0xFFFFFFB0]  }
0x22a: {  	v37 =	vld [tilespmem:s9+$0xFFFFFFB0]  }
0x22b: {  	v38 =	vld [tilespmem:s9+$0xFFFFFFC0]  }
0x22c: {  	v39 =	vld [tilespmem:s9+$0xFFFFFFD0]  }
0x22d: {  	v40 =	vld [tilespmem:s9+$0xFFFFFFE0]  }
0x22e: {  	v41 =	vld [tilespmem:s9+$0xFFFFFFF0]  }
0x22f: {  	v42 =	vld [tilespmem:s10+$0xFFFFFFB0]  }
0x230: {  	v43 =	vld [tilespmem:s9+$0x0]  }
0x231: {  	v44 =	vld [tilespmem:s9+$0x10]  }
0x232: {  	v45 =	vld [tilespmem:s9+$0x20]  }
0x233: {  	v46 =	vld [tilespmem:s9+$0x30]  }
0x234: {  	v47 =	vld [tilespmem:s10+$0xFFFFFFC0]  }
0x235: {  	v48 =	vld [tilespmem:s10+$0xFFFFFFD0]  }
0x236: {  	v49 =	vld [tilespmem:s10+$0xFFFFFFE0]  }
0x237: {  	v58 =	vld [tilespmem:s10+$0xFFFFFFF0]  }
0x238: {  	v59 =	vld [tilespmem:s10+$0x0]  }
0x239: {  	v60 =	vld [tilespmem:s10+$0x10]  }
0x23a: {  	v61 =	vld [tilespmem:s10+$0x20]  }
0x23b: {  	v62 =	vld [tilespmem:s10+$0x30]  }
0x23c: {  	v9 =	vld.idx.msk [tilespmem:v1+s3+$0x0], $0xffff  }
0x23d: {  	v10 =	vld.idx.msk [tilespmem:v1+s25+$0x0], $0xffff  }
0x23e: {  	v11 =	vld.idx.msk [tilespmem:v1+s26+$0x0], $0xffff  }
0x23f: {  	v1 =	vld.idx.msk [tilespmem:v1+s28+$0x0], $0xffff  }
0x240: {  	v53 =	vld.idx.msk [tilespmem:v2+s25+$0x0], $0xffff  }
0x241: {  	v54 =	vld.idx.msk [tilespmem:v2+s26+$0x0], $0xffff  }
0x242: {  	v55 =	vld.idx.msk [tilespmem:v15+s3+$0x0], $0xffff  }
0x243: {  	v56 =	vld.idx.msk [tilespmem:v15+s25+$0x0], $0xffff  }
0x244: {  	v57 =	vld.idx.msk [tilespmem:v15+s26+$0x0], $0xffff  }
0x245: {  	v15 =	vld.idx.msk [tilespmem:v15+s28+$0x0], $0xffff  }
0x246: {  	v16 =	vld.idx.msk [tilespmem:v3+s3+$0x0], $0xffff  }
0x247: {  	v17 =	vld.idx.msk [tilespmem:v3+s25+$0x0], $0xffff  }
0x248: {  	v18 =	vld.idx.msk [tilespmem:v3+s26+$0x0], $0xffff  }
0x249: {  	v3 =	vld.idx.msk [tilespmem:v3+s28+$0x0], $0xffff  }
0x24a: {  	v19 =	vld.idx.msk [tilespmem:v4+s3+$0x0], $0xffff  }
0x24b: {  	v20 =	vld.idx.msk [tilespmem:v4+s25+$0x0], $0xffff  }
0x24c: {  	v21 =	vld.idx.msk [tilespmem:v4+s26+$0x0], $0xffff  }
0x24d: {  	v4 =	vld.idx.msk [tilespmem:v4+s28+$0x0], $0xffff  }
0x24e: {  	v22 =	vld.idx.msk [tilespmem:v5+s3+$0x0], $0xffff  }
0x24f: {  	v23 =	vld.idx.msk [tilespmem:v5+s25+$0x0], $0xffff  }
0x250: {  	v24 =	vld.idx.msk [tilespmem:v5+s26+$0x0], $0xffff  }
0x251: {  	v5 =	vld.idx.msk [tilespmem:v5+s28+$0x0], $0xffff  }
0x252: {  	v25 =	vld.idx.msk [tilespmem:v6+s3+$0x0], $0xffff  }
0x253: {  	v26 =	vld.idx.msk [tilespmem:v6+s25+$0x0], $0xffff  }
0x254: {  	v27 =	vld.idx.msk [tilespmem:v6+s26+$0x0], $0xffff  }
0x255: {  	v6 =	vld.idx.msk [tilespmem:v6+s28+$0x0], $0xffff  }
0x256: {  	v28 =	vld.idx.msk [tilespmem:v12+s3+$0x0], $0xffff  }
0x257: {  	v29 =	vld.idx.msk [tilespmem:v12+s25+$0x0], $0xffff  }
0x258: {  	v30 =	vld.idx.msk [tilespmem:v12+s26+$0x0], $0xffff  }
0x259: {  	v12 =	vld.idx.msk [tilespmem:v12+s28+$0x0], $0xffff  }
0x25a: {  	v31 =	vld.idx.msk [tilespmem:v13+s3+$0x0], $0xffff  }
0x25b: {  	v32 =	vld.idx.msk [tilespmem:v13+s25+$0x0], $0xffff  }
0x25c: {  	v33 =	vld.idx.msk [tilespmem:v13+s26+$0x0], $0xffff  }
0x25d: {  	v13 =	vld.idx.msk [tilespmem:v13+s28+$0x0], $0xffff  }
0x25e: {  	v34 =	vld.idx.msk [tilespmem:v14+s3+$0x0], $0xffff  }
0x25f: {  	v35 =	vld.idx.msk [tilespmem:v14+s25+$0x0], $0xffff;
	v9 =	vmul.f32 v9, v7  }
0x260: {  	v36 =	vld.idx.msk [tilespmem:v14+s26+$0x0], $0xffff;
	v10 =	vmul.f32 v10, v7  }
0x261: {  	v52 =	vmul.f32 v11, v7;
	[tilespmem:v8+s29+$0x0] =	vst.idx.add.f32.msk $0xffff, v9  }
0x262: {  	v1 =	vmul.f32 v1, v7;
	[tilespmem:v8+s30+$0x0] =	vst.idx.add.f32.msk $0xffff, v10  }
0x263: {  	[tilespmem:v8+s31+$0x0] =	vst.idx.add.f32.msk $0xffff, v52  }
0x264: {  	[tilespmem:v8+s1+$0x0] =	vst.idx.add.f32.msk $0xffff, v1  }
0x265: {  	v9 =	vmul.f32 v55, v37;
	v1 =	vld.idx.msk [tilespmem:v2+s3+$0x0], $0xffff  }
0x266: {  	v14 =	vld.idx.msk [tilespmem:v14+s28+$0x0], $0xffff  }
0x267: {  	v10 =	vmul.f32 v56, v37;
	[tilespmem:v42+s29+$0x0] =	vst.idx.add.f32.msk $0xffff, v9  }
0x268: {  	v11 =	vmul.f32 v57, v37;
	v2 =	vld.idx.msk [tilespmem:v2+s28+$0x0], $0xffff  }
0x269: {  	v15 =	vmul.f32 v15, v37;
	[tilespmem:v42+s30+$0x0] =	vst.idx.add.f32.msk $0xffff, v10  }
0x26a: {  	[tilespmem:v42+s31+$0x0] =	vst.idx.add.f32.msk $0xffff, v11;
	v1 =	vmul.f32 v1, v38  }
0x26b: {  	v7 =	vmul.f32 v53, v38;
	[tilespmem:v42+s1+$0x0] =	vst.idx.add.f32.msk $0xffff, v15  }
0x26c: {  	v8 =	vmul.f32 v54, v38;
	[tilespmem:v47+s29+$0x0] =	vst.idx.add.f32.msk $0xffff, v1  }
0x26d: {  	v1 =	vmul.f32 v2, v38;
	v2 =	vmul.f32 v16, v39;
	[tilespmem:v47+s30+$0x0] =	vst.idx.add.f32.msk $0xffff, v7  }
0x26e: {  	[tilespmem:v47+s31+$0x0] =	vst.idx.add.f32.msk $0xffff, v8  }
0x26f: {  	v63 =	vmul.f32 v17, v39;
	[tilespmem:v48+s29+$0x0] =	vst.idx.add.f32.msk $0xffff, v2  }
0x270: {  	v2 =	vmul.f32 v3, v39;
	v3 =	vmul.f32 v19, v40;
	[tilespmem:v47+s1+$0x0] =	vst.idx.add.f32.msk $0xffff, v1  }
0x271: {  	v1 =	vmul.f32 v18, v39;
	[tilespmem:v48+s30+$0x0] =	vst.idx.add.f32.msk $0xffff, v63  }
0x272: {  	[tilespmem:v49+s29+$0x0] =	vst.idx.add.f32.msk $0xffff, v3  }
0x273: {  	[tilespmem:v48+s31+$0x0] =	vst.idx.add.f32.msk $0xffff, v1;
	v1 =	vmul.f32 v20, v40  }
0x274: {  	[tilespmem:v48+s1+$0x0] =	vst.idx.add.f32.msk $0xffff, v2;
	v2 =	vmul.f32 v21, v40  }
0x275: {  	v3 =	vmul.f32 v4, v40;
	[tilespmem:v49+s30+$0x0] =	vst.idx.add.f32.msk $0xffff, v1  }
0x276: {  	v1 =	vmul.f32 v22, v41;
	[tilespmem:v49+s31+$0x0] =	vst.idx.add.f32.msk $0xffff, v2  }
0x277: {  	v2 =	vmul.f32 v23, v41;
	[tilespmem:v49+s1+$0x0] =	vst.idx.add.f32.msk $0xffff, v3  }
0x278: {  	v3 =	vmul.f32 v24, v41;
	[tilespmem:v58+s29+$0x0] =	vst.idx.add.f32.msk $0xffff, v1  }
0x279: {  	v1 =	vmul.f32 v5, v41;
	[tilespmem:v58+s30+$0x0] =	vst.idx.add.f32.msk $0xffff, v2  }
0x27a: {  	v2 =	vmul.f32 v25, v43;
	[tilespmem:v58+s31+$0x0] =	vst.idx.add.f32.msk $0xffff, v3  }
0x27b: {  	v3 =	vmul.f32 v26, v43;
	[tilespmem:v58+s1+$0x0] =	vst.idx.add.f32.msk $0xffff, v1  }
0x27c: {  	v1 =	vmul.f32 v27, v43;
	[tilespmem:v59+s29+$0x0] =	vst.idx.add.f32.msk $0xffff, v2  }
0x27d: {  	v2 =	vmul.f32 v6, v43;
	[tilespmem:v59+s30+$0x0] =	vst.idx.add.f32.msk $0xffff, v3  }
0x27e: {  	v3 =	vmul.f32 v28, v44;
	[tilespmem:v59+s31+$0x0] =	vst.idx.add.f32.msk $0xffff, v1  }
0x27f: {  	v1 =	vmul.f32 v29, v44;
	[tilespmem:v59+s1+$0x0] =	vst.idx.add.f32.msk $0xffff, v2  }
0x280: {  	v2 =	vmul.f32 v30, v44;
	[tilespmem:v60+s29+$0x0] =	vst.idx.add.f32.msk $0xffff, v3  }
0x281: {  	v3 =	vmul.f32 v12, v44;
	[tilespmem:v60+s30+$0x0] =	vst.idx.add.f32.msk $0xffff, v1  }
0x282: {  	v1 =	vmul.f32 v31, v45;
	[tilespmem:v60+s31+$0x0] =	vst.idx.add.f32.msk $0xffff, v2  }
0x283: {  	v2 =	vmul.f32 v32, v45;
	[tilespmem:v60+s1+$0x0] =	vst.idx.add.f32.msk $0xffff, v3  }
0x284: {  	v3 =	vmul.f32 v33, v45;
	[tilespmem:v61+s29+$0x0] =	vst.idx.add.f32.msk $0xffff, v1  }
0x285: {  	v1 =	vmul.f32 v13, v45;
	[tilespmem:v61+s30+$0x0] =	vst.idx.add.f32.msk $0xffff, v2  }
0x286: {  	v2 =	vmul.f32 v34, v46;
	[tilespmem:v61+s31+$0x0] =	vst.idx.add.f32.msk $0xffff, v3  }
0x287: {  	v3 =	vmul.f32 v35, v46;
	[tilespmem:v61+s1+$0x0] =	vst.idx.add.f32.msk $0xffff, v1  }
0x288: {  	v1 =	vmul.f32 v36, v46;
	[tilespmem:v62+s29+$0x0] =	vst.idx.add.f32.msk $0xffff, v2  }
0x289: {  	v2 =	vmul.f32 v14, v46;
	[tilespmem:v62+s30+$0x0] =	vst.idx.add.f32.msk $0xffff, v3  }
0x28a: {  	[tilespmem:v62+s31+$0x0] =	vst.idx.add.f32.msk $0xffff, v1  }
0x28b: {  	s12 =	simm.s32 $0x140F0;
	s11 =	simm.s32 $0x0;
	[tilespmem:v62+s1+$0x0] =	vst.idx.add.f32.msk $0xffff, v2  }
.LBB2_10:
0x28c: {  	v1 =	vld [tilespmem:s12+$0x40]  }
0x28d: {  	v2 =	vld [tilespmem:s12+$0xFFFFFFC0]  }
0x28e: {  	v3 =	vld [tilespmem:s12+$0xFFFFFFD0]  }
0x28f: {  	s11 =	sadd.s32 $0xA, s11;
	v4 =	vld [tilespmem:s12+$0xFFFFFFE0]  }
0x290: {  	p0 =	slt.u32 s11, $0xF0;
	v5 =	vld [tilespmem:s12+$0xFFFFFFF0]  }
0x291: {  	s9 =	sadd.s32 $0xA0, s9;
	v6 =	vld [tilespmem:s12+$0x0]  }
0x292: {  	s10 =	sadd.s32 $0xA0, s10;
	v7 =	vld [tilespmem:s9+$0x40]  }
0x293: {  	v8 =	vld [tilespmem:s10+$0x40]  }
0x294: {  	v9 =	vld.idx.msk [tilespmem:v1+s3+$0x0], $0xffff  }
0x295: {  	v10 =	vld.idx.msk [tilespmem:v1+s25+$0x0], $0xffff  }
0x296: {  	v11 =	vld.idx.msk [tilespmem:v1+s26+$0x0], $0xffff  }
0x297: {  	v1 =	vld.idx.msk [tilespmem:v1+s28+$0x0], $0xffff  }
0x298: {  	v12 =	vld [tilespmem:s12+$0x10]  }
0x299: {  	v13 =	vld [tilespmem:s12+$0x20]  }
0x29a: {  	v9 =	vmul.f32 v9, v7;
	v14 =	vld [tilespmem:s12+$0x30]  }
0x29b: {  	v10 =	vmul.f32 v10, v7;
	v15 =	vld [tilespmem:s12+$0xFFFFFFB0]  }
0x29c: {  	[tilespmem:v8+s29+$0x0] =	vst.idx.add.f32.msk $0xffff, v9;
	v9 =	vmul.f32 v11, v7  }
0x29d: {  	v1 =	vmul.f32 v1, v7;
	[tilespmem:v8+s30+$0x0] =	vst.idx.add.f32.msk $0xffff, v10  }
0x29e: {  	[tilespmem:v8+s31+$0x0] =	vst.idx.add.f32.msk $0xffff, v9  }
0x29f: {  	[tilespmem:v8+s1+$0x0] =	vst.idx.add.f32.msk $0xffff, v1  }
0x2a0: {  	v1 =	vld.idx.msk [tilespmem:v2+s3+$0x0], $0xffff  }
0x2a1: {  	v7 =	vld.idx.msk [tilespmem:v2+s25+$0x0], $0xffff  }
0x2a2: {  	v8 =	vld.idx.msk [tilespmem:v2+s26+$0x0], $0xffff  }
0x2a3: {  	v9 =	vld.idx.msk [tilespmem:v15+s3+$0x0], $0xffff  }
0x2a4: {  	v10 =	vld.idx.msk [tilespmem:v15+s25+$0x0], $0xffff  }
0x2a5: {  	v11 =	vld.idx.msk [tilespmem:v15+s26+$0x0], $0xffff  }
0x2a6: {  	v15 =	vld.idx.msk [tilespmem:v15+s28+$0x0], $0xffff  }
0x2a7: {  	v2 =	vld.idx.msk [tilespmem:v2+s28+$0x0], $0xffff  }
0x2a8: {  	v16 =	vld.idx.msk [tilespmem:v3+s3+$0x0], $0xffff  }
0x2a9: {  	v17 =	vld.idx.msk [tilespmem:v3+s25+$0x0], $0xffff  }
0x2aa: {  	v18 =	vld.idx.msk [tilespmem:v3+s26+$0x0], $0xffff  }
0x2ab: {  	v3 =	vld.idx.msk [tilespmem:v3+s28+$0x0], $0xffff  }
0x2ac: {  	v19 =	vld.idx.msk [tilespmem:v4+s3+$0x0], $0xffff  }
0x2ad: {  	v20 =	vld.idx.msk [tilespmem:v4+s25+$0x0], $0xffff  }
0x2ae: {  	v21 =	vld.idx.msk [tilespmem:v4+s26+$0x0], $0xffff  }
0x2af: {  	v4 =	vld.idx.msk [tilespmem:v4+s28+$0x0], $0xffff  }
0x2b0: {  	v22 =	vld.idx.msk [tilespmem:v5+s3+$0x0], $0xffff  }
0x2b1: {  	v23 =	vld.idx.msk [tilespmem:v5+s25+$0x0], $0xffff  }
0x2b2: {  	v24 =	vld.idx.msk [tilespmem:v5+s26+$0x0], $0xffff  }
0x2b3: {  	v5 =	vld.idx.msk [tilespmem:v5+s28+$0x0], $0xffff  }
0x2b4: {  	v25 =	vld.idx.msk [tilespmem:v6+s3+$0x0], $0xffff  }
0x2b5: {  	v26 =	vld.idx.msk [tilespmem:v6+s25+$0x0], $0xffff  }
0x2b6: {  	v27 =	vld.idx.msk [tilespmem:v6+s26+$0x0], $0xffff  }
0x2b7: {  	v6 =	vld.idx.msk [tilespmem:v6+s28+$0x0], $0xffff  }
0x2b8: {  	v28 =	vld.idx.msk [tilespmem:v12+s3+$0x0], $0xffff  }
0x2b9: {  	v29 =	vld.idx.msk [tilespmem:v12+s25+$0x0], $0xffff  }
0x2ba: {  	v30 =	vld.idx.msk [tilespmem:v12+s26+$0x0], $0xffff  }
0x2bb: {  	v12 =	vld.idx.msk [tilespmem:v12+s28+$0x0], $0xffff  }
0x2bc: {  	v31 =	vld.idx.msk [tilespmem:v13+s3+$0x0], $0xffff  }
0x2bd: {  	v32 =	vld.idx.msk [tilespmem:v13+s25+$0x0], $0xffff  }
0x2be: {  	v33 =	vld.idx.msk [tilespmem:v13+s26+$0x0], $0xffff  }
0x2bf: {  	v13 =	vld.idx.msk [tilespmem:v13+s28+$0x0], $0xffff  }
0x2c0: {  	v34 =	vld.idx.msk [tilespmem:v14+s3+$0x0], $0xffff  }
0x2c1: {  	v35 =	vld.idx.msk [tilespmem:v14+s25+$0x0], $0xffff  }
0x2c2: {  	v36 =	vld.idx.msk [tilespmem:v14+s26+$0x0], $0xffff  }
0x2c3: {  	v14 =	vld.idx.msk [tilespmem:v14+s28+$0x0], $0xffff  }
0x2c4: {  	v37 =	vld [tilespmem:s9+$0xFFFFFFB0]  }
0x2c5: {  	v38 =	vld [tilespmem:s9+$0xFFFFFFC0]  }
0x2c6: {  	v39 =	vld [tilespmem:s9+$0xFFFFFFD0]  }
0x2c7: {  	v40 =	vld [tilespmem:s9+$0xFFFFFFE0]  }
0x2c8: {  	v41 =	vld [tilespmem:s9+$0xFFFFFFF0]  }
0x2c9: {  	v9 =	vmul.f32 v9, v37;
	v10 =	vmul.f32 v10, v37;
	v42 =	vld [tilespmem:s9+$0x0]  }
0x2ca: {  	v11 =	vmul.f32 v11, v37;
	v15 =	vmul.f32 v15, v37;
	v37 =	vld [tilespmem:s9+$0x10]  }
0x2cb: {  	v1 =	vmul.f32 v1, v38;
	v7 =	vmul.f32 v7, v38;
	v43 =	vld [tilespmem:s9+$0x20]  }
0x2cc: {  	v8 =	vmul.f32 v8, v38;
	v2 =	vmul.f32 v2, v38;
	v38 =	vld [tilespmem:s9+$0x30]  }
0x2cd: {  	v16 =	vmul.f32 v16, v39;
	v17 =	vmul.f32 v17, v39;
	v44 =	vld [tilespmem:s10+$0xFFFFFFB0]  }
0x2ce: {  	v18 =	vmul.f32 v18, v39;
	v3 =	vmul.f32 v3, v39;
	v45 =	vld [tilespmem:s10+$0xFFFFFFC0]  }
0x2cf: {  	v19 =	vmul.f32 v19, v40;
	v20 =	vmul.f32 v20, v40;
	v39 =	vld [tilespmem:s10+$0xFFFFFFD0]  }
0x2d0: {  	v21 =	vmul.f32 v21, v40;
	v4 =	vmul.f32 v4, v40;
	v46 =	vld [tilespmem:s10+$0xFFFFFFE0]  }
0x2d1: {  	v22 =	vmul.f32 v22, v41;
	v23 =	vmul.f32 v23, v41;
	v40 =	vld [tilespmem:s10+$0xFFFFFFF0]  }
0x2d2: {  	v24 =	vmul.f32 v24, v41;
	v5 =	vmul.f32 v5, v41;
	v41 =	vld [tilespmem:s10+$0x0]  }
0x2d3: {  	v25 =	vmul.f32 v25, v42;
	v26 =	vmul.f32 v26, v42;
	v47 =	vld [tilespmem:s10+$0x10]  }
0x2d4: {  	v27 =	vmul.f32 v27, v42;
	v6 =	vmul.f32 v6, v42;
	v42 =	vld [tilespmem:s10+$0x20]  }
0x2d5: {  	v28 =	vmul.f32 v28, v37;
	v29 =	vmul.f32 v29, v37;
	v48 =	vld [tilespmem:s10+$0x30]  }
0x2d6: {  	v12 =	vmul.f32 v12, v37;
	[tilespmem:v44+s29+$0x0] =	vst.idx.add.f32.msk $0xffff, v9;
	v9 =	vmul.f32 v30, v37  }
0x2d7: {  	v30 =	vmul.f32 v32, v43;
	[tilespmem:v44+s30+$0x0] =	vst.idx.add.f32.msk $0xffff, v10;
	v10 =	vmul.f32 v31, v43  }
0x2d8: {  	v13 =	vmul.f32 v13, v43;
	[tilespmem:v44+s31+$0x0] =	vst.idx.add.f32.msk $0xffff, v11;
	v11 =	vmul.f32 v33, v43  }
0x2d9: {  	v31 =	vmul.f32 v35, v38;
	[tilespmem:v44+s1+$0x0] =	vst.idx.add.f32.msk $0xffff, v15;
	v15 =	vmul.f32 v34, v38  }
0x2da: {  	v14 =	vmul.f32 v14, v38;
	[tilespmem:v45+s29+$0x0] =	vst.idx.add.f32.msk $0xffff, v1;
	v1 =	vmul.f32 v36, v38  }
0x2db: {  	[tilespmem:v45+s30+$0x0] =	vst.idx.add.f32.msk $0xffff, v7  }
0x2dc: {  	[tilespmem:v45+s31+$0x0] =	vst.idx.add.f32.msk $0xffff, v8  }
0x2dd: {  	[tilespmem:v45+s1+$0x0] =	vst.idx.add.f32.msk $0xffff, v2  }
0x2de: {  	[tilespmem:v39+s29+$0x0] =	vst.idx.add.f32.msk $0xffff, v16  }
0x2df: {  	[tilespmem:v39+s30+$0x0] =	vst.idx.add.f32.msk $0xffff, v17  }
0x2e0: {  	[tilespmem:v39+s31+$0x0] =	vst.idx.add.f32.msk $0xffff, v18  }
0x2e1: {  	[tilespmem:v39+s1+$0x0] =	vst.idx.add.f32.msk $0xffff, v3  }
0x2e2: {  	[tilespmem:v46+s29+$0x0] =	vst.idx.add.f32.msk $0xffff, v19  }
0x2e3: {  	[tilespmem:v46+s30+$0x0] =	vst.idx.add.f32.msk $0xffff, v20  }
0x2e4: {  	[tilespmem:v46+s31+$0x0] =	vst.idx.add.f32.msk $0xffff, v21  }
0x2e5: {  	[tilespmem:v46+s1+$0x0] =	vst.idx.add.f32.msk $0xffff, v4  }
0x2e6: {  	[tilespmem:v40+s29+$0x0] =	vst.idx.add.f32.msk $0xffff, v22  }
0x2e7: {  	[tilespmem:v40+s30+$0x0] =	vst.idx.add.f32.msk $0xffff, v23  }
0x2e8: {  	[tilespmem:v40+s31+$0x0] =	vst.idx.add.f32.msk $0xffff, v24  }
0x2e9: {  	[tilespmem:v40+s1+$0x0] =	vst.idx.add.f32.msk $0xffff, v5  }
0x2ea: {  	[tilespmem:v41+s29+$0x0] =	vst.idx.add.f32.msk $0xffff, v25  }
0x2eb: {  	[tilespmem:v41+s30+$0x0] =	vst.idx.add.f32.msk $0xffff, v26  }
0x2ec: {  	[tilespmem:v41+s31+$0x0] =	vst.idx.add.f32.msk $0xffff, v27  }
0x2ed: {  	[tilespmem:v41+s1+$0x0] =	vst.idx.add.f32.msk $0xffff, v6  }
0x2ee: {  	[tilespmem:v47+s29+$0x0] =	vst.idx.add.f32.msk $0xffff, v28  }
0x2ef: {  	[tilespmem:v47+s30+$0x0] =	vst.idx.add.f32.msk $0xffff, v29  }
0x2f0: {  	[tilespmem:v47+s31+$0x0] =	vst.idx.add.f32.msk $0xffff, v9  }
0x2f1: {  	[tilespmem:v47+s1+$0x0] =	vst.idx.add.f32.msk $0xffff, v12  }
0x2f2: {  	[tilespmem:v42+s29+$0x0] =	vst.idx.add.f32.msk $0xffff, v10  }
0x2f3: {  	[tilespmem:v42+s30+$0x0] =	vst.idx.add.f32.msk $0xffff, v30  }
0x2f4: {  	[tilespmem:v42+s31+$0x0] =	vst.idx.add.f32.msk $0xffff, v11  }
.Ltmp4:
0x2f5: {  	[tilespmem:v42+s1+$0x0] =	vst.idx.add.f32.msk $0xffff, v13;
	(pc) =	sbr.rel @p0 .LBB2_10-.Ltmp4, $4  }
0x2f6: {  	[tilespmem:v48+s29+$0x0] =	vst.idx.add.f32.msk $0xffff, v15  }
0x2f7: {  	[tilespmem:v48+s30+$0x0] =	vst.idx.add.f32.msk $0xffff, v31  }
0x2f8: {  	[tilespmem:v48+s31+$0x0] =	vst.idx.add.f32.msk $0xffff, v1  }
0x2f9: {  	s12 =	sadd.s32 $0xA0, s12;
	[tilespmem:v48+s1+$0x0] =	vst.idx.add.f32.msk $0xffff, v14  }
0x2fa: {  	_ =	swait.ge [sflag:s0], $0xFA0  }
0x2fb: {  	[sflag:s0] =	ssyncset.done $0x0  }
0x2fc: {  	[sflag:s0] =	ssyncadd.s32 $0xFFFFF060  }
0x2fd: {  	_ =	swait.ge [sflag:s0], $0xFA0  }
0x2fe: {  	[sflag:s0] =	ssyncset.done $0x0  }
0x2ff: {  	[sflag:s0] =	ssyncadd.s32 $0xFFFFF060  }
0x300: {  	_ =	swait.ge [sflag:s0], $0xFA0  }
0x301: {  	[sflag:s0] =	ssyncset.done $0x0  }
0x302: {  	s11 =	simm.s32 $0x14FF0;
	[sflag:s0] =	ssyncadd.s32 $0xFFFFF060  }
0x303: {  	v1 =	vld [tilespmem:s11+$0x40]  }
0x304: {  	v2 =	vld [tilespmem:s11+$0xFFFFFFC0]  }
0x305: {  	v3 =	vld [tilespmem:s11+$0xFFFFFFD0]  }
0x306: {  	v4 =	vld [tilespmem:s11+$0xFFFFFFE0]  }
0x307: {  	v5 =	vld [tilespmem:s11+$0xFFFFFFF0]  }
0x308: {  	s9 =	simm.s32 $0x18E70;
	v6 =	vld [tilespmem:s11+$0x0]  }
0x309: {  	s10 =	simm.s32 $0x16F30;
	v7 =	vld [tilespmem:s9+$0x40]  }
0x30a: {  	v8 =	vld [tilespmem:s10+$0x40]  }
0x30b: {  	v12 =	vld [tilespmem:s11+$0x10]  }
0x30c: {  	v13 =	vld [tilespmem:s11+$0x20]  }
0x30d: {  	v14 =	vld [tilespmem:s11+$0x30]  }
0x30e: {  	v15 =	vld [tilespmem:s11+$0xFFFFFFB0]  }
0x30f: {  	v37 =	vld [tilespmem:s9+$0xFFFFFFB0]  }
0x310: {  	v38 =	vld [tilespmem:s9+$0xFFFFFFC0]  }
0x311: {  	v39 =	vld [tilespmem:s9+$0xFFFFFFD0]  }
0x312: {  	v40 =	vld [tilespmem:s9+$0xFFFFFFE0]  }
0x313: {  	v41 =	vld [tilespmem:s9+$0xFFFFFFF0]  }
0x314: {  	v42 =	vld [tilespmem:s10+$0xFFFFFFB0]  }
0x315: {  	v43 =	vld [tilespmem:s9+$0x0]  }
0x316: {  	v44 =	vld [tilespmem:s9+$0x10]  }
0x317: {  	v45 =	vld [tilespmem:s9+$0x20]  }
0x318: {  	v46 =	vld [tilespmem:s9+$0x30]  }
0x319: {  	v47 =	vld [tilespmem:s10+$0xFFFFFFC0]  }
0x31a: {  	v48 =	vld [tilespmem:s10+$0xFFFFFFD0]  }
0x31b: {  	v49 =	vld [tilespmem:s10+$0xFFFFFFE0]  }
0x31c: {  	v58 =	vld [tilespmem:s10+$0xFFFFFFF0]  }
0x31d: {  	v59 =	vld [tilespmem:s10+$0x0]  }
0x31e: {  	v60 =	vld [tilespmem:s10+$0x10]  }
0x31f: {  	v61 =	vld [tilespmem:s10+$0x20]  }
0x320: {  	v62 =	vld [tilespmem:s10+$0x30]  }
0x321: {  	v9 =	vld.idx.msk [tilespmem:v1+s3+$0x0], $0xffff  }
0x322: {  	v10 =	vld.idx.msk [tilespmem:v1+s25+$0x0], $0xffff  }
0x323: {  	v11 =	vld.idx.msk [tilespmem:v1+s26+$0x0], $0xffff  }
0x324: {  	v1 =	vld.idx.msk [tilespmem:v1+s28+$0x0], $0xffff  }
0x325: {  	v53 =	vld.idx.msk [tilespmem:v2+s25+$0x0], $0xffff  }
0x326: {  	v54 =	vld.idx.msk [tilespmem:v2+s26+$0x0], $0xffff  }
0x327: {  	v55 =	vld.idx.msk [tilespmem:v15+s3+$0x0], $0xffff  }
0x328: {  	v56 =	vld.idx.msk [tilespmem:v15+s25+$0x0], $0xffff  }
0x329: {  	v57 =	vld.idx.msk [tilespmem:v15+s26+$0x0], $0xffff  }
0x32a: {  	v15 =	vld.idx.msk [tilespmem:v15+s28+$0x0], $0xffff  }
0x32b: {  	v16 =	vld.idx.msk [tilespmem:v3+s3+$0x0], $0xffff  }
0x32c: {  	v17 =	vld.idx.msk [tilespmem:v3+s25+$0x0], $0xffff  }
0x32d: {  	v18 =	vld.idx.msk [tilespmem:v3+s26+$0x0], $0xffff  }
0x32e: {  	v3 =	vld.idx.msk [tilespmem:v3+s28+$0x0], $0xffff  }
0x32f: {  	v19 =	vld.idx.msk [tilespmem:v4+s3+$0x0], $0xffff  }
0x330: {  	v20 =	vld.idx.msk [tilespmem:v4+s25+$0x0], $0xffff  }
0x331: {  	v21 =	vld.idx.msk [tilespmem:v4+s26+$0x0], $0xffff  }
0x332: {  	v4 =	vld.idx.msk [tilespmem:v4+s28+$0x0], $0xffff  }
0x333: {  	v22 =	vld.idx.msk [tilespmem:v5+s3+$0x0], $0xffff  }
0x334: {  	v23 =	vld.idx.msk [tilespmem:v5+s25+$0x0], $0xffff  }
0x335: {  	v24 =	vld.idx.msk [tilespmem:v5+s26+$0x0], $0xffff  }
0x336: {  	v5 =	vld.idx.msk [tilespmem:v5+s28+$0x0], $0xffff  }
0x337: {  	v25 =	vld.idx.msk [tilespmem:v6+s3+$0x0], $0xffff  }
0x338: {  	v26 =	vld.idx.msk [tilespmem:v6+s25+$0x0], $0xffff  }
0x339: {  	v27 =	vld.idx.msk [tilespmem:v6+s26+$0x0], $0xffff  }
0x33a: {  	v6 =	vld.idx.msk [tilespmem:v6+s28+$0x0], $0xffff  }
0x33b: {  	v28 =	vld.idx.msk [tilespmem:v12+s3+$0x0], $0xffff  }
0x33c: {  	v29 =	vld.idx.msk [tilespmem:v12+s25+$0x0], $0xffff  }
0x33d: {  	v30 =	vld.idx.msk [tilespmem:v12+s26+$0x0], $0xffff  }
0x33e: {  	v12 =	vld.idx.msk [tilespmem:v12+s28+$0x0], $0xffff  }
0x33f: {  	v31 =	vld.idx.msk [tilespmem:v13+s3+$0x0], $0xffff  }
0x340: {  	v32 =	vld.idx.msk [tilespmem:v13+s25+$0x0], $0xffff  }
0x341: {  	v33 =	vld.idx.msk [tilespmem:v13+s26+$0x0], $0xffff  }
0x342: {  	v13 =	vld.idx.msk [tilespmem:v13+s28+$0x0], $0xffff  }
0x343: {  	v34 =	vld.idx.msk [tilespmem:v14+s3+$0x0], $0xffff  }
0x344: {  	v35 =	vld.idx.msk [tilespmem:v14+s25+$0x0], $0xffff;
	v9 =	vmul.f32 v9, v7  }
0x345: {  	v36 =	vld.idx.msk [tilespmem:v14+s26+$0x0], $0xffff;
	v10 =	vmul.f32 v10, v7  }
0x346: {  	v52 =	vmul.f32 v11, v7;
	[tilespmem:v8+s29+$0x0] =	vst.idx.add.f32.msk $0xffff, v9  }
0x347: {  	v1 =	vmul.f32 v1, v7;
	[tilespmem:v8+s30+$0x0] =	vst.idx.add.f32.msk $0xffff, v10  }
0x348: {  	[tilespmem:v8+s31+$0x0] =	vst.idx.add.f32.msk $0xffff, v52  }
0x349: {  	[tilespmem:v8+s1+$0x0] =	vst.idx.add.f32.msk $0xffff, v1  }
0x34a: {  	v9 =	vmul.f32 v55, v37;
	v1 =	vld.idx.msk [tilespmem:v2+s3+$0x0], $0xffff  }
0x34b: {  	v14 =	vld.idx.msk [tilespmem:v14+s28+$0x0], $0xffff  }
0x34c: {  	v10 =	vmul.f32 v56, v37;
	[tilespmem:v42+s29+$0x0] =	vst.idx.add.f32.msk $0xffff, v9  }
0x34d: {  	v11 =	vmul.f32 v57, v37;
	v2 =	vld.idx.msk [tilespmem:v2+s28+$0x0], $0xffff  }
0x34e: {  	v15 =	vmul.f32 v15, v37;
	[tilespmem:v42+s30+$0x0] =	vst.idx.add.f32.msk $0xffff, v10  }
0x34f: {  	[tilespmem:v42+s31+$0x0] =	vst.idx.add.f32.msk $0xffff, v11;
	v1 =	vmul.f32 v1, v38  }
0x350: {  	v7 =	vmul.f32 v53, v38;
	[tilespmem:v42+s1+$0x0] =	vst.idx.add.f32.msk $0xffff, v15  }
0x351: {  	v8 =	vmul.f32 v54, v38;
	[tilespmem:v47+s29+$0x0] =	vst.idx.add.f32.msk $0xffff, v1  }
0x352: {  	v1 =	vmul.f32 v2, v38;
	v2 =	vmul.f32 v16, v39;
	[tilespmem:v47+s30+$0x0] =	vst.idx.add.f32.msk $0xffff, v7  }
0x353: {  	[tilespmem:v47+s31+$0x0] =	vst.idx.add.f32.msk $0xffff, v8  }
0x354: {  	v63 =	vmul.f32 v17, v39;
	[tilespmem:v48+s29+$0x0] =	vst.idx.add.f32.msk $0xffff, v2  }
0x355: {  	v2 =	vmul.f32 v3, v39;
	v3 =	vmul.f32 v19, v40;
	[tilespmem:v47+s1+$0x0] =	vst.idx.add.f32.msk $0xffff, v1  }
0x356: {  	v1 =	vmul.f32 v18, v39;
	[tilespmem:v48+s30+$0x0] =	vst.idx.add.f32.msk $0xffff, v63  }
0x357: {  	[tilespmem:v49+s29+$0x0] =	vst.idx.add.f32.msk $0xffff, v3  }
0x358: {  	[tilespmem:v48+s31+$0x0] =	vst.idx.add.f32.msk $0xffff, v1;
	v1 =	vmul.f32 v20, v40  }
0x359: {  	[tilespmem:v48+s1+$0x0] =	vst.idx.add.f32.msk $0xffff, v2;
	v2 =	vmul.f32 v21, v40  }
0x35a: {  	v3 =	vmul.f32 v4, v40;
	[tilespmem:v49+s30+$0x0] =	vst.idx.add.f32.msk $0xffff, v1  }
0x35b: {  	v1 =	vmul.f32 v22, v41;
	[tilespmem:v49+s31+$0x0] =	vst.idx.add.f32.msk $0xffff, v2  }
0x35c: {  	v2 =	vmul.f32 v23, v41;
	[tilespmem:v49+s1+$0x0] =	vst.idx.add.f32.msk $0xffff, v3  }
0x35d: {  	v3 =	vmul.f32 v24, v41;
	[tilespmem:v58+s29+$0x0] =	vst.idx.add.f32.msk $0xffff, v1  }
0x35e: {  	v1 =	vmul.f32 v5, v41;
	[tilespmem:v58+s30+$0x0] =	vst.idx.add.f32.msk $0xffff, v2  }
0x35f: {  	v2 =	vmul.f32 v25, v43;
	[tilespmem:v58+s31+$0x0] =	vst.idx.add.f32.msk $0xffff, v3  }
0x360: {  	v3 =	vmul.f32 v26, v43;
	[tilespmem:v58+s1+$0x0] =	vst.idx.add.f32.msk $0xffff, v1  }
0x361: {  	v1 =	vmul.f32 v27, v43;
	[tilespmem:v59+s29+$0x0] =	vst.idx.add.f32.msk $0xffff, v2  }
0x362: {  	v2 =	vmul.f32 v6, v43;
	[tilespmem:v59+s30+$0x0] =	vst.idx.add.f32.msk $0xffff, v3  }
0x363: {  	v3 =	vmul.f32 v28, v44;
	[tilespmem:v59+s31+$0x0] =	vst.idx.add.f32.msk $0xffff, v1  }
0x364: {  	v1 =	vmul.f32 v29, v44;
	[tilespmem:v59+s1+$0x0] =	vst.idx.add.f32.msk $0xffff, v2  }
0x365: {  	v2 =	vmul.f32 v30, v44;
	[tilespmem:v60+s29+$0x0] =	vst.idx.add.f32.msk $0xffff, v3  }
0x366: {  	v3 =	vmul.f32 v12, v44;
	[tilespmem:v60+s30+$0x0] =	vst.idx.add.f32.msk $0xffff, v1  }
0x367: {  	v1 =	vmul.f32 v31, v45;
	[tilespmem:v60+s31+$0x0] =	vst.idx.add.f32.msk $0xffff, v2  }
0x368: {  	v2 =	vmul.f32 v32, v45;
	[tilespmem:v60+s1+$0x0] =	vst.idx.add.f32.msk $0xffff, v3  }
0x369: {  	v3 =	vmul.f32 v33, v45;
	[tilespmem:v61+s29+$0x0] =	vst.idx.add.f32.msk $0xffff, v1  }
0x36a: {  	v1 =	vmul.f32 v13, v45;
	[tilespmem:v61+s30+$0x0] =	vst.idx.add.f32.msk $0xffff, v2  }
0x36b: {  	v2 =	vmul.f32 v34, v46;
	[tilespmem:v61+s31+$0x0] =	vst.idx.add.f32.msk $0xffff, v3  }
0x36c: {  	v3 =	vmul.f32 v35, v46;
	[tilespmem:v61+s1+$0x0] =	vst.idx.add.f32.msk $0xffff, v1  }
0x36d: {  	v1 =	vmul.f32 v36, v46;
	[tilespmem:v62+s29+$0x0] =	vst.idx.add.f32.msk $0xffff, v2  }
0x36e: {  	v2 =	vmul.f32 v14, v46;
	[tilespmem:v62+s30+$0x0] =	vst.idx.add.f32.msk $0xffff, v3  }
0x36f: {  	[tilespmem:v62+s31+$0x0] =	vst.idx.add.f32.msk $0xffff, v1  }
0x370: {  	s12 =	simm.s32 $0x15090;
	s11 =	simm.s32 $0x0;
	[tilespmem:v62+s1+$0x0] =	vst.idx.add.f32.msk $0xffff, v2  }
.LBB2_12:
0x371: {  	v1 =	vld [tilespmem:s12+$0x40]  }
0x372: {  	v2 =	vld [tilespmem:s12+$0xFFFFFFC0]  }
0x373: {  	v3 =	vld [tilespmem:s12+$0xFFFFFFD0]  }
0x374: {  	s11 =	sadd.s32 $0xA, s11;
	v4 =	vld [tilespmem:s12+$0xFFFFFFE0]  }
0x375: {  	p0 =	slt.u32 s11, $0xF0;
	v5 =	vld [tilespmem:s12+$0xFFFFFFF0]  }
0x376: {  	s9 =	sadd.s32 $0xA0, s9;
	v6 =	vld [tilespmem:s12+$0x0]  }
0x377: {  	s10 =	sadd.s32 $0xA0, s10;
	v7 =	vld [tilespmem:s9+$0x40]  }
0x378: {  	v8 =	vld [tilespmem:s10+$0x40]  }
0x379: {  	v9 =	vld.idx.msk [tilespmem:v1+s3+$0x0], $0xffff  }
0x37a: {  	v10 =	vld.idx.msk [tilespmem:v1+s25+$0x0], $0xffff  }
0x37b: {  	v11 =	vld.idx.msk [tilespmem:v1+s26+$0x0], $0xffff  }
0x37c: {  	v1 =	vld.idx.msk [tilespmem:v1+s28+$0x0], $0xffff  }
0x37d: {  	v12 =	vld [tilespmem:s12+$0x10]  }
0x37e: {  	v13 =	vld [tilespmem:s12+$0x20]  }
0x37f: {  	v9 =	vmul.f32 v9, v7;
	v14 =	vld [tilespmem:s12+$0x30]  }
0x380: {  	v10 =	vmul.f32 v10, v7;
	v15 =	vld [tilespmem:s12+$0xFFFFFFB0]  }
0x381: {  	[tilespmem:v8+s29+$0x0] =	vst.idx.add.f32.msk $0xffff, v9;
	v9 =	vmul.f32 v11, v7  }
0x382: {  	v1 =	vmul.f32 v1, v7;
	[tilespmem:v8+s30+$0x0] =	vst.idx.add.f32.msk $0xffff, v10  }
0x383: {  	[tilespmem:v8+s31+$0x0] =	vst.idx.add.f32.msk $0xffff, v9  }
0x384: {  	[tilespmem:v8+s1+$0x0] =	vst.idx.add.f32.msk $0xffff, v1  }
0x385: {  	v1 =	vld.idx.msk [tilespmem:v2+s3+$0x0], $0xffff  }
0x386: {  	v7 =	vld.idx.msk [tilespmem:v2+s25+$0x0], $0xffff  }
0x387: {  	v8 =	vld.idx.msk [tilespmem:v2+s26+$0x0], $0xffff  }
0x388: {  	v9 =	vld.idx.msk [tilespmem:v15+s3+$0x0], $0xffff  }
0x389: {  	v10 =	vld.idx.msk [tilespmem:v15+s25+$0x0], $0xffff  }
0x38a: {  	v11 =	vld.idx.msk [tilespmem:v15+s26+$0x0], $0xffff  }
0x38b: {  	v15 =	vld.idx.msk [tilespmem:v15+s28+$0x0], $0xffff  }
0x38c: {  	v2 =	vld.idx.msk [tilespmem:v2+s28+$0x0], $0xffff  }
0x38d: {  	v16 =	vld.idx.msk [tilespmem:v3+s3+$0x0], $0xffff  }
0x38e: {  	v17 =	vld.idx.msk [tilespmem:v3+s25+$0x0], $0xffff  }
0x38f: {  	v18 =	vld.idx.msk [tilespmem:v3+s26+$0x0], $0xffff  }
0x390: {  	v3 =	vld.idx.msk [tilespmem:v3+s28+$0x0], $0xffff  }
0x391: {  	v19 =	vld.idx.msk [tilespmem:v4+s3+$0x0], $0xffff  }
0x392: {  	v20 =	vld.idx.msk [tilespmem:v4+s25+$0x0], $0xffff  }
0x393: {  	v21 =	vld.idx.msk [tilespmem:v4+s26+$0x0], $0xffff  }
0x394: {  	v4 =	vld.idx.msk [tilespmem:v4+s28+$0x0], $0xffff  }
0x395: {  	v22 =	vld.idx.msk [tilespmem:v5+s3+$0x0], $0xffff  }
0x396: {  	v23 =	vld.idx.msk [tilespmem:v5+s25+$0x0], $0xffff  }
0x397: {  	v24 =	vld.idx.msk [tilespmem:v5+s26+$0x0], $0xffff  }
0x398: {  	v5 =	vld.idx.msk [tilespmem:v5+s28+$0x0], $0xffff  }
0x399: {  	v25 =	vld.idx.msk [tilespmem:v6+s3+$0x0], $0xffff  }
0x39a: {  	v26 =	vld.idx.msk [tilespmem:v6+s25+$0x0], $0xffff  }
0x39b: {  	v27 =	vld.idx.msk [tilespmem:v6+s26+$0x0], $0xffff  }
0x39c: {  	v6 =	vld.idx.msk [tilespmem:v6+s28+$0x0], $0xffff  }
0x39d: {  	v28 =	vld.idx.msk [tilespmem:v12+s3+$0x0], $0xffff  }
0x39e: {  	v29 =	vld.idx.msk [tilespmem:v12+s25+$0x0], $0xffff  }
0x39f: {  	v30 =	vld.idx.msk [tilespmem:v12+s26+$0x0], $0xffff  }
0x3a0: {  	v12 =	vld.idx.msk [tilespmem:v12+s28+$0x0], $0xffff  }
0x3a1: {  	v31 =	vld.idx.msk [tilespmem:v13+s3+$0x0], $0xffff  }
0x3a2: {  	v32 =	vld.idx.msk [tilespmem:v13+s25+$0x0], $0xffff  }
0x3a3: {  	v33 =	vld.idx.msk [tilespmem:v13+s26+$0x0], $0xffff  }
0x3a4: {  	v13 =	vld.idx.msk [tilespmem:v13+s28+$0x0], $0xffff  }
0x3a5: {  	v34 =	vld.idx.msk [tilespmem:v14+s3+$0x0], $0xffff  }
0x3a6: {  	v35 =	vld.idx.msk [tilespmem:v14+s25+$0x0], $0xffff  }
0x3a7: {  	v36 =	vld.idx.msk [tilespmem:v14+s26+$0x0], $0xffff  }
0x3a8: {  	v14 =	vld.idx.msk [tilespmem:v14+s28+$0x0], $0xffff  }
0x3a9: {  	v37 =	vld [tilespmem:s9+$0xFFFFFFB0]  }
0x3aa: {  	v38 =	vld [tilespmem:s9+$0xFFFFFFC0]  }
0x3ab: {  	v39 =	vld [tilespmem:s9+$0xFFFFFFD0]  }
0x3ac: {  	v40 =	vld [tilespmem:s9+$0xFFFFFFE0]  }
0x3ad: {  	v41 =	vld [tilespmem:s9+$0xFFFFFFF0]  }
0x3ae: {  	v9 =	vmul.f32 v9, v37;
	v10 =	vmul.f32 v10, v37;
	v42 =	vld [tilespmem:s9+$0x0]  }
0x3af: {  	v11 =	vmul.f32 v11, v37;
	v15 =	vmul.f32 v15, v37;
	v37 =	vld [tilespmem:s9+$0x10]  }
0x3b0: {  	v1 =	vmul.f32 v1, v38;
	v7 =	vmul.f32 v7, v38;
	v43 =	vld [tilespmem:s9+$0x20]  }
0x3b1: {  	v8 =	vmul.f32 v8, v38;
	v2 =	vmul.f32 v2, v38;
	v38 =	vld [tilespmem:s9+$0x30]  }
0x3b2: {  	v16 =	vmul.f32 v16, v39;
	v17 =	vmul.f32 v17, v39;
	v44 =	vld [tilespmem:s10+$0xFFFFFFB0]  }
0x3b3: {  	v18 =	vmul.f32 v18, v39;
	v3 =	vmul.f32 v3, v39;
	v45 =	vld [tilespmem:s10+$0xFFFFFFC0]  }
0x3b4: {  	v19 =	vmul.f32 v19, v40;
	v20 =	vmul.f32 v20, v40;
	v39 =	vld [tilespmem:s10+$0xFFFFFFD0]  }
0x3b5: {  	v21 =	vmul.f32 v21, v40;
	v4 =	vmul.f32 v4, v40;
	v46 =	vld [tilespmem:s10+$0xFFFFFFE0]  }
0x3b6: {  	v22 =	vmul.f32 v22, v41;
	v23 =	vmul.f32 v23, v41;
	v40 =	vld [tilespmem:s10+$0xFFFFFFF0]  }
0x3b7: {  	v24 =	vmul.f32 v24, v41;
	v5 =	vmul.f32 v5, v41;
	v41 =	vld [tilespmem:s10+$0x0]  }
0x3b8: {  	v25 =	vmul.f32 v25, v42;
	v26 =	vmul.f32 v26, v42;
	v47 =	vld [tilespmem:s10+$0x10]  }
0x3b9: {  	v27 =	vmul.f32 v27, v42;
	v6 =	vmul.f32 v6, v42;
	v42 =	vld [tilespmem:s10+$0x20]  }
0x3ba: {  	v28 =	vmul.f32 v28, v37;
	v29 =	vmul.f32 v29, v37;
	v48 =	vld [tilespmem:s10+$0x30]  }
0x3bb: {  	v12 =	vmul.f32 v12, v37;
	[tilespmem:v44+s29+$0x0] =	vst.idx.add.f32.msk $0xffff, v9;
	v9 =	vmul.f32 v30, v37  }
0x3bc: {  	v30 =	vmul.f32 v32, v43;
	[tilespmem:v44+s30+$0x0] =	vst.idx.add.f32.msk $0xffff, v10;
	v10 =	vmul.f32 v31, v43  }
0x3bd: {  	v13 =	vmul.f32 v13, v43;
	[tilespmem:v44+s31+$0x0] =	vst.idx.add.f32.msk $0xffff, v11;
	v11 =	vmul.f32 v33, v43  }
0x3be: {  	v31 =	vmul.f32 v35, v38;
	[tilespmem:v44+s1+$0x0] =	vst.idx.add.f32.msk $0xffff, v15;
	v15 =	vmul.f32 v34, v38  }
0x3bf: {  	v14 =	vmul.f32 v14, v38;
	[tilespmem:v45+s29+$0x0] =	vst.idx.add.f32.msk $0xffff, v1;
	v1 =	vmul.f32 v36, v38  }
0x3c0: {  	[tilespmem:v45+s30+$0x0] =	vst.idx.add.f32.msk $0xffff, v7  }
0x3c1: {  	[tilespmem:v45+s31+$0x0] =	vst.idx.add.f32.msk $0xffff, v8  }
0x3c2: {  	[tilespmem:v45+s1+$0x0] =	vst.idx.add.f32.msk $0xffff, v2  }
0x3c3: {  	[tilespmem:v39+s29+$0x0] =	vst.idx.add.f32.msk $0xffff, v16  }
0x3c4: {  	[tilespmem:v39+s30+$0x0] =	vst.idx.add.f32.msk $0xffff, v17  }
0x3c5: {  	[tilespmem:v39+s31+$0x0] =	vst.idx.add.f32.msk $0xffff, v18  }
0x3c6: {  	[tilespmem:v39+s1+$0x0] =	vst.idx.add.f32.msk $0xffff, v3  }
0x3c7: {  	[tilespmem:v46+s29+$0x0] =	vst.idx.add.f32.msk $0xffff, v19  }
0x3c8: {  	[tilespmem:v46+s30+$0x0] =	vst.idx.add.f32.msk $0xffff, v20  }
0x3c9: {  	[tilespmem:v46+s31+$0x0] =	vst.idx.add.f32.msk $0xffff, v21  }
0x3ca: {  	[tilespmem:v46+s1+$0x0] =	vst.idx.add.f32.msk $0xffff, v4  }
0x3cb: {  	[tilespmem:v40+s29+$0x0] =	vst.idx.add.f32.msk $0xffff, v22  }
0x3cc: {  	[tilespmem:v40+s30+$0x0] =	vst.idx.add.f32.msk $0xffff, v23  }
0x3cd: {  	[tilespmem:v40+s31+$0x0] =	vst.idx.add.f32.msk $0xffff, v24  }
0x3ce: {  	[tilespmem:v40+s1+$0x0] =	vst.idx.add.f32.msk $0xffff, v5  }
0x3cf: {  	[tilespmem:v41+s29+$0x0] =	vst.idx.add.f32.msk $0xffff, v25  }
0x3d0: {  	[tilespmem:v41+s30+$0x0] =	vst.idx.add.f32.msk $0xffff, v26  }
0x3d1: {  	[tilespmem:v41+s31+$0x0] =	vst.idx.add.f32.msk $0xffff, v27  }
0x3d2: {  	[tilespmem:v41+s1+$0x0] =	vst.idx.add.f32.msk $0xffff, v6  }
0x3d3: {  	[tilespmem:v47+s29+$0x0] =	vst.idx.add.f32.msk $0xffff, v28  }
0x3d4: {  	[tilespmem:v47+s30+$0x0] =	vst.idx.add.f32.msk $0xffff, v29  }
0x3d5: {  	[tilespmem:v47+s31+$0x0] =	vst.idx.add.f32.msk $0xffff, v9  }
0x3d6: {  	[tilespmem:v47+s1+$0x0] =	vst.idx.add.f32.msk $0xffff, v12  }
0x3d7: {  	[tilespmem:v42+s29+$0x0] =	vst.idx.add.f32.msk $0xffff, v10  }
0x3d8: {  	[tilespmem:v42+s30+$0x0] =	vst.idx.add.f32.msk $0xffff, v30  }
0x3d9: {  	[tilespmem:v42+s31+$0x0] =	vst.idx.add.f32.msk $0xffff, v11  }
.Ltmp5:
0x3da: {  	[tilespmem:v42+s1+$0x0] =	vst.idx.add.f32.msk $0xffff, v13;
	(pc) =	sbr.rel @p0 .LBB2_12-.Ltmp5, $4  }
0x3db: {  	[tilespmem:v48+s29+$0x0] =	vst.idx.add.f32.msk $0xffff, v15  }
0x3dc: {  	[tilespmem:v48+s30+$0x0] =	vst.idx.add.f32.msk $0xffff, v31  }
0x3dd: {  	[tilespmem:v48+s31+$0x0] =	vst.idx.add.f32.msk $0xffff, v1  }
0x3de: {  	s12 =	sadd.s32 $0xA0, s12;
	[tilespmem:v48+s1+$0x0] =	vst.idx.add.f32.msk $0xffff, v14  }
0x3df: {  	s9 =	rddreg [dreg:$0xa]  }
0x3e0: {  	[hbm4b:s9+s3] =	stream.linear.scatter [tilespmem:s29], [sflag:$0x4], $0xA000, $0x38;
	[tilespmem:$0x19DC0] =	vst v63  }
0x3e1: {  	_ =	swait.ge [sflag:s7], $0xA000  }
0x3e2: {  	s8 =	sadd.s32 $0x1, s8;
	s17 =	rddreg [dreg:$0xb]  }
0x3e3: {  	p0 =	sne.s32 s8, s17  }
.Ltmp6:
0x3e4: {  	_ = 	snop;
	(pc) =	sbr.rel @p0 .LBB2_1-.Ltmp6, $3  }
0x3e5: {  	_ =	sdelay $0x1  }
0x3e6: {  	[sflag:s7] =	ssyncset.done $0x0  }
0x3e7: {  	[sflag:s7] =	ssyncadd.s32 $0xFFFF6000  }
0x3e8: {  	_ =	sfence.sel $0x180000  }
0x3e9: {  	[bflag:$0x0] =	sbarrier.arrive $0xFFFF  }
0x3ea: {  	_ =	strace $0x9000004D  }
0x3eb: {  	s0 =	stileid.u32;
	[bflag:$0x2] =	sbarrier.arrive $0xFFFF  }
0x3ec: {  	p0 =	sne.s32 s0, $0x0;
	s0 =	rddreg [dreg:$0x2]  }
0x3ed: {  	s0 =	sadd.s32 @!p0 $0x100000, s0  }
0x3ee: {  	[sflag:s0] =	ssyncadd.tile.s32 @!p0 $0x1;
	_ =	shalt  }
.Lfunc_end2:
_tile_overlayer_lowered:
.L_overlay_start_2:
0x3ef: {  	(tag) =	ssettag $0x2  }
0x3f0: {  	s0 =	rddreg [dreg:$0x0];
	s2 =	stileid.u32  }
0x3f1: {  	s1 =	rddreg [dreg:$0x1];
	p0 =	sne.s32 s2, $0x0  }
0x3f2: {  	s3 =	rddreg [dreg:$0x2];
	[bflag:$0x3] =	sbarrier.arrive $0xFFFF;
	s2 =	simm.s32 @!p0 $0x1C04  }
0x3f3: {  	[timem:s3], [sflag:s2] =	dma.local @!p0 [hbm:s0], s1  }
0x3f4: {  	s0 =	simm.s32 @!p0 $0x4  }
0x3f5: {  	_ =	swait.ge @!p0 [sflag:s0], s1  }
0x3f6: {  	s1 =	ssub.s32 @!p0 $0x0, s1;
	[sflag:s0] =	ssyncset.done @!p0 $0x0  }
0x3f7: {  	[sflag:s0] =	ssyncadd.s32 @!p0 s1  }
0x3f8: {  	[bflag:$0x3] =	sbarrier.arrive $0xFFFF  }
0x3f9: {  	_ =	shalt  }

// kernel: kernel.8.cloned.1.call-start
scs
__scs_entry_jumppad:
0x0: {  	(pc) =	sbr.rel $0x88, $3  }
0x1: {  	(tag) =	ssettag $0x0;
	lr =	simm.s32 $0x1  }
0x2: {  	[smem:$0x3F98] =	sst lr;
	_ =	strace $0xD0000000  }
0x3: {  	_ = 	snop  }
0x4: {  	_ = 	snop  }
0x5: {  	_ = 	snop  }
0x6: {  	_ = 	snop  }
0x7: {  	_ = 	snop  }
__scs_overlays_trampoline_lowered:
0x8: {  	[smem:$0x3FA7] =	sst s0  }
0x9: {  	[smem:$0x3FA8] =	sst s1  }
0xa: {  	[smem:$0x3FA9] =	sst s2  }
0xb: {  	[smem:$0x3FAA] =	sst s3  }
0xc: {  	[smem:$0x3FAB] =	sst s4  }
0xd: {  	[smem:$0x3FAC] =	sst s5  }
0xe: {  	[smem:$0x3FAD] =	sst s6  }
0xf: {  	[smem:$0x3FAE] =	sst s7  }
0x10: {  	[smem:$0x3FAF] =	sst s8  }
0x11: {  	[smem:$0x3FB0] =	sst s9;
	s0 =	simm.s32 @!p0 $0x0  }
0x12: {  	s1 =	sld [smem:$0x3F96];
	s0 =	simm.s32 @p0 $0x1  }
0x13: {  	[smem:$0x3FB1] =	sst s0;
	s0 =	simm.s32 @!p1 $0x0  }
0x14: {  	s2 =	sld [smem:$0x3F95];
	s0 =	simm.s32 @p1 $0x1  }
0x15: {  	[smem:$0x3FB2] =	sst s0;
	s0 =	simm.s32 @!p2 $0x0  }
0x16: {  	s3 =	sld [smem:$0x3FDB];
	s0 =	simm.s32 @p2 $0x1  }
0x17: {  	s4 =	simm.s32 $0x1BF5;
	[smem:$0x3FB4] =	sst s0  }
0x18: {  	s0 =	sld [smem:$0x3F97];
	_ =	swait.ge [sflag:s4], $0x0  }
0x19: {  	s7 =	sld [smem:$0x3F98]  }
0x1a: {  	s8 =	sadd.s32 $0xFFFFE003, lr  }
0x1b: {  	s9 =	sadd.s32 $0xFFFFFEF7, lr;
	s5 =	simm.s32 $0xFFFFFFFF;
	p2 =	slt.u32 s8, $0xFFFFF086  }
0x1c: {  	p1 =	slt.u32 s9, $0xF7A;
	s5 =	simm.s32 @!p2 $0x0  }
0x1d: {  	s5 =	simm.s32 @p1 $0x1;
	p0 =	seq.s32 s7, s2  }
0x1e: {  	s7 =	smul.u32 @!p0 $0xF7A, s2;
	p2 =	seq.s32 @!p0 s5, $0x0  }
0x1f: {  	s9 =	smul.u32 $0xF7A, s1;
	s8 =	simm.s32 @!p0 $0x1BF5;
	p2 =	por !p2, p0  }
0x20: {  	[sflag:s8] =	ssyncset.s32 @!p0 $0xFFFFF086;
	s6 =	sadd.s32 @!p0 s3, s7;
	s7 =	simm.s32 @!p0 $0x108  }
0x21: {  	s3 =	sadd.s32 s3, s9;
	s6 =	sadd.s32 @!p0 $0x88, s6;
	s7 =	simm.s32 @p2 $0x1082  }
0x22: {  	[simem:s7], [sflag:s8] =	dma.local @!p0 [hbm:s6], $0xF7A  }
0x23: {  	s9 =	sor.u32 $0xD0000000, s2;
	s6 =	simm.s32 $0x108;
	_ =	swait.ge @!p0 [sflag:s8], $0x0  }
0x24: {  	s3 =	sadd.s32 $0x88, s3;
	s6 =	simm.s32 @!p1 $0x1082;
	[sflag:s4] =	ssyncset.s32 $0xFFFFF086  }
0x25: {  	[simem:s6], [sflag:s4] =	dma.local [hbm:s3], $0xF7A  }
0x26: {  	[smem:$0x3F98] =	sst s1;
	(tag) =	ssettag s2;
	_ =	strace s9  }
0x27: {  	s1 =	sld [smem:$0x3FA8]  }
0x28: {  	s2 =	sld [smem:$0x3FA9]  }
0x29: {  	s4 =	sld [smem:$0x3FAB]  }
0x2a: {  	p0 =	seq.s32 s5, $0x0;
	s5 =	sld [smem:$0x3FAC]  }
0x2b: {  	s6 =	sld [smem:$0x3FAD]  }
0x2c: {  	s7 =	sld [smem:$0x3FAE]  }
0x2d: {  	s3 =	simm.s32 $0x108;
	s8 =	sld [smem:$0x3FAF]  }
0x2e: {  	s3 =	simm.s32 @!p0 $0x1082;
	s9 =	sld [smem:$0x3FB0]  }
0x2f: {  	lr =	sadd.s32 s0, s3;
	s0 =	sld [smem:$0x3FA7]  }
0x30: {  	s3 =	sld [smem:$0x3FAA]  }
0x31: {  	[smem:$0x3FB3] =	sst s10  }
0x32: {  	s10 =	sld [smem:$0x3FB1];
	_ =	sdelay $0x3  }
0x33: {  	p0 =	seq.s32 s10, $0x1;
	s10 =	sld [smem:$0x3FB3];
	_ =	sdelay $0x3  }
0x34: {  	[smem:$0x3FB3] =	sst s10  }
0x35: {  	s10 =	sld [smem:$0x3FB2];
	_ =	sdelay $0x3  }
0x36: {  	p1 =	seq.s32 s10, $0x1;
	s10 =	sld [smem:$0x3FB3];
	_ =	sdelay $0x3  }
0x37: {  	[smem:$0x3FB3] =	sst s10  }
0x38: {  	s10 =	sld [smem:$0x3FB4]  }
0x39: {  	_ = 	snop;
	(pc) =	sbr.ind lr, $3  }
0x3a: {  	_ = 	snop  }
0x3b: {  	_ = 	snop  }
0x3c: {  	p2 =	seq.s32 s10, $0x1;
	s10 =	sld [smem:$0x3FB3]  }
0x3d: {  	_ =	shalt  }
0x3e: {  	_ =	shalt  }
0x3f: {  	_ =	shalt  }
0x40: {  	_ =	shalt  }
0x41: {  	_ =	shalt  }
0x42: {  	_ =	shalt  }
0x43: {  	_ =	shalt  }
0x44: {  	_ =	shalt  }
0x45: {  	_ =	shalt  }
0x46: {  	_ =	shalt  }
0x47: {  	_ =	shalt  }
0x48: {  	_ =	shalt  }
0x49: {  	_ =	shalt  }
0x4a: {  	_ =	shalt  }
0x4b: {  	_ =	shalt  }
0x4c: {  	_ =	shalt  }
0x4d: {  	_ =	shalt  }
0x4e: {  	_ =	shalt  }
0x4f: {  	_ =	shalt  }
0x50: {  	_ =	shalt  }
0x51: {  	_ =	shalt  }
0x52: {  	_ =	shalt  }
0x53: {  	_ =	shalt  }
0x54: {  	_ =	shalt  }
0x55: {  	_ =	shalt  }
0x56: {  	_ =	shalt  }
0x57: {  	_ =	shalt  }
0x58: {  	_ =	shalt  }
0x59: {  	_ =	shalt  }
0x5a: {  	_ =	shalt  }
0x5b: {  	_ =	shalt  }
0x5c: {  	_ =	shalt  }
0x5d: {  	_ =	shalt  }
0x5e: {  	_ =	shalt  }
0x5f: {  	_ =	shalt  }
0x60: {  	_ =	shalt  }
0x61: {  	_ =	shalt  }
0x62: {  	_ =	shalt  }
0x63: {  	_ =	shalt  }
0x64: {  	_ =	shalt  }
0x65: {  	_ =	shalt  }
0x66: {  	_ =	shalt  }
0x67: {  	_ =	shalt  }
0x68: {  	_ =	shalt  }
0x69: {  	_ =	shalt  }
0x6a: {  	_ =	shalt  }
0x6b: {  	_ =	shalt  }
0x6c: {  	_ =	shalt  }
0x6d: {  	_ =	shalt  }
0x6e: {  	_ =	shalt  }
0x6f: {  	_ =	shalt  }
0x70: {  	_ =	shalt  }
0x71: {  	_ =	shalt  }
0x72: {  	_ =	shalt  }
0x73: {  	_ =	shalt  }
0x74: {  	_ =	shalt  }
0x75: {  	_ =	shalt  }
0x76: {  	_ =	shalt  }
0x77: {  	_ =	shalt  }
0x78: {  	_ =	shalt  }
0x79: {  	_ =	shalt  }
0x7a: {  	_ =	shalt  }
0x7b: {  	_ =	shalt  }
0x7c: {  	_ =	shalt  }
0x7d: {  	_ =	shalt  }
0x7e: {  	_ =	shalt  }
0x7f: {  	_ =	shalt  }
0x80: {  	_ =	shalt  }
0x81: {  	_ =	shalt  }
0x82: {  	_ =	shalt  }
0x83: {  	_ =	shalt  }
0x84: {  	_ =	shalt  }
0x85: {  	_ =	shalt  }
0x86: {  	_ =	shalt  }
0x87: {  	_ =	shalt  }
.Lfunc_end0:
.L_simem_size_0:
called_computation_lowered:
.L_overlay_start_0:
0x88: {  	s2 =	sld [smem:$0x3FD9]  }
0x89: {  	s3 =	sld [smem:$0x3FFE];
	_ =	sdelay $0x1  }
0x8a: {  	s1 =	srdreg.scid  }
0x8b: {  	s0 =	sand.u32 $0x1, s1  }
0x8c: {  	s16 =	sshll.u32 s0, $0xA;
	s2 =	sadd.s32 s3, s2  }
0x8d: {  	s2 =	sadd.s32 s2, s16  }
0x8e: {  	[smem:$0x3FBF] =	sst s2  }
0x8f: {  	_ = 	snop  }
0x90: {  	(tm) =	ssettm $0x1  }
0x91: {  	s17 =	sld [smem:$0x3FFB];
	_ =	sdelay $0x3  }
0x92: {  	_ =	strace s17  }
0x93: {  	s2 =	sld [smem:$0x3FFC];
	_ =	sdelay $0x3  }
0x94: {  	_ =	strace s2  }
0x95: {  	s2 =	sld [smem:$0x3FFD];
	_ =	sdelay $0x3  }
0x96: {  	_ =	strace s2  }
0x97: {  	_ =	strace $0x8FFFFFFF  }
0x98: {  	s18 =	sld [smem:$0x3FDB];
	_ =	sdelay $0x1  }
0x99: {  	s19 =	simm.s32 $_scs_section_size  }
0x9a: {  	s4 =	simm.s32 $_size__tile_overlayer_lowered;
	s5 =	simm.s32 $_tile_overlayer_lowered  }
0x9b: {  	s22 =	simm.s32 $0x1BFF;
	s21 =	sshll.u32 s5, $0x1;
	s2 =	sadd.s32 s19, s18  }
0x9c: {  	s6 =	simm.s32 $0x0;
	s20 =	sshll.u32 s4, $0x1;
	s4 =	sadd.s32 s21, s2  }
0x9d: {  	[timem:s6], [sflag:s22] =	dma.local [hbm:s4], s20  }
0x9e: {  	_ =	swait.ge [sflag:s22], s20  }
0x9f: {  	s3 =	ssub.s32 $0x0, s20;
	[sflag:s22] =	ssyncset.done $0x0  }
0xa0: {  	[sflag:s22] =	ssyncadd.s32 s3;
	_ =	sdelay $0x1  }
0xa1: {  	s23 =	simm.s32 $0x1B8B  }
0xa2: {  	_ =	swait.ge [sflag:s23], $0x1  }
0xa3: {  	[sflag:s23] =	ssyncset.done $0x0  }
0xa4: {  	s25 =	simm.s32 $0x1B8E;
	s24 =	sld [smem:$0x3FFE];
	[sflag:s23] =	ssyncadd.s32 $0xFFFFFFFF  }
0xa5: {  	s26 =	simm.s32 $execute0_lowered;
	[smem:$0x3FD2] =	sst s25  }
0xa6: {  	s4 =	sshll.u32 s26, $0x1;
	_ =	strace $0x80000046;
	[dreg:$0x1] =	wrdreg $0xFFFFFFFF  }
0xa7: {  	s28 =	simm.s32 $_size_execute0_lowered;
	s2 =	sadd.s32 s2, s4;
	[dreg:$0x0] =	wrdreg $0x0  }
0xa8: {  	s4 =	sshll.u32 s28, $0x1;
	[dreg:$0x2] =	wrdreg s2  }
0xa9: {  	[dreg:$0x3] =	wrdreg s4  }
0xaa: {  	[dreg:$0x4] =	wrdreg $0xC0  }
0xab: {  	_ =	task [dreg:s6], $0x5FFFF  }
0xac: {  	[dreg:$0x1] =	wrdreg $0xFFFFFFFF  }
0xad: {  	[dreg:$0x0] =	wrdreg $0x60  }
0xae: {  	[dreg:$0x2] =	wrdreg s24  }
0xaf: {  	[dreg:$0x3] =	wrdreg $0x82800  }
0xb0: {  	[dreg:$0x4] =	wrdreg $0x9  }
0xb1: {  	_ =	task.clear_ibuf [dreg:s6], $0x5FFFF;
	_ =	strace $0x90000046  }
0xb2: {  	s29 =	simm.s32 $0x9;
	_ =	strace $0x80000048  }
0xb3: {  	_ =	swait.ge [sflag:s29], $0x1  }
0xb4: {  	[sflag:s29] =	ssyncadd.s32 $0xFFFFFFFF  }
0xb5: {  	_ =	strace $0x90000048  }
0xb6: {  	_ =	sfence  }
0xb7: {  	s30 =	sld [smem:$0x0];
	_ =	sdelay $0x2  }
0xb8: {  	s31 =	sshll.u32 s1, $0xD;
	s1 =	sshrl.u32 s1, $0x2  }
0xb9: {  	s3 =	sand.u32 $0x4000, s31;
	s1 =	sadd.s32 s1, s30  }
0xba: {  	s0 =	sor.u32 s3, s0;
	s1 =	sshll.u32 s1, $0x11  }
0xbb: {  	s0 =	sor.u32 s1, s0  }
0xbc: {  	s0 =	sadd.s32 $0x8F2B, s0  }
0xbd: {  	[sflag:s0] =	ssyncadd.remote.s32 $0x1  }
0xbe: {  	_ =	sfence.sel $0xFFFF  }
0xbf: {  	[dreg:$0x0] =	wrdreg $0xFFFFFFFF;
	(pc) =	sbr.abs _section_cstart, $3  }
0xc0: {  	[dreg:$0x1] =	wrdreg $0xFFFFFFFF  }
0xc1: {  	_ =	task.clear_ibuf [dreg:s6], $0x2FFFF;
	_ =	strace $0x9FFFFFFF  }
0xc2: {  	(tm) =	ssettm $0x7FFFFFFF  }
0xc3: {  	_ =	shalt  }
tec
execute0_lowered:
.L_overlay_start_1:
0x0: {  	(tag) =	ssettag $0x1  }
0x1: {  	s4 =	rddreg [dreg:$0x0]  }
0x2: {  	s1 =	rddreg [dreg:$0x1]  }
0x3: {  	s0 =	rddreg [dreg:$0x2];
	s3 =	simm.s32 $0x0;
	s5 =	srdreg.scid  }
0x4: {  	s2 =	stileid.u32;
	s10 =	simm.s32 $0x8000;
	s11 =	simm.s32 $0x3  }
0x5: {  	s12 =	simm.s32 $0x1;
	s13 =	simm.s32 $0x2;
	s14 =	simm.s32 $0x50  }
0x6: {  	s15 =	simm.s32 $0x80;
	s16 =	simm.s32 $0x4080;
	s17 =	simm.s32 $0x3E00  }
0x7: {  	s18 =	simm.s32 $0x7E00;
	s21 =	simm.s32 $0x20;
	s22 =	simm.s32 $0x10  }
0x8: {  	s23 =	simm.s32 $0x0;
	[smem:$0x7FF] =	sst s3;
	s8 =	smul.u32 $0x500, s2  }
0x9: {  	s5 =	sand.u32 $0x1, s5;
	s7 =	sshll.u32 s2, $0xB;
	s31 =	smul.u32 $0xA00, s2  }
0xa: {  	s19 =	sshll.u32 s2, $0x6;
	s6 =	sshll.u32 s5, $0xF;
	_ =	strace $0x80000047  }
0xb: {  	s30 =	sshll.u32 s5, $0x7;
	s5 =	ssub.s32 $0x2, s5;
	s19 =	sor.u32 $0x1C03, s19  }
0xc: {  	s6 =	sor.u32 s7, s6;
	s7 =	sor.u32 s30, s8;
	s9 =	sshrl.u32 s5, $0x1  }
0xd: {  	s8 =	sshrl.u32 s31, $0x2;
	s6 =	sadd.s32 s6, s4;
	s7 =	sshrl.u32 s7, $0x3  }
0xe: {  	s9 =	ssub.s32 s5, s9;
	s7 =	sadd.s32 s7, s4;
	s4 =	sadd.s32 $0x15400, s6  }
0xf: {  	s5 =	sadd.s32 $0x25400, s6;
	s6 =	sadd.s32 s8, s1;
	s8 =	smax.u32 s9, $0x1  }
0x10: {  	v0 =	vimm.f32 $0.0e+00;
	s9 =	simm.s32 $0x4000;
	s7 =	sadd.s32 $0x35400, s7;
	s20 =	sshrl.u32 s6, $0x3  }
.LBB2_1:
0x11: {  	[tilespmem:s3], [sflag:$0x1] =	stream.linear.gather [hbm4b:s4+s3], $0x3E80, $0x38;
	[tilespmem:$0x8500] =	vst v63  }
0x12: {  	_ = 	snop  }
0x13: {  	[tilespmem:s9], [sflag:$0x2] =	stream.linear.gather [hbm4b:s5+s3], $0x3E80, $0x38;
	[tilespmem:$0x8500] =	vst v63  }
0x14: {  	[tilespmem:$0x8000] =	vst v0  }
0x15: {  	[tilespmem:$0x8010] =	vst v0  }
0x16: {  	[tilespmem:$0x8020] =	vst v0  }
0x17: {  	[tilespmem:$0x8030] =	vst v0  }
0x18: {  	[tilespmem:$0x8040] =	vst v0  }
0x19: {  	[tilespmem:$0x8050] =	vst v0  }
0x1a: {  	[tilespmem:$0x8060] =	vst v0  }
0x1b: {  	[tilespmem:$0x8070] =	vst v0  }
0x1c: {  	[tilespmem:$0x8080] =	vst v0  }
0x1d: {  	[tilespmem:$0x8090] =	vst v0  }
0x1e: {  	[tilespmem:$0x80A0] =	vst v0  }
0x1f: {  	[tilespmem:$0x80B0] =	vst v0  }
0x20: {  	[tilespmem:$0x80C0] =	vst v0  }
0x21: {  	[tilespmem:$0x80D0] =	vst v0  }
0x22: {  	[tilespmem:$0x80E0] =	vst v0  }
0x23: {  	[tilespmem:$0x80F0] =	vst v0  }
0x24: {  	[tilespmem:$0x8100] =	vst v0  }
0x25: {  	[tilespmem:$0x8110] =	vst v0  }
0x26: {  	[tilespmem:$0x8120] =	vst v0  }
0x27: {  	[tilespmem:$0x8130] =	vst v0  }
0x28: {  	[tilespmem:$0x8140] =	vst v0  }
0x29: {  	[tilespmem:$0x8150] =	vst v0  }
0x2a: {  	[tilespmem:$0x8160] =	vst v0  }
0x2b: {  	[tilespmem:$0x8170] =	vst v0  }
0x2c: {  	[tilespmem:$0x8180] =	vst v0  }
0x2d: {  	[tilespmem:$0x8190] =	vst v0  }
0x2e: {  	[tilespmem:$0x81A0] =	vst v0  }
0x2f: {  	[tilespmem:$0x81B0] =	vst v0  }
0x30: {  	[tilespmem:$0x81C0] =	vst v0  }
0x31: {  	[tilespmem:$0x81D0] =	vst v0  }
0x32: {  	[tilespmem:$0x81E0] =	vst v0  }
0x33: {  	[tilespmem:$0x81F0] =	vst v0  }
0x34: {  	[tilespmem:$0x8200] =	vst v0  }
0x35: {  	[tilespmem:$0x8210] =	vst v0  }
0x36: {  	[tilespmem:$0x8220] =	vst v0  }
0x37: {  	[tilespmem:$0x8230] =	vst v0  }
0x38: {  	[tilespmem:$0x8240] =	vst v0  }
0x39: {  	[tilespmem:$0x8250] =	vst v0  }
0x3a: {  	[tilespmem:$0x8260] =	vst v0  }
0x3b: {  	[tilespmem:$0x8270] =	vst v0  }
0x3c: {  	[spmem:s6] =	stream.linear.scatter [tilespmem:s10], [sflag:$0x3], $0x280, $0x38;
	[tilespmem:$0x8500] =	vst v63  }
0x3d: {  	_ =	swait.ge [sflag:s11], $0x280  }
0x3e: {  	[sflag:s11] =	ssyncset.done $0x0  }
0x3f: {  	[sflag:s11] =	ssyncadd.s32 $0xFFFFFD80  }
0x40: {  	_ =	swait.ge [sflag:s12], $0x3E80  }
0x41: {  	[sflag:s12] =	ssyncset.done $0x0  }
0x42: {  	[sflag:s12] =	ssyncadd.s32 $0xFFFFC180  }
0x43: {  	_ =	swait.ge [sflag:s13], $0x3E80  }
0x44: {  	[sflag:s13] =	ssyncset.done $0x0  }
0x45: {  	[sflag:s13] =	ssyncadd.s32 $0xFFFFC180  }
0x46: {  	[bflag:$0x0] =	sbarrier.arrive $0xFFFF  }
0x47: {  	[spmem:s1] =	stream.indirect.scatter.add.f32 [tilespmem:s9], [sflag:$0x1], $0x1, s3, s14, $0xb8;
	[tilespmem:$0x8500] =	vst v63  }
0x48: {  	_ = 	snop  }
0x49: {  	[spmem:s1] =	stream.indirect.scatter.add.f32 [tilespmem:s16], [sflag:$0x2], $0x1, s15, s14, $0xb8;
	[tilespmem:$0x8500] =	vst v63  }
0x4a: {  	_ =	swait.ge [sflag:s12], $0x50  }
0x4b: {  	[sflag:s12] =	ssyncset.done $0x0  }
0x4c: {  	s24 =	simm.s32 $0x4100;
	s25 =	simm.s32 $0x100;
	[sflag:s12] =	ssyncadd.s32 $0xFFFFFFB0  }
0x4d: {  	[spmem:s1] =	stream.indirect.scatter.add.f32 [tilespmem:s24], [sflag:$0x1], $0x1, s25, s14, $0xb8;
	[tilespmem:$0x8500] =	vst v63  }
0x4e: {  	_ =	swait.ge [sflag:s13], $0x50  }
0x4f: {  	s26 =	simm.s32 $0x180;
	[sflag:s13] =	ssyncset.done $0x0  }
0x50: {  	s24 =	simm.s32 $0xFFFF1000;
	s25 =	simm.s32 $0x4180;
	[sflag:s13] =	ssyncadd.s32 $0xFFFFFFB0  }
.LBB2_2:
0x51: {  	[spmem:s1] =	stream.indirect.scatter.add.f32 [tilespmem:s25], [sflag:$0x2], $0x1, s26, s14, $0xb8;
	[tilespmem:$0x8500] =	vst v63  }
0x52: {  	p0 =	sne.s32 s24, $0xFFFFFC00;
	s25 =	smov.u32 s24;
	s24 =	sadd.s32 $0x400, s24  }
0x53: {  	s26 =	sshra.s32 s25, $0x2;
	_ =	swait.ge [sflag:s12], $0x50  }
0x54: {  	s25 =	sadd.s32 $0x7E00, s26;
	[sflag:s12] =	ssyncset.done $0x0  }
.Ltmp0:
0x55: {  	s28 =	sadd.s32 $0x3E00, s26;
	[sflag:s12] =	ssyncadd.s32 $0xFFFFFFB0;
	(pc) =	sbr.rel @p0 .LBB2_2-.Ltmp0, $4  }
0x56: {  	[spmem:s1] =	stream.indirect.scatter.add.f32 [tilespmem:s25], [sflag:$0x1], $0x1, s28, s14, $0xb8;
	[tilespmem:$0x8500] =	vst v63  }
0x57: {  	_ =	swait.ge [sflag:s13], $0x50  }
0x58: {  	[sflag:s13] =	ssyncset.done $0x0  }
0x59: {  	s25 =	sadd.s32 $0x7E80, s26;
	s26 =	sadd.s32 $0x3E80, s26;
	[sflag:s13] =	ssyncadd.s32 $0xFFFFFFB0  }
0x5a: {  	[spmem:s1] =	stream.indirect.scatter.add.f32 [tilespmem:s25], [sflag:$0x2], $0x1, s26, s14, $0xb8;
	[tilespmem:$0x8500] =	vst v63  }
0x5b: {  	_ =	swait.ge [sflag:s12], $0x50  }
0x5c: {  	[sflag:s12] =	ssyncset.done $0x0  }
0x5d: {  	[sflag:s12] =	ssyncadd.s32 $0xFFFFFFB0  }
0x5e: {  	[spmem:s1] =	stream.indirect.scatter.add.f32 [tilespmem:s18], [sflag:$0x1], $0x1, s17, s14, $0xb8;
	[tilespmem:$0x8500] =	vst v63  }
0x5f: {  	_ =	swait.ge [sflag:s13], $0x50  }
0x60: {  	[sflag:s13] =	ssyncset.done $0x0  }
0x61: {  	[sflag:s13] =	ssyncadd.s32 $0xFFFFFFB0  }
0x62: {  	_ =	swait.ge [sflag:s12], $0x50  }
0x63: {  	s23 =	sadd.s32 $0x1, s23;
	[sflag:s12] =	ssyncset.done $0x0  }
0x64: {  	p0 =	sne.s32 s23, s8;
	[sflag:s12] =	ssyncadd.s32 $0xFFFFFFB0  }
.Ltmp1:
0x65: {  	[bflag:$0x0] =	sbarrier.arrive $0xFFFF;
	(pc) =	sbr.rel @p0 .LBB2_1-.Ltmp1, $4  }
0x66: {  	[hbm:s7@s21], [sflag:s19] =	dma.strided [spmem:s20@s22], $0x50, s12, $0x10   }
0x67: {  	_ =	swait.ge [sflag:s11], $0x50  }
0x68: {  	[sflag:s11] =	ssyncset.done $0x0  }
0x69: {  	[sflag:s11] =	ssyncadd.s32 $0xFFFFFFB0  }
0x6a: {  	_ =	sfence.sel $0x180000  }
0x6b: {  	[bflag:$0x0] =	sbarrier.arrive $0xFFFF  }
0x6c: {  	p0 =	sne.s32 s2, $0x0;
	_ =	strace $0x90000047  }
0x6d: {  	s0 =	sadd.s32 @!p0 $0x100000, s0;
	[bflag:$0x2] =	sbarrier.arrive $0xFFFF  }
0x6e: {  	[sflag:s0] =	ssyncadd.tile.s32 @!p0 $0x1;
	_ =	shalt  }
.Lfunc_end2:
_tile_overlayer_lowered:
.L_overlay_start_2:
0x6f: {  	(tag) =	ssettag $0x2  }
0x70: {  	s0 =	rddreg [dreg:$0x0];
	s2 =	stileid.u32  }
0x71: {  	s1 =	rddreg [dreg:$0x1];
	p0 =	sne.s32 s2, $0x0  }
0x72: {  	s3 =	rddreg [dreg:$0x2];
	[bflag:$0x3] =	sbarrier.arrive $0xFFFF;
	s2 =	simm.s32 @!p0 $0x1C03  }
0x73: {  	[timem:s3], [sflag:s2] =	dma.local @!p0 [hbm:s0], s1  }
0x74: {  	s0 =	simm.s32 @!p0 $0x3  }
0x75: {  	_ =	swait.ge @!p0 [sflag:s0], s1  }
0x76: {  	s1 =	ssub.s32 @!p0 $0x0, s1;
	[sflag:s0] =	ssyncset.done @!p0 $0x0  }
0x77: {  	[sflag:s0] =	ssyncadd.s32 @!p0 s1  }
0x78: {  	[bflag:$0x3] =	sbarrier.arrive $0xFFFF  }
0x79: {  	_ =	shalt  }

</sc_bundles>
